<compile_context>
chip_gen: v7x
topology: tpu7x:2x2x1
jax: 0.10.2.dev20260603
libtpu: 0.0.44.dev20260713+nightly
codegen_flags: <defaults>
</compile_context>

<pallas_src>
import functools

import jax
import jax.numpy as jnp
import numpy as np
from jax import lax
from jax.experimental import pallas as pl
from jax.experimental.pallas import tpu as pltpu
from jax.experimental.pallas import tpu_sc as plsc

KNN = 20
EPS = 1e-5
B = 16
N = 1024
BN = B * N
NW = 32
PT = BN // NW
SENT = np.float32(-3.0e38)
RPAIR = 256
RCONV = 256
CP = 128



def _pair_body(xr_ref, xb_ref, pidx_ref):
    b = pl.program_id(0)
    r = pl.program_id(1)
    xr = xr_ref[...]
    xb = xb_ref[...]
    R = xr.shape[0]
    g = lax.dot_general(xr, xb, (((1,), (1,)), ((), ())),
                        preferred_element_type=jnp.float32)
    inner = -2.0 * g
    xxr = jnp.sum(xr * xr, axis=1, keepdims=True)
    xxb = jnp.sum(xb * xb, axis=1).reshape(1, N)
    p = (-xxr) - inner - xxb
    colv = lax.broadcasted_iota(jnp.int32, (R, N), 1)
    rowv = lax.broadcasted_iota(jnp.int32, (R, N), 0) + r * R
    pf = jnp.where(colv == rowv, SENT, p)
    base = b * N
    selfc = lax.broadcasted_iota(jnp.int32, (R, 1), 0) + (r * R + base)
    pidx_ref[:, 0:1] = selfc
    for j in range(1, KNN):
        mx = jnp.max(pf, axis=1, keepdims=True)
        cand = jnp.where(pf == mx, colv, jnp.int32(2047))
        mi = jnp.min(cand, axis=1, keepdims=True)
        pidx_ref[:, j:j + 1] = mi + base
        pf = jnp.where(cand == mi, SENT, pf)
    pidx_ref[:, KNN:] = jnp.full((R, 32 - KNN), base, jnp.int32)


def _make_pair():
    return pl.pallas_call(
        _pair_body,
        grid=(B, N // RPAIR),
        in_specs=[
            pl.BlockSpec((RPAIR, CP), lambda b, r: (b * (N // RPAIR) + r, 0)),
            pl.BlockSpec((N, CP), lambda b, r: (b, 0)),
        ],
        out_specs=pl.BlockSpec((RPAIR, 32), lambda b, r: (b * (N // RPAIR) + r, 0)),
        out_shape=jax.ShapeDtypeStruct((BN, 32), jnp.int32),
    )



def _make_sc_gather():
    nblk = PT
    mesh = plsc.VectorSubcoreMesh(core_axis_name="c", subcore_axis_name="s")

    def body(pidx_hbm, xp_hbm, fg_hbm, pidx_v, buf0, buf1, sem0, sem1):
        wid = lax.axis_index("s") * 2 + lax.axis_index("c")
        base = wid * PT
        pltpu.sync_copy(pidx_hbm.at[pl.ds(base * 32, PT * 32)], pidx_v)

        bufs = (buf0, buf1)
        sems = (sem0, sem1)

        def issue(q, bufr, sem):
            pltpu.async_copy(
                xp_hbm.at[pidx_v.at[pl.ds(q * 32, KNN)]], bufr, sem)

        issue(0, buf0, sem0)
        issue(1, buf1, sem1)

        def step(i, carry):
            for par in range(2):
                bufr = bufs[par]
                sem = sems[par]
                q = 2 * i + par
                pltpu.make_async_copy(
                    xp_hbm.at[pidx_v.at[pl.ds(0, KNN)]], bufr, sem).wait()
                pltpu.sync_copy(bufr, fg_hbm.at[base + q])

                @pl.when(q + 2 < PT)
                def _():
                    issue(q + 2, bufr, sem)
            return carry

        lax.fori_loop(0, PT // 2, step, 0)

    return pl.kernel(
        body,
        out_type=[jax.ShapeDtypeStruct((BN, KNN, CP), jnp.float32)],
        mesh=mesh,
        scratch_types=[
            pltpu.VMEM((PT * 32,), jnp.int32),
            pltpu.VMEM((KNN, CP), jnp.float32),
            pltpu.VMEM((KNN, CP), jnp.float32),
            pltpu.SemaphoreType.DMA,
            pltpu.SemaphoreType.DMA,
        ],
        compiler_params=pltpu.CompilerParams(needs_layout_passes=False),
    )



def _conv_body(fg_ref, x_ref, w_ref, hm_ref, st_ref):
    fi = x_ref[...]
    w = w_ref[...]
    R = fi.shape[0]
    cout = w.shape[0]
    hm = None
    s1 = jnp.zeros((1, cout), jnp.float32)
    s2 = jnp.zeros((1, cout), jnp.float32)
    for j in range(KNN):
        fj = fg_ref[:, j, :]
        fe = jnp.concatenate([fj - fi, fi], axis=1)
        h = lax.dot_general(fe, w, (((1,), (1,)), ((), ())),
                            preferred_element_type=jnp.float32)
        hm = h if hm is None else jnp.maximum(hm, h)
        s1 = s1 + jnp.sum(h, axis=0, keepdims=True)
        s2 = s2 + jnp.sum(h * h, axis=0, keepdims=True)
    hm_ref[...] = hm
    z = jnp.zeros_like(s1)
    st_ref[...] = jnp.concatenate([s1, s2, z, z, z, z, z, z], axis=0)[None]


def _make_conv(cout):
    nr = N // RCONV
    return pl.pallas_call(
        _conv_body,
        grid=(B, nr),
        in_specs=[
            pl.BlockSpec((RCONV, KNN, CP), lambda b, r: (b * nr + r, 0, 0)),
            pl.BlockSpec((RCONV, CP), lambda b, r: (b * nr + r, 0)),
            pl.BlockSpec((cout, 2 * CP), lambda b, r: (0, 0)),
        ],
        out_specs=[
            pl.BlockSpec((RCONV, cout), lambda b, r: (b * nr + r, 0)),
            pl.BlockSpec((1, 8, cout), lambda b, r: (b * nr + r, 0, 0)),
        ],
        out_shape=[
            jax.ShapeDtypeStruct((BN, cout), jnp.float32),
            jax.ShapeDtypeStruct((B * nr, 8, cout), jnp.float32),
        ],
    )



def _norm_body(m_ref, mean_ref, sv_ref, x_ref):
    v = jnp.maximum((m_ref[...] - mean_ref[...]) / sv_ref[...], 0.0)
    cp = x_ref.shape[1]
    if cp > v.shape[1]:
        v = jnp.concatenate(
            [v, jnp.zeros((v.shape[0], cp - v.shape[1]), jnp.float32)], axis=1)
    x_ref[...] = v


def _make_norm(cout):
    cp = max(cout, CP)
    return pl.pallas_call(
        _norm_body,
        grid=(B,),
        in_specs=[
            pl.BlockSpec((N, cout), lambda b: (b, 0)),
            pl.BlockSpec((1, cout), lambda b: (0, 0)),
            pl.BlockSpec((1, cout), lambda b: (0, 0)),
        ],
        out_specs=pl.BlockSpec((N, cp), lambda b: (b, 0)),
        out_shape=jax.ShapeDtypeStruct((BN, cp), jnp.float32),
    )



def _mm_stats_body(x_ref, w_ref, z_ref, s_ref):
    z = lax.dot_general(x_ref[...], w_ref[...], (((1,), (1,)), ((), ())),
                        preferred_element_type=jnp.float32)
    z_ref[...] = z
    s1 = jnp.sum(z, axis=0, keepdims=True)
    s2 = jnp.sum(z * z, axis=0, keepdims=True)
    s_ref[...] = jnp.concatenate([s1, s2], axis=0)[None]


def _make_mm_stats(cin, cout):
    return pl.pallas_call(
        _mm_stats_body,
        grid=(B,),
        in_specs=[
            pl.BlockSpec((N, cin), lambda b: (b, 0)),
            pl.BlockSpec((cout, cin), lambda b: (0, 0)),
        ],
        out_specs=[
            pl.BlockSpec((N, cout), lambda b: (b, 0)),
            pl.BlockSpec((1, 2, cout), lambda b: (b, 0, 0)),
        ],
        out_shape=[
            jax.ShapeDtypeStruct((BN, cout), jnp.float32),
            jax.ShapeDtypeStruct((B, 2, cout), jnp.float32),
        ],
    )


def _norm_mm_stats_body(z_ref, mean_ref, sv_ref, w_ref, z2_ref, s_ref):
    a = jnp.maximum((z_ref[...] - mean_ref[...]) / sv_ref[...], 0.0)
    z2 = lax.dot_general(a, w_ref[...], (((1,), (1,)), ((), ())),
                         preferred_element_type=jnp.float32)
    z2_ref[...] = z2
    s1 = jnp.sum(z2, axis=0, keepdims=True)
    s2 = jnp.sum(z2 * z2, axis=0, keepdims=True)
    s_ref[...] = jnp.concatenate([s1, s2], axis=0)[None]


def _make_norm_mm_stats(cin, cout):
    return pl.pallas_call(
        _norm_mm_stats_body,
        grid=(B,),
        in_specs=[
            pl.BlockSpec((N, cin), lambda b: (b, 0)),
            pl.BlockSpec((1, cin), lambda b: (0, 0)),
            pl.BlockSpec((1, cin), lambda b: (0, 0)),
            pl.BlockSpec((cout, cin), lambda b: (0, 0)),
        ],
        out_specs=[
            pl.BlockSpec((N, cout), lambda b: (b, 0)),
            pl.BlockSpec((1, 2, cout), lambda b: (b, 0, 0)),
        ],
        out_shape=[
            jax.ShapeDtypeStruct((BN, cout), jnp.float32),
            jax.ShapeDtypeStruct((B, 2, cout), jnp.float32),
        ],
    )


def _norm_mm_bias_body(z_ref, mean_ref, sv_ref, w_ref, b_ref, o_ref):
    a = jnp.maximum((z_ref[...] - mean_ref[...]) / sv_ref[...], 0.0)
    o_ref[...] = lax.dot_general(a, w_ref[...], (((1,), (1,)), ((), ())),
                                 preferred_element_type=jnp.float32) + b_ref[...]


def _make_norm_mm_bias(cin, cout):
    return pl.pallas_call(
        _norm_mm_bias_body,
        grid=(B,),
        in_specs=[
            pl.BlockSpec((N, cin), lambda b: (b, 0)),
            pl.BlockSpec((1, cin), lambda b: (0, 0)),
            pl.BlockSpec((1, cin), lambda b: (0, 0)),
            pl.BlockSpec((cout, cin), lambda b: (0, 0)),
            pl.BlockSpec((1, cout), lambda b: (0, 0)),
        ],
        out_specs=pl.BlockSpec((N, cout), lambda b: (b, 0)),
        out_shape=jax.ShapeDtypeStruct((BN, cout), jnp.float32),
    )



def _edge_layer(xp, w, creal, cout):
    wp = jnp.zeros((cout, 2 * CP), jnp.float32)
    wp = wp.at[:, :creal].set(w[:, :creal])
    wp = wp.at[:, CP:CP + creal].set(w[:, creal:])
    pidx = _make_pair()(xp, xp)
    fg, = _make_sc_gather()(pidx.reshape(-1), xp)
    hm, st = _make_conv(cout)(fg, xp, wp)
    s = jnp.sum(st, axis=0)
    M = float(BN * KNN)
    mean = s[0] / M
    var = s[1] / M - mean * mean
    sv = jnp.sqrt(var + EPS)
    return _make_norm(cout)(hm, mean.reshape(1, cout), sv.reshape(1, cout))


def _head_bn(sp):
    s = jnp.sum(sp, axis=0)
    mean = s[0] / float(BN)
    var = s[1] / float(BN) - mean * mean
    return mean, jnp.sqrt(var + EPS)


def kernel(x, params):
    p = params
    x0 = jnp.pad(x.reshape(BN, 3), ((0, 0), (0, CP - 3)))
    x1 = _edge_layer(x0, p['W1'], 3, 64)
    x2 = _edge_layer(x1, p['W2'], 64, 64)
    x3 = _edge_layer(x2, p['W3'], 64, 128)
    x4 = _edge_layer(x3, p['W4'], 128, 256)
    xc = jnp.concatenate([x1[:, :64], x2[:, :64], x3, x4], axis=1)

    z1, s1p = _make_mm_stats(512, 1024)(xc, p['L1W'])
    mean1, sv1 = _head_bn(s1p)
    z2, s2p = _make_norm_mm_stats(1024, 256)(
        z1, mean1.reshape(1, 1024), sv1.reshape(1, 1024), p['L2W'])
    mean2, sv2 = _head_bn(s2p)
    w3 = jnp.pad(p['L3W'], ((0, 3), (0, 0)))
    b3 = jnp.pad(p['L3b'], (0, 3)).reshape(1, 16)
    out = _make_norm_mm_bias(256, 16)(
        z2, mean2.reshape(1, 256), sv2.reshape(1, 256), w3, b3)
    return out[:, :13].reshape(B, N, 13)

# --- scband reference (transcript-rebuilt; emitter-appended) ---
"""Pipeline reference for scband-dgcnn-45810121179449 (READ-ONLY COPY).

The authoritative reference and input builder live on the scoring server;
editing this copy changes nothing except your own understanding.
"""

import jax, jax.numpy as jnp
import numpy as np

K = 20
EMB = 1024
NUM_CLASSES = 13
EPS = 1e-5


def knn(x, k):
    # x: [B, C, N]
    inner = -2.0 * jnp.matmul(jnp.transpose(x, (0, 2, 1)), x)
    xx = jnp.sum(x ** 2, axis=1, keepdims=True)
    pairwise = -xx - inner - jnp.transpose(xx, (0, 2, 1))
    idx = jax.lax.top_k(pairwise, k)[1]  # [B, N, k]
    return idx


def get_graph_feature(x, k):
    # x: [B, C, N]
    B, C, N = x.shape
    idx = knn(x, k)
    idx_base = jnp.arange(B, dtype=idx.dtype).reshape(-1, 1, 1) * N
    idx = (idx + idx_base).reshape(-1)
    xt = jnp.transpose(x, (0, 2, 1)).reshape(B * N, C)
    feature = jnp.take(xt, idx, axis=0).reshape(B, N, k, C)
    xc = xt.reshape(B, N, 1, C)
    xc = jnp.broadcast_to(xc, (B, N, k, C))
    feature = jnp.concatenate((feature - xc, xc), axis=3)
    return jnp.transpose(feature, (0, 3, 1, 2))  # [B, 2C, N, k]


def bn_train(h, gamma, beta, axes):
    mean = jnp.mean(h, axis=axes, keepdims=True)
    var = jnp.var(h, axis=axes, keepdims=True)
    hn = (h - mean) / jnp.sqrt(var + EPS)
    shape = [1] * h.ndim
    shape[1] = h.shape[1]
    return hn * gamma.reshape(shape) + beta.reshape(shape)


def conv_bn_relu(f, W, b, g, be):
    # f: [B, Cin, N, k]; W: [Cout, Cin]
    h = jnp.einsum('oc,bcnk->bonk', W, f) + b.reshape(1, -1, 1, 1)
    h = bn_train(h, g, be, (0, 2, 3))
    return jax.nn.relu(h)


def forward(x, params):
    p = params
    xt = jnp.transpose(x, (0, 2, 1))  # [B, 3, N]
    f1 = get_graph_feature(xt, K)
    x1 = jnp.max(conv_bn_relu(f1, p['W1'], p['b1'], p['g1'], p['be1']), axis=-1)
    f2 = get_graph_feature(x1, K)
    x2 = jnp.max(conv_bn_relu(f2, p['W2'], p['b2'], p['g2'], p['be2']), axis=-1)
    f3 = get_graph_feature(x2, K)
    x3 = jnp.max(conv_bn_relu(f3, p['W3'], p['b3'], p['g3'], p['be3']), axis=-1)
    f4 = get_graph_feature(x3, K)
    x4 = jnp.max(conv_bn_relu(f4, p['W4'], p['b4'], p['g4'], p['be4']), axis=-1)
    x_cat = jnp.concatenate((x1, x2, x3, x4), axis=1)  # [B, 512, N]
    x_cat = jnp.transpose(x_cat, (0, 2, 1))  # [B, N, 512]
    xg = jnp.einsum('bnc,oc->bno', x_cat, p['L1W']) + p['L1b']
    xg = jnp.transpose(xg, (0, 2, 1))
    xg = jax.nn.relu(bn_train(xg, p['gl1'], p['bel1'], (0, 2)))
    xg = jnp.transpose(xg, (0, 2, 1))
    xg = jnp.einsum('bnc,oc->bno', xg, p['L2W']) + p['L2b']
    xg = jnp.transpose(xg, (0, 2, 1))
    xg = jax.nn.relu(bn_train(xg, p['gl2'], p['bel2'], (0, 2)))
    xg = jnp.transpose(xg, (0, 2, 1))
    out = jnp.einsum('bnc,oc->bno', xg, p['L3W']) + p['L3b']
    return out  # [B, N, num_classes]


def setup_inputs(seed: int = 0):
    key = jax.random.key(seed)
    ks = jax.random.split(key, 16)
    x = jax.random.normal(ks[0], (16, 1024, 3), dtype=jnp.float32)

    def mk(k_, shape, fan_in):
        return jax.random.normal(k_, shape, dtype=jnp.float32) * (1.0 / np.sqrt(fan_in))

    params = {
        'W1': mk(ks[1], (64, 6), 6), 'b1': jnp.zeros(64), 'g1': jnp.ones(64), 'be1': jnp.zeros(64),
        'W2': mk(ks[2], (64, 128), 128), 'b2': jnp.zeros(64), 'g2': jnp.ones(64), 'be2': jnp.zeros(64),
        'W3': mk(ks[3], (128, 128), 128), 'b3': jnp.zeros(128), 'g3': jnp.ones(128), 'be3': jnp.zeros(128),
        'W4': mk(ks[4], (256, 256), 256), 'b4': jnp.zeros(256), 'g4': jnp.ones(256), 'be4': jnp.zeros(256),
        'L1W': mk(ks[5], (EMB, 512), 512), 'L1b': jnp.zeros(EMB), 'gl1': jnp.ones(EMB), 'bel1': jnp.zeros(EMB),
        'L2W': mk(ks[6], (256, EMB), EMB), 'L2b': jnp.zeros(256), 'gl2': jnp.ones(256), 'bel2': jnp.zeros(256),
        'L3W': mk(ks[7], (NUM_CLASSES, 256), 256), 'L3b': jnp.zeros(NUM_CLASSES),
    }
    return {'x': x, 'params': params}


def reference(x, params):
    return forward(x, params)

if __name__ == "__main__":
    import jax
    _d = setup_inputs()
    print(jax.jit(kernel)(*tuple(_d.values())))

</pallas_src>

<mosaic_0001>
#map = affine_map<(d0, d1) -> (0)>
#map1 = affine_map<(d0, d1) -> (0, 0)>
#map2 = affine_map<(d0, d1) -> (0, 0, 0)>
module attributes {stable_mosaic.version = 14 : i64} {
  func.func @body(%arg0: i32, %arg1: i32, %arg2: memref<524288xi32, #tpu.memory_space<hbm>>, %arg3: memref<16384x128xf32, #tpu.memory_space<hbm>>, %arg4: memref<16384x20x128xf32, #tpu.memory_space<hbm>>, %arg5: memref<16384xi32, #tpu.memory_space<vmem>>, %arg6: memref<20x128xf32, #tpu.memory_space<vmem>>, %arg7: memref<20x128xf32, #tpu.memory_space<vmem>>, %arg8: memref<!tpu.dma_semaphore, #tpu.memory_space<semaphore_mem>>, %arg9: memref<!tpu.dma_semaphore, #tpu.memory_space<semaphore_mem>>) attributes {dimension_semantics = [#tpu.dimension_semantics<core_parallel>, #tpu.dimension_semantics<subcore_parallel>], iteration_bounds = array<i64: 2, 16>, scalar_prefetch = 0 : i64, scratch_operands = 5 : i64, tpu.core_type = #tpu.core_type<sc_vector_subcore>, window_params = [{transform_indices = #map}, {transform_indices = #map1}, {transform_indices = #map2}]} {
    %mul3A = arith.constant 2 : i32
    %mul3A_0 = arith.muli %arg1, %mul3A : i32
    %add3A = arith.addi %mul3A_0, %arg0 : i32
    %mul3A_1 = arith.constant 512 : i32
    %mul3A_2 = arith.muli %add3A, %mul3A_1 : i32
    %mul3A_3 = arith.constant 32 : i32
    %mul3A_4 = arith.muli %mul3A_2, %mul3A_3 : i32
    "tpu.region"() ({
      %run_scoped3A = tpu.sem_alloc : memref<!tpu.dma_semaphore, #tpu.memory_space<semaphore_mem>>
      %dma_start3A_19 = tpu.memref_slice %arg2[%mul3A_4] : memref<524288xi32, #tpu.memory_space<hbm>> -> memref<16384xi32, #tpu.memory_space<hbm>>
      %dma_start3A_20 = tpu.memref_slice %arg2[%mul3A_4] : memref<524288xi32, #tpu.memory_space<hbm>> -> memref<16384xi32, #tpu.memory_space<hbm>>
      tpu.enqueue_dma source(%dma_start3A_20 : memref<16384xi32, #tpu.memory_space<hbm>>) target(%arg5 : memref<16384xi32, #tpu.memory_space<vmem>>) target_semaphore(%run_scoped3A : memref<!tpu.dma_semaphore, #tpu.memory_space<semaphore_mem>>)
      %dma_wait3A = tpu.memref_slice %arg2[%mul3A_4] : memref<524288xi32, #tpu.memory_space<hbm>> -> memref<16384xi32, #tpu.memory_space<hbm>>
      %dma_wait3A_21 = tpu.memref_slice %arg2[%mul3A_4] : memref<524288xi32, #tpu.memory_space<hbm>> -> memref<16384xi32, #tpu.memory_space<hbm>>
      tpu.wait_dma2 semaphore(%run_scoped3A : memref<!tpu.dma_semaphore, #tpu.memory_space<semaphore_mem>>) src(%dma_wait3A_21 : memref<16384xi32, #tpu.memory_space<hbm>>) dst(%arg5 : memref<16384xi32, #tpu.memory_space<vmem>>)
      tpu.yield
    }) : () -> ()
    %dma_start3A = arith.constant 0 : i32
    %dma_start3A_5 = tpu.memref_slice %arg5[%dma_start3A] : memref<16384xi32, #tpu.memory_space<vmem>> -> memref<20xi32, #tpu.memory_space<vmem>>
    %dma_start3A_6 = arith.constant 0 : i32
    %dma_start3A_7 = arith.constant 0 : i32
    %dma_start3A_8 = tpu.memref_slice %arg3[%dma_start3A_6, %dma_start3A_7] : memref<16384x128xf32, #tpu.memory_space<hbm>> -> memref<16384x128xf32, #tpu.memory_space<hbm>>
    tpu.enqueue_indirect_dma source(%dma_start3A_8 : memref<16384x128xf32, #tpu.memory_space<hbm>>) target(%arg6 : memref<20x128xf32, #tpu.memory_space<vmem>>) offsets(%dma_start3A_5 : memref<20xi32, #tpu.memory_space<vmem>>) semaphore(%arg8 : memref<!tpu.dma_semaphore, #tpu.memory_space<semaphore_mem>>)
    %dma_start3A_9 = arith.constant 32 : i32
    %dma_start3A_10 = tpu.memref_slice %arg5[%dma_start3A_9] : memref<16384xi32, #tpu.memory_space<vmem>> -> memref<20xi32, #tpu.memory_space<vmem>>
    %dma_start3A_11 = arith.constant 0 : i32
    %dma_start3A_12 = arith.constant 0 : i32
    %dma_start3A_13 = tpu.memref_slice %arg3[%dma_start3A_11, %dma_start3A_12] : memref<16384x128xf32, #tpu.memory_space<hbm>> -> memref<16384x128xf32, #tpu.memory_space<hbm>>
    tpu.enqueue_indirect_dma source(%dma_start3A_13 : memref<16384x128xf32, #tpu.memory_space<hbm>>) target(%arg7 : memref<20x128xf32, #tpu.memory_space<vmem>>) offsets(%dma_start3A_10 : memref<20xi32, #tpu.memory_space<vmem>>) semaphore(%arg9 : memref<!tpu.dma_semaphore, #tpu.memory_space<semaphore_mem>>)
    %scan3A = arith.constant 0 : i32
    %scan3A_14 = arith.constant 0 : i32
    %scan3A_15 = arith.constant 256 : i32
    %scan3A_16 = arith.addi %scan3A_14, %scan3A_15 : i32
    %scan3A_17 = arith.constant 1 : i32
    scf.for %scan3A_19 = %scan3A_14 to %scan3A_16 step %scan3A_17  : i32 {
      %mul3A_20 = arith.constant 2 : i32
      %mul3A_21 = arith.muli %mul3A_20, %scan3A_19 : i32
      %add3A_22 = arith.constant 0 : i32
      %add3A_23 = arith.addi %mul3A_21, %add3A_22 : i32
      %dma_wait3A = arith.constant 0 : i32
      %dma_wait3A_24 = tpu.memref_slice %arg5[%dma_wait3A] : memref<16384xi32, #tpu.memory_space<vmem>> -> memref<20xi32, #tpu.memory_space<vmem>>
      %dma_wait3A_25 = arith.constant 0 : i32
      %dma_wait3A_26 = arith.constant 0 : i32
      %dma_wait3A_27 = tpu.memref_slice %arg3[%dma_wait3A_25, %dma_wait3A_26] : memref<16384x128xf32, #tpu.memory_space<hbm>> -> memref<16384x128xf32, #tpu.memory_space<hbm>>
      tpu.wait_indirect_dma semaphore(%arg8 : memref<!tpu.dma_semaphore, #tpu.memory_space<semaphore_mem>>) src(%dma_wait3A_27 : memref<16384x128xf32, #tpu.memory_space<hbm>>) dst(%arg6 : memref<20x128xf32, #tpu.memory_space<vmem>>)
      %add3A_28 = arith.addi %mul3A_2, %add3A_23 : i32
      "tpu.region"() ({
        %run_scoped3A = tpu.sem_alloc : memref<!tpu.dma_semaphore, #tpu.memory_space<semaphore_mem>>
        %dma_start3A_50 = arith.constant 0 : i32
        %dma_start3A_51 = arith.constant 0 : i32
        %dma_start3A_52 = tpu.memref_slice %arg4[%add3A_28, %dma_start3A_50, %dma_start3A_51] : memref<16384x20x128xf32, #tpu.memory_space<hbm>> -> memref<1x20x128xf32, #tpu.memory_space<hbm>>
        %dma_start3A_53 = tpu.memref_squeeze %dma_start3A_52 : memref<1x20x128xf32, #tpu.memory_space<hbm>> -> memref<20x128xf32, #tpu.memory_space<hbm>>
        %dma_start3A_54 = arith.constant 0 : i32
        %dma_start3A_55 = arith.constant 0 : i32
        %dma_start3A_56 = tpu.memref_slice %arg4[%add3A_28, %dma_start3A_54, %dma_start3A_55] : memref<16384x20x128xf32, #tpu.memory_space<hbm>> -> memref<1x20x128xf32, #tpu.memory_space<hbm>>
        %dma_start3A_57 = tpu.memref_squeeze %dma_start3A_56 : memref<1x20x128xf32, #tpu.memory_space<hbm>> -> memref<20x128xf32, #tpu.memory_space<hbm>>
        tpu.enqueue_dma source(%arg6 : memref<20x128xf32, #tpu.memory_space<vmem>>) target(%dma_start3A_57 : memref<20x128xf32, #tpu.memory_space<hbm>>) target_semaphore(%run_scoped3A : memref<!tpu.dma_semaphore, #tpu.memory_space<semaphore_mem>>)
        %dma_wait3A_58 = arith.constant 0 : i32
        %dma_wait3A_59 = arith.constant 0 : i32
        %dma_wait3A_60 = tpu.memref_slice %arg4[%add3A_28, %dma_wait3A_58, %dma_wait3A_59] : memref<16384x20x128xf32, #tpu.memory_space<hbm>> -> memref<1x20x128xf32, #tpu.memory_space<hbm>>
        %dma_wait3A_61 = tpu.memref_squeeze %dma_wait3A_60 : memref<1x20x128xf32, #tpu.memory_space<hbm>> -> memref<20x128xf32, #tpu.memory_space<hbm>>
        %dma_wait3A_62 = arith.constant 0 : i32
        %dma_wait3A_63 = arith.constant 0 : i32
        %dma_wait3A_64 = tpu.memref_slice %arg4[%add3A_28, %dma_wait3A_62, %dma_wait3A_63] : memref<16384x20x128xf32, #tpu.memory_space<hbm>> -> memref<1x20x128xf32, #tpu.memory_space<hbm>>
        %dma_wait3A_65 = tpu.memref_squeeze %dma_wait3A_64 : memref<1x20x128xf32, #tpu.memory_space<hbm>> -> memref<20x128xf32, #tpu.memory_space<hbm>>
        tpu.wait_dma2 semaphore(%run_scoped3A : memref<!tpu.dma_semaphore, #tpu.memory_space<semaphore_mem>>) src(%arg6 : memref<20x128xf32, #tpu.memory_space<vmem>>) dst(%dma_wait3A_65 : memref<20x128xf32, #tpu.memory_space<hbm>>)
        tpu.yield
      }) : () -> ()
      %add3A_29 = arith.constant 2 : i32
      %add3A_30 = arith.addi %add3A_23, %add3A_29 : i32
      %lt3A = arith.constant 512 : i32
      %lt3A_31 = arith.cmpi slt, %add3A_30, %lt3A : i32
      %convert_element_type3A = arith.extui %lt3A_31 : i1 to i32
      %cond3A = arith.constant 0 : i32
      %cond3A_32 = arith.cmpi ne, %convert_element_type3A, %cond3A : i32
      scf.if %cond3A_32 {
        %add3A_50 = arith.constant 2 : i32
        %add3A_51 = arith.addi %add3A_23, %add3A_50 : i32
        %mul3A_52 = arith.constant 32 : i32
        %mul3A_53 = arith.muli %add3A_51, %mul3A_52 : i32
        %dma_start3A_54 = tpu.memref_slice %arg5[%mul3A_53] : memref<16384xi32, #tpu.memory_space<vmem>> -> memref<20xi32, #tpu.memory_space<vmem>>
        %dma_start3A_55 = arith.constant 0 : i32
        %dma_start3A_56 = arith.constant 0 : i32
        %dma_start3A_57 = tpu.memref_slice %arg3[%dma_start3A_55, %dma_start3A_56] : memref<16384x128xf32, #tpu.memory_space<hbm>> -> memref<16384x128xf32, #tpu.memory_space<hbm>>
        tpu.enqueue_indirect_dma source(%dma_start3A_57 : memref<16384x128xf32, #tpu.memory_space<hbm>>) target(%arg6 : memref<20x128xf32, #tpu.memory_space<vmem>>) offsets(%dma_start3A_54 : memref<20xi32, #tpu.memory_space<vmem>>) semaphore(%arg8 : memref<!tpu.dma_semaphore, #tpu.memory_space<semaphore_mem>>)
      } else {
      }
      %mul3A_33 = arith.constant 2 : i32
      %mul3A_34 = arith.muli %mul3A_33, %scan3A_19 : i32
      %add3A_35 = arith.constant 1 : i32
      %add3A_36 = arith.addi %mul3A_34, %add3A_35 : i32
      %dma_wait3A_37 = arith.constant 0 : i32
      %dma_wait3A_38 = tpu.memref_slice %arg5[%dma_wait3A_37] : memref<16384xi32, #tpu.memory_space<vmem>> -> memref<20xi32, #tpu.memory_space<vmem>>
      %dma_wait3A_39 = arith.constant 0 : i32
      %dma_wait3A_40 = arith.constant 0 : i32
      %dma_wait3A_41 = tpu.memref_slice %arg3[%dma_wait3A_39, %dma_wait3A_40] : memref<16384x128xf32, #tpu.memory_space<hbm>> -> memref<16384x128xf32, #tpu.memory_space<hbm>>
      tpu.wait_indirect_dma semaphore(%arg9 : memref<!tpu.dma_semaphore, #tpu.memory_space<semaphore_mem>>) src(%dma_wait3A_41 : memref<16384x128xf32, #tpu.memory_space<hbm>>) dst(%arg7 : memref<20x128xf32, #tpu.memory_space<vmem>>)
      %add3A_42 = arith.addi %mul3A_2, %add3A_36 : i32
      "tpu.region"() ({
        %run_scoped3A = tpu.sem_alloc : memref<!tpu.dma_semaphore, #tpu.memory_space<semaphore_mem>>
        %dma_start3A_50 = arith.constant 0 : i32
        %dma_start3A_51 = arith.constant 0 : i32
        %dma_start3A_52 = tpu.memref_slice %arg4[%add3A_42, %dma_start3A_50, %dma_start3A_51] : memref<16384x20x128xf32, #tpu.memory_space<hbm>> -> memref<1x20x128xf32, #tpu.memory_space<hbm>>
        %dma_start3A_53 = tpu.memref_squeeze %dma_start3A_52 : memref<1x20x128xf32, #tpu.memory_space<hbm>> -> memref<20x128xf32, #tpu.memory_space<hbm>>
        %dma_start3A_54 = arith.constant 0 : i32
        %dma_start3A_55 = arith.constant 0 : i32
        %dma_start3A_56 = tpu.memref_slice %arg4[%add3A_42, %dma_start3A_54, %dma_start3A_55] : memref<16384x20x128xf32, #tpu.memory_space<hbm>> -> memref<1x20x128xf32, #tpu.memory_space<hbm>>
        %dma_start3A_57 = tpu.memref_squeeze %dma_start3A_56 : memref<1x20x128xf32, #tpu.memory_space<hbm>> -> memref<20x128xf32, #tpu.memory_space<hbm>>
        tpu.enqueue_dma source(%arg7 : memref<20x128xf32, #tpu.memory_space<vmem>>) target(%dma_start3A_57 : memref<20x128xf32, #tpu.memory_space<hbm>>) target_semaphore(%run_scoped3A : memref<!tpu.dma_semaphore, #tpu.memory_space<semaphore_mem>>)
        %dma_wait3A_58 = arith.constant 0 : i32
        %dma_wait3A_59 = arith.constant 0 : i32
        %dma_wait3A_60 = tpu.memref_slice %arg4[%add3A_42, %dma_wait3A_58, %dma_wait3A_59] : memref<16384x20x128xf32, #tpu.memory_space<hbm>> -> memref<1x20x128xf32, #tpu.memory_space<hbm>>
        %dma_wait3A_61 = tpu.memref_squeeze %dma_wait3A_60 : memref<1x20x128xf32, #tpu.memory_space<hbm>> -> memref<20x128xf32, #tpu.memory_space<hbm>>
        %dma_wait3A_62 = arith.constant 0 : i32
        %dma_wait3A_63 = arith.constant 0 : i32
        %dma_wait3A_64 = tpu.memref_slice %arg4[%add3A_42, %dma_wait3A_62, %dma_wait3A_63] : memref<16384x20x128xf32, #tpu.memory_space<hbm>> -> memref<1x20x128xf32, #tpu.memory_space<hbm>>
        %dma_wait3A_65 = tpu.memref_squeeze %dma_wait3A_64 : memref<1x20x128xf32, #tpu.memory_space<hbm>> -> memref<20x128xf32, #tpu.memory_space<hbm>>
        tpu.wait_dma2 semaphore(%run_scoped3A : memref<!tpu.dma_semaphore, #tpu.memory_space<semaphore_mem>>) src(%arg7 : memref<20x128xf32, #tpu.memory_space<vmem>>) dst(%dma_wait3A_65 : memref<20x128xf32, #tpu.memory_space<hbm>>)
        tpu.yield
      }) : () -> ()
      %add3A_43 = arith.constant 2 : i32
      %add3A_44 = arith.addi %add3A_36, %add3A_43 : i32
      %lt3A_45 = arith.constant 512 : i32
      %lt3A_46 = arith.cmpi slt, %add3A_44, %lt3A_45 : i32
      %convert_element_type3A_47 = arith.extui %lt3A_46 : i1 to i32
      %cond3A_48 = arith.constant 0 : i32
      %cond3A_49 = arith.cmpi ne, %convert_element_type3A_47, %cond3A_48 : i32
      scf.if %cond3A_49 {
        %add3A_50 = arith.constant 2 : i32
        %add3A_51 = arith.addi %add3A_36, %add3A_50 : i32
        %mul3A_52 = arith.constant 32 : i32
        %mul3A_53 = arith.muli %add3A_51, %mul3A_52 : i32
        %dma_start3A_54 = tpu.memref_slice %arg5[%mul3A_53] : memref<16384xi32, #tpu.memory_space<vmem>> -> memref<20xi32, #tpu.memory_space<vmem>>
        %dma_start3A_55 = arith.constant 0 : i32
        %dma_start3A_56 = arith.constant 0 : i32
        %dma_start3A_57 = tpu.memref_slice %arg3[%dma_start3A_55, %dma_start3A_56] : memref<16384x128xf32, #tpu.memory_space<hbm>> -> memref<16384x128xf32, #tpu.memory_space<hbm>>
        tpu.enqueue_indirect_dma source(%dma_start3A_57 : memref<16384x128xf32, #tpu.memory_space<hbm>>) target(%arg7 : memref<20x128xf32, #tpu.memory_space<vmem>>) offsets(%dma_start3A_54 : memref<20xi32, #tpu.memory_space<vmem>>) semaphore(%arg9 : memref<!tpu.dma_semaphore, #tpu.memory_space<semaphore_mem>>)
      } else {
      }
    }
    %scan3A_18 = arith.constant 256 : i32
    return
  }
}

#map = affine_map<(d0, d1) -> (0)>
#map1 = affine_map<(d0, d1) -> (0, 0)>
#map2 = affine_map<(d0, d1) -> (0, 0, 0)>
module attributes {stable_mosaic.version = 14 : i64} {
  func.func @body(%arg0: i32, %arg1: i32, %arg2: memref<524288xi32, #tpu.memory_space<hbm>>, %arg3: memref<16384x128xf32, #tpu.memory_space<hbm>>, %arg4: memref<16384x20x128xf32, #tpu.memory_space<hbm>>, %arg5: memref<16384xi32, #tpu.memory_space<vmem>>, %arg6: memref<20x128xf32, #tpu.memory_space<vmem>>, %arg7: memref<20x128xf32, #tpu.memory_space<vmem>>, %arg8: memref<!tpu.dma_semaphore, #tpu.memory_space<semaphore_mem>>, %arg9: memref<!tpu.dma_semaphore, #tpu.memory_space<semaphore_mem>>) attributes {dimension_semantics = [#tpu.dimension_semantics<core_parallel>, #tpu.dimension_semantics<subcore_parallel>], iteration_bounds = array<i64: 2, 16>, scalar_prefetch = 0 : i64, scratch_operands = 5 : i64, tpu.core_type = #tpu.core_type<sc_vector_subcore>, window_params = [{transform_indices = #map}, {transform_indices = #map1}, {transform_indices = #map2}]} {
    %mul3A = arith.constant 2 : i32
    %mul3A_0 = arith.muli %arg1, %mul3A : i32
    %add3A = arith.addi %mul3A_0, %arg0 : i32
    %mul3A_1 = arith.constant 512 : i32
    %mul3A_2 = arith.muli %add3A, %mul3A_1 : i32
    %mul3A_3 = arith.constant 32 : i32
    %mul3A_4 = arith.muli %mul3A_2, %mul3A_3 : i32
    "tpu.region"() ({
      %run_scoped3A = tpu.sem_alloc : memref<!tpu.dma_semaphore, #tpu.memory_space<semaphore_mem>>
      %dma_start3A_19 = tpu.memref_slice %arg2[%mul3A_4] : memref<524288xi32, #tpu.memory_space<hbm>> -> memref<16384xi32, #tpu.memory_space<hbm>>
      %dma_start3A_20 = tpu.memref_slice %arg2[%mul3A_4] : memref<524288xi32, #tpu.memory_space<hbm>> -> memref<16384xi32, #tpu.memory_space<hbm>>
      tpu.enqueue_dma source(%dma_start3A_20 : memref<16384xi32, #tpu.memory_space<hbm>>) target(%arg5 : memref<16384xi32, #tpu.memory_space<vmem>>) target_semaphore(%run_scoped3A : memref<!tpu.dma_semaphore, #tpu.memory_space<semaphore_mem>>)
      %dma_wait3A = tpu.memref_slice %arg2[%mul3A_4] : memref<524288xi32, #tpu.memory_space<hbm>> -> memref<16384xi32, #tpu.memory_space<hbm>>
      %dma_wait3A_21 = tpu.memref_slice %arg2[%mul3A_4] : memref<524288xi32, #tpu.memory_space<hbm>> -> memref<16384xi32, #tpu.memory_space<hbm>>
      tpu.wait_dma2 semaphore(%run_scoped3A : memref<!tpu.dma_semaphore, #tpu.memory_space<semaphore_mem>>) src(%dma_wait3A_21 : memref<16384xi32, #tpu.memory_space<hbm>>) dst(%arg5 : memref<16384xi32, #tpu.memory_space<vmem>>)
      tpu.yield
    }) : () -> ()
    %dma_start3A = arith.constant 0 : i32
    %dma_start3A_5 = tpu.memref_slice %arg5[%dma_start3A] : memref<16384xi32, #tpu.memory_space<vmem>> -> memref<20xi32, #tpu.memory_space<vmem>>
    %dma_start3A_6 = arith.constant 0 : i32
    %dma_start3A_7 = arith.constant 0 : i32
    %dma_start3A_8 = tpu.memref_slice %arg3[%dma_start3A_6, %dma_start3A_7] : memref<16384x128xf32, #tpu.memory_space<hbm>> -> memref<16384x128xf32, #tpu.memory_space<hbm>>
    tpu.enqueue_indirect_dma source(%dma_start3A_8 : memref<16384x128xf32, #tpu.memory_space<hbm>>) target(%arg6 : memref<20x128xf32, #tpu.memory_space<vmem>>) offsets(%dma_start3A_5 : memref<20xi32, #tpu.memory_space<vmem>>) semaphore(%arg8 : memref<!tpu.dma_semaphore, #tpu.memory_space<semaphore_mem>>)
    %dma_start3A_9 = arith.constant 32 : i32
    %dma_start3A_10 = tpu.memref_slice %arg5[%dma_start3A_9] : memref<16384xi32, #tpu.memory_space<vmem>> -> memref<20xi32, #tpu.memory_space<vmem>>
    %dma_start3A_11 = arith.constant 0 : i32
    %dma_start3A_12 = arith.constant 0 : i32
    %dma_start3A_13 = tpu.memref_slice %arg3[%dma_start3A_11, %dma_start3A_12] : memref<16384x128xf32, #tpu.memory_space<hbm>> -> memref<16384x128xf32, #tpu.memory_space<hbm>>
    tpu.enqueue_indirect_dma source(%dma_start3A_13 : memref<16384x128xf32, #tpu.memory_space<hbm>>) target(%arg7 : memref<20x128xf32, #tpu.memory_space<vmem>>) offsets(%dma_start3A_10 : memref<20xi32, #tpu.memory_space<vmem>>) semaphore(%arg9 : memref<!tpu.dma_semaphore, #tpu.memory_space<semaphore_mem>>)
    %scan3A = arith.constant 0 : i32
    %scan3A_14 = arith.constant 0 : i32
    %scan3A_15 = arith.constant 256 : i32
    %scan3A_16 = arith.addi %scan3A_14, %scan3A_15 : i32
    %scan3A_17 = arith.constant 1 : i32
    scf.for %scan3A_19 = %scan3A_14 to %scan3A_16 step %scan3A_17  : i32 {
      %mul3A_20 = arith.constant 2 : i32
      %mul3A_21 = arith.muli %mul3A_20, %scan3A_19 : i32
      %add3A_22 = arith.constant 0 : i32
      %add3A_23 = arith.addi %mul3A_21, %add3A_22 : i32
      %dma_wait3A = arith.constant 0 : i32
      %dma_wait3A_24 = tpu.memref_slice %arg5[%dma_wait3A] : memref<16384xi32, #tpu.memory_space<vmem>> -> memref<20xi32, #tpu.memory_space<vmem>>
      %dma_wait3A_25 = arith.constant 0 : i32
      %dma_wait3A_26 = arith.constant 0 : i32
      %dma_wait3A_27 = tpu.memref_slice %arg3[%dma_wait3A_25, %dma_wait3A_26] : memref<16384x128xf32, #tpu.memory_space<hbm>> -> memref<16384x128xf32, #tpu.memory_space<hbm>>
      tpu.wait_indirect_dma semaphore(%arg8 : memref<!tpu.dma_semaphore, #tpu.memory_space<semaphore_mem>>) src(%dma_wait3A_27 : memref<16384x128xf32, #tpu.memory_space<hbm>>) dst(%arg6 : memref<20x128xf32, #tpu.memory_space<vmem>>)
      %add3A_28 = arith.addi %mul3A_2, %add3A_23 : i32
      "tpu.region"() ({
        %run_scoped3A = tpu.sem_alloc : memref<!tpu.dma_semaphore, #tpu.memory_space<semaphore_mem>>
        %dma_start3A_50 = arith.constant 0 : i32
        %dma_start3A_51 = arith.constant 0 : i32
        %dma_start3A_52 = tpu.memref_slice %arg4[%add3A_28, %dma_start3A_50, %dma_start3A_51] : memref<16384x20x128xf32, #tpu.memory_space<hbm>> -> memref<1x20x128xf32, #tpu.memory_space<hbm>>
        %dma_start3A_53 = tpu.memref_squeeze %dma_start3A_52 : memref<1x20x128xf32, #tpu.memory_space<hbm>> -> memref<20x128xf32, #tpu.memory_space<hbm>>
        %dma_start3A_54 = arith.constant 0 : i32
        %dma_start3A_55 = arith.constant 0 : i32
        %dma_start3A_56 = tpu.memref_slice %arg4[%add3A_28, %dma_start3A_54, %dma_start3A_55] : memref<16384x20x128xf32, #tpu.memory_space<hbm>> -> memref<1x20x128xf32, #tpu.memory_space<hbm>>
        %dma_start3A_57 = tpu.memref_squeeze %dma_start3A_56 : memref<1x20x128xf32, #tpu.memory_space<hbm>> -> memref<20x128xf32, #tpu.memory_space<hbm>>
        tpu.enqueue_dma source(%arg6 : memref<20x128xf32, #tpu.memory_space<vmem>>) target(%dma_start3A_57 : memref<20x128xf32, #tpu.memory_space<hbm>>) target_semaphore(%run_scoped3A : memref<!tpu.dma_semaphore, #tpu.memory_space<semaphore_mem>>)
        %dma_wait3A_58 = arith.constant 0 : i32
        %dma_wait3A_59 = arith.constant 0 : i32
        %dma_wait3A_60 = tpu.memref_slice %arg4[%add3A_28, %dma_wait3A_58, %dma_wait3A_59] : memref<16384x20x128xf32, #tpu.memory_space<hbm>> -> memref<1x20x128xf32, #tpu.memory_space<hbm>>
        %dma_wait3A_61 = tpu.memref_squeeze %dma_wait3A_60 : memref<1x20x128xf32, #tpu.memory_space<hbm>> -> memref<20x128xf32, #tpu.memory_space<hbm>>
        %dma_wait3A_62 = arith.constant 0 : i32
        %dma_wait3A_63 = arith.constant 0 : i32
        %dma_wait3A_64 = tpu.memref_slice %arg4[%add3A_28, %dma_wait3A_62, %dma_wait3A_63] : memref<16384x20x128xf32, #tpu.memory_space<hbm>> -> memref<1x20x128xf32, #tpu.memory_space<hbm>>
        %dma_wait3A_65 = tpu.memref_squeeze %dma_wait3A_64 : memref<1x20x128xf32, #tpu.memory_space<hbm>> -> memref<20x128xf32, #tpu.memory_space<hbm>>
        tpu.wait_dma2 semaphore(%run_scoped3A : memref<!tpu.dma_semaphore, #tpu.memory_space<semaphore_mem>>) src(%arg6 : memref<20x128xf32, #tpu.memory_space<vmem>>) dst(%dma_wait3A_65 : memref<20x128xf32, #tpu.memory_space<hbm>>)
        tpu.yield
      }) : () -> ()
      %add3A_29 = arith.constant 2 : i32
      %add3A_30 = arith.addi %add3A_23, %add3A_29 : i32
      %lt3A = arith.constant 512 : i32
      %lt3A_31 = arith.cmpi slt, %add3A_30, %lt3A : i32
      %convert_element_type3A = arith.extui %lt3A_31 : i1 to i32
      %cond3A = arith.constant 0 : i32
      %cond3A_32 = arith.cmpi ne, %convert_element_type3A, %cond3A : i32
      scf.if %cond3A_32 {
        %add3A_50 = arith.constant 2 : i32
        %add3A_51 = arith.addi %add3A_23, %add3A_50 : i32
        %mul3A_52 = arith.constant 32 : i32
        %mul3A_53 = arith.muli %add3A_51, %mul3A_52 : i32
        %dma_start3A_54 = tpu.memref_slice %arg5[%mul3A_53] : memref<16384xi32, #tpu.memory_space<vmem>> -> memref<20xi32, #tpu.memory_space<vmem>>
        %dma_start3A_55 = arith.constant 0 : i32
        %dma_start3A_56 = arith.constant 0 : i32
        %dma_start3A_57 = tpu.memref_slice %arg3[%dma_start3A_55, %dma_start3A_56] : memref<16384x128xf32, #tpu.memory_space<hbm>> -> memref<16384x128xf32, #tpu.memory_space<hbm>>
        tpu.enqueue_indirect_dma source(%dma_start3A_57 : memref<16384x128xf32, #tpu.memory_space<hbm>>) target(%arg6 : memref<20x128xf32, #tpu.memory_space<vmem>>) offsets(%dma_start3A_54 : memref<20xi32, #tpu.memory_space<vmem>>) semaphore(%arg8 : memref<!tpu.dma_semaphore, #tpu.memory_space<semaphore_mem>>)
      } else {
      }
      %mul3A_33 = arith.constant 2 : i32
      %mul3A_34 = arith.muli %mul3A_33, %scan3A_19 : i32
      %add3A_35 = arith.constant 1 : i32
      %add3A_36 = arith.addi %mul3A_34, %add3A_35 : i32
      %dma_wait3A_37 = arith.constant 0 : i32
      %dma_wait3A_38 = tpu.memref_slice %arg5[%dma_wait3A_37] : memref<16384xi32, #tpu.memory_space<vmem>> -> memref<20xi32, #tpu.memory_space<vmem>>
      %dma_wait3A_39 = arith.constant 0 : i32
      %dma_wait3A_40 = arith.constant 0 : i32
      %dma_wait3A_41 = tpu.memref_slice %arg3[%dma_wait3A_39, %dma_wait3A_40] : memref<16384x128xf32, #tpu.memory_space<hbm>> -> memref<16384x128xf32, #tpu.memory_space<hbm>>
      tpu.wait_indirect_dma semaphore(%arg9 : memref<!tpu.dma_semaphore, #tpu.memory_space<semaphore_mem>>) src(%dma_wait3A_41 : memref<16384x128xf32, #tpu.memory_space<hbm>>) dst(%arg7 : memref<20x128xf32, #tpu.memory_space<vmem>>)
      %add3A_42 = arith.addi %mul3A_2, %add3A_36 : i32
      "tpu.region"() ({
        %run_scoped3A = tpu.sem_alloc : memref<!tpu.dma_semaphore, #tpu.memory_space<semaphore_mem>>
        %dma_start3A_50 = arith.constant 0 : i32
        %dma_start3A_51 = arith.constant 0 : i32
        %dma_start3A_52 = tpu.memref_slice %arg4[%add3A_42, %dma_start3A_50, %dma_start3A_51] : memref<16384x20x128xf32, #tpu.memory_space<hbm>> -> memref<1x20x128xf32, #tpu.memory_space<hbm>>
        %dma_start3A_53 = tpu.memref_squeeze %dma_start3A_52 : memref<1x20x128xf32, #tpu.memory_space<hbm>> -> memref<20x128xf32, #tpu.memory_space<hbm>>
        %dma_start3A_54 = arith.constant 0 : i32
        %dma_start3A_55 = arith.constant 0 : i32
        %dma_start3A_56 = tpu.memref_slice %arg4[%add3A_42, %dma_start3A_54, %dma_start3A_55] : memref<16384x20x128xf32, #tpu.memory_space<hbm>> -> memref<1x20x128xf32, #tpu.memory_space<hbm>>
        %dma_start3A_57 = tpu.memref_squeeze %dma_start3A_56 : memref<1x20x128xf32, #tpu.memory_space<hbm>> -> memref<20x128xf32, #tpu.memory_space<hbm>>
        tpu.enqueue_dma source(%arg7 : memref<20x128xf32, #tpu.memory_space<vmem>>) target(%dma_start3A_57 : memref<20x128xf32, #tpu.memory_space<hbm>>) target_semaphore(%run_scoped3A : memref<!tpu.dma_semaphore, #tpu.memory_space<semaphore_mem>>)
        %dma_wait3A_58 = arith.constant 0 : i32
        %dma_wait3A_59 = arith.constant 0 : i32
        %dma_wait3A_60 = tpu.memref_slice %arg4[%add3A_42, %dma_wait3A_58, %dma_wait3A_59] : memref<16384x20x128xf32, #tpu.memory_space<hbm>> -> memref<1x20x128xf32, #tpu.memory_space<hbm>>
        %dma_wait3A_61 = tpu.memref_squeeze %dma_wait3A_60 : memref<1x20x128xf32, #tpu.memory_space<hbm>> -> memref<20x128xf32, #tpu.memory_space<hbm>>
        %dma_wait3A_62 = arith.constant 0 : i32
        %dma_wait3A_63 = arith.constant 0 : i32
        %dma_wait3A_64 = tpu.memref_slice %arg4[%add3A_42, %dma_wait3A_62, %dma_wait3A_63] : memref<16384x20x128xf32, #tpu.memory_space<hbm>> -> memref<1x20x128xf32, #tpu.memory_space<hbm>>
        %dma_wait3A_65 = tpu.memref_squeeze %dma_wait3A_64 : memref<1x20x128xf32, #tpu.memory_space<hbm>> -> memref<20x128xf32, #tpu.memory_space<hbm>>
        tpu.wait_dma2 semaphore(%run_scoped3A : memref<!tpu.dma_semaphore, #tpu.memory_space<semaphore_mem>>) src(%arg7 : memref<20x128xf32, #tpu.memory_space<vmem>>) dst(%dma_wait3A_65 : memref<20x128xf32, #tpu.memory_space<hbm>>)
        tpu.yield
      }) : () -> ()
      %add3A_43 = arith.constant 2 : i32
      %add3A_44 = arith.addi %add3A_36, %add3A_43 : i32
      %lt3A_45 = arith.constant 512 : i32
      %lt3A_46 = arith.cmpi slt, %add3A_44, %lt3A_45 : i32
      %convert_element_type3A_47 = arith.extui %lt3A_46 : i1 to i32
      %cond3A_48 = arith.constant 0 : i32
      %cond3A_49 = arith.cmpi ne, %convert_element_type3A_47, %cond3A_48 : i32
      scf.if %cond3A_49 {
        %add3A_50 = arith.constant 2 : i32
        %add3A_51 = arith.addi %add3A_36, %add3A_50 : i32
        %mul3A_52 = arith.constant 32 : i32
        %mul3A_53 = arith.muli %add3A_51, %mul3A_52 : i32
        %dma_start3A_54 = tpu.memref_slice %arg5[%mul3A_53] : memref<16384xi32, #tpu.memory_space<vmem>> -> memref<20xi32, #tpu.memory_space<vmem>>
        %dma_start3A_55 = arith.constant 0 : i32
        %dma_start3A_56 = arith.constant 0 : i32
        %dma_start3A_57 = tpu.memref_slice %arg3[%dma_start3A_55, %dma_start3A_56] : memref<16384x128xf32, #tpu.memory_space<hbm>> -> memref<16384x128xf32, #tpu.memory_space<hbm>>
        tpu.enqueue_indirect_dma source(%dma_start3A_57 : memref<16384x128xf32, #tpu.memory_space<hbm>>) target(%arg7 : memref<20x128xf32, #tpu.memory_space<vmem>>) offsets(%dma_start3A_54 : memref<20xi32, #tpu.memory_space<vmem>>) semaphore(%arg9 : memref<!tpu.dma_semaphore, #tpu.memory_space<semaphore_mem>>)
      } else {
      }
    }
    %scan3A_18 = arith.constant 256 : i32
    return
  }
}

#map = affine_map<(d0, d1) -> (0)>
#map1 = affine_map<(d0, d1) -> (0, 0)>
#map2 = affine_map<(d0, d1) -> (0, 0, 0)>
module attributes {stable_mosaic.version = 14 : i64} {
  func.func @body(%arg0: i32, %arg1: i32, %arg2: memref<524288xi32, #tpu.memory_space<hbm>>, %arg3: memref<16384x128xf32, #tpu.memory_space<hbm>>, %arg4: memref<16384x20x128xf32, #tpu.memory_space<hbm>>, %arg5: memref<16384xi32, #tpu.memory_space<vmem>>, %arg6: memref<20x128xf32, #tpu.memory_space<vmem>>, %arg7: memref<20x128xf32, #tpu.memory_space<vmem>>, %arg8: memref<!tpu.dma_semaphore, #tpu.memory_space<semaphore_mem>>, %arg9: memref<!tpu.dma_semaphore, #tpu.memory_space<semaphore_mem>>) attributes {dimension_semantics = [#tpu.dimension_semantics<core_parallel>, #tpu.dimension_semantics<subcore_parallel>], iteration_bounds = array<i64: 2, 16>, scalar_prefetch = 0 : i64, scratch_operands = 5 : i64, tpu.core_type = #tpu.core_type<sc_vector_subcore>, window_params = [{transform_indices = #map}, {transform_indices = #map1}, {transform_indices = #map2}]} {
    %mul3A = arith.constant 2 : i32
    %mul3A_0 = arith.muli %arg1, %mul3A : i32
    %add3A = arith.addi %mul3A_0, %arg0 : i32
    %mul3A_1 = arith.constant 512 : i32
    %mul3A_2 = arith.muli %add3A, %mul3A_1 : i32
    %mul3A_3 = arith.constant 32 : i32
    %mul3A_4 = arith.muli %mul3A_2, %mul3A_3 : i32
    "tpu.region"() ({
      %run_scoped3A = tpu.sem_alloc : memref<!tpu.dma_semaphore, #tpu.memory_space<semaphore_mem>>
      %dma_start3A_19 = tpu.memref_slice %arg2[%mul3A_4] : memref<524288xi32, #tpu.memory_space<hbm>> -> memref<16384xi32, #tpu.memory_space<hbm>>
      %dma_start3A_20 = tpu.memref_slice %arg2[%mul3A_4] : memref<524288xi32, #tpu.memory_space<hbm>> -> memref<16384xi32, #tpu.memory_space<hbm>>
      tpu.enqueue_dma source(%dma_start3A_20 : memref<16384xi32, #tpu.memory_space<hbm>>) target(%arg5 : memref<16384xi32, #tpu.memory_space<vmem>>) target_semaphore(%run_scoped3A : memref<!tpu.dma_semaphore, #tpu.memory_space<semaphore_mem>>)
      %dma_wait3A = tpu.memref_slice %arg2[%mul3A_4] : memref<524288xi32, #tpu.memory_space<hbm>> -> memref<16384xi32, #tpu.memory_space<hbm>>
      %dma_wait3A_21 = tpu.memref_slice %arg2[%mul3A_4] : memref<524288xi32, #tpu.memory_space<hbm>> -> memref<16384xi32, #tpu.memory_space<hbm>>
      tpu.wait_dma2 semaphore(%run_scoped3A : memref<!tpu.dma_semaphore, #tpu.memory_space<semaphore_mem>>) src(%dma_wait3A_21 : memref<16384xi32, #tpu.memory_space<hbm>>) dst(%arg5 : memref<16384xi32, #tpu.memory_space<vmem>>)
      tpu.yield
    }) : () -> ()
    %dma_start3A = arith.constant 0 : i32
    %dma_start3A_5 = tpu.memref_slice %arg5[%dma_start3A] : memref<16384xi32, #tpu.memory_space<vmem>> -> memref<20xi32, #tpu.memory_space<vmem>>
    %dma_start3A_6 = arith.constant 0 : i32
    %dma_start3A_7 = arith.constant 0 : i32
    %dma_start3A_8 = tpu.memref_slice %arg3[%dma_start3A_6, %dma_start3A_7] : memref<16384x128xf32, #tpu.memory_space<hbm>> -> memref<16384x128xf32, #tpu.memory_space<hbm>>
    tpu.enqueue_indirect_dma source(%dma_start3A_8 : memref<16384x128xf32, #tpu.memory_space<hbm>>) target(%arg6 : memref<20x128xf32, #tpu.memory_space<vmem>>) offsets(%dma_start3A_5 : memref<20xi32, #tpu.memory_space<vmem>>) semaphore(%arg8 : memref<!tpu.dma_semaphore, #tpu.memory_space<semaphore_mem>>)
    %dma_start3A_9 = arith.constant 32 : i32
    %dma_start3A_10 = tpu.memref_slice %arg5[%dma_start3A_9] : memref<16384xi32, #tpu.memory_space<vmem>> -> memref<20xi32, #tpu.memory_space<vmem>>
    %dma_start3A_11 = arith.constant 0 : i32
    %dma_start3A_12 = arith.constant 0 : i32
    %dma_start3A_13 = tpu.memref_slice %arg3[%dma_start3A_11, %dma_start3A_12] : memref<16384x128xf32, #tpu.memory_space<hbm>> -> memref<16384x128xf32, #tpu.memory_space<hbm>>
    tpu.enqueue_indirect_dma source(%dma_start3A_13 : memref<16384x128xf32, #tpu.memory_space<hbm>>) target(%arg7 : memref<20x128xf32, #tpu.memory_space<vmem>>) offsets(%dma_start3A_10 : memref<20xi32, #tpu.memory_space<vmem>>) semaphore(%arg9 : memref<!tpu.dma_semaphore, #tpu.memory_space<semaphore_mem>>)
    %scan3A = arith.constant 0 : i32
    %scan3A_14 = arith.constant 0 : i32
    %scan3A_15 = arith.constant 256 : i32
    %scan3A_16 = arith.addi %scan3A_14, %scan3A_15 : i32
    %scan3A_17 = arith.constant 1 : i32
    scf.for %scan3A_19 = %scan3A_14 to %scan3A_16 step %scan3A_17  : i32 {
      %mul3A_20 = arith.constant 2 : i32
      %mul3A_21 = arith.muli %mul3A_20, %scan3A_19 : i32
      %add3A_22 = arith.constant 0 : i32
      %add3A_23 = arith.addi %mul3A_21, %add3A_22 : i32
      %dma_wait3A = arith.constant 0 : i32
      %dma_wait3A_24 = tpu.memref_slice %arg5[%dma_wait3A] : memref<16384xi32, #tpu.memory_space<vmem>> -> memref<20xi32, #tpu.memory_space<vmem>>
      %dma_wait3A_25 = arith.constant 0 : i32
      %dma_wait3A_26 = arith.constant 0 : i32
      %dma_wait3A_27 = tpu.memref_slice %arg3[%dma_wait3A_25, %dma_wait3A_26] : memref<16384x128xf32, #tpu.memory_space<hbm>> -> memref<16384x128xf32, #tpu.memory_space<hbm>>
      tpu.wait_indirect_dma semaphore(%arg8 : memref<!tpu.dma_semaphore, #tpu.memory_space<semaphore_mem>>) src(%dma_wait3A_27 : memref<16384x128xf32, #tpu.memory_space<hbm>>) dst(%arg6 : memref<20x128xf32, #tpu.memory_space<vmem>>)
      %add3A_28 = arith.addi %mul3A_2, %add3A_23 : i32
      "tpu.region"() ({
        %run_scoped3A = tpu.sem_alloc : memref<!tpu.dma_semaphore, #tpu.memory_space<semaphore_mem>>
        %dma_start3A_50 = arith.constant 0 : i32
        %dma_start3A_51 = arith.constant 0 : i32
        %dma_start3A_52 = tpu.memref_slice %arg4[%add3A_28, %dma_start3A_50, %dma_start3A_51] : memref<16384x20x128xf32, #tpu.memory_space<hbm>> -> memref<1x20x128xf32, #tpu.memory_space<hbm>>
        %dma_start3A_53 = tpu.memref_squeeze %dma_start3A_52 : memref<1x20x128xf32, #tpu.memory_space<hbm>> -> memref<20x128xf32, #tpu.memory_space<hbm>>
        %dma_start3A_54 = arith.constant 0 : i32
        %dma_start3A_55 = arith.constant 0 : i32
        %dma_start3A_56 = tpu.memref_slice %arg4[%add3A_28, %dma_start3A_54, %dma_start3A_55] : memref<16384x20x128xf32, #tpu.memory_space<hbm>> -> memref<1x20x128xf32, #tpu.memory_space<hbm>>
        %dma_start3A_57 = tpu.memref_squeeze %dma_start3A_56 : memref<1x20x128xf32, #tpu.memory_space<hbm>> -> memref<20x128xf32, #tpu.memory_space<hbm>>
        tpu.enqueue_dma source(%arg6 : memref<20x128xf32, #tpu.memory_space<vmem>>) target(%dma_start3A_57 : memref<20x128xf32, #tpu.memory_space<hbm>>) target_semaphore(%run_scoped3A : memref<!tpu.dma_semaphore, #tpu.memory_space<semaphore_mem>>)
        %dma_wait3A_58 = arith.constant 0 : i32
        %dma_wait3A_59 = arith.constant 0 : i32
        %dma_wait3A_60 = tpu.memref_slice %arg4[%add3A_28, %dma_wait3A_58, %dma_wait3A_59] : memref<16384x20x128xf32, #tpu.memory_space<hbm>> -> memref<1x20x128xf32, #tpu.memory_space<hbm>>
        %dma_wait3A_61 = tpu.memref_squeeze %dma_wait3A_60 : memref<1x20x128xf32, #tpu.memory_space<hbm>> -> memref<20x128xf32, #tpu.memory_space<hbm>>
        %dma_wait3A_62 = arith.constant 0 : i32
        %dma_wait3A_63 = arith.constant 0 : i32
        %dma_wait3A_64 = tpu.memref_slice %arg4[%add3A_28, %dma_wait3A_62, %dma_wait3A_63] : memref<16384x20x128xf32, #tpu.memory_space<hbm>> -> memref<1x20x128xf32, #tpu.memory_space<hbm>>
        %dma_wait3A_65 = tpu.memref_squeeze %dma_wait3A_64 : memref<1x20x128xf32, #tpu.memory_space<hbm>> -> memref<20x128xf32, #tpu.memory_space<hbm>>
        tpu.wait_dma2 semaphore(%run_scoped3A : memref<!tpu.dma_semaphore, #tpu.memory_space<semaphore_mem>>) src(%arg6 : memref<20x128xf32, #tpu.memory_space<vmem>>) dst(%dma_wait3A_65 : memref<20x128xf32, #tpu.memory_space<hbm>>)
        tpu.yield
      }) : () -> ()
      %add3A_29 = arith.constant 2 : i32
      %add3A_30 = arith.addi %add3A_23, %add3A_29 : i32
      %lt3A = arith.constant 512 : i32
      %lt3A_31 = arith.cmpi slt, %add3A_30, %lt3A : i32
      %convert_element_type3A = arith.extui %lt3A_31 : i1 to i32
      %cond3A = arith.constant 0 : i32
      %cond3A_32 = arith.cmpi ne, %convert_element_type3A, %cond3A : i32
      scf.if %cond3A_32 {
        %add3A_50 = arith.constant 2 : i32
        %add3A_51 = arith.addi %add3A_23, %add3A_50 : i32
        %mul3A_52 = arith.constant 32 : i32
        %mul3A_53 = arith.muli %add3A_51, %mul3A_52 : i32
        %dma_start3A_54 = tpu.memref_slice %arg5[%mul3A_53] : memref<16384xi32, #tpu.memory_space<vmem>> -> memref<20xi32, #tpu.memory_space<vmem>>
        %dma_start3A_55 = arith.constant 0 : i32
        %dma_start3A_56 = arith.constant 0 : i32
        %dma_start3A_57 = tpu.memref_slice %arg3[%dma_start3A_55, %dma_start3A_56] : memref<16384x128xf32, #tpu.memory_space<hbm>> -> memref<16384x128xf32, #tpu.memory_space<hbm>>
        tpu.enqueue_indirect_dma source(%dma_start3A_57 : memref<16384x128xf32, #tpu.memory_space<hbm>>) target(%arg6 : memref<20x128xf32, #tpu.memory_space<vmem>>) offsets(%dma_start3A_54 : memref<20xi32, #tpu.memory_space<vmem>>) semaphore(%arg8 : memref<!tpu.dma_semaphore, #tpu.memory_space<semaphore_mem>>)
      } else {
      }
      %mul3A_33 = arith.constant 2 : i32
      %mul3A_34 = arith.muli %mul3A_33, %scan3A_19 : i32
      %add3A_35 = arith.constant 1 : i32
      %add3A_36 = arith.addi %mul3A_34, %add3A_35 : i32
      %dma_wait3A_37 = arith.constant 0 : i32
      %dma_wait3A_38 = tpu.memref_slice %arg5[%dma_wait3A_37] : memref<16384xi32, #tpu.memory_space<vmem>> -> memref<20xi32, #tpu.memory_space<vmem>>
      %dma_wait3A_39 = arith.constant 0 : i32
      %dma_wait3A_40 = arith.constant 0 : i32
      %dma_wait3A_41 = tpu.memref_slice %arg3[%dma_wait3A_39, %dma_wait3A_40] : memref<16384x128xf32, #tpu.memory_space<hbm>> -> memref<16384x128xf32, #tpu.memory_space<hbm>>
      tpu.wait_indirect_dma semaphore(%arg9 : memref<!tpu.dma_semaphore, #tpu.memory_space<semaphore_mem>>) src(%dma_wait3A_41 : memref<16384x128xf32, #tpu.memory_space<hbm>>) dst(%arg7 : memref<20x128xf32, #tpu.memory_space<vmem>>)
      %add3A_42 = arith.addi %mul3A_2, %add3A_36 : i32
      "tpu.region"() ({
        %run_scoped3A = tpu.sem_alloc : memref<!tpu.dma_semaphore, #tpu.memory_space<semaphore_mem>>
        %dma_start3A_50 = arith.constant 0 : i32
        %dma_start3A_51 = arith.constant 0 : i32
        %dma_start3A_52 = tpu.memref_slice %arg4[%add3A_42, %dma_start3A_50, %dma_start3A_51] : memref<16384x20x128xf32, #tpu.memory_space<hbm>> -> memref<1x20x128xf32, #tpu.memory_space<hbm>>
        %dma_start3A_53 = tpu.memref_squeeze %dma_start3A_52 : memref<1x20x128xf32, #tpu.memory_space<hbm>> -> memref<20x128xf32, #tpu.memory_space<hbm>>
        %dma_start3A_54 = arith.constant 0 : i32
        %dma_start3A_55 = arith.constant 0 : i32
        %dma_start3A_56 = tpu.memref_slice %arg4[%add3A_42, %dma_start3A_54, %dma_start3A_55] : memref<16384x20x128xf32, #tpu.memory_space<hbm>> -> memref<1x20x128xf32, #tpu.memory_space<hbm>>
        %dma_start3A_57 = tpu.memref_squeeze %dma_start3A_56 : memref<1x20x128xf32, #tpu.memory_space<hbm>> -> memref<20x128xf32, #tpu.memory_space<hbm>>
        tpu.enqueue_dma source(%arg7 : memref<20x128xf32, #tpu.memory_space<vmem>>) target(%dma_start3A_57 : memref<20x128xf32, #tpu.memory_space<hbm>>) target_semaphore(%run_scoped3A : memref<!tpu.dma_semaphore, #tpu.memory_space<semaphore_mem>>)
        %dma_wait3A_58 = arith.constant 0 : i32
        %dma_wait3A_59 = arith.constant 0 : i32
        %dma_wait3A_60 = tpu.memref_slice %arg4[%add3A_42, %dma_wait3A_58, %dma_wait3A_59] : memref<16384x20x128xf32, #tpu.memory_space<hbm>> -> memref<1x20x128xf32, #tpu.memory_space<hbm>>
        %dma_wait3A_61 = tpu.memref_squeeze %dma_wait3A_60 : memref<1x20x128xf32, #tpu.memory_space<hbm>> -> memref<20x128xf32, #tpu.memory_space<hbm>>
        %dma_wait3A_62 = arith.constant 0 : i32
        %dma_wait3A_63 = arith.constant 0 : i32
        %dma_wait3A_64 = tpu.memref_slice %arg4[%add3A_42, %dma_wait3A_62, %dma_wait3A_63] : memref<16384x20x128xf32, #tpu.memory_space<hbm>> -> memref<1x20x128xf32, #tpu.memory_space<hbm>>
        %dma_wait3A_65 = tpu.memref_squeeze %dma_wait3A_64 : memref<1x20x128xf32, #tpu.memory_space<hbm>> -> memref<20x128xf32, #tpu.memory_space<hbm>>
        tpu.wait_dma2 semaphore(%run_scoped3A : memref<!tpu.dma_semaphore, #tpu.memory_space<semaphore_mem>>) src(%arg7 : memref<20x128xf32, #tpu.memory_space<vmem>>) dst(%dma_wait3A_65 : memref<20x128xf32, #tpu.memory_space<hbm>>)
        tpu.yield
      }) : () -> ()
      %add3A_43 = arith.constant 2 : i32
      %add3A_44 = arith.addi %add3A_36, %add3A_43 : i32
      %lt3A_45 = arith.constant 512 : i32
      %lt3A_46 = arith.cmpi slt, %add3A_44, %lt3A_45 : i32
      %convert_element_type3A_47 = arith.extui %lt3A_46 : i1 to i32
      %cond3A_48 = arith.constant 0 : i32
      %cond3A_49 = arith.cmpi ne, %convert_element_type3A_47, %cond3A_48 : i32
      scf.if %cond3A_49 {
        %add3A_50 = arith.constant 2 : i32
        %add3A_51 = arith.addi %add3A_36, %add3A_50 : i32
        %mul3A_52 = arith.constant 32 : i32
        %mul3A_53 = arith.muli %add3A_51, %mul3A_52 : i32
        %dma_start3A_54 = tpu.memref_slice %arg5[%mul3A_53] : memref<16384xi32, #tpu.memory_space<vmem>> -> memref<20xi32, #tpu.memory_space<vmem>>
        %dma_start3A_55 = arith.constant 0 : i32
        %dma_start3A_56 = arith.constant 0 : i32
        %dma_start3A_57 = tpu.memref_slice %arg3[%dma_start3A_55, %dma_start3A_56] : memref<16384x128xf32, #tpu.memory_space<hbm>> -> memref<16384x128xf32, #tpu.memory_space<hbm>>
        tpu.enqueue_indirect_dma source(%dma_start3A_57 : memref<16384x128xf32, #tpu.memory_space<hbm>>) target(%arg7 : memref<20x128xf32, #tpu.memory_space<vmem>>) offsets(%dma_start3A_54 : memref<20xi32, #tpu.memory_space<vmem>>) semaphore(%arg9 : memref<!tpu.dma_semaphore, #tpu.memory_space<semaphore_mem>>)
      } else {
      }
    }
    %scan3A_18 = arith.constant 256 : i32
    return
  }
}

#map = affine_map<(d0, d1) -> (0)>
#map1 = affine_map<(d0, d1) -> (0, 0)>
#map2 = affine_map<(d0, d1) -> (0, 0, 0)>
module attributes {stable_mosaic.version = 14 : i64} {
  func.func @body(%arg0: i32, %arg1: i32, %arg2: memref<524288xi32, #tpu.memory_space<hbm>>, %arg3: memref<16384x128xf32, #tpu.memory_space<hbm>>, %arg4: memref<16384x20x128xf32, #tpu.memory_space<hbm>>, %arg5: memref<16384xi32, #tpu.memory_space<vmem>>, %arg6: memref<20x128xf32, #tpu.memory_space<vmem>>, %arg7: memref<20x128xf32, #tpu.memory_space<vmem>>, %arg8: memref<!tpu.dma_semaphore, #tpu.memory_space<semaphore_mem>>, %arg9: memref<!tpu.dma_semaphore, #tpu.memory_space<semaphore_mem>>) attributes {dimension_semantics = [#tpu.dimension_semantics<core_parallel>, #tpu.dimension_semantics<subcore_parallel>], iteration_bounds = array<i64: 2, 16>, scalar_prefetch = 0 : i64, scratch_operands = 5 : i64, tpu.core_type = #tpu.core_type<sc_vector_subcore>, window_params = [{transform_indices = #map}, {transform_indices = #map1}, {transform_indices = #map2}]} {
    %mul3A = arith.constant 2 : i32
    %mul3A_0 = arith.muli %arg1, %mul3A : i32
    %add3A = arith.addi %mul3A_0, %arg0 : i32
    %mul3A_1 = arith.constant 512 : i32
    %mul3A_2 = arith.muli %add3A, %mul3A_1 : i32
    %mul3A_3 = arith.constant 32 : i32
    %mul3A_4 = arith.muli %mul3A_2, %mul3A_3 : i32
    "tpu.region"() ({
      %run_scoped3A = tpu.sem_alloc : memref<!tpu.dma_semaphore, #tpu.memory_space<semaphore_mem>>
      %dma_start3A_19 = tpu.memref_slice %arg2[%mul3A_4] : memref<524288xi32, #tpu.memory_space<hbm>> -> memref<16384xi32, #tpu.memory_space<hbm>>
      %dma_start3A_20 = tpu.memref_slice %arg2[%mul3A_4] : memref<524288xi32, #tpu.memory_space<hbm>> -> memref<16384xi32, #tpu.memory_space<hbm>>
      tpu.enqueue_dma source(%dma_start3A_20 : memref<16384xi32, #tpu.memory_space<hbm>>) target(%arg5 : memref<16384xi32, #tpu.memory_space<vmem>>) target_semaphore(%run_scoped3A : memref<!tpu.dma_semaphore, #tpu.memory_space<semaphore_mem>>)
      %dma_wait3A = tpu.memref_slice %arg2[%mul3A_4] : memref<524288xi32, #tpu.memory_space<hbm>> -> memref<16384xi32, #tpu.memory_space<hbm>>
      %dma_wait3A_21 = tpu.memref_slice %arg2[%mul3A_4] : memref<524288xi32, #tpu.memory_space<hbm>> -> memref<16384xi32, #tpu.memory_space<hbm>>
      tpu.wait_dma2 semaphore(%run_scoped3A : memref<!tpu.dma_semaphore, #tpu.memory_space<semaphore_mem>>) src(%dma_wait3A_21 : memref<16384xi32, #tpu.memory_space<hbm>>) dst(%arg5 : memref<16384xi32, #tpu.memory_space<vmem>>)
      tpu.yield
    }) : () -> ()
    %dma_start3A = arith.constant 0 : i32
    %dma_start3A_5 = tpu.memref_slice %arg5[%dma_start3A] : memref<16384xi32, #tpu.memory_space<vmem>> -> memref<20xi32, #tpu.memory_space<vmem>>
    %dma_start3A_6 = arith.constant 0 : i32
    %dma_start3A_7 = arith.constant 0 : i32
    %dma_start3A_8 = tpu.memref_slice %arg3[%dma_start3A_6, %dma_start3A_7] : memref<16384x128xf32, #tpu.memory_space<hbm>> -> memref<16384x128xf32, #tpu.memory_space<hbm>>
    tpu.enqueue_indirect_dma source(%dma_start3A_8 : memref<16384x128xf32, #tpu.memory_space<hbm>>) target(%arg6 : memref<20x128xf32, #tpu.memory_space<vmem>>) offsets(%dma_start3A_5 : memref<20xi32, #tpu.memory_space<vmem>>) semaphore(%arg8 : memref<!tpu.dma_semaphore, #tpu.memory_space<semaphore_mem>>)
    %dma_start3A_9 = arith.constant 32 : i32
    %dma_start3A_10 = tpu.memref_slice %arg5[%dma_start3A_9] : memref<16384xi32, #tpu.memory_space<vmem>> -> memref<20xi32, #tpu.memory_space<vmem>>
    %dma_start3A_11 = arith.constant 0 : i32
    %dma_start3A_12 = arith.constant 0 : i32
    %dma_start3A_13 = tpu.memref_slice %arg3[%dma_start3A_11, %dma_start3A_12] : memref<16384x128xf32, #tpu.memory_space<hbm>> -> memref<16384x128xf32, #tpu.memory_space<hbm>>
    tpu.enqueue_indirect_dma source(%dma_start3A_13 : memref<16384x128xf32, #tpu.memory_space<hbm>>) target(%arg7 : memref<20x128xf32, #tpu.memory_space<vmem>>) offsets(%dma_start3A_10 : memref<20xi32, #tpu.memory_space<vmem>>) semaphore(%arg9 : memref<!tpu.dma_semaphore, #tpu.memory_space<semaphore_mem>>)
    %scan3A = arith.constant 0 : i32
    %scan3A_14 = arith.constant 0 : i32
    %scan3A_15 = arith.constant 256 : i32
    %scan3A_16 = arith.addi %scan3A_14, %scan3A_15 : i32
    %scan3A_17 = arith.constant 1 : i32
    scf.for %scan3A_19 = %scan3A_14 to %scan3A_16 step %scan3A_17  : i32 {
      %mul3A_20 = arith.constant 2 : i32
      %mul3A_21 = arith.muli %mul3A_20, %scan3A_19 : i32
      %add3A_22 = arith.constant 0 : i32
      %add3A_23 = arith.addi %mul3A_21, %add3A_22 : i32
      %dma_wait3A = arith.constant 0 : i32
      %dma_wait3A_24 = tpu.memref_slice %arg5[%dma_wait3A] : memref<16384xi32, #tpu.memory_space<vmem>> -> memref<20xi32, #tpu.memory_space<vmem>>
      %dma_wait3A_25 = arith.constant 0 : i32
      %dma_wait3A_26 = arith.constant 0 : i32
      %dma_wait3A_27 = tpu.memref_slice %arg3[%dma_wait3A_25, %dma_wait3A_26] : memref<16384x128xf32, #tpu.memory_space<hbm>> -> memref<16384x128xf32, #tpu.memory_space<hbm>>
      tpu.wait_indirect_dma semaphore(%arg8 : memref<!tpu.dma_semaphore, #tpu.memory_space<semaphore_mem>>) src(%dma_wait3A_27 : memref<16384x128xf32, #tpu.memory_space<hbm>>) dst(%arg6 : memref<20x128xf32, #tpu.memory_space<vmem>>)
      %add3A_28 = arith.addi %mul3A_2, %add3A_23 : i32
      "tpu.region"() ({
        %run_scoped3A = tpu.sem_alloc : memref<!tpu.dma_semaphore, #tpu.memory_space<semaphore_mem>>
        %dma_start3A_50 = arith.constant 0 : i32
        %dma_start3A_51 = arith.constant 0 : i32
        %dma_start3A_52 = tpu.memref_slice %arg4[%add3A_28, %dma_start3A_50, %dma_start3A_51] : memref<16384x20x128xf32, #tpu.memory_space<hbm>> -> memref<1x20x128xf32, #tpu.memory_space<hbm>>
        %dma_start3A_53 = tpu.memref_squeeze %dma_start3A_52 : memref<1x20x128xf32, #tpu.memory_space<hbm>> -> memref<20x128xf32, #tpu.memory_space<hbm>>
        %dma_start3A_54 = arith.constant 0 : i32
        %dma_start3A_55 = arith.constant 0 : i32
        %dma_start3A_56 = tpu.memref_slice %arg4[%add3A_28, %dma_start3A_54, %dma_start3A_55] : memref<16384x20x128xf32, #tpu.memory_space<hbm>> -> memref<1x20x128xf32, #tpu.memory_space<hbm>>
        %dma_start3A_57 = tpu.memref_squeeze %dma_start3A_56 : memref<1x20x128xf32, #tpu.memory_space<hbm>> -> memref<20x128xf32, #tpu.memory_space<hbm>>
        tpu.enqueue_dma source(%arg6 : memref<20x128xf32, #tpu.memory_space<vmem>>) target(%dma_start3A_57 : memref<20x128xf32, #tpu.memory_space<hbm>>) target_semaphore(%run_scoped3A : memref<!tpu.dma_semaphore, #tpu.memory_space<semaphore_mem>>)
        %dma_wait3A_58 = arith.constant 0 : i32
        %dma_wait3A_59 = arith.constant 0 : i32
        %dma_wait3A_60 = tpu.memref_slice %arg4[%add3A_28, %dma_wait3A_58, %dma_wait3A_59] : memref<16384x20x128xf32, #tpu.memory_space<hbm>> -> memref<1x20x128xf32, #tpu.memory_space<hbm>>
        %dma_wait3A_61 = tpu.memref_squeeze %dma_wait3A_60 : memref<1x20x128xf32, #tpu.memory_space<hbm>> -> memref<20x128xf32, #tpu.memory_space<hbm>>
        %dma_wait3A_62 = arith.constant 0 : i32
        %dma_wait3A_63 = arith.constant 0 : i32
        %dma_wait3A_64 = tpu.memref_slice %arg4[%add3A_28, %dma_wait3A_62, %dma_wait3A_63] : memref<16384x20x128xf32, #tpu.memory_space<hbm>> -> memref<1x20x128xf32, #tpu.memory_space<hbm>>
        %dma_wait3A_65 = tpu.memref_squeeze %dma_wait3A_64 : memref<1x20x128xf32, #tpu.memory_space<hbm>> -> memref<20x128xf32, #tpu.memory_space<hbm>>
        tpu.wait_dma2 semaphore(%run_scoped3A : memref<!tpu.dma_semaphore, #tpu.memory_space<semaphore_mem>>) src(%arg6 : memref<20x128xf32, #tpu.memory_space<vmem>>) dst(%dma_wait3A_65 : memref<20x128xf32, #tpu.memory_space<hbm>>)
        tpu.yield
      }) : () -> ()
      %add3A_29 = arith.constant 2 : i32
      %add3A_30 = arith.addi %add3A_23, %add3A_29 : i32
      %lt3A = arith.constant 512 : i32
      %lt3A_31 = arith.cmpi slt, %add3A_30, %lt3A : i32
      %convert_element_type3A = arith.extui %lt3A_31 : i1 to i32
      %cond3A = arith.constant 0 : i32
      %cond3A_32 = arith.cmpi ne, %convert_element_type3A, %cond3A : i32
      scf.if %cond3A_32 {
        %add3A_50 = arith.constant 2 : i32
        %add3A_51 = arith.addi %add3A_23, %add3A_50 : i32
        %mul3A_52 = arith.constant 32 : i32
        %mul3A_53 = arith.muli %add3A_51, %mul3A_52 : i32
        %dma_start3A_54 = tpu.memref_slice %arg5[%mul3A_53] : memref<16384xi32, #tpu.memory_space<vmem>> -> memref<20xi32, #tpu.memory_space<vmem>>
        %dma_start3A_55 = arith.constant 0 : i32
        %dma_start3A_56 = arith.constant 0 : i32
        %dma_start3A_57 = tpu.memref_slice %arg3[%dma_start3A_55, %dma_start3A_56] : memref<16384x128xf32, #tpu.memory_space<hbm>> -> memref<16384x128xf32, #tpu.memory_space<hbm>>
        tpu.enqueue_indirect_dma source(%dma_start3A_57 : memref<16384x128xf32, #tpu.memory_space<hbm>>) target(%arg6 : memref<20x128xf32, #tpu.memory_space<vmem>>) offsets(%dma_start3A_54 : memref<20xi32, #tpu.memory_space<vmem>>) semaphore(%arg8 : memref<!tpu.dma_semaphore, #tpu.memory_space<semaphore_mem>>)
      } else {
      }
      %mul3A_33 = arith.constant 2 : i32
      %mul3A_34 = arith.muli %mul3A_33, %scan3A_19 : i32
      %add3A_35 = arith.constant 1 : i32
      %add3A_36 = arith.addi %mul3A_34, %add3A_35 : i32
      %dma_wait3A_37 = arith.constant 0 : i32
      %dma_wait3A_38 = tpu.memref_slice %arg5[%dma_wait3A_37] : memref<16384xi32, #tpu.memory_space<vmem>> -> memref<20xi32, #tpu.memory_space<vmem>>
      %dma_wait3A_39 = arith.constant 0 : i32
      %dma_wait3A_40 = arith.constant 0 : i32
      %dma_wait3A_41 = tpu.memref_slice %arg3[%dma_wait3A_39, %dma_wait3A_40] : memref<16384x128xf32, #tpu.memory_space<hbm>> -> memref<16384x128xf32, #tpu.memory_space<hbm>>
      tpu.wait_indirect_dma semaphore(%arg9 : memref<!tpu.dma_semaphore, #tpu.memory_space<semaphore_mem>>) src(%dma_wait3A_41 : memref<16384x128xf32, #tpu.memory_space<hbm>>) dst(%arg7 : memref<20x128xf32, #tpu.memory_space<vmem>>)
      %add3A_42 = arith.addi %mul3A_2, %add3A_36 : i32
      "tpu.region"() ({
        %run_scoped3A = tpu.sem_alloc : memref<!tpu.dma_semaphore, #tpu.memory_space<semaphore_mem>>
        %dma_start3A_50 = arith.constant 0 : i32
        %dma_start3A_51 = arith.constant 0 : i32
        %dma_start3A_52 = tpu.memref_slice %arg4[%add3A_42, %dma_start3A_50, %dma_start3A_51] : memref<16384x20x128xf32, #tpu.memory_space<hbm>> -> memref<1x20x128xf32, #tpu.memory_space<hbm>>
        %dma_start3A_53 = tpu.memref_squeeze %dma_start3A_52 : memref<1x20x128xf32, #tpu.memory_space<hbm>> -> memref<20x128xf32, #tpu.memory_space<hbm>>
        %dma_start3A_54 = arith.constant 0 : i32
        %dma_start3A_55 = arith.constant 0 : i32
        %dma_start3A_56 = tpu.memref_slice %arg4[%add3A_42, %dma_start3A_54, %dma_start3A_55] : memref<16384x20x128xf32, #tpu.memory_space<hbm>> -> memref<1x20x128xf32, #tpu.memory_space<hbm>>
        %dma_start3A_57 = tpu.memref_squeeze %dma_start3A_56 : memref<1x20x128xf32, #tpu.memory_space<hbm>> -> memref<20x128xf32, #tpu.memory_space<hbm>>
        tpu.enqueue_dma source(%arg7 : memref<20x128xf32, #tpu.memory_space<vmem>>) target(%dma_start3A_57 : memref<20x128xf32, #tpu.memory_space<hbm>>) target_semaphore(%run_scoped3A : memref<!tpu.dma_semaphore, #tpu.memory_space<semaphore_mem>>)
        %dma_wait3A_58 = arith.constant 0 : i32
        %dma_wait3A_59 = arith.constant 0 : i32
        %dma_wait3A_60 = tpu.memref_slice %arg4[%add3A_42, %dma_wait3A_58, %dma_wait3A_59] : memref<16384x20x128xf32, #tpu.memory_space<hbm>> -> memref<1x20x128xf32, #tpu.memory_space<hbm>>
        %dma_wait3A_61 = tpu.memref_squeeze %dma_wait3A_60 : memref<1x20x128xf32, #tpu.memory_space<hbm>> -> memref<20x128xf32, #tpu.memory_space<hbm>>
        %dma_wait3A_62 = arith.constant 0 : i32
        %dma_wait3A_63 = arith.constant 0 : i32
        %dma_wait3A_64 = tpu.memref_slice %arg4[%add3A_42, %dma_wait3A_62, %dma_wait3A_63] : memref<16384x20x128xf32, #tpu.memory_space<hbm>> -> memref<1x20x128xf32, #tpu.memory_space<hbm>>
        %dma_wait3A_65 = tpu.memref_squeeze %dma_wait3A_64 : memref<1x20x128xf32, #tpu.memory_space<hbm>> -> memref<20x128xf32, #tpu.memory_space<hbm>>
        tpu.wait_dma2 semaphore(%run_scoped3A : memref<!tpu.dma_semaphore, #tpu.memory_space<semaphore_mem>>) src(%arg7 : memref<20x128xf32, #tpu.memory_space<vmem>>) dst(%dma_wait3A_65 : memref<20x128xf32, #tpu.memory_space<hbm>>)
        tpu.yield
      }) : () -> ()
      %add3A_43 = arith.constant 2 : i32
      %add3A_44 = arith.addi %add3A_36, %add3A_43 : i32
      %lt3A_45 = arith.constant 512 : i32
      %lt3A_46 = arith.cmpi slt, %add3A_44, %lt3A_45 : i32
      %convert_element_type3A_47 = arith.extui %lt3A_46 : i1 to i32
      %cond3A_48 = arith.constant 0 : i32
      %cond3A_49 = arith.cmpi ne, %convert_element_type3A_47, %cond3A_48 : i32
      scf.if %cond3A_49 {
        %add3A_50 = arith.constant 2 : i32
        %add3A_51 = arith.addi %add3A_36, %add3A_50 : i32
        %mul3A_52 = arith.constant 32 : i32
        %mul3A_53 = arith.muli %add3A_51, %mul3A_52 : i32
        %dma_start3A_54 = tpu.memref_slice %arg5[%mul3A_53] : memref<16384xi32, #tpu.memory_space<vmem>> -> memref<20xi32, #tpu.memory_space<vmem>>
        %dma_start3A_55 = arith.constant 0 : i32
        %dma_start3A_56 = arith.constant 0 : i32
        %dma_start3A_57 = tpu.memref_slice %arg3[%dma_start3A_55, %dma_start3A_56] : memref<16384x128xf32, #tpu.memory_space<hbm>> -> memref<16384x128xf32, #tpu.memory_space<hbm>>
        tpu.enqueue_indirect_dma source(%dma_start3A_57 : memref<16384x128xf32, #tpu.memory_space<hbm>>) target(%arg7 : memref<20x128xf32, #tpu.memory_space<vmem>>) offsets(%dma_start3A_54 : memref<20xi32, #tpu.memory_space<vmem>>) semaphore(%arg9 : memref<!tpu.dma_semaphore, #tpu.memory_space<semaphore_mem>>)
      } else {
      }
    }
    %scan3A_18 = arith.constant 256 : i32
    return
  }
}

module attributes {stable_mosaic.version = 14 : i64} {
  func.func @_pair_body(%arg0: i32, %arg1: i32, %arg2: memref<256x128xf32, #tpu.memory_space<vmem>>, %arg3: memref<1024x128xf32, #tpu.memory_space<vmem>>, %arg4: memref<256x32xi32, #tpu.memory_space<vmem>>) attributes {dimension_semantics = [#tpu.dimension_semantics<arbitrary>, #tpu.dimension_semantics<arbitrary>], iteration_bounds = array<i64: 16, 4>, scalar_prefetch = 0 : i64, scratch_operands = 0 : i64, tpu.core_type = #tpu.core_type<tc>, window_params = [{transform_indices = @transform_0, window_bounds = array<i64: 256, 128>}, {transform_indices = @transform_1, window_bounds = array<i64: 1024, 128>}, {transform_indices = @transform_2, window_bounds = array<i64: 256, 32>}]} {
    %get3A = arith.constant 0 : index
    %get3A_0 = arith.constant 0 : index
    %get3A_1 = vector.load %arg2[%get3A, %get3A_0] : memref<256x128xf32, #tpu.memory_space<vmem>>, vector<256x128xf32>
    %get3A_2 = arith.constant 0 : index
    %get3A_3 = arith.constant 0 : index
    %get3A_4 = vector.load %arg3[%get3A_2, %get3A_3] : memref<1024x128xf32, #tpu.memory_space<vmem>>, vector<1024x128xf32>
    %dot_general3A = arith.constant dense<0.000000e+00> : vector<256x1024xf32>
    %dot_general3A_5 = tpu.matmul %get3A_1, %get3A_4, %dot_general3A {dimension_numbers = #tpu.dot_dimension_numbers<[1], [1], [0], [0], [0, 0, 1, 0], [], []>, transpose_lhs_hint = false} : vector<256x128xf32>, vector<1024x128xf32>, vector<256x1024xf32> -> vector<256x1024xf32>
    %mul3A = arith.constant -2.000000e+00 : f32
    %mul3A_6 = vector.broadcast %mul3A : f32 to vector<256x1024xf32>
    %mul3A_7 = arith.mulf %mul3A_6, %dot_general3A_5 : vector<256x1024xf32>
    %mul3A_8 = arith.mulf %get3A_1, %get3A_1 : vector<256x128xf32>
    %reduce_sum3A = arith.constant dense<0.000000e+00> : vector<256xf32>
    %reduce_sum3A_9 = vector.multi_reduction <add>, %mul3A_8, %reduce_sum3A [1] : vector<256x128xf32> to vector<256xf32>
    %broadcast_in_dim3A = vector.shape_cast %reduce_sum3A_9 : vector<256xf32> to vector<256x1xf32>
    %mul3A_10 = arith.mulf %get3A_4, %get3A_4 : vector<1024x128xf32>
    %reduce_sum3A_11 = arith.constant dense<0.000000e+00> : vector<1024xf32>
    %reduce_sum3A_12 = vector.multi_reduction <add>, %mul3A_10, %reduce_sum3A_11 [1] : vector<1024x128xf32> to vector<1024xf32>
    %reshape3A = vector.shape_cast %reduce_sum3A_12 : vector<1024xf32> to vector<1x1024xf32>
    %neg3A = arith.constant 0.000000e+00 : f32
    %neg3A_13 = vector.broadcast %neg3A : f32 to vector<256x1xf32>
    %neg3A_14 = arith.subf %neg3A_13, %broadcast_in_dim3A : vector<256x1xf32>
    %sub3A = vector.broadcast %neg3A_14 : vector<256x1xf32> to vector<256x1024xf32>
    %sub3A_15 = arith.subf %sub3A, %mul3A_7 : vector<256x1024xf32>
    %sub3A_16 = vector.broadcast %reshape3A : vector<1x1024xf32> to vector<256x1024xf32>
    %sub3A_17 = arith.subf %sub3A_15, %sub3A_16 : vector<256x1024xf32>
    %iota3A = tpu.iota {dimensions = array<i32: 1>} : vector<256x1024xi32>
    %iota3A_18 = tpu.iota {dimensions = array<i32: 0>} : vector<256x1024xi32>
    %mul3A_19 = arith.constant 256 : i32
    %mul3A_20 = arith.muli %arg1, %mul3A_19 : i32
    %add3A = vector.broadcast %mul3A_20 : i32 to vector<256x1024xi32>
    %add3A_21 = arith.addi %iota3A_18, %add3A : vector<256x1024xi32>
    %eq3A = arith.cmpi eq, %iota3A, %add3A_21 : vector<256x1024xi32>
    %jit3A = arith.constant -3.000000e+38 : f32
    %broadcast_in_dim3A_22 = vector.broadcast %jit3A : f32 to vector<256x1024xf32>
    %select_n3A = arith.select %eq3A, %broadcast_in_dim3A_22, %sub3A_17 : vector<256x1024xi1>, vector<256x1024xf32>
    %mul3A_23 = arith.constant 1024 : i32
    %mul3A_24 = arith.muli %arg0, %mul3A_23 : i32
    %iota3A_25 = tpu.iota {dimensions = array<i32: 0>} : vector<256x1xi32>
    %mul3A_26 = arith.constant 256 : i32
    %mul3A_27 = arith.muli %arg1, %mul3A_26 : i32
    %add3A_28 = arith.addi %mul3A_27, %mul3A_24 : i32
    %add3A_29 = vector.broadcast %add3A_28 : i32 to vector<256x1xi32>
    %add3A_30 = arith.addi %iota3A_25, %add3A_29 : vector<256x1xi32>
    %swap3A = arith.constant 0 : index
    %swap3A_31 = arith.constant 0 : index
    %swap3A_32 = vector.load %arg4[%swap3A, %swap3A_31] : memref<256x32xi32, #tpu.memory_space<vmem>>, vector<256x1xi32>
    tpu.vector_store %arg4[%swap3A, %swap3A_31], %add3A_30 {strides = array<i32>} : memref<256x32xi32, #tpu.memory_space<vmem>>, vector<256x1xi32>,
    %reduce_max3A = arith.constant dense<0xFF800000> : vector<256xf32>
    %reduce_max3A_33 = vector.multi_reduction <maximumf>, %select_n3A, %reduce_max3A [1] : vector<256x1024xf32> to vector<256xf32>
    %broadcast_in_dim3A_34 = vector.shape_cast %reduce_max3A_33 : vector<256xf32> to vector<256x1xf32>
    %eq3A_35 = vector.broadcast %broadcast_in_dim3A_34 : vector<256x1xf32> to vector<256x1024xf32>
    %eq3A_36 = arith.cmpf oeq, %select_n3A, %eq3A_35 : vector<256x1024xf32>
    %jit3A_37 = arith.constant 2047 : i32
    %broadcast_in_dim3A_38 = vector.broadcast %jit3A_37 : i32 to vector<256x1024xi32>
    %select_n3A_39 = arith.select %eq3A_36, %iota3A, %broadcast_in_dim3A_38 : vector<256x1024xi1>, vector<256x1024xi32>
    %reduce_min3A = arith.constant dense<2147483647> : vector<256xi32>
    %reduce_min3A_40 = vector.multi_reduction <minsi>, %select_n3A_39, %reduce_min3A [1] : vector<256x1024xi32> to vector<256xi32>
    %broadcast_in_dim3A_41 = vector.shape_cast %reduce_min3A_40 : vector<256xi32> to vector<256x1xi32>
    %add3A_42 = vector.broadcast %mul3A_24 : i32 to vector<256x1xi32>
    %add3A_43 = arith.addi %broadcast_in_dim3A_41, %add3A_42 : vector<256x1xi32>
    %swap3A_44 = arith.constant 0 : index
    %swap3A_45 = arith.constant 1 : index
    %swap3A_46 = vector.load %arg4[%swap3A_44, %swap3A_45] : memref<256x32xi32, #tpu.memory_space<vmem>>, vector<256x1xi32>
    tpu.vector_store %arg4[%swap3A_44, %swap3A_45], %add3A_43 {strides = array<i32>} : memref<256x32xi32, #tpu.memory_space<vmem>>, vector<256x1xi32>,
    %eq3A_47 = vector.broadcast %broadcast_in_dim3A_41 : vector<256x1xi32> to vector<256x1024xi32>
    %eq3A_48 = arith.cmpi eq, %select_n3A_39, %eq3A_47 : vector<256x1024xi32>
    %jit3A_49 = arith.constant -3.000000e+38 : f32
    %broadcast_in_dim3A_50 = vector.broadcast %jit3A_49 : f32 to vector<256x1024xf32>
    %select_n3A_51 = arith.select %eq3A_48, %broadcast_in_dim3A_50, %select_n3A : vector<256x1024xi1>, vector<256x1024xf32>
    %reduce_max3A_52 = arith.constant dense<0xFF800000> : vector<256xf32>
    %reduce_max3A_53 = vector.multi_reduction <maximumf>, %select_n3A_51, %reduce_max3A_52 [1] : vector<256x1024xf32> to vector<256xf32>
    %broadcast_in_dim3A_54 = vector.shape_cast %reduce_max3A_53 : vector<256xf32> to vector<256x1xf32>
    %eq3A_55 = vector.broadcast %broadcast_in_dim3A_54 : vector<256x1xf32> to vector<256x1024xf32>
    %eq3A_56 = arith.cmpf oeq, %select_n3A_51, %eq3A_55 : vector<256x1024xf32>
    %jit3A_57 = arith.constant 2047 : i32
    %broadcast_in_dim3A_58 = vector.broadcast %jit3A_57 : i32 to vector<256x1024xi32>
    %select_n3A_59 = arith.select %eq3A_56, %iota3A, %broadcast_in_dim3A_58 : vector<256x1024xi1>, vector<256x1024xi32>
    %reduce_min3A_60 = arith.constant dense<2147483647> : vector<256xi32>
    %reduce_min3A_61 = vector.multi_reduction <minsi>, %select_n3A_59, %reduce_min3A_60 [1] : vector<256x1024xi32> to vector<256xi32>
    %broadcast_in_dim3A_62 = vector.shape_cast %reduce_min3A_61 : vector<256xi32> to vector<256x1xi32>
    %add3A_63 = vector.broadcast %mul3A_24 : i32 to vector<256x1xi32>
    %add3A_64 = arith.addi %broadcast_in_dim3A_62, %add3A_63 : vector<256x1xi32>
    %swap3A_65 = arith.constant 0 : index
    %swap3A_66 = arith.constant 2 : index
    %swap3A_67 = vector.load %arg4[%swap3A_65, %swap3A_66] : memref<256x32xi32, #tpu.memory_space<vmem>>, vector<256x1xi32>
    tpu.vector_store %arg4[%swap3A_65, %swap3A_66], %add3A_64 {strides = array<i32>} : memref<256x32xi32, #tpu.memory_space<vmem>>, vector<256x1xi32>,
    %eq3A_68 = vector.broadcast %broadcast_in_dim3A_62 : vector<256x1xi32> to vector<256x1024xi32>
    %eq3A_69 = arith.cmpi eq, %select_n3A_59, %eq3A_68 : vector<256x1024xi32>
    %jit3A_70 = arith.constant -3.000000e+38 : f32
    %broadcast_in_dim3A_71 = vector.broadcast %jit3A_70 : f32 to vector<256x1024xf32>
    %select_n3A_72 = arith.select %eq3A_69, %broadcast_in_dim3A_71, %select_n3A_51 : vector<256x1024xi1>, vector<256x1024xf32>
    %reduce_max3A_73 = arith.constant dense<0xFF800000> : vector<256xf32>
    %reduce_max3A_74 = vector.multi_reduction <maximumf>, %select_n3A_72, %reduce_max3A_73 [1] : vector<256x1024xf32> to vector<256xf32>
    %broadcast_in_dim3A_75 = vector.shape_cast %reduce_max3A_74 : vector<256xf32> to vector<256x1xf32>
    %eq3A_76 = vector.broadcast %broadcast_in_dim3A_75 : vector<256x1xf32> to vector<256x1024xf32>
    %eq3A_77 = arith.cmpf oeq, %select_n3A_72, %eq3A_76 : vector<256x1024xf32>
    %jit3A_78 = arith.constant 2047 : i32
    %broadcast_in_dim3A_79 = vector.broadcast %jit3A_78 : i32 to vector<256x1024xi32>
    %select_n3A_80 = arith.select %eq3A_77, %iota3A, %broadcast_in_dim3A_79 : vector<256x1024xi1>, vector<256x1024xi32>
    %reduce_min3A_81 = arith.constant dense<2147483647> : vector<256xi32>
    %reduce_min3A_82 = vector.multi_reduction <minsi>, %select_n3A_80, %reduce_min3A_81 [1] : vector<256x1024xi32> to vector<256xi32>
    %broadcast_in_dim3A_83 = vector.shape_cast %reduce_min3A_82 : vector<256xi32> to vector<256x1xi32>
    %add3A_84 = vector.broadcast %mul3A_24 : i32 to vector<256x1xi32>
    %add3A_85 = arith.addi %broadcast_in_dim3A_83, %add3A_84 : vector<256x1xi32>
    %swap3A_86 = arith.constant 0 : index
    %swap3A_87 = arith.constant 3 : index
    %swap3A_88 = vector.load %arg4[%swap3A_86, %swap3A_87] : memref<256x32xi32, #tpu.memory_space<vmem>>, vector<256x1xi32>
    tpu.vector_store %arg4[%swap3A_86, %swap3A_87], %add3A_85 {strides = array<i32>} : memref<256x32xi32, #tpu.memory_space<vmem>>, vector<256x1xi32>,
    %eq3A_89 = vector.broadcast %broadcast_in_dim3A_83 : vector<256x1xi32> to vector<256x1024xi32>
    %eq3A_90 = arith.cmpi eq, %select_n3A_80, %eq3A_89 : vector<256x1024xi32>
    %jit3A_91 = arith.constant -3.000000e+38 : f32
    %broadcast_in_dim3A_92 = vector.broadcast %jit3A_91 : f32 to vector<256x1024xf32>
    %select_n3A_93 = arith.select %eq3A_90, %broadcast_in_dim3A_92, %select_n3A_72 : vector<256x1024xi1>, vector<256x1024xf32>
    %reduce_max3A_94 = arith.constant dense<0xFF800000> : vector<256xf32>
    %reduce_max3A_95 = vector.multi_reduction <maximumf>, %select_n3A_93, %reduce_max3A_94 [1] : vector<256x1024xf32> to vector<256xf32>
    %broadcast_in_dim3A_96 = vector.shape_cast %reduce_max3A_95 : vector<256xf32> to vector<256x1xf32>
    %eq3A_97 = vector.broadcast %broadcast_in_dim3A_96 : vector<256x1xf32> to vector<256x1024xf32>
    %eq3A_98 = arith.cmpf oeq, %select_n3A_93, %eq3A_97 : vector<256x1024xf32>
    %jit3A_99 = arith.constant 2047 : i32
    %broadcast_in_dim3A_100 = vector.broadcast %jit3A_99 : i32 to vector<256x1024xi32>
    %select_n3A_101 = arith.select %eq3A_98, %iota3A, %broadcast_in_dim3A_100 : vector<256x1024xi1>, vector<256x1024xi32>
    %reduce_min3A_102 = arith.constant dense<2147483647> : vector<256xi32>
    %reduce_min3A_103 = vector.multi_reduction <minsi>, %select_n3A_101, %reduce_min3A_102 [1] : vector<256x1024xi32> to vector<256xi32>
    %broadcast_in_dim3A_104 = vector.shape_cast %reduce_min3A_103 : vector<256xi32> to vector<256x1xi32>
    %add3A_105 = vector.broadcast %mul3A_24 : i32 to vector<256x1xi32>
    %add3A_106 = arith.addi %broadcast_in_dim3A_104, %add3A_105 : vector<256x1xi32>
    %swap3A_107 = arith.constant 0 : index
    %swap3A_108 = arith.constant 4 : index
    %swap3A_109 = vector.load %arg4[%swap3A_107, %swap3A_108] : memref<256x32xi32, #tpu.memory_space<vmem>>, vector<256x1xi32>
    tpu.vector_store %arg4[%swap3A_107, %swap3A_108], %add3A_106 {strides = array<i32>} : memref<256x32xi32, #tpu.memory_space<vmem>>, vector<256x1xi32>,
    %eq3A_110 = vector.broadcast %broadcast_in_dim3A_104 : vector<256x1xi32> to vector<256x1024xi32>
    %eq3A_111 = arith.cmpi eq, %select_n3A_101, %eq3A_110 : vector<256x1024xi32>
    %jit3A_112 = arith.constant -3.000000e+38 : f32
    %broadcast_in_dim3A_113 = vector.broadcast %jit3A_112 : f32 to vector<256x1024xf32>
    %select_n3A_114 = arith.select %eq3A_111, %broadcast_in_dim3A_113, %select_n3A_93 : vector<256x1024xi1>, vector<256x1024xf32>
    %reduce_max3A_115 = arith.constant dense<0xFF800000> : vector<256xf32>
    %reduce_max3A_116 = vector.multi_reduction <maximumf>, %select_n3A_114, %reduce_max3A_115 [1] : vector<256x1024xf32> to vector<256xf32>
    %broadcast_in_dim3A_117 = vector.shape_cast %reduce_max3A_116 : vector<256xf32> to vector<256x1xf32>
    %eq3A_118 = vector.broadcast %broadcast_in_dim3A_117 : vector<256x1xf32> to vector<256x1024xf32>
    %eq3A_119 = arith.cmpf oeq, %select_n3A_114, %eq3A_118 : vector<256x1024xf32>
    %jit3A_120 = arith.constant 2047 : i32
    %broadcast_in_dim3A_121 = vector.broadcast %jit3A_120 : i32 to vector<256x1024xi32>
    %select_n3A_122 = arith.select %eq3A_119, %iota3A, %broadcast_in_dim3A_121 : vector<256x1024xi1>, vector<256x1024xi32>
    %reduce_min3A_123 = arith.constant dense<2147483647> : vector<256xi32>
    %reduce_min3A_124 = vector.multi_reduction <minsi>, %select_n3A_122, %reduce_min3A_123 [1] : vector<256x1024xi32> to vector<256xi32>
    %broadcast_in_dim3A_125 = vector.shape_cast %reduce_min3A_124 : vector<256xi32> to vector<256x1xi32>
    %add3A_126 = vector.broadcast %mul3A_24 : i32 to vector<256x1xi32>
    %add3A_127 = arith.addi %broadcast_in_dim3A_125, %add3A_126 : vector<256x1xi32>
    %swap3A_128 = arith.constant 0 : index
    %swap3A_129 = arith.constant 5 : index
    %swap3A_130 = vector.load %arg4[%swap3A_128, %swap3A_129] : memref<256x32xi32, #tpu.memory_space<vmem>>, vector<256x1xi32>
    tpu.vector_store %arg4[%swap3A_128, %swap3A_129], %add3A_127 {strides = array<i32>} : memref<256x32xi32, #tpu.memory_space<vmem>>, vector<256x1xi32>,
    %eq3A_131 = vector.broadcast %broadcast_in_dim3A_125 : vector<256x1xi32> to vector<256x1024xi32>
    %eq3A_132 = arith.cmpi eq, %select_n3A_122, %eq3A_131 : vector<256x1024xi32>
    %jit3A_133 = arith.constant -3.000000e+38 : f32
    %broadcast_in_dim3A_134 = vector.broadcast %jit3A_133 : f32 to vector<256x1024xf32>
    %select_n3A_135 = arith.select %eq3A_132, %broadcast_in_dim3A_134, %select_n3A_114 : vector<256x1024xi1>, vector<256x1024xf32>
    %reduce_max3A_136 = arith.constant dense<0xFF800000> : vector<256xf32>
    %reduce_max3A_137 = vector.multi_reduction <maximumf>, %select_n3A_135, %reduce_max3A_136 [1] : vector<256x1024xf32> to vector<256xf32>
    %broadcast_in_dim3A_138 = vector.shape_cast %reduce_max3A_137 : vector<256xf32> to vector<256x1xf32>
    %eq3A_139 = vector.broadcast %broadcast_in_dim3A_138 : vector<256x1xf32> to vector<256x1024xf32>
    %eq3A_140 = arith.cmpf oeq, %select_n3A_135, %eq3A_139 : vector<256x1024xf32>
    %jit3A_141 = arith.constant 2047 : i32
    %broadcast_in_dim3A_142 = vector.broadcast %jit3A_141 : i32 to vector<256x1024xi32>
    %select_n3A_143 = arith.select %eq3A_140, %iota3A, %broadcast_in_dim3A_142 : vector<256x1024xi1>, vector<256x1024xi32>
    %reduce_min3A_144 = arith.constant dense<2147483647> : vector<256xi32>
    %reduce_min3A_145 = vector.multi_reduction <minsi>, %select_n3A_143, %reduce_min3A_144 [1] : vector<256x1024xi32> to vector<256xi32>
    %broadcast_in_dim3A_146 = vector.shape_cast %reduce_min3A_145 : vector<256xi32> to vector<256x1xi32>
    %add3A_147 = vector.broadcast %mul3A_24 : i32 to vector<256x1xi32>
    %add3A_148 = arith.addi %broadcast_in_dim3A_146, %add3A_147 : vector<256x1xi32>
    %swap3A_149 = arith.constant 0 : index
    %swap3A_150 = arith.constant 6 : index
    %swap3A_151 = vector.load %arg4[%swap3A_149, %swap3A_150] : memref<256x32xi32, #tpu.memory_space<vmem>>, vector<256x1xi32>
    tpu.vector_store %arg4[%swap3A_149, %swap3A_150], %add3A_148 {strides = array<i32>} : memref<256x32xi32, #tpu.memory_space<vmem>>, vector<256x1xi32>,
    %eq3A_152 = vector.broadcast %broadcast_in_dim3A_146 : vector<256x1xi32> to vector<256x1024xi32>
    %eq3A_153 = arith.cmpi eq, %select_n3A_143, %eq3A_152 : vector<256x1024xi32>
    %jit3A_154 = arith.constant -3.000000e+38 : f32
    %broadcast_in_dim3A_155 = vector.broadcast %jit3A_154 : f32 to vector<256x1024xf32>
    %select_n3A_156 = arith.select %eq3A_153, %broadcast_in_dim3A_155, %select_n3A_135 : vector<256x1024xi1>, vector<256x1024xf32>
    %reduce_max3A_157 = arith.constant dense<0xFF800000> : vector<256xf32>
    %reduce_max3A_158 = vector.multi_reduction <maximumf>, %select_n3A_156, %reduce_max3A_157 [1] : vector<256x1024xf32> to vector<256xf32>
    %broadcast_in_dim3A_159 = vector.shape_cast %reduce_max3A_158 : vector<256xf32> to vector<256x1xf32>
    %eq3A_160 = vector.broadcast %broadcast_in_dim3A_159 : vector<256x1xf32> to vector<256x1024xf32>
    %eq3A_161 = arith.cmpf oeq, %select_n3A_156, %eq3A_160 : vector<256x1024xf32>
    %jit3A_162 = arith.constant 2047 : i32
    %broadcast_in_dim3A_163 = vector.broadcast %jit3A_162 : i32 to vector<256x1024xi32>
    %select_n3A_164 = arith.select %eq3A_161, %iota3A, %broadcast_in_dim3A_163 : vector<256x1024xi1>, vector<256x1024xi32>
    %reduce_min3A_165 = arith.constant dense<2147483647> : vector<256xi32>
    %reduce_min3A_166 = vector.multi_reduction <minsi>, %select_n3A_164, %reduce_min3A_165 [1] : vector<256x1024xi32> to vector<256xi32>
    %broadcast_in_dim3A_167 = vector.shape_cast %reduce_min3A_166 : vector<256xi32> to vector<256x1xi32>
    %add3A_168 = vector.broadcast %mul3A_24 : i32 to vector<256x1xi32>
    %add3A_169 = arith.addi %broadcast_in_dim3A_167, %add3A_168 : vector<256x1xi32>
    %swap3A_170 = arith.constant 0 : index
    %swap3A_171 = arith.constant 7 : index
    %swap3A_172 = vector.load %arg4[%swap3A_170, %swap3A_171] : memref<256x32xi32, #tpu.memory_space<vmem>>, vector<256x1xi32>
    tpu.vector_store %arg4[%swap3A_170, %swap3A_171], %add3A_169 {strides = array<i32>} : memref<256x32xi32, #tpu.memory_space<vmem>>, vector<256x1xi32>,
    %eq3A_173 = vector.broadcast %broadcast_in_dim3A_167 : vector<256x1xi32> to vector<256x1024xi32>
    %eq3A_174 = arith.cmpi eq, %select_n3A_164, %eq3A_173 : vector<256x1024xi32>
    %jit3A_175 = arith.constant -3.000000e+38 : f32
    %broadcast_in_dim3A_176 = vector.broadcast %jit3A_175 : f32 to vector<256x1024xf32>
    %select_n3A_177 = arith.select %eq3A_174, %broadcast_in_dim3A_176, %select_n3A_156 : vector<256x1024xi1>, vector<256x1024xf32>
    %reduce_max3A_178 = arith.constant dense<0xFF800000> : vector<256xf32>
    %reduce_max3A_179 = vector.multi_reduction <maximumf>, %select_n3A_177, %reduce_max3A_178 [1] : vector<256x1024xf32> to vector<256xf32>
    %broadcast_in_dim3A_180 = vector.shape_cast %reduce_max3A_179 : vector<256xf32> to vector<256x1xf32>
    %eq3A_181 = vector.broadcast %broadcast_in_dim3A_180 : vector<256x1xf32> to vector<256x1024xf32>
    %eq3A_182 = arith.cmpf oeq, %select_n3A_177, %eq3A_181 : vector<256x1024xf32>
    %jit3A_183 = arith.constant 2047 : i32
    %broadcast_in_dim3A_184 = vector.broadcast %jit3A_183 : i32 to vector<256x1024xi32>
    %select_n3A_185 = arith.select %eq3A_182, %iota3A, %broadcast_in_dim3A_184 : vector<256x1024xi1>, vector<256x1024xi32>
    %reduce_min3A_186 = arith.constant dense<2147483647> : vector<256xi32>
    %reduce_min3A_187 = vector.multi_reduction <minsi>, %select_n3A_185, %reduce_min3A_186 [1] : vector<256x1024xi32> to vector<256xi32>
    %broadcast_in_dim3A_188 = vector.shape_cast %reduce_min3A_187 : vector<256xi32> to vector<256x1xi32>
    %add3A_189 = vector.broadcast %mul3A_24 : i32 to vector<256x1xi32>
    %add3A_190 = arith.addi %broadcast_in_dim3A_188, %add3A_189 : vector<256x1xi32>
    %swap3A_191 = arith.constant 0 : index
    %swap3A_192 = arith.constant 8 : index
    %swap3A_193 = vector.load %arg4[%swap3A_191, %swap3A_192] : memref<256x32xi32, #tpu.memory_space<vmem>>, vector<256x1xi32>
    tpu.vector_store %arg4[%swap3A_191, %swap3A_192], %add3A_190 {strides = array<i32>} : memref<256x32xi32, #tpu.memory_space<vmem>>, vector<256x1xi32>,
    %eq3A_194 = vector.broadcast %broadcast_in_dim3A_188 : vector<256x1xi32> to vector<256x1024xi32>
    %eq3A_195 = arith.cmpi eq, %select_n3A_185, %eq3A_194 : vector<256x1024xi32>
    %jit3A_196 = arith.constant -3.000000e+38 : f32
    %broadcast_in_dim3A_197 = vector.broadcast %jit3A_196 : f32 to vector<256x1024xf32>
    %select_n3A_198 = arith.select %eq3A_195, %broadcast_in_dim3A_197, %select_n3A_177 : vector<256x1024xi1>, vector<256x1024xf32>
    %reduce_max3A_199 = arith.constant dense<0xFF800000> : vector<256xf32>
    %reduce_max3A_200 = vector.multi_reduction <maximumf>, %select_n3A_198, %reduce_max3A_199 [1] : vector<256x1024xf32> to vector<256xf32>
    %broadcast_in_dim3A_201 = vector.shape_cast %reduce_max3A_200 : vector<256xf32> to vector<256x1xf32>
    %eq3A_202 = vector.broadcast %broadcast_in_dim3A_201 : vector<256x1xf32> to vector<256x1024xf32>
    %eq3A_203 = arith.cmpf oeq, %select_n3A_198, %eq3A_202 : vector<256x1024xf32>
    %jit3A_204 = arith.constant 2047 : i32
    %broadcast_in_dim3A_205 = vector.broadcast %jit3A_204 : i32 to vector<256x1024xi32>
    %select_n3A_206 = arith.select %eq3A_203, %iota3A, %broadcast_in_dim3A_205 : vector<256x1024xi1>, vector<256x1024xi32>
    %reduce_min3A_207 = arith.constant dense<2147483647> : vector<256xi32>
    %reduce_min3A_208 = vector.multi_reduction <minsi>, %select_n3A_206, %reduce_min3A_207 [1] : vector<256x1024xi32> to vector<256xi32>
    %broadcast_in_dim3A_209 = vector.shape_cast %reduce_min3A_208 : vector<256xi32> to vector<256x1xi32>
    %add3A_210 = vector.broadcast %mul3A_24 : i32 to vector<256x1xi32>
    %add3A_211 = arith.addi %broadcast_in_dim3A_209, %add3A_210 : vector<256x1xi32>
    %swap3A_212 = arith.constant 0 : index
    %swap3A_213 = arith.constant 9 : index
    %swap3A_214 = vector.load %arg4[%swap3A_212, %swap3A_213] : memref<256x32xi32, #tpu.memory_space<vmem>>, vector<256x1xi32>
    tpu.vector_store %arg4[%swap3A_212, %swap3A_213], %add3A_211 {strides = array<i32>} : memref<256x32xi32, #tpu.memory_space<vmem>>, vector<256x1xi32>,
    %eq3A_215 = vector.broadcast %broadcast_in_dim3A_209 : vector<256x1xi32> to vector<256x1024xi32>
    %eq3A_216 = arith.cmpi eq, %select_n3A_206, %eq3A_215 : vector<256x1024xi32>
    %jit3A_217 = arith.constant -3.000000e+38 : f32
    %broadcast_in_dim3A_218 = vector.broadcast %jit3A_217 : f32 to vector<256x1024xf32>
    %select_n3A_219 = arith.select %eq3A_216, %broadcast_in_dim3A_218, %select_n3A_198 : vector<256x1024xi1>, vector<256x1024xf32>
    %reduce_max3A_220 = arith.constant dense<0xFF800000> : vector<256xf32>
    %reduce_max3A_221 = vector.multi_reduction <maximumf>, %select_n3A_219, %reduce_max3A_220 [1] : vector<256x1024xf32> to vector<256xf32>
    %broadcast_in_dim3A_222 = vector.shape_cast %reduce_max3A_221 : vector<256xf32> to vector<256x1xf32>
    %eq3A_223 = vector.broadcast %broadcast_in_dim3A_222 : vector<256x1xf32> to vector<256x1024xf32>
    %eq3A_224 = arith.cmpf oeq, %select_n3A_219, %eq3A_223 : vector<256x1024xf32>
    %jit3A_225 = arith.constant 2047 : i32
    %broadcast_in_dim3A_226 = vector.broadcast %jit3A_225 : i32 to vector<256x1024xi32>
    %select_n3A_227 = arith.select %eq3A_224, %iota3A, %broadcast_in_dim3A_226 : vector<256x1024xi1>, vector<256x1024xi32>
    %reduce_min3A_228 = arith.constant dense<2147483647> : vector<256xi32>
    %reduce_min3A_229 = vector.multi_reduction <minsi>, %select_n3A_227, %reduce_min3A_228 [1] : vector<256x1024xi32> to vector<256xi32>
    %broadcast_in_dim3A_230 = vector.shape_cast %reduce_min3A_229 : vector<256xi32> to vector<256x1xi32>
    %add3A_231 = vector.broadcast %mul3A_24 : i32 to vector<256x1xi32>
    %add3A_232 = arith.addi %broadcast_in_dim3A_230, %add3A_231 : vector<256x1xi32>
    %swap3A_233 = arith.constant 0 : index
    %swap3A_234 = arith.constant 10 : index
    %swap3A_235 = vector.load %arg4[%swap3A_233, %swap3A_234] : memref<256x32xi32, #tpu.memory_space<vmem>>, vector<256x1xi32>
    tpu.vector_store %arg4[%swap3A_233, %swap3A_234], %add3A_232 {strides = array<i32>} : memref<256x32xi32, #tpu.memory_space<vmem>>, vector<256x1xi32>,
    %eq3A_236 = vector.broadcast %broadcast_in_dim3A_230 : vector<256x1xi32> to vector<256x1024xi32>
    %eq3A_237 = arith.cmpi eq, %select_n3A_227, %eq3A_236 : vector<256x1024xi32>
    %jit3A_238 = arith.constant -3.000000e+38 : f32
    %broadcast_in_dim3A_239 = vector.broadcast %jit3A_238 : f32 to vector<256x1024xf32>
    %select_n3A_240 = arith.select %eq3A_237, %broadcast_in_dim3A_239, %select_n3A_219 : vector<256x1024xi1>, vector<256x1024xf32>
    %reduce_max3A_241 = arith.constant dense<0xFF800000> : vector<256xf32>
    %reduce_max3A_242 = vector.multi_reduction <maximumf>, %select_n3A_240, %reduce_max3A_241 [1] : vector<256x1024xf32> to vector<256xf32>
    %broadcast_in_dim3A_243 = vector.shape_cast %reduce_max3A_242 : vector<256xf32> to vector<256x1xf32>
    %eq3A_244 = vector.broadcast %broadcast_in_dim3A_243 : vector<256x1xf32> to vector<256x1024xf32>
    %eq3A_245 = arith.cmpf oeq, %select_n3A_240, %eq3A_244 : vector<256x1024xf32>
    %jit3A_246 = arith.constant 2047 : i32
    %broadcast_in_dim3A_247 = vector.broadcast %jit3A_246 : i32 to vector<256x1024xi32>
    %select_n3A_248 = arith.select %eq3A_245, %iota3A, %broadcast_in_dim3A_247 : vector<256x1024xi1>, vector<256x1024xi32>
    %reduce_min3A_249 = arith.constant dense<2147483647> : vector<256xi32>
    %reduce_min3A_250 = vector.multi_reduction <minsi>, %select_n3A_248, %reduce_min3A_249 [1] : vector<256x1024xi32> to vector<256xi32>
    %broadcast_in_dim3A_251 = vector.shape_cast %reduce_min3A_250 : vector<256xi32> to vector<256x1xi32>
    %add3A_252 = vector.broadcast %mul3A_24 : i32 to vector<256x1xi32>
    %add3A_253 = arith.addi %broadcast_in_dim3A_251, %add3A_252 : vector<256x1xi32>
    %swap3A_254 = arith.constant 0 : index
    %swap3A_255 = arith.constant 11 : index
    %swap3A_256 = vector.load %arg4[%swap3A_254, %swap3A_255] : memref<256x32xi32, #tpu.memory_space<vmem>>, vector<256x1xi32>
    tpu.vector_store %arg4[%swap3A_254, %swap3A_255], %add3A_253 {strides = array<i32>} : memref<256x32xi32, #tpu.memory_space<vmem>>, vector<256x1xi32>,
    %eq3A_257 = vector.broadcast %broadcast_in_dim3A_251 : vector<256x1xi32> to vector<256x1024xi32>
    %eq3A_258 = arith.cmpi eq, %select_n3A_248, %eq3A_257 : vector<256x1024xi32>
    %jit3A_259 = arith.constant -3.000000e+38 : f32
    %broadcast_in_dim3A_260 = vector.broadcast %jit3A_259 : f32 to vector<256x1024xf32>
    %select_n3A_261 = arith.select %eq3A_258, %broadcast_in_dim3A_260, %select_n3A_240 : vector<256x1024xi1>, vector<256x1024xf32>
    %reduce_max3A_262 = arith.constant dense<0xFF800000> : vector<256xf32>
    %reduce_max3A_263 = vector.multi_reduction <maximumf>, %select_n3A_261, %reduce_max3A_262 [1] : vector<256x1024xf32> to vector<256xf32>
    %broadcast_in_dim3A_264 = vector.shape_cast %reduce_max3A_263 : vector<256xf32> to vector<256x1xf32>
    %eq3A_265 = vector.broadcast %broadcast_in_dim3A_264 : vector<256x1xf32> to vector<256x1024xf32>
    %eq3A_266 = arith.cmpf oeq, %select_n3A_261, %eq3A_265 : vector<256x1024xf32>
    %jit3A_267 = arith.constant 2047 : i32
    %broadcast_in_dim3A_268 = vector.broadcast %jit3A_267 : i32 to vector<256x1024xi32>
    %select_n3A_269 = arith.select %eq3A_266, %iota3A, %broadcast_in_dim3A_268 : vector<256x1024xi1>, vector<256x1024xi32>
    %reduce_min3A_270 = arith.constant dense<2147483647> : vector<256xi32>
    %reduce_min3A_271 = vector.multi_reduction <minsi>, %select_n3A_269, %reduce_min3A_270 [1] : vector<256x1024xi32> to vector<256xi32>
    %broadcast_in_dim3A_272 = vector.shape_cast %reduce_min3A_271 : vector<256xi32> to vector<256x1xi32>
    %add3A_273 = vector.broadcast %mul3A_24 : i32 to vector<256x1xi32>
    %add3A_274 = arith.addi %broadcast_in_dim3A_272, %add3A_273 : vector<256x1xi32>
    %swap3A_275 = arith.constant 0 : index
    %swap3A_276 = arith.constant 12 : index
    %swap3A_277 = vector.load %arg4[%swap3A_275, %swap3A_276] : memref<256x32xi32, #tpu.memory_space<vmem>>, vector<256x1xi32>
    tpu.vector_store %arg4[%swap3A_275, %swap3A_276], %add3A_274 {strides = array<i32>} : memref<256x32xi32, #tpu.memory_space<vmem>>, vector<256x1xi32>,
    %eq3A_278 = vector.broadcast %broadcast_in_dim3A_272 : vector<256x1xi32> to vector<256x1024xi32>
    %eq3A_279 = arith.cmpi eq, %select_n3A_269, %eq3A_278 : vector<256x1024xi32>
    %jit3A_280 = arith.constant -3.000000e+38 : f32
    %broadcast_in_dim3A_281 = vector.broadcast %jit3A_280 : f32 to vector<256x1024xf32>
    %select_n3A_282 = arith.select %eq3A_279, %broadcast_in_dim3A_281, %select_n3A_261 : vector<256x1024xi1>, vector<256x1024xf32>
    %reduce_max3A_283 = arith.constant dense<0xFF800000> : vector<256xf32>
    %reduce_max3A_284 = vector.multi_reduction <maximumf>, %select_n3A_282, %reduce_max3A_283 [1] : vector<256x1024xf32> to vector<256xf32>
    %broadcast_in_dim3A_285 = vector.shape_cast %reduce_max3A_284 : vector<256xf32> to vector<256x1xf32>
    %eq3A_286 = vector.broadcast %broadcast_in_dim3A_285 : vector<256x1xf32> to vector<256x1024xf32>
    %eq3A_287 = arith.cmpf oeq, %select_n3A_282, %eq3A_286 : vector<256x1024xf32>
    %jit3A_288 = arith.constant 2047 : i32
    %broadcast_in_dim3A_289 = vector.broadcast %jit3A_288 : i32 to vector<256x1024xi32>
    %select_n3A_290 = arith.select %eq3A_287, %iota3A, %broadcast_in_dim3A_289 : vector<256x1024xi1>, vector<256x1024xi32>
    %reduce_min3A_291 = arith.constant dense<2147483647> : vector<256xi32>
    %reduce_min3A_292 = vector.multi_reduction <minsi>, %select_n3A_290, %reduce_min3A_291 [1] : vector<256x1024xi32> to vector<256xi32>
    %broadcast_in_dim3A_293 = vector.shape_cast %reduce_min3A_292 : vector<256xi32> to vector<256x1xi32>
    %add3A_294 = vector.broadcast %mul3A_24 : i32 to vector<256x1xi32>
    %add3A_295 = arith.addi %broadcast_in_dim3A_293, %add3A_294 : vector<256x1xi32>
    %swap3A_296 = arith.constant 0 : index
    %swap3A_297 = arith.constant 13 : index
    %swap3A_298 = vector.load %arg4[%swap3A_296, %swap3A_297] : memref<256x32xi32, #tpu.memory_space<vmem>>, vector<256x1xi32>
    tpu.vector_store %arg4[%swap3A_296, %swap3A_297], %add3A_295 {strides = array<i32>} : memref<256x32xi32, #tpu.memory_space<vmem>>, vector<256x1xi32>,
    %eq3A_299 = vector.broadcast %broadcast_in_dim3A_293 : vector<256x1xi32> to vector<256x1024xi32>
    %eq3A_300 = arith.cmpi eq, %select_n3A_290, %eq3A_299 : vector<256x1024xi32>
    %jit3A_301 = arith.constant -3.000000e+38 : f32
    %broadcast_in_dim3A_302 = vector.broadcast %jit3A_301 : f32 to vector<256x1024xf32>
    %select_n3A_303 = arith.select %eq3A_300, %broadcast_in_dim3A_302, %select_n3A_282 : vector<256x1024xi1>, vector<256x1024xf32>
    %reduce_max3A_304 = arith.constant dense<0xFF800000> : vector<256xf32>
    %reduce_max3A_305 = vector.multi_reduction <maximumf>, %select_n3A_303, %reduce_max3A_304 [1] : vector<256x1024xf32> to vector<256xf32>
    %broadcast_in_dim3A_306 = vector.shape_cast %reduce_max3A_305 : vector<256xf32> to vector<256x1xf32>
    %eq3A_307 = vector.broadcast %broadcast_in_dim3A_306 : vector<256x1xf32> to vector<256x1024xf32>
    %eq3A_308 = arith.cmpf oeq, %select_n3A_303, %eq3A_307 : vector<256x1024xf32>
    %jit3A_309 = arith.constant 2047 : i32
    %broadcast_in_dim3A_310 = vector.broadcast %jit3A_309 : i32 to vector<256x1024xi32>
    %select_n3A_311 = arith.select %eq3A_308, %iota3A, %broadcast_in_dim3A_310 : vector<256x1024xi1>, vector<256x1024xi32>
    %reduce_min3A_312 = arith.constant dense<2147483647> : vector<256xi32>
    %reduce_min3A_313 = vector.multi_reduction <minsi>, %select_n3A_311, %reduce_min3A_312 [1] : vector<256x1024xi32> to vector<256xi32>
    %broadcast_in_dim3A_314 = vector.shape_cast %reduce_min3A_313 : vector<256xi32> to vector<256x1xi32>
    %add3A_315 = vector.broadcast %mul3A_24 : i32 to vector<256x1xi32>
    %add3A_316 = arith.addi %broadcast_in_dim3A_314, %add3A_315 : vector<256x1xi32>
    %swap3A_317 = arith.constant 0 : index
    %swap3A_318 = arith.constant 14 : index
    %swap3A_319 = vector.load %arg4[%swap3A_317, %swap3A_318] : memref<256x32xi32, #tpu.memory_space<vmem>>, vector<256x1xi32>
    tpu.vector_store %arg4[%swap3A_317, %swap3A_318], %add3A_316 {strides = array<i32>} : memref<256x32xi32, #tpu.memory_space<vmem>>, vector<256x1xi32>,
    %eq3A_320 = vector.broadcast %broadcast_in_dim3A_314 : vector<256x1xi32> to vector<256x1024xi32>
    %eq3A_321 = arith.cmpi eq, %select_n3A_311, %eq3A_320 : vector<256x1024xi32>
    %jit3A_322 = arith.constant -3.000000e+38 : f32
    %broadcast_in_dim3A_323 = vector.broadcast %jit3A_322 : f32 to vector<256x1024xf32>
    %select_n3A_324 = arith.select %eq3A_321, %broadcast_in_dim3A_323, %select_n3A_303 : vector<256x1024xi1>, vector<256x1024xf32>
    %reduce_max3A_325 = arith.constant dense<0xFF800000> : vector<256xf32>
    %reduce_max3A_326 = vector.multi_reduction <maximumf>, %select_n3A_324, %reduce_max3A_325 [1] : vector<256x1024xf32> to vector<256xf32>
    %broadcast_in_dim3A_327 = vector.shape_cast %reduce_max3A_326 : vector<256xf32> to vector<256x1xf32>
    %eq3A_328 = vector.broadcast %broadcast_in_dim3A_327 : vector<256x1xf32> to vector<256x1024xf32>
    %eq3A_329 = arith.cmpf oeq, %select_n3A_324, %eq3A_328 : vector<256x1024xf32>
    %jit3A_330 = arith.constant 2047 : i32
    %broadcast_in_dim3A_331 = vector.broadcast %jit3A_330 : i32 to vector<256x1024xi32>
    %select_n3A_332 = arith.select %eq3A_329, %iota3A, %broadcast_in_dim3A_331 : vector<256x1024xi1>, vector<256x1024xi32>
    %reduce_min3A_333 = arith.constant dense<2147483647> : vector<256xi32>
    %reduce_min3A_334 = vector.multi_reduction <minsi>, %select_n3A_332, %reduce_min3A_333 [1] : vector<256x1024xi32> to vector<256xi32>
    %broadcast_in_dim3A_335 = vector.shape_cast %reduce_min3A_334 : vector<256xi32> to vector<256x1xi32>
    %add3A_336 = vector.broadcast %mul3A_24 : i32 to vector<256x1xi32>
    %add3A_337 = arith.addi %broadcast_in_dim3A_335, %add3A_336 : vector<256x1xi32>
    %swap3A_338 = arith.constant 0 : index
    %swap3A_339 = arith.constant 15 : index
    %swap3A_340 = vector.load %arg4[%swap3A_338, %swap3A_339] : memref<256x32xi32, #tpu.memory_space<vmem>>, vector<256x1xi32>
    tpu.vector_store %arg4[%swap3A_338, %swap3A_339], %add3A_337 {strides = array<i32>} : memref<256x32xi32, #tpu.memory_space<vmem>>, vector<256x1xi32>,
    %eq3A_341 = vector.broadcast %broadcast_in_dim3A_335 : vector<256x1xi32> to vector<256x1024xi32>
    %eq3A_342 = arith.cmpi eq, %select_n3A_332, %eq3A_341 : vector<256x1024xi32>
    %jit3A_343 = arith.constant -3.000000e+38 : f32
    %broadcast_in_dim3A_344 = vector.broadcast %jit3A_343 : f32 to vector<256x1024xf32>
    %select_n3A_345 = arith.select %eq3A_342, %broadcast_in_dim3A_344, %select_n3A_324 : vector<256x1024xi1>, vector<256x1024xf32>
    %reduce_max3A_346 = arith.constant dense<0xFF800000> : vector<256xf32>
    %reduce_max3A_347 = vector.multi_reduction <maximumf>, %select_n3A_345, %reduce_max3A_346 [1] : vector<256x1024xf32> to vector<256xf32>
    %broadcast_in_dim3A_348 = vector.shape_cast %reduce_max3A_347 : vector<256xf32> to vector<256x1xf32>
    %eq3A_349 = vector.broadcast %broadcast_in_dim3A_348 : vector<256x1xf32> to vector<256x1024xf32>
    %eq3A_350 = arith.cmpf oeq, %select_n3A_345, %eq3A_349 : vector<256x1024xf32>
    %jit3A_351 = arith.constant 2047 : i32
    %broadcast_in_dim3A_352 = vector.broadcast %jit3A_351 : i32 to vector<256x1024xi32>
    %select_n3A_353 = arith.select %eq3A_350, %iota3A, %broadcast_in_dim3A_352 : vector<256x1024xi1>, vector<256x1024xi32>
    %reduce_min3A_354 = arith.constant dense<2147483647> : vector<256xi32>
    %reduce_min3A_355 = vector.multi_reduction <minsi>, %select_n3A_353, %reduce_min3A_354 [1] : vector<256x1024xi32> to vector<256xi32>
    %broadcast_in_dim3A_356 = vector.shape_cast %reduce_min3A_355 : vector<256xi32> to vector<256x1xi32>
    %add3A_357 = vector.broadcast %mul3A_24 : i32 to vector<256x1xi32>
    %add3A_358 = arith.addi %broadcast_in_dim3A_356, %add3A_357 : vector<256x1xi32>
    %swap3A_359 = arith.constant 0 : index
    %swap3A_360 = arith.constant 16 : index
    %swap3A_361 = vector.load %arg4[%swap3A_359, %swap3A_360] : memref<256x32xi32, #tpu.memory_space<vmem>>, vector<256x1xi32>
    tpu.vector_store %arg4[%swap3A_359, %swap3A_360], %add3A_358 {strides = array<i32>} : memref<256x32xi32, #tpu.memory_space<vmem>>, vector<256x1xi32>,
    %eq3A_362 = vector.broadcast %broadcast_in_dim3A_356 : vector<256x1xi32> to vector<256x1024xi32>
    %eq3A_363 = arith.cmpi eq, %select_n3A_353, %eq3A_362 : vector<256x1024xi32>
    %jit3A_364 = arith.constant -3.000000e+38 : f32
    %broadcast_in_dim3A_365 = vector.broadcast %jit3A_364 : f32 to vector<256x1024xf32>
    %select_n3A_366 = arith.select %eq3A_363, %broadcast_in_dim3A_365, %select_n3A_345 : vector<256x1024xi1>, vector<256x1024xf32>
    %reduce_max3A_367 = arith.constant dense<0xFF800000> : vector<256xf32>
    %reduce_max3A_368 = vector.multi_reduction <maximumf>, %select_n3A_366, %reduce_max3A_367 [1] : vector<256x1024xf32> to vector<256xf32>
    %broadcast_in_dim3A_369 = vector.shape_cast %reduce_max3A_368 : vector<256xf32> to vector<256x1xf32>
    %eq3A_370 = vector.broadcast %broadcast_in_dim3A_369 : vector<256x1xf32> to vector<256x1024xf32>
    %eq3A_371 = arith.cmpf oeq, %select_n3A_366, %eq3A_370 : vector<256x1024xf32>
    %jit3A_372 = arith.constant 2047 : i32
    %broadcast_in_dim3A_373 = vector.broadcast %jit3A_372 : i32 to vector<256x1024xi32>
    %select_n3A_374 = arith.select %eq3A_371, %iota3A, %broadcast_in_dim3A_373 : vector<256x1024xi1>, vector<256x1024xi32>
    %reduce_min3A_375 = arith.constant dense<2147483647> : vector<256xi32>
    %reduce_min3A_376 = vector.multi_reduction <minsi>, %select_n3A_374, %reduce_min3A_375 [1] : vector<256x1024xi32> to vector<256xi32>
    %broadcast_in_dim3A_377 = vector.shape_cast %reduce_min3A_376 : vector<256xi32> to vector<256x1xi32>
    %add3A_378 = vector.broadcast %mul3A_24 : i32 to vector<256x1xi32>
    %add3A_379 = arith.addi %broadcast_in_dim3A_377, %add3A_378 : vector<256x1xi32>
    %swap3A_380 = arith.constant 0 : index
    %swap3A_381 = arith.constant 17 : index
    %swap3A_382 = vector.load %arg4[%swap3A_380, %swap3A_381] : memref<256x32xi32, #tpu.memory_space<vmem>>, vector<256x1xi32>
    tpu.vector_store %arg4[%swap3A_380, %swap3A_381], %add3A_379 {strides = array<i32>} : memref<256x32xi32, #tpu.memory_space<vmem>>, vector<256x1xi32>,
    %eq3A_383 = vector.broadcast %broadcast_in_dim3A_377 : vector<256x1xi32> to vector<256x1024xi32>
    %eq3A_384 = arith.cmpi eq, %select_n3A_374, %eq3A_383 : vector<256x1024xi32>
    %jit3A_385 = arith.constant -3.000000e+38 : f32
    %broadcast_in_dim3A_386 = vector.broadcast %jit3A_385 : f32 to vector<256x1024xf32>
    %select_n3A_387 = arith.select %eq3A_384, %broadcast_in_dim3A_386, %select_n3A_366 : vector<256x1024xi1>, vector<256x1024xf32>
    %reduce_max3A_388 = arith.constant dense<0xFF800000> : vector<256xf32>
    %reduce_max3A_389 = vector.multi_reduction <maximumf>, %select_n3A_387, %reduce_max3A_388 [1] : vector<256x1024xf32> to vector<256xf32>
    %broadcast_in_dim3A_390 = vector.shape_cast %reduce_max3A_389 : vector<256xf32> to vector<256x1xf32>
    %eq3A_391 = vector.broadcast %broadcast_in_dim3A_390 : vector<256x1xf32> to vector<256x1024xf32>
    %eq3A_392 = arith.cmpf oeq, %select_n3A_387, %eq3A_391 : vector<256x1024xf32>
    %jit3A_393 = arith.constant 2047 : i32
    %broadcast_in_dim3A_394 = vector.broadcast %jit3A_393 : i32 to vector<256x1024xi32>
    %select_n3A_395 = arith.select %eq3A_392, %iota3A, %broadcast_in_dim3A_394 : vector<256x1024xi1>, vector<256x1024xi32>
    %reduce_min3A_396 = arith.constant dense<2147483647> : vector<256xi32>
    %reduce_min3A_397 = vector.multi_reduction <minsi>, %select_n3A_395, %reduce_min3A_396 [1] : vector<256x1024xi32> to vector<256xi32>
    %broadcast_in_dim3A_398 = vector.shape_cast %reduce_min3A_397 : vector<256xi32> to vector<256x1xi32>
    %add3A_399 = vector.broadcast %mul3A_24 : i32 to vector<256x1xi32>
    %add3A_400 = arith.addi %broadcast_in_dim3A_398, %add3A_399 : vector<256x1xi32>
    %swap3A_401 = arith.constant 0 : index
    %swap3A_402 = arith.constant 18 : index
    %swap3A_403 = vector.load %arg4[%swap3A_401, %swap3A_402] : memref<256x32xi32, #tpu.memory_space<vmem>>, vector<256x1xi32>
    tpu.vector_store %arg4[%swap3A_401, %swap3A_402], %add3A_400 {strides = array<i32>} : memref<256x32xi32, #tpu.memory_space<vmem>>, vector<256x1xi32>,
    %eq3A_404 = vector.broadcast %broadcast_in_dim3A_398 : vector<256x1xi32> to vector<256x1024xi32>
    %eq3A_405 = arith.cmpi eq, %select_n3A_395, %eq3A_404 : vector<256x1024xi32>
    %jit3A_406 = arith.constant -3.000000e+38 : f32
    %broadcast_in_dim3A_407 = vector.broadcast %jit3A_406 : f32 to vector<256x1024xf32>
    %select_n3A_408 = arith.select %eq3A_405, %broadcast_in_dim3A_407, %select_n3A_387 : vector<256x1024xi1>, vector<256x1024xf32>
    %reduce_max3A_409 = arith.constant dense<0xFF800000> : vector<256xf32>
    %reduce_max3A_410 = vector.multi_reduction <maximumf>, %select_n3A_408, %reduce_max3A_409 [1] : vector<256x1024xf32> to vector<256xf32>
    %broadcast_in_dim3A_411 = vector.shape_cast %reduce_max3A_410 : vector<256xf32> to vector<256x1xf32>
    %eq3A_412 = vector.broadcast %broadcast_in_dim3A_411 : vector<256x1xf32> to vector<256x1024xf32>
    %eq3A_413 = arith.cmpf oeq, %select_n3A_408, %eq3A_412 : vector<256x1024xf32>
    %jit3A_414 = arith.constant 2047 : i32
    %broadcast_in_dim3A_415 = vector.broadcast %jit3A_414 : i32 to vector<256x1024xi32>
    %select_n3A_416 = arith.select %eq3A_413, %iota3A, %broadcast_in_dim3A_415 : vector<256x1024xi1>, vector<256x1024xi32>
    %reduce_min3A_417 = arith.constant dense<2147483647> : vector<256xi32>
    %reduce_min3A_418 = vector.multi_reduction <minsi>, %select_n3A_416, %reduce_min3A_417 [1] : vector<256x1024xi32> to vector<256xi32>
    %broadcast_in_dim3A_419 = vector.shape_cast %reduce_min3A_418 : vector<256xi32> to vector<256x1xi32>
    %add3A_420 = vector.broadcast %mul3A_24 : i32 to vector<256x1xi32>
    %add3A_421 = arith.addi %broadcast_in_dim3A_419, %add3A_420 : vector<256x1xi32>
    %swap3A_422 = arith.constant 0 : index
    %swap3A_423 = arith.constant 19 : index
    %swap3A_424 = vector.load %arg4[%swap3A_422, %swap3A_423] : memref<256x32xi32, #tpu.memory_space<vmem>>, vector<256x1xi32>
    tpu.vector_store %arg4[%swap3A_422, %swap3A_423], %add3A_421 {strides = array<i32>} : memref<256x32xi32, #tpu.memory_space<vmem>>, vector<256x1xi32>,
    %broadcast_in_dim3A_425 = vector.broadcast %mul3A_24 : i32 to vector<256x12xi32>
    %swap3A_426 = arith.constant 0 : index
    %swap3A_427 = arith.constant 20 : index
    %swap3A_428 = vector.load %arg4[%swap3A_426, %swap3A_427] : memref<256x32xi32, #tpu.memory_space<vmem>>, vector<256x12xi32>
    tpu.vector_store %arg4[%swap3A_426, %swap3A_427], %broadcast_in_dim3A_425 {strides = array<i32>} : memref<256x32xi32, #tpu.memory_space<vmem>>, vector<256x12xi32>,
    return
  }
  func.func @transform_0(%arg0: i32, %arg1: i32) -> (i32, i32) {
    %mul3A = arith.constant 4 : i32
    %mul3A_0 = arith.muli %arg0, %mul3A : i32
    %add3A = arith.addi %mul3A_0, %arg1 : i32
    %c0_i32 = arith.constant 0 : i32
    %c0_i32_1 = arith.constant 0 : i32
    return %add3A, %c0_i32 : i32, i32
  }
  func.func @transform_1(%arg0: i32, %arg1: i32) -> (i32, i32) {
    %c0_i32 = arith.constant 0 : i32
    %c0_i32_0 = arith.constant 0 : i32
    return %arg0, %c0_i32 : i32, i32
  }
  func.func @transform_2(%arg0: i32, %arg1: i32) -> (i32, i32) {
    %mul3A = arith.constant 4 : i32
    %mul3A_0 = arith.muli %arg0, %mul3A : i32
    %add3A = arith.addi %mul3A_0, %arg1 : i32
    %c0_i32 = arith.constant 0 : i32
    %c0_i32_1 = arith.constant 0 : i32
    return %add3A, %c0_i32 : i32, i32
  }
}

module attributes {stable_mosaic.version = 14 : i64} {
  func.func @_conv_body(%arg0: i32, %arg1: i32, %arg2: memref<256x20x128xf32, #tpu.memory_space<vmem>>, %arg3: memref<256x128xf32, #tpu.memory_space<vmem>>, %arg4: memref<64x256xf32, #tpu.memory_space<vmem>>, %arg5: memref<256x64xf32, #tpu.memory_space<vmem>>, %arg6: memref<1x8x64xf32, #tpu.memory_space<vmem>>) attributes {dimension_semantics = [#tpu.dimension_semantics<arbitrary>, #tpu.dimension_semantics<arbitrary>], iteration_bounds = array<i64: 16, 4>, scalar_prefetch = 0 : i64, scratch_operands = 0 : i64, tpu.core_type = #tpu.core_type<tc>, window_params = [{transform_indices = @transform_0, window_bounds = array<i64: 256, 20, 128>}, {transform_indices = @transform_1, window_bounds = array<i64: 256, 128>}, {pipeline_mode = #tpu.pipeline_mode<synchronous>, transform_indices = @transform_2, window_bounds = array<i64: 64, 256>}, {transform_indices = @transform_3, window_bounds = array<i64: 256, 64>}, {transform_indices = @transform_4, window_bounds = array<i64: 1, 8, 64>}]} {
    %get3A = arith.constant 0 : index
    %get3A_0 = arith.constant 0 : index
    %get3A_1 = vector.load %arg3[%get3A, %get3A_0] : memref<256x128xf32, #tpu.memory_space<vmem>>, vector<256x128xf32>
    %get3A_2 = arith.constant 0 : index
    %get3A_3 = arith.constant 0 : index
    %get3A_4 = vector.load %arg4[%get3A_2, %get3A_3] : memref<64x256xf32, #tpu.memory_space<vmem>>, vector<64x256xf32>
    %broadcast_in_dim3A = arith.constant 0.000000e+00 : f32
    %broadcast_in_dim3A_5 = vector.broadcast %broadcast_in_dim3A : f32 to vector<1x64xf32>
    %broadcast_in_dim3A_6 = arith.constant 0.000000e+00 : f32
    %broadcast_in_dim3A_7 = vector.broadcast %broadcast_in_dim3A_6 : f32 to vector<1x64xf32>
    %get3A_8 = arith.constant 0 : index
    %get3A_9 = arith.constant 0 : index
    %get3A_10 = arith.constant 0 : index
    %get3A_11 = vector.load %arg2[%get3A_8, %get3A_9, %get3A_10] : memref<256x20x128xf32, #tpu.memory_space<vmem>>, vector<256x1x128xf32>
    %get3A_12 = vector.shape_cast %get3A_11 : vector<256x1x128xf32> to vector<256x128xf32>
    %sub3A = arith.subf %get3A_12, %get3A_1 : vector<256x128xf32>
    %concatenate3A = tpu.concatenate %sub3A, %get3A_1 in 1 : vector<256x128xf32>, vector<256x128xf32> -> vector<256x256xf32>
    %dot_general3A = arith.constant dense<0.000000e+00> : vector<256x64xf32>
    %dot_general3A_13 = tpu.matmul %concatenate3A, %get3A_4, %dot_general3A {dimension_numbers = #tpu.dot_dimension_numbers<[1], [1], [0], [0], [0, 0, 1, 0], [], []>, transpose_lhs_hint = false} : vector<256x256xf32>, vector<64x256xf32>, vector<256x64xf32> -> vector<256x64xf32>
    %reduce_sum3A = arith.constant dense<0.000000e+00> : vector<64xf32>
    %reduce_sum3A_14 = vector.multi_reduction <add>, %dot_general3A_13, %reduce_sum3A [0] : vector<256x64xf32> to vector<64xf32>
    %broadcast_in_dim3A_15 = vector.shape_cast %reduce_sum3A_14 : vector<64xf32> to vector<1x64xf32>
    %add3A = arith.addf %broadcast_in_dim3A_5, %broadcast_in_dim3A_15 : vector<1x64xf32>
    %mul3A = arith.mulf %dot_general3A_13, %dot_general3A_13 : vector<256x64xf32>
    %reduce_sum3A_16 = arith.constant dense<0.000000e+00> : vector<64xf32>
    %reduce_sum3A_17 = vector.multi_reduction <add>, %mul3A, %reduce_sum3A_16 [0] : vector<256x64xf32> to vector<64xf32>
    %broadcast_in_dim3A_18 = vector.shape_cast %reduce_sum3A_17 : vector<64xf32> to vector<1x64xf32>
    %add3A_19 = arith.addf %broadcast_in_dim3A_7, %broadcast_in_dim3A_18 : vector<1x64xf32>
    %get3A_20 = arith.constant 0 : index
    %get3A_21 = arith.constant 1 : index
    %get3A_22 = arith.constant 0 : index
    %get3A_23 = vector.load %arg2[%get3A_20, %get3A_21, %get3A_22] : memref<256x20x128xf32, #tpu.memory_space<vmem>>, vector<256x1x128xf32>
    %get3A_24 = vector.shape_cast %get3A_23 : vector<256x1x128xf32> to vector<256x128xf32>
    %sub3A_25 = arith.subf %get3A_24, %get3A_1 : vector<256x128xf32>
    %concatenate3A_26 = tpu.concatenate %sub3A_25, %get3A_1 in 1 : vector<256x128xf32>, vector<256x128xf32> -> vector<256x256xf32>
    %dot_general3A_27 = arith.constant dense<0.000000e+00> : vector<256x64xf32>
    %dot_general3A_28 = tpu.matmul %concatenate3A_26, %get3A_4, %dot_general3A_27 {dimension_numbers = #tpu.dot_dimension_numbers<[1], [1], [0], [0], [0, 0, 1, 0], [], []>, transpose_lhs_hint = false} : vector<256x256xf32>, vector<64x256xf32>, vector<256x64xf32> -> vector<256x64xf32>
    %max3A = arith.maximumf %dot_general3A_13, %dot_general3A_28 : vector<256x64xf32>
    %reduce_sum3A_29 = arith.constant dense<0.000000e+00> : vector<64xf32>
    %reduce_sum3A_30 = vector.multi_reduction <add>, %dot_general3A_28, %reduce_sum3A_29 [0] : vector<256x64xf32> to vector<64xf32>
    %broadcast_in_dim3A_31 = vector.shape_cast %reduce_sum3A_30 : vector<64xf32> to vector<1x64xf32>
    %add3A_32 = arith.addf %add3A, %broadcast_in_dim3A_31 : vector<1x64xf32>
    %mul3A_33 = arith.mulf %dot_general3A_28, %dot_general3A_28 : vector<256x64xf32>
    %reduce_sum3A_34 = arith.constant dense<0.000000e+00> : vector<64xf32>
    %reduce_sum3A_35 = vector.multi_reduction <add>, %mul3A_33, %reduce_sum3A_34 [0] : vector<256x64xf32> to vector<64xf32>
    %broadcast_in_dim3A_36 = vector.shape_cast %reduce_sum3A_35 : vector<64xf32> to vector<1x64xf32>
    %add3A_37 = arith.addf %add3A_19, %broadcast_in_dim3A_36 : vector<1x64xf32>
    %get3A_38 = arith.constant 0 : index
    %get3A_39 = arith.constant 2 : index
    %get3A_40 = arith.constant 0 : index
    %get3A_41 = vector.load %arg2[%get3A_38, %get3A_39, %get3A_40] : memref<256x20x128xf32, #tpu.memory_space<vmem>>, vector<256x1x128xf32>
    %get3A_42 = vector.shape_cast %get3A_41 : vector<256x1x128xf32> to vector<256x128xf32>
    %sub3A_43 = arith.subf %get3A_42, %get3A_1 : vector<256x128xf32>
    %concatenate3A_44 = tpu.concatenate %sub3A_43, %get3A_1 in 1 : vector<256x128xf32>, vector<256x128xf32> -> vector<256x256xf32>
    %dot_general3A_45 = arith.constant dense<0.000000e+00> : vector<256x64xf32>
    %dot_general3A_46 = tpu.matmul %concatenate3A_44, %get3A_4, %dot_general3A_45 {dimension_numbers = #tpu.dot_dimension_numbers<[1], [1], [0], [0], [0, 0, 1, 0], [], []>, transpose_lhs_hint = false} : vector<256x256xf32>, vector<64x256xf32>, vector<256x64xf32> -> vector<256x64xf32>
    %max3A_47 = arith.maximumf %max3A, %dot_general3A_46 : vector<256x64xf32>
    %reduce_sum3A_48 = arith.constant dense<0.000000e+00> : vector<64xf32>
    %reduce_sum3A_49 = vector.multi_reduction <add>, %dot_general3A_46, %reduce_sum3A_48 [0] : vector<256x64xf32> to vector<64xf32>
    %broadcast_in_dim3A_50 = vector.shape_cast %reduce_sum3A_49 : vector<64xf32> to vector<1x64xf32>
    %add3A_51 = arith.addf %add3A_32, %broadcast_in_dim3A_50 : vector<1x64xf32>
    %mul3A_52 = arith.mulf %dot_general3A_46, %dot_general3A_46 : vector<256x64xf32>
    %reduce_sum3A_53 = arith.constant dense<0.000000e+00> : vector<64xf32>
    %reduce_sum3A_54 = vector.multi_reduction <add>, %mul3A_52, %reduce_sum3A_53 [0] : vector<256x64xf32> to vector<64xf32>
    %broadcast_in_dim3A_55 = vector.shape_cast %reduce_sum3A_54 : vector<64xf32> to vector<1x64xf32>
    %add3A_56 = arith.addf %add3A_37, %broadcast_in_dim3A_55 : vector<1x64xf32>
    %get3A_57 = arith.constant 0 : index
    %get3A_58 = arith.constant 3 : index
    %get3A_59 = arith.constant 0 : index
    %get3A_60 = vector.load %arg2[%get3A_57, %get3A_58, %get3A_59] : memref<256x20x128xf32, #tpu.memory_space<vmem>>, vector<256x1x128xf32>
    %get3A_61 = vector.shape_cast %get3A_60 : vector<256x1x128xf32> to vector<256x128xf32>
    %sub3A_62 = arith.subf %get3A_61, %get3A_1 : vector<256x128xf32>
    %concatenate3A_63 = tpu.concatenate %sub3A_62, %get3A_1 in 1 : vector<256x128xf32>, vector<256x128xf32> -> vector<256x256xf32>
    %dot_general3A_64 = arith.constant dense<0.000000e+00> : vector<256x64xf32>
    %dot_general3A_65 = tpu.matmul %concatenate3A_63, %get3A_4, %dot_general3A_64 {dimension_numbers = #tpu.dot_dimension_numbers<[1], [1], [0], [0], [0, 0, 1, 0], [], []>, transpose_lhs_hint = false} : vector<256x256xf32>, vector<64x256xf32>, vector<256x64xf32> -> vector<256x64xf32>
    %max3A_66 = arith.maximumf %max3A_47, %dot_general3A_65 : vector<256x64xf32>
    %reduce_sum3A_67 = arith.constant dense<0.000000e+00> : vector<64xf32>
    %reduce_sum3A_68 = vector.multi_reduction <add>, %dot_general3A_65, %reduce_sum3A_67 [0] : vector<256x64xf32> to vector<64xf32>
    %broadcast_in_dim3A_69 = vector.shape_cast %reduce_sum3A_68 : vector<64xf32> to vector<1x64xf32>
    %add3A_70 = arith.addf %add3A_51, %broadcast_in_dim3A_69 : vector<1x64xf32>
    %mul3A_71 = arith.mulf %dot_general3A_65, %dot_general3A_65 : vector<256x64xf32>
    %reduce_sum3A_72 = arith.constant dense<0.000000e+00> : vector<64xf32>
    %reduce_sum3A_73 = vector.multi_reduction <add>, %mul3A_71, %reduce_sum3A_72 [0] : vector<256x64xf32> to vector<64xf32>
    %broadcast_in_dim3A_74 = vector.shape_cast %reduce_sum3A_73 : vector<64xf32> to vector<1x64xf32>
    %add3A_75 = arith.addf %add3A_56, %broadcast_in_dim3A_74 : vector<1x64xf32>
    %get3A_76 = arith.constant 0 : index
    %get3A_77 = arith.constant 4 : index
    %get3A_78 = arith.constant 0 : index
    %get3A_79 = vector.load %arg2[%get3A_76, %get3A_77, %get3A_78] : memref<256x20x128xf32, #tpu.memory_space<vmem>>, vector<256x1x128xf32>
    %get3A_80 = vector.shape_cast %get3A_79 : vector<256x1x128xf32> to vector<256x128xf32>
    %sub3A_81 = arith.subf %get3A_80, %get3A_1 : vector<256x128xf32>
    %concatenate3A_82 = tpu.concatenate %sub3A_81, %get3A_1 in 1 : vector<256x128xf32>, vector<256x128xf32> -> vector<256x256xf32>
    %dot_general3A_83 = arith.constant dense<0.000000e+00> : vector<256x64xf32>
    %dot_general3A_84 = tpu.matmul %concatenate3A_82, %get3A_4, %dot_general3A_83 {dimension_numbers = #tpu.dot_dimension_numbers<[1], [1], [0], [0], [0, 0, 1, 0], [], []>, transpose_lhs_hint = false} : vector<256x256xf32>, vector<64x256xf32>, vector<256x64xf32> -> vector<256x64xf32>
    %max3A_85 = arith.maximumf %max3A_66, %dot_general3A_84 : vector<256x64xf32>
    %reduce_sum3A_86 = arith.constant dense<0.000000e+00> : vector<64xf32>
    %reduce_sum3A_87 = vector.multi_reduction <add>, %dot_general3A_84, %reduce_sum3A_86 [0] : vector<256x64xf32> to vector<64xf32>
    %broadcast_in_dim3A_88 = vector.shape_cast %reduce_sum3A_87 : vector<64xf32> to vector<1x64xf32>
    %add3A_89 = arith.addf %add3A_70, %broadcast_in_dim3A_88 : vector<1x64xf32>
    %mul3A_90 = arith.mulf %dot_general3A_84, %dot_general3A_84 : vector<256x64xf32>
    %reduce_sum3A_91 = arith.constant dense<0.000000e+00> : vector<64xf32>
    %reduce_sum3A_92 = vector.multi_reduction <add>, %mul3A_90, %reduce_sum3A_91 [0] : vector<256x64xf32> to vector<64xf32>
    %broadcast_in_dim3A_93 = vector.shape_cast %reduce_sum3A_92 : vector<64xf32> to vector<1x64xf32>
    %add3A_94 = arith.addf %add3A_75, %broadcast_in_dim3A_93 : vector<1x64xf32>
    %get3A_95 = arith.constant 0 : index
    %get3A_96 = arith.constant 5 : index
    %get3A_97 = arith.constant 0 : index
    %get3A_98 = vector.load %arg2[%get3A_95, %get3A_96, %get3A_97] : memref<256x20x128xf32, #tpu.memory_space<vmem>>, vector<256x1x128xf32>
    %get3A_99 = vector.shape_cast %get3A_98 : vector<256x1x128xf32> to vector<256x128xf32>
    %sub3A_100 = arith.subf %get3A_99, %get3A_1 : vector<256x128xf32>
    %concatenate3A_101 = tpu.concatenate %sub3A_100, %get3A_1 in 1 : vector<256x128xf32>, vector<256x128xf32> -> vector<256x256xf32>
    %dot_general3A_102 = arith.constant dense<0.000000e+00> : vector<256x64xf32>
    %dot_general3A_103 = tpu.matmul %concatenate3A_101, %get3A_4, %dot_general3A_102 {dimension_numbers = #tpu.dot_dimension_numbers<[1], [1], [0], [0], [0, 0, 1, 0], [], []>, transpose_lhs_hint = false} : vector<256x256xf32>, vector<64x256xf32>, vector<256x64xf32> -> vector<256x64xf32>
    %max3A_104 = arith.maximumf %max3A_85, %dot_general3A_103 : vector<256x64xf32>
    %reduce_sum3A_105 = arith.constant dense<0.000000e+00> : vector<64xf32>
    %reduce_sum3A_106 = vector.multi_reduction <add>, %dot_general3A_103, %reduce_sum3A_105 [0] : vector<256x64xf32> to vector<64xf32>
    %broadcast_in_dim3A_107 = vector.shape_cast %reduce_sum3A_106 : vector<64xf32> to vector<1x64xf32>
    %add3A_108 = arith.addf %add3A_89, %broadcast_in_dim3A_107 : vector<1x64xf32>
    %mul3A_109 = arith.mulf %dot_general3A_103, %dot_general3A_103 : vector<256x64xf32>
    %reduce_sum3A_110 = arith.constant dense<0.000000e+00> : vector<64xf32>
    %reduce_sum3A_111 = vector.multi_reduction <add>, %mul3A_109, %reduce_sum3A_110 [0] : vector<256x64xf32> to vector<64xf32>
    %broadcast_in_dim3A_112 = vector.shape_cast %reduce_sum3A_111 : vector<64xf32> to vector<1x64xf32>
    %add3A_113 = arith.addf %add3A_94, %broadcast_in_dim3A_112 : vector<1x64xf32>
    %get3A_114 = arith.constant 0 : index
    %get3A_115 = arith.constant 6 : index
    %get3A_116 = arith.constant 0 : index
    %get3A_117 = vector.load %arg2[%get3A_114, %get3A_115, %get3A_116] : memref<256x20x128xf32, #tpu.memory_space<vmem>>, vector<256x1x128xf32>
    %get3A_118 = vector.shape_cast %get3A_117 : vector<256x1x128xf32> to vector<256x128xf32>
    %sub3A_119 = arith.subf %get3A_118, %get3A_1 : vector<256x128xf32>
    %concatenate3A_120 = tpu.concatenate %sub3A_119, %get3A_1 in 1 : vector<256x128xf32>, vector<256x128xf32> -> vector<256x256xf32>
    %dot_general3A_121 = arith.constant dense<0.000000e+00> : vector<256x64xf32>
    %dot_general3A_122 = tpu.matmul %concatenate3A_120, %get3A_4, %dot_general3A_121 {dimension_numbers = #tpu.dot_dimension_numbers<[1], [1], [0], [0], [0, 0, 1, 0], [], []>, transpose_lhs_hint = false} : vector<256x256xf32>, vector<64x256xf32>, vector<256x64xf32> -> vector<256x64xf32>
    %max3A_123 = arith.maximumf %max3A_104, %dot_general3A_122 : vector<256x64xf32>
    %reduce_sum3A_124 = arith.constant dense<0.000000e+00> : vector<64xf32>
    %reduce_sum3A_125 = vector.multi_reduction <add>, %dot_general3A_122, %reduce_sum3A_124 [0] : vector<256x64xf32> to vector<64xf32>
    %broadcast_in_dim3A_126 = vector.shape_cast %reduce_sum3A_125 : vector<64xf32> to vector<1x64xf32>
    %add3A_127 = arith.addf %add3A_108, %broadcast_in_dim3A_126 : vector<1x64xf32>
    %mul3A_128 = arith.mulf %dot_general3A_122, %dot_general3A_122 : vector<256x64xf32>
    %reduce_sum3A_129 = arith.constant dense<0.000000e+00> : vector<64xf32>
    %reduce_sum3A_130 = vector.multi_reduction <add>, %mul3A_128, %reduce_sum3A_129 [0] : vector<256x64xf32> to vector<64xf32>
    %broadcast_in_dim3A_131 = vector.shape_cast %reduce_sum3A_130 : vector<64xf32> to vector<1x64xf32>
    %add3A_132 = arith.addf %add3A_113, %broadcast_in_dim3A_131 : vector<1x64xf32>
    %get3A_133 = arith.constant 0 : index
    %get3A_134 = arith.constant 7 : index
    %get3A_135 = arith.constant 0 : index
    %get3A_136 = vector.load %arg2[%get3A_133, %get3A_134, %get3A_135] : memref<256x20x128xf32, #tpu.memory_space<vmem>>, vector<256x1x128xf32>
    %get3A_137 = vector.shape_cast %get3A_136 : vector<256x1x128xf32> to vector<256x128xf32>
    %sub3A_138 = arith.subf %get3A_137, %get3A_1 : vector<256x128xf32>
    %concatenate3A_139 = tpu.concatenate %sub3A_138, %get3A_1 in 1 : vector<256x128xf32>, vector<256x128xf32> -> vector<256x256xf32>
    %dot_general3A_140 = arith.constant dense<0.000000e+00> : vector<256x64xf32>
    %dot_general3A_141 = tpu.matmul %concatenate3A_139, %get3A_4, %dot_general3A_140 {dimension_numbers = #tpu.dot_dimension_numbers<[1], [1], [0], [0], [0, 0, 1, 0], [], []>, transpose_lhs_hint = false} : vector<256x256xf32>, vector<64x256xf32>, vector<256x64xf32> -> vector<256x64xf32>
    %max3A_142 = arith.maximumf %max3A_123, %dot_general3A_141 : vector<256x64xf32>
    %reduce_sum3A_143 = arith.constant dense<0.000000e+00> : vector<64xf32>
    %reduce_sum3A_144 = vector.multi_reduction <add>, %dot_general3A_141, %reduce_sum3A_143 [0] : vector<256x64xf32> to vector<64xf32>
    %broadcast_in_dim3A_145 = vector.shape_cast %reduce_sum3A_144 : vector<64xf32> to vector<1x64xf32>
    %add3A_146 = arith.addf %add3A_127, %broadcast_in_dim3A_145 : vector<1x64xf32>
    %mul3A_147 = arith.mulf %dot_general3A_141, %dot_general3A_141 : vector<256x64xf32>
    %reduce_sum3A_148 = arith.constant dense<0.000000e+00> : vector<64xf32>
    %reduce_sum3A_149 = vector.multi_reduction <add>, %mul3A_147, %reduce_sum3A_148 [0] : vector<256x64xf32> to vector<64xf32>
    %broadcast_in_dim3A_150 = vector.shape_cast %reduce_sum3A_149 : vector<64xf32> to vector<1x64xf32>
    %add3A_151 = arith.addf %add3A_132, %broadcast_in_dim3A_150 : vector<1x64xf32>
    %get3A_152 = arith.constant 0 : index
    %get3A_153 = arith.constant 8 : index
    %get3A_154 = arith.constant 0 : index
    %get3A_155 = vector.load %arg2[%get3A_152, %get3A_153, %get3A_154] : memref<256x20x128xf32, #tpu.memory_space<vmem>>, vector<256x1x128xf32>
    %get3A_156 = vector.shape_cast %get3A_155 : vector<256x1x128xf32> to vector<256x128xf32>
    %sub3A_157 = arith.subf %get3A_156, %get3A_1 : vector<256x128xf32>
    %concatenate3A_158 = tpu.concatenate %sub3A_157, %get3A_1 in 1 : vector<256x128xf32>, vector<256x128xf32> -> vector<256x256xf32>
    %dot_general3A_159 = arith.constant dense<0.000000e+00> : vector<256x64xf32>
    %dot_general3A_160 = tpu.matmul %concatenate3A_158, %get3A_4, %dot_general3A_159 {dimension_numbers = #tpu.dot_dimension_numbers<[1], [1], [0], [0], [0, 0, 1, 0], [], []>, transpose_lhs_hint = false} : vector<256x256xf32>, vector<64x256xf32>, vector<256x64xf32> -> vector<256x64xf32>
    %max3A_161 = arith.maximumf %max3A_142, %dot_general3A_160 : vector<256x64xf32>
    %reduce_sum3A_162 = arith.constant dense<0.000000e+00> : vector<64xf32>
    %reduce_sum3A_163 = vector.multi_reduction <add>, %dot_general3A_160, %reduce_sum3A_162 [0] : vector<256x64xf32> to vector<64xf32>
    %broadcast_in_dim3A_164 = vector.shape_cast %reduce_sum3A_163 : vector<64xf32> to vector<1x64xf32>
    %add3A_165 = arith.addf %add3A_146, %broadcast_in_dim3A_164 : vector<1x64xf32>
    %mul3A_166 = arith.mulf %dot_general3A_160, %dot_general3A_160 : vector<256x64xf32>
    %reduce_sum3A_167 = arith.constant dense<0.000000e+00> : vector<64xf32>
    %reduce_sum3A_168 = vector.multi_reduction <add>, %mul3A_166, %reduce_sum3A_167 [0] : vector<256x64xf32> to vector<64xf32>
    %broadcast_in_dim3A_169 = vector.shape_cast %reduce_sum3A_168 : vector<64xf32> to vector<1x64xf32>
    %add3A_170 = arith.addf %add3A_151, %broadcast_in_dim3A_169 : vector<1x64xf32>
    %get3A_171 = arith.constant 0 : index
    %get3A_172 = arith.constant 9 : index
    %get3A_173 = arith.constant 0 : index
    %get3A_174 = vector.load %arg2[%get3A_171, %get3A_172, %get3A_173] : memref<256x20x128xf32, #tpu.memory_space<vmem>>, vector<256x1x128xf32>
    %get3A_175 = vector.shape_cast %get3A_174 : vector<256x1x128xf32> to vector<256x128xf32>
    %sub3A_176 = arith.subf %get3A_175, %get3A_1 : vector<256x128xf32>
    %concatenate3A_177 = tpu.concatenate %sub3A_176, %get3A_1 in 1 : vector<256x128xf32>, vector<256x128xf32> -> vector<256x256xf32>
    %dot_general3A_178 = arith.constant dense<0.000000e+00> : vector<256x64xf32>
    %dot_general3A_179 = tpu.matmul %concatenate3A_177, %get3A_4, %dot_general3A_178 {dimension_numbers = #tpu.dot_dimension_numbers<[1], [1], [0], [0], [0, 0, 1, 0], [], []>, transpose_lhs_hint = false} : vector<256x256xf32>, vector<64x256xf32>, vector<256x64xf32> -> vector<256x64xf32>
    %max3A_180 = arith.maximumf %max3A_161, %dot_general3A_179 : vector<256x64xf32>
    %reduce_sum3A_181 = arith.constant dense<0.000000e+00> : vector<64xf32>
    %reduce_sum3A_182 = vector.multi_reduction <add>, %dot_general3A_179, %reduce_sum3A_181 [0] : vector<256x64xf32> to vector<64xf32>
    %broadcast_in_dim3A_183 = vector.shape_cast %reduce_sum3A_182 : vector<64xf32> to vector<1x64xf32>
    %add3A_184 = arith.addf %add3A_165, %broadcast_in_dim3A_183 : vector<1x64xf32>
    %mul3A_185 = arith.mulf %dot_general3A_179, %dot_general3A_179 : vector<256x64xf32>
    %reduce_sum3A_186 = arith.constant dense<0.000000e+00> : vector<64xf32>
    %reduce_sum3A_187 = vector.multi_reduction <add>, %mul3A_185, %reduce_sum3A_186 [0] : vector<256x64xf32> to vector<64xf32>
    %broadcast_in_dim3A_188 = vector.shape_cast %reduce_sum3A_187 : vector<64xf32> to vector<1x64xf32>
    %add3A_189 = arith.addf %add3A_170, %broadcast_in_dim3A_188 : vector<1x64xf32>
    %get3A_190 = arith.constant 0 : index
    %get3A_191 = arith.constant 10 : index
    %get3A_192 = arith.constant 0 : index
    %get3A_193 = vector.load %arg2[%get3A_190, %get3A_191, %get3A_192] : memref<256x20x128xf32, #tpu.memory_space<vmem>>, vector<256x1x128xf32>
    %get3A_194 = vector.shape_cast %get3A_193 : vector<256x1x128xf32> to vector<256x128xf32>
    %sub3A_195 = arith.subf %get3A_194, %get3A_1 : vector<256x128xf32>
    %concatenate3A_196 = tpu.concatenate %sub3A_195, %get3A_1 in 1 : vector<256x128xf32>, vector<256x128xf32> -> vector<256x256xf32>
    %dot_general3A_197 = arith.constant dense<0.000000e+00> : vector<256x64xf32>
    %dot_general3A_198 = tpu.matmul %concatenate3A_196, %get3A_4, %dot_general3A_197 {dimension_numbers = #tpu.dot_dimension_numbers<[1], [1], [0], [0], [0, 0, 1, 0], [], []>, transpose_lhs_hint = false} : vector<256x256xf32>, vector<64x256xf32>, vector<256x64xf32> -> vector<256x64xf32>
    %max3A_199 = arith.maximumf %max3A_180, %dot_general3A_198 : vector<256x64xf32>
    %reduce_sum3A_200 = arith.constant dense<0.000000e+00> : vector<64xf32>
    %reduce_sum3A_201 = vector.multi_reduction <add>, %dot_general3A_198, %reduce_sum3A_200 [0] : vector<256x64xf32> to vector<64xf32>
    %broadcast_in_dim3A_202 = vector.shape_cast %reduce_sum3A_201 : vector<64xf32> to vector<1x64xf32>
    %add3A_203 = arith.addf %add3A_184, %broadcast_in_dim3A_202 : vector<1x64xf32>
    %mul3A_204 = arith.mulf %dot_general3A_198, %dot_general3A_198 : vector<256x64xf32>
    %reduce_sum3A_205 = arith.constant dense<0.000000e+00> : vector<64xf32>
    %reduce_sum3A_206 = vector.multi_reduction <add>, %mul3A_204, %reduce_sum3A_205 [0] : vector<256x64xf32> to vector<64xf32>
    %broadcast_in_dim3A_207 = vector.shape_cast %reduce_sum3A_206 : vector<64xf32> to vector<1x64xf32>
    %add3A_208 = arith.addf %add3A_189, %broadcast_in_dim3A_207 : vector<1x64xf32>
    %get3A_209 = arith.constant 0 : index
    %get3A_210 = arith.constant 11 : index
    %get3A_211 = arith.constant 0 : index
    %get3A_212 = vector.load %arg2[%get3A_209, %get3A_210, %get3A_211] : memref<256x20x128xf32, #tpu.memory_space<vmem>>, vector<256x1x128xf32>
    %get3A_213 = vector.shape_cast %get3A_212 : vector<256x1x128xf32> to vector<256x128xf32>
    %sub3A_214 = arith.subf %get3A_213, %get3A_1 : vector<256x128xf32>
    %concatenate3A_215 = tpu.concatenate %sub3A_214, %get3A_1 in 1 : vector<256x128xf32>, vector<256x128xf32> -> vector<256x256xf32>
    %dot_general3A_216 = arith.constant dense<0.000000e+00> : vector<256x64xf32>
    %dot_general3A_217 = tpu.matmul %concatenate3A_215, %get3A_4, %dot_general3A_216 {dimension_numbers = #tpu.dot_dimension_numbers<[1], [1], [0], [0], [0, 0, 1, 0], [], []>, transpose_lhs_hint = false} : vector<256x256xf32>, vector<64x256xf32>, vector<256x64xf32> -> vector<256x64xf32>
    %max3A_218 = arith.maximumf %max3A_199, %dot_general3A_217 : vector<256x64xf32>
    %reduce_sum3A_219 = arith.constant dense<0.000000e+00> : vector<64xf32>
    %reduce_sum3A_220 = vector.multi_reduction <add>, %dot_general3A_217, %reduce_sum3A_219 [0] : vector<256x64xf32> to vector<64xf32>
    %broadcast_in_dim3A_221 = vector.shape_cast %reduce_sum3A_220 : vector<64xf32> to vector<1x64xf32>
    %add3A_222 = arith.addf %add3A_203, %broadcast_in_dim3A_221 : vector<1x64xf32>
    %mul3A_223 = arith.mulf %dot_general3A_217, %dot_general3A_217 : vector<256x64xf32>
    %reduce_sum3A_224 = arith.constant dense<0.000000e+00> : vector<64xf32>
    %reduce_sum3A_225 = vector.multi_reduction <add>, %mul3A_223, %reduce_sum3A_224 [0] : vector<256x64xf32> to vector<64xf32>
    %broadcast_in_dim3A_226 = vector.shape_cast %reduce_sum3A_225 : vector<64xf32> to vector<1x64xf32>
    %add3A_227 = arith.addf %add3A_208, %broadcast_in_dim3A_226 : vector<1x64xf32>
    %get3A_228 = arith.constant 0 : index
    %get3A_229 = arith.constant 12 : index
    %get3A_230 = arith.constant 0 : index
    %get3A_231 = vector.load %arg2[%get3A_228, %get3A_229, %get3A_230] : memref<256x20x128xf32, #tpu.memory_space<vmem>>, vector<256x1x128xf32>
    %get3A_232 = vector.shape_cast %get3A_231 : vector<256x1x128xf32> to vector<256x128xf32>
    %sub3A_233 = arith.subf %get3A_232, %get3A_1 : vector<256x128xf32>
    %concatenate3A_234 = tpu.concatenate %sub3A_233, %get3A_1 in 1 : vector<256x128xf32>, vector<256x128xf32> -> vector<256x256xf32>
    %dot_general3A_235 = arith.constant dense<0.000000e+00> : vector<256x64xf32>
    %dot_general3A_236 = tpu.matmul %concatenate3A_234, %get3A_4, %dot_general3A_235 {dimension_numbers = #tpu.dot_dimension_numbers<[1], [1], [0], [0], [0, 0, 1, 0], [], []>, transpose_lhs_hint = false} : vector<256x256xf32>, vector<64x256xf32>, vector<256x64xf32> -> vector<256x64xf32>
    %max3A_237 = arith.maximumf %max3A_218, %dot_general3A_236 : vector<256x64xf32>
    %reduce_sum3A_238 = arith.constant dense<0.000000e+00> : vector<64xf32>
    %reduce_sum3A_239 = vector.multi_reduction <add>, %dot_general3A_236, %reduce_sum3A_238 [0] : vector<256x64xf32> to vector<64xf32>
    %broadcast_in_dim3A_240 = vector.shape_cast %reduce_sum3A_239 : vector<64xf32> to vector<1x64xf32>
    %add3A_241 = arith.addf %add3A_222, %broadcast_in_dim3A_240 : vector<1x64xf32>
    %mul3A_242 = arith.mulf %dot_general3A_236, %dot_general3A_236 : vector<256x64xf32>
    %reduce_sum3A_243 = arith.constant dense<0.000000e+00> : vector<64xf32>
    %reduce_sum3A_244 = vector.multi_reduction <add>, %mul3A_242, %reduce_sum3A_243 [0] : vector<256x64xf32> to vector<64xf32>
    %broadcast_in_dim3A_245 = vector.shape_cast %reduce_sum3A_244 : vector<64xf32> to vector<1x64xf32>
    %add3A_246 = arith.addf %add3A_227, %broadcast_in_dim3A_245 : vector<1x64xf32>
    %get3A_247 = arith.constant 0 : index
    %get3A_248 = arith.constant 13 : index
    %get3A_249 = arith.constant 0 : index
    %get3A_250 = vector.load %arg2[%get3A_247, %get3A_248, %get3A_249] : memref<256x20x128xf32, #tpu.memory_space<vmem>>, vector<256x1x128xf32>
    %get3A_251 = vector.shape_cast %get3A_250 : vector<256x1x128xf32> to vector<256x128xf32>
    %sub3A_252 = arith.subf %get3A_251, %get3A_1 : vector<256x128xf32>
    %concatenate3A_253 = tpu.concatenate %sub3A_252, %get3A_1 in 1 : vector<256x128xf32>, vector<256x128xf32> -> vector<256x256xf32>
    %dot_general3A_254 = arith.constant dense<0.000000e+00> : vector<256x64xf32>
    %dot_general3A_255 = tpu.matmul %concatenate3A_253, %get3A_4, %dot_general3A_254 {dimension_numbers = #tpu.dot_dimension_numbers<[1], [1], [0], [0], [0, 0, 1, 0], [], []>, transpose_lhs_hint = false} : vector<256x256xf32>, vector<64x256xf32>, vector<256x64xf32> -> vector<256x64xf32>
    %max3A_256 = arith.maximumf %max3A_237, %dot_general3A_255 : vector<256x64xf32>
    %reduce_sum3A_257 = arith.constant dense<0.000000e+00> : vector<64xf32>
    %reduce_sum3A_258 = vector.multi_reduction <add>, %dot_general3A_255, %reduce_sum3A_257 [0] : vector<256x64xf32> to vector<64xf32>
    %broadcast_in_dim3A_259 = vector.shape_cast %reduce_sum3A_258 : vector<64xf32> to vector<1x64xf32>
    %add3A_260 = arith.addf %add3A_241, %broadcast_in_dim3A_259 : vector<1x64xf32>
    %mul3A_261 = arith.mulf %dot_general3A_255, %dot_general3A_255 : vector<256x64xf32>
    %reduce_sum3A_262 = arith.constant dense<0.000000e+00> : vector<64xf32>
    %reduce_sum3A_263 = vector.multi_reduction <add>, %mul3A_261, %reduce_sum3A_262 [0] : vector<256x64xf32> to vector<64xf32>
    %broadcast_in_dim3A_264 = vector.shape_cast %reduce_sum3A_263 : vector<64xf32> to vector<1x64xf32>
    %add3A_265 = arith.addf %add3A_246, %broadcast_in_dim3A_264 : vector<1x64xf32>
    %get3A_266 = arith.constant 0 : index
    %get3A_267 = arith.constant 14 : index
    %get3A_268 = arith.constant 0 : index
    %get3A_269 = vector.load %arg2[%get3A_266, %get3A_267, %get3A_268] : memref<256x20x128xf32, #tpu.memory_space<vmem>>, vector<256x1x128xf32>
    %get3A_270 = vector.shape_cast %get3A_269 : vector<256x1x128xf32> to vector<256x128xf32>
    %sub3A_271 = arith.subf %get3A_270, %get3A_1 : vector<256x128xf32>
    %concatenate3A_272 = tpu.concatenate %sub3A_271, %get3A_1 in 1 : vector<256x128xf32>, vector<256x128xf32> -> vector<256x256xf32>
    %dot_general3A_273 = arith.constant dense<0.000000e+00> : vector<256x64xf32>
    %dot_general3A_274 = tpu.matmul %concatenate3A_272, %get3A_4, %dot_general3A_273 {dimension_numbers = #tpu.dot_dimension_numbers<[1], [1], [0], [0], [0, 0, 1, 0], [], []>, transpose_lhs_hint = false} : vector<256x256xf32>, vector<64x256xf32>, vector<256x64xf32> -> vector<256x64xf32>
    %max3A_275 = arith.maximumf %max3A_256, %dot_general3A_274 : vector<256x64xf32>
    %reduce_sum3A_276 = arith.constant dense<0.000000e+00> : vector<64xf32>
    %reduce_sum3A_277 = vector.multi_reduction <add>, %dot_general3A_274, %reduce_sum3A_276 [0] : vector<256x64xf32> to vector<64xf32>
    %broadcast_in_dim3A_278 = vector.shape_cast %reduce_sum3A_277 : vector<64xf32> to vector<1x64xf32>
    %add3A_279 = arith.addf %add3A_260, %broadcast_in_dim3A_278 : vector<1x64xf32>
    %mul3A_280 = arith.mulf %dot_general3A_274, %dot_general3A_274 : vector<256x64xf32>
    %reduce_sum3A_281 = arith.constant dense<0.000000e+00> : vector<64xf32>
    %reduce_sum3A_282 = vector.multi_reduction <add>, %mul3A_280, %reduce_sum3A_281 [0] : vector<256x64xf32> to vector<64xf32>
    %broadcast_in_dim3A_283 = vector.shape_cast %reduce_sum3A_282 : vector<64xf32> to vector<1x64xf32>
    %add3A_284 = arith.addf %add3A_265, %broadcast_in_dim3A_283 : vector<1x64xf32>
    %get3A_285 = arith.constant 0 : index
    %get3A_286 = arith.constant 15 : index
    %get3A_287 = arith.constant 0 : index
    %get3A_288 = vector.load %arg2[%get3A_285, %get3A_286, %get3A_287] : memref<256x20x128xf32, #tpu.memory_space<vmem>>, vector<256x1x128xf32>
    %get3A_289 = vector.shape_cast %get3A_288 : vector<256x1x128xf32> to vector<256x128xf32>
    %sub3A_290 = arith.subf %get3A_289, %get3A_1 : vector<256x128xf32>
    %concatenate3A_291 = tpu.concatenate %sub3A_290, %get3A_1 in 1 : vector<256x128xf32>, vector<256x128xf32> -> vector<256x256xf32>
    %dot_general3A_292 = arith.constant dense<0.000000e+00> : vector<256x64xf32>
    %dot_general3A_293 = tpu.matmul %concatenate3A_291, %get3A_4, %dot_general3A_292 {dimension_numbers = #tpu.dot_dimension_numbers<[1], [1], [0], [0], [0, 0, 1, 0], [], []>, transpose_lhs_hint = false} : vector<256x256xf32>, vector<64x256xf32>, vector<256x64xf32> -> vector<256x64xf32>
    %max3A_294 = arith.maximumf %max3A_275, %dot_general3A_293 : vector<256x64xf32>
    %reduce_sum3A_295 = arith.constant dense<0.000000e+00> : vector<64xf32>
    %reduce_sum3A_296 = vector.multi_reduction <add>, %dot_general3A_293, %reduce_sum3A_295 [0] : vector<256x64xf32> to vector<64xf32>
    %broadcast_in_dim3A_297 = vector.shape_cast %reduce_sum3A_296 : vector<64xf32> to vector<1x64xf32>
    %add3A_298 = arith.addf %add3A_279, %broadcast_in_dim3A_297 : vector<1x64xf32>
    %mul3A_299 = arith.mulf %dot_general3A_293, %dot_general3A_293 : vector<256x64xf32>
    %reduce_sum3A_300 = arith.constant dense<0.000000e+00> : vector<64xf32>
    %reduce_sum3A_301 = vector.multi_reduction <add>, %mul3A_299, %reduce_sum3A_300 [0] : vector<256x64xf32> to vector<64xf32>
    %broadcast_in_dim3A_302 = vector.shape_cast %reduce_sum3A_301 : vector<64xf32> to vector<1x64xf32>
    %add3A_303 = arith.addf %add3A_284, %broadcast_in_dim3A_302 : vector<1x64xf32>
    %get3A_304 = arith.constant 0 : index
    %get3A_305 = arith.constant 16 : index
    %get3A_306 = arith.constant 0 : index
    %get3A_307 = vector.load %arg2[%get3A_304, %get3A_305, %get3A_306] : memref<256x20x128xf32, #tpu.memory_space<vmem>>, vector<256x1x128xf32>
    %get3A_308 = vector.shape_cast %get3A_307 : vector<256x1x128xf32> to vector<256x128xf32>
    %sub3A_309 = arith.subf %get3A_308, %get3A_1 : vector<256x128xf32>
    %concatenate3A_310 = tpu.concatenate %sub3A_309, %get3A_1 in 1 : vector<256x128xf32>, vector<256x128xf32> -> vector<256x256xf32>
    %dot_general3A_311 = arith.constant dense<0.000000e+00> : vector<256x64xf32>
    %dot_general3A_312 = tpu.matmul %concatenate3A_310, %get3A_4, %dot_general3A_311 {dimension_numbers = #tpu.dot_dimension_numbers<[1], [1], [0], [0], [0, 0, 1, 0], [], []>, transpose_lhs_hint = false} : vector<256x256xf32>, vector<64x256xf32>, vector<256x64xf32> -> vector<256x64xf32>
    %max3A_313 = arith.maximumf %max3A_294, %dot_general3A_312 : vector<256x64xf32>
    %reduce_sum3A_314 = arith.constant dense<0.000000e+00> : vector<64xf32>
    %reduce_sum3A_315 = vector.multi_reduction <add>, %dot_general3A_312, %reduce_sum3A_314 [0] : vector<256x64xf32> to vector<64xf32>
    %broadcast_in_dim3A_316 = vector.shape_cast %reduce_sum3A_315 : vector<64xf32> to vector<1x64xf32>
    %add3A_317 = arith.addf %add3A_298, %broadcast_in_dim3A_316 : vector<1x64xf32>
    %mul3A_318 = arith.mulf %dot_general3A_312, %dot_general3A_312 : vector<256x64xf32>
    %reduce_sum3A_319 = arith.constant dense<0.000000e+00> : vector<64xf32>
    %reduce_sum3A_320 = vector.multi_reduction <add>, %mul3A_318, %reduce_sum3A_319 [0] : vector<256x64xf32> to vector<64xf32>
    %broadcast_in_dim3A_321 = vector.shape_cast %reduce_sum3A_320 : vector<64xf32> to vector<1x64xf32>
    %add3A_322 = arith.addf %add3A_303, %broadcast_in_dim3A_321 : vector<1x64xf32>
    %get3A_323 = arith.constant 0 : index
    %get3A_324 = arith.constant 17 : index
    %get3A_325 = arith.constant 0 : index
    %get3A_326 = vector.load %arg2[%get3A_323, %get3A_324, %get3A_325] : memref<256x20x128xf32, #tpu.memory_space<vmem>>, vector<256x1x128xf32>
    %get3A_327 = vector.shape_cast %get3A_326 : vector<256x1x128xf32> to vector<256x128xf32>
    %sub3A_328 = arith.subf %get3A_327, %get3A_1 : vector<256x128xf32>
    %concatenate3A_329 = tpu.concatenate %sub3A_328, %get3A_1 in 1 : vector<256x128xf32>, vector<256x128xf32> -> vector<256x256xf32>
    %dot_general3A_330 = arith.constant dense<0.000000e+00> : vector<256x64xf32>
    %dot_general3A_331 = tpu.matmul %concatenate3A_329, %get3A_4, %dot_general3A_330 {dimension_numbers = #tpu.dot_dimension_numbers<[1], [1], [0], [0], [0, 0, 1, 0], [], []>, transpose_lhs_hint = false} : vector<256x256xf32>, vector<64x256xf32>, vector<256x64xf32> -> vector<256x64xf32>
    %max3A_332 = arith.maximumf %max3A_313, %dot_general3A_331 : vector<256x64xf32>
    %reduce_sum3A_333 = arith.constant dense<0.000000e+00> : vector<64xf32>
    %reduce_sum3A_334 = vector.multi_reduction <add>, %dot_general3A_331, %reduce_sum3A_333 [0] : vector<256x64xf32> to vector<64xf32>
    %broadcast_in_dim3A_335 = vector.shape_cast %reduce_sum3A_334 : vector<64xf32> to vector<1x64xf32>
    %add3A_336 = arith.addf %add3A_317, %broadcast_in_dim3A_335 : vector<1x64xf32>
    %mul3A_337 = arith.mulf %dot_general3A_331, %dot_general3A_331 : vector<256x64xf32>
    %reduce_sum3A_338 = arith.constant dense<0.000000e+00> : vector<64xf32>
    %reduce_sum3A_339 = vector.multi_reduction <add>, %mul3A_337, %reduce_sum3A_338 [0] : vector<256x64xf32> to vector<64xf32>
    %broadcast_in_dim3A_340 = vector.shape_cast %reduce_sum3A_339 : vector<64xf32> to vector<1x64xf32>
    %add3A_341 = arith.addf %add3A_322, %broadcast_in_dim3A_340 : vector<1x64xf32>
    %get3A_342 = arith.constant 0 : index
    %get3A_343 = arith.constant 18 : index
    %get3A_344 = arith.constant 0 : index
    %get3A_345 = vector.load %arg2[%get3A_342, %get3A_343, %get3A_344] : memref<256x20x128xf32, #tpu.memory_space<vmem>>, vector<256x1x128xf32>
    %get3A_346 = vector.shape_cast %get3A_345 : vector<256x1x128xf32> to vector<256x128xf32>
    %sub3A_347 = arith.subf %get3A_346, %get3A_1 : vector<256x128xf32>
    %concatenate3A_348 = tpu.concatenate %sub3A_347, %get3A_1 in 1 : vector<256x128xf32>, vector<256x128xf32> -> vector<256x256xf32>
    %dot_general3A_349 = arith.constant dense<0.000000e+00> : vector<256x64xf32>
    %dot_general3A_350 = tpu.matmul %concatenate3A_348, %get3A_4, %dot_general3A_349 {dimension_numbers = #tpu.dot_dimension_numbers<[1], [1], [0], [0], [0, 0, 1, 0], [], []>, transpose_lhs_hint = false} : vector<256x256xf32>, vector<64x256xf32>, vector<256x64xf32> -> vector<256x64xf32>
    %max3A_351 = arith.maximumf %max3A_332, %dot_general3A_350 : vector<256x64xf32>
    %reduce_sum3A_352 = arith.constant dense<0.000000e+00> : vector<64xf32>
    %reduce_sum3A_353 = vector.multi_reduction <add>, %dot_general3A_350, %reduce_sum3A_352 [0] : vector<256x64xf32> to vector<64xf32>
    %broadcast_in_dim3A_354 = vector.shape_cast %reduce_sum3A_353 : vector<64xf32> to vector<1x64xf32>
    %add3A_355 = arith.addf %add3A_336, %broadcast_in_dim3A_354 : vector<1x64xf32>
    %mul3A_356 = arith.mulf %dot_general3A_350, %dot_general3A_350 : vector<256x64xf32>
    %reduce_sum3A_357 = arith.constant dense<0.000000e+00> : vector<64xf32>
    %reduce_sum3A_358 = vector.multi_reduction <add>, %mul3A_356, %reduce_sum3A_357 [0] : vector<256x64xf32> to vector<64xf32>
    %broadcast_in_dim3A_359 = vector.shape_cast %reduce_sum3A_358 : vector<64xf32> to vector<1x64xf32>
    %add3A_360 = arith.addf %add3A_341, %broadcast_in_dim3A_359 : vector<1x64xf32>
    %get3A_361 = arith.constant 0 : index
    %get3A_362 = arith.constant 19 : index
    %get3A_363 = arith.constant 0 : index
    %get3A_364 = vector.load %arg2[%get3A_361, %get3A_362, %get3A_363] : memref<256x20x128xf32, #tpu.memory_space<vmem>>, vector<256x1x128xf32>
    %get3A_365 = vector.shape_cast %get3A_364 : vector<256x1x128xf32> to vector<256x128xf32>
    %sub3A_366 = arith.subf %get3A_365, %get3A_1 : vector<256x128xf32>
    %concatenate3A_367 = tpu.concatenate %sub3A_366, %get3A_1 in 1 : vector<256x128xf32>, vector<256x128xf32> -> vector<256x256xf32>
    %dot_general3A_368 = arith.constant dense<0.000000e+00> : vector<256x64xf32>
    %dot_general3A_369 = tpu.matmul %concatenate3A_367, %get3A_4, %dot_general3A_368 {dimension_numbers = #tpu.dot_dimension_numbers<[1], [1], [0], [0], [0, 0, 1, 0], [], []>, transpose_lhs_hint = false} : vector<256x256xf32>, vector<64x256xf32>, vector<256x64xf32> -> vector<256x64xf32>
    %max3A_370 = arith.maximumf %max3A_351, %dot_general3A_369 : vector<256x64xf32>
    %reduce_sum3A_371 = arith.constant dense<0.000000e+00> : vector<64xf32>
    %reduce_sum3A_372 = vector.multi_reduction <add>, %dot_general3A_369, %reduce_sum3A_371 [0] : vector<256x64xf32> to vector<64xf32>
    %broadcast_in_dim3A_373 = vector.shape_cast %reduce_sum3A_372 : vector<64xf32> to vector<1x64xf32>
    %add3A_374 = arith.addf %add3A_355, %broadcast_in_dim3A_373 : vector<1x64xf32>
    %mul3A_375 = arith.mulf %dot_general3A_369, %dot_general3A_369 : vector<256x64xf32>
    %reduce_sum3A_376 = arith.constant dense<0.000000e+00> : vector<64xf32>
    %reduce_sum3A_377 = vector.multi_reduction <add>, %mul3A_375, %reduce_sum3A_376 [0] : vector<256x64xf32> to vector<64xf32>
    %broadcast_in_dim3A_378 = vector.shape_cast %reduce_sum3A_377 : vector<64xf32> to vector<1x64xf32>
    %add3A_379 = arith.addf %add3A_360, %broadcast_in_dim3A_378 : vector<1x64xf32>
    %swap3A = arith.constant 0 : index
    %swap3A_380 = arith.constant 0 : index
    %swap3A_381 = vector.load %arg5[%swap3A, %swap3A_380] : memref<256x64xf32, #tpu.memory_space<vmem>>, vector<256x64xf32>
    tpu.vector_store %arg5[%swap3A, %swap3A_380], %max3A_370 {strides = array<i32>} : memref<256x64xf32, #tpu.memory_space<vmem>>, vector<256x64xf32>,
    %broadcast_in_dim3A_382 = arith.constant 0.000000e+00 : f32
    %broadcast_in_dim3A_383 = vector.broadcast %broadcast_in_dim3A_382 : f32 to vector<1x64xf32>
    %concatenate3A_384 = tpu.concatenate %add3A_374, %add3A_379, %broadcast_in_dim3A_383, %broadcast_in_dim3A_383, %broadcast_in_dim3A_383, %broadcast_in_dim3A_383, %broadcast_in_dim3A_383, %broadcast_in_dim3A_383 in 0 : vector<1x64xf32>, vector<1x64xf32>, vector<1x64xf32>, vector<1x64xf32>, vector<1x64xf32>, vector<1x64xf32>, vector<1x64xf32>, vector<1x64xf32> -> vector<8x64xf32>
    %broadcast_in_dim3A_385 = vector.shape_cast %concatenate3A_384 : vector<8x64xf32> to vector<1x8x64xf32>
    %swap3A_386 = arith.constant 0 : index
    %swap3A_387 = arith.constant 0 : index
    %swap3A_388 = arith.constant 0 : index
    %swap3A_389 = vector.load %arg6[%swap3A_386, %swap3A_387, %swap3A_388] : memref<1x8x64xf32, #tpu.memory_space<vmem>>, vector<1x8x64xf32>
    tpu.vector_store %arg6[%swap3A_386, %swap3A_387, %swap3A_388], %broadcast_in_dim3A_385 {strides = array<i32>} : memref<1x8x64xf32, #tpu.memory_space<vmem>>, vector<1x8x64xf32>,
    return
  }
  func.func @transform_0(%arg0: i32, %arg1: i32) -> (i32, i32, i32) {
    %mul3A = arith.constant 4 : i32
    %mul3A_0 = arith.muli %arg0, %mul3A : i32
    %add3A = arith.addi %mul3A_0, %arg1 : i32
    %c0_i32 = arith.constant 0 : i32
    %c0_i32_1 = arith.constant 0 : i32
    %c0_i32_2 = arith.constant 0 : i32
    return %add3A, %c0_i32, %c0_i32_1 : i32, i32, i32
  }
  func.func @transform_1(%arg0: i32, %arg1: i32) -> (i32, i32) {
    %mul3A = arith.constant 4 : i32
    %mul3A_0 = arith.muli %arg0, %mul3A : i32
    %add3A = arith.addi %mul3A_0, %arg1 : i32
    %c0_i32 = arith.constant 0 : i32
    %c0_i32_1 = arith.constant 0 : i32
    return %add3A, %c0_i32 : i32, i32
  }
  func.func @transform_2(%arg0: i32, %arg1: i32) -> (i32, i32) {
    %c0_i32 = arith.constant 0 : i32
    %c0_i32_0 = arith.constant 0 : i32
    %c0_i32_1 = arith.constant 0 : i32
    return %c0_i32, %c0_i32_0 : i32, i32
  }
  func.func @transform_3(%arg0: i32, %arg1: i32) -> (i32, i32) {
    %mul3A = arith.constant 4 : i32
    %mul3A_0 = arith.muli %arg0, %mul3A : i32
    %add3A = arith.addi %mul3A_0, %arg1 : i32
    %c0_i32 = arith.constant 0 : i32
    %c0_i32_1 = arith.constant 0 : i32
    return %add3A, %c0_i32 : i32, i32
  }
  func.func @transform_4(%arg0: i32, %arg1: i32) -> (i32, i32, i32) {
    %mul3A = arith.constant 4 : i32
    %mul3A_0 = arith.muli %arg0, %mul3A : i32
    %add3A = arith.addi %mul3A_0, %arg1 : i32
    %c0_i32 = arith.constant 0 : i32
    %c0_i32_1 = arith.constant 0 : i32
    %c0_i32_2 = arith.constant 0 : i32
    return %add3A, %c0_i32, %c0_i32_1 : i32, i32, i32
  }
}

module attributes {stable_mosaic.version = 14 : i64} {
  func.func @_norm_body(%arg0: i32, %arg1: memref<1024x64xf32, #tpu.memory_space<vmem>>, %arg2: memref<1x64xf32, #tpu.memory_space<vmem>>, %arg3: memref<1x64xf32, #tpu.memory_space<vmem>>, %arg4: memref<1024x128xf32, #tpu.memory_space<vmem>>) attributes {dimension_semantics = [#tpu.dimension_semantics<arbitrary>], iteration_bounds = array<i64: 16>, scalar_prefetch = 0 : i64, scratch_operands = 0 : i64, tpu.core_type = #tpu.core_type<tc>, window_params = [{transform_indices = @transform_0, window_bounds = array<i64: 1024, 64>}, {pipeline_mode = #tpu.pipeline_mode<synchronous>, transform_indices = @transform_1, window_bounds = array<i64: 1, 64>}, {pipeline_mode = #tpu.pipeline_mode<synchronous>, transform_indices = @transform_2, window_bounds = array<i64: 1, 64>}, {transform_indices = @transform_3, window_bounds = array<i64: 1024, 128>}]} {
    %get3A = arith.constant 0 : index
    %get3A_0 = arith.constant 0 : index
    %get3A_1 = vector.load %arg1[%get3A, %get3A_0] : memref<1024x64xf32, #tpu.memory_space<vmem>>, vector<1024x64xf32>
    %get3A_2 = arith.constant 0 : index
    %get3A_3 = arith.constant 0 : index
    %get3A_4 = vector.load %arg2[%get3A_2, %get3A_3] : memref<1x64xf32, #tpu.memory_space<vmem>>, vector<1x64xf32>
    %sub3A = vector.broadcast %get3A_4 : vector<1x64xf32> to vector<1024x64xf32>
    %sub3A_5 = arith.subf %get3A_1, %sub3A : vector<1024x64xf32>
    %get3A_6 = arith.constant 0 : index
    %get3A_7 = arith.constant 0 : index
    %get3A_8 = vector.load %arg3[%get3A_6, %get3A_7] : memref<1x64xf32, #tpu.memory_space<vmem>>, vector<1x64xf32>
    %div3A = vector.broadcast %get3A_8 : vector<1x64xf32> to vector<1024x64xf32>
    %div3A_9 = arith.divf %sub3A_5, %div3A : vector<1024x64xf32>
    %max3A = arith.constant 0.000000e+00 : f32
    %max3A_10 = vector.broadcast %max3A : f32 to vector<1024x64xf32>
    %max3A_11 = arith.maximumf %div3A_9, %max3A_10 : vector<1024x64xf32>
    %broadcast_in_dim3A = arith.constant 0.000000e+00 : f32
    %broadcast_in_dim3A_12 = vector.broadcast %broadcast_in_dim3A : f32 to vector<1024x64xf32>
    %concatenate3A = tpu.concatenate %max3A_11, %broadcast_in_dim3A_12 in 1 : vector<1024x64xf32>, vector<1024x64xf32> -> vector<1024x128xf32>
    %swap3A = arith.constant 0 : index
    %swap3A_13 = arith.constant 0 : index
    %swap3A_14 = vector.load %arg4[%swap3A, %swap3A_13] : memref<1024x128xf32, #tpu.memory_space<vmem>>, vector<1024x128xf32>
    tpu.vector_store %arg4[%swap3A, %swap3A_13], %concatenate3A {strides = array<i32>} : memref<1024x128xf32, #tpu.memory_space<vmem>>, vector<1024x128xf32>,
    return
  }
  func.func @transform_0(%arg0: i32) -> (i32, i32) {
    %c0_i32 = arith.constant 0 : i32
    %c0_i32_0 = arith.constant 0 : i32
    return %arg0, %c0_i32 : i32, i32
  }
  func.func @transform_1(%arg0: i32) -> (i32, i32) {
    %c0_i32 = arith.constant 0 : i32
    %c0_i32_0 = arith.constant 0 : i32
    %c0_i32_1 = arith.constant 0 : i32
    return %c0_i32, %c0_i32_0 : i32, i32
  }
  func.func @transform_2(%arg0: i32) -> (i32, i32) {
    %c0_i32 = arith.constant 0 : i32
    %c0_i32_0 = arith.constant 0 : i32
    %c0_i32_1 = arith.constant 0 : i32
    return %c0_i32, %c0_i32_0 : i32, i32
  }
  func.func @transform_3(%arg0: i32) -> (i32, i32) {
    %c0_i32 = arith.constant 0 : i32
    %c0_i32_0 = arith.constant 0 : i32
    return %arg0, %c0_i32 : i32, i32
  }
}

module attributes {stable_mosaic.version = 14 : i64} {
  func.func @_conv_body(%arg0: i32, %arg1: i32, %arg2: memref<256x20x128xf32, #tpu.memory_space<vmem>>, %arg3: memref<256x128xf32, #tpu.memory_space<vmem>>, %arg4: memref<128x256xf32, #tpu.memory_space<vmem>>, %arg5: memref<256x128xf32, #tpu.memory_space<vmem>>, %arg6: memref<1x8x128xf32, #tpu.memory_space<vmem>>) attributes {dimension_semantics = [#tpu.dimension_semantics<arbitrary>, #tpu.dimension_semantics<arbitrary>], iteration_bounds = array<i64: 16, 4>, scalar_prefetch = 0 : i64, scratch_operands = 0 : i64, tpu.core_type = #tpu.core_type<tc>, window_params = [{transform_indices = @transform_0, window_bounds = array<i64: 256, 20, 128>}, {transform_indices = @transform_1, window_bounds = array<i64: 256, 128>}, {pipeline_mode = #tpu.pipeline_mode<synchronous>, transform_indices = @transform_2, window_bounds = array<i64: 128, 256>}, {transform_indices = @transform_3, window_bounds = array<i64: 256, 128>}, {transform_indices = @transform_4, window_bounds = array<i64: 1, 8, 128>}]} {
    %get3A = arith.constant 0 : index
    %get3A_0 = arith.constant 0 : index
    %get3A_1 = vector.load %arg3[%get3A, %get3A_0] : memref<256x128xf32, #tpu.memory_space<vmem>>, vector<256x128xf32>
    %get3A_2 = arith.constant 0 : index
    %get3A_3 = arith.constant 0 : index
    %get3A_4 = vector.load %arg4[%get3A_2, %get3A_3] : memref<128x256xf32, #tpu.memory_space<vmem>>, vector<128x256xf32>
    %broadcast_in_dim3A = arith.constant 0.000000e+00 : f32
    %broadcast_in_dim3A_5 = vector.broadcast %broadcast_in_dim3A : f32 to vector<1x128xf32>
    %broadcast_in_dim3A_6 = arith.constant 0.000000e+00 : f32
    %broadcast_in_dim3A_7 = vector.broadcast %broadcast_in_dim3A_6 : f32 to vector<1x128xf32>
    %get3A_8 = arith.constant 0 : index
    %get3A_9 = arith.constant 0 : index
    %get3A_10 = arith.constant 0 : index
    %get3A_11 = vector.load %arg2[%get3A_8, %get3A_9, %get3A_10] : memref<256x20x128xf32, #tpu.memory_space<vmem>>, vector<256x1x128xf32>
    %get3A_12 = vector.shape_cast %get3A_11 : vector<256x1x128xf32> to vector<256x128xf32>
    %sub3A = arith.subf %get3A_12, %get3A_1 : vector<256x128xf32>
    %concatenate3A = tpu.concatenate %sub3A, %get3A_1 in 1 : vector<256x128xf32>, vector<256x128xf32> -> vector<256x256xf32>
    %dot_general3A = arith.constant dense<0.000000e+00> : vector<256x128xf32>
    %dot_general3A_13 = tpu.matmul %concatenate3A, %get3A_4, %dot_general3A {dimension_numbers = #tpu.dot_dimension_numbers<[1], [1], [0], [0], [0, 0, 1, 0], [], []>, transpose_lhs_hint = false} : vector<256x256xf32>, vector<128x256xf32>, vector<256x128xf32> -> vector<256x128xf32>
    %reduce_sum3A = arith.constant dense<0.000000e+00> : vector<128xf32>
    %reduce_sum3A_14 = vector.multi_reduction <add>, %dot_general3A_13, %reduce_sum3A [0] : vector<256x128xf32> to vector<128xf32>
    %broadcast_in_dim3A_15 = vector.shape_cast %reduce_sum3A_14 : vector<128xf32> to vector<1x128xf32>
    %add3A = arith.addf %broadcast_in_dim3A_5, %broadcast_in_dim3A_15 : vector<1x128xf32>
    %mul3A = arith.mulf %dot_general3A_13, %dot_general3A_13 : vector<256x128xf32>
    %reduce_sum3A_16 = arith.constant dense<0.000000e+00> : vector<128xf32>
    %reduce_sum3A_17 = vector.multi_reduction <add>, %mul3A, %reduce_sum3A_16 [0] : vector<256x128xf32> to vector<128xf32>
    %broadcast_in_dim3A_18 = vector.shape_cast %reduce_sum3A_17 : vector<128xf32> to vector<1x128xf32>
    %add3A_19 = arith.addf %broadcast_in_dim3A_7, %broadcast_in_dim3A_18 : vector<1x128xf32>
    %get3A_20 = arith.constant 0 : index
    %get3A_21 = arith.constant 1 : index
    %get3A_22 = arith.constant 0 : index
    %get3A_23 = vector.load %arg2[%get3A_20, %get3A_21, %get3A_22] : memref<256x20x128xf32, #tpu.memory_space<vmem>>, vector<256x1x128xf32>
    %get3A_24 = vector.shape_cast %get3A_23 : vector<256x1x128xf32> to vector<256x128xf32>
    %sub3A_25 = arith.subf %get3A_24, %get3A_1 : vector<256x128xf32>
    %concatenate3A_26 = tpu.concatenate %sub3A_25, %get3A_1 in 1 : vector<256x128xf32>, vector<256x128xf32> -> vector<256x256xf32>
    %dot_general3A_27 = arith.constant dense<0.000000e+00> : vector<256x128xf32>
    %dot_general3A_28 = tpu.matmul %concatenate3A_26, %get3A_4, %dot_general3A_27 {dimension_numbers = #tpu.dot_dimension_numbers<[1], [1], [0], [0], [0, 0, 1, 0], [], []>, transpose_lhs_hint = false} : vector<256x256xf32>, vector<128x256xf32>, vector<256x128xf32> -> vector<256x128xf32>
    %max3A = arith.maximumf %dot_general3A_13, %dot_general3A_28 : vector<256x128xf32>
    %reduce_sum3A_29 = arith.constant dense<0.000000e+00> : vector<128xf32>
    %reduce_sum3A_30 = vector.multi_reduction <add>, %dot_general3A_28, %reduce_sum3A_29 [0] : vector<256x128xf32> to vector<128xf32>
    %broadcast_in_dim3A_31 = vector.shape_cast %reduce_sum3A_30 : vector<128xf32> to vector<1x128xf32>
    %add3A_32 = arith.addf %add3A, %broadcast_in_dim3A_31 : vector<1x128xf32>
    %mul3A_33 = arith.mulf %dot_general3A_28, %dot_general3A_28 : vector<256x128xf32>
    %reduce_sum3A_34 = arith.constant dense<0.000000e+00> : vector<128xf32>
    %reduce_sum3A_35 = vector.multi_reduction <add>, %mul3A_33, %reduce_sum3A_34 [0] : vector<256x128xf32> to vector<128xf32>
    %broadcast_in_dim3A_36 = vector.shape_cast %reduce_sum3A_35 : vector<128xf32> to vector<1x128xf32>
    %add3A_37 = arith.addf %add3A_19, %broadcast_in_dim3A_36 : vector<1x128xf32>
    %get3A_38 = arith.constant 0 : index
    %get3A_39 = arith.constant 2 : index
    %get3A_40 = arith.constant 0 : index
    %get3A_41 = vector.load %arg2[%get3A_38, %get3A_39, %get3A_40] : memref<256x20x128xf32, #tpu.memory_space<vmem>>, vector<256x1x128xf32>
    %get3A_42 = vector.shape_cast %get3A_41 : vector<256x1x128xf32> to vector<256x128xf32>
    %sub3A_43 = arith.subf %get3A_42, %get3A_1 : vector<256x128xf32>
    %concatenate3A_44 = tpu.concatenate %sub3A_43, %get3A_1 in 1 : vector<256x128xf32>, vector<256x128xf32> -> vector<256x256xf32>
    %dot_general3A_45 = arith.constant dense<0.000000e+00> : vector<256x128xf32>
    %dot_general3A_46 = tpu.matmul %concatenate3A_44, %get3A_4, %dot_general3A_45 {dimension_numbers = #tpu.dot_dimension_numbers<[1], [1], [0], [0], [0, 0, 1, 0], [], []>, transpose_lhs_hint = false} : vector<256x256xf32>, vector<128x256xf32>, vector<256x128xf32> -> vector<256x128xf32>
    %max3A_47 = arith.maximumf %max3A, %dot_general3A_46 : vector<256x128xf32>
    %reduce_sum3A_48 = arith.constant dense<0.000000e+00> : vector<128xf32>
    %reduce_sum3A_49 = vector.multi_reduction <add>, %dot_general3A_46, %reduce_sum3A_48 [0] : vector<256x128xf32> to vector<128xf32>
    %broadcast_in_dim3A_50 = vector.shape_cast %reduce_sum3A_49 : vector<128xf32> to vector<1x128xf32>
    %add3A_51 = arith.addf %add3A_32, %broadcast_in_dim3A_50 : vector<1x128xf32>
    %mul3A_52 = arith.mulf %dot_general3A_46, %dot_general3A_46 : vector<256x128xf32>
    %reduce_sum3A_53 = arith.constant dense<0.000000e+00> : vector<128xf32>
    %reduce_sum3A_54 = vector.multi_reduction <add>, %mul3A_52, %reduce_sum3A_53 [0] : vector<256x128xf32> to vector<128xf32>
    %broadcast_in_dim3A_55 = vector.shape_cast %reduce_sum3A_54 : vector<128xf32> to vector<1x128xf32>
    %add3A_56 = arith.addf %add3A_37, %broadcast_in_dim3A_55 : vector<1x128xf32>
    %get3A_57 = arith.constant 0 : index
    %get3A_58 = arith.constant 3 : index
    %get3A_59 = arith.constant 0 : index
    %get3A_60 = vector.load %arg2[%get3A_57, %get3A_58, %get3A_59] : memref<256x20x128xf32, #tpu.memory_space<vmem>>, vector<256x1x128xf32>
    %get3A_61 = vector.shape_cast %get3A_60 : vector<256x1x128xf32> to vector<256x128xf32>
    %sub3A_62 = arith.subf %get3A_61, %get3A_1 : vector<256x128xf32>
    %concatenate3A_63 = tpu.concatenate %sub3A_62, %get3A_1 in 1 : vector<256x128xf32>, vector<256x128xf32> -> vector<256x256xf32>
    %dot_general3A_64 = arith.constant dense<0.000000e+00> : vector<256x128xf32>
    %dot_general3A_65 = tpu.matmul %concatenate3A_63, %get3A_4, %dot_general3A_64 {dimension_numbers = #tpu.dot_dimension_numbers<[1], [1], [0], [0], [0, 0, 1, 0], [], []>, transpose_lhs_hint = false} : vector<256x256xf32>, vector<128x256xf32>, vector<256x128xf32> -> vector<256x128xf32>
    %max3A_66 = arith.maximumf %max3A_47, %dot_general3A_65 : vector<256x128xf32>
    %reduce_sum3A_67 = arith.constant dense<0.000000e+00> : vector<128xf32>
    %reduce_sum3A_68 = vector.multi_reduction <add>, %dot_general3A_65, %reduce_sum3A_67 [0] : vector<256x128xf32> to vector<128xf32>
    %broadcast_in_dim3A_69 = vector.shape_cast %reduce_sum3A_68 : vector<128xf32> to vector<1x128xf32>
    %add3A_70 = arith.addf %add3A_51, %broadcast_in_dim3A_69 : vector<1x128xf32>
    %mul3A_71 = arith.mulf %dot_general3A_65, %dot_general3A_65 : vector<256x128xf32>
    %reduce_sum3A_72 = arith.constant dense<0.000000e+00> : vector<128xf32>
    %reduce_sum3A_73 = vector.multi_reduction <add>, %mul3A_71, %reduce_sum3A_72 [0] : vector<256x128xf32> to vector<128xf32>
    %broadcast_in_dim3A_74 = vector.shape_cast %reduce_sum3A_73 : vector<128xf32> to vector<1x128xf32>
    %add3A_75 = arith.addf %add3A_56, %broadcast_in_dim3A_74 : vector<1x128xf32>
    %get3A_76 = arith.constant 0 : index
    %get3A_77 = arith.constant 4 : index
    %get3A_78 = arith.constant 0 : index
    %get3A_79 = vector.load %arg2[%get3A_76, %get3A_77, %get3A_78] : memref<256x20x128xf32, #tpu.memory_space<vmem>>, vector<256x1x128xf32>
    %get3A_80 = vector.shape_cast %get3A_79 : vector<256x1x128xf32> to vector<256x128xf32>
    %sub3A_81 = arith.subf %get3A_80, %get3A_1 : vector<256x128xf32>
    %concatenate3A_82 = tpu.concatenate %sub3A_81, %get3A_1 in 1 : vector<256x128xf32>, vector<256x128xf32> -> vector<256x256xf32>
    %dot_general3A_83 = arith.constant dense<0.000000e+00> : vector<256x128xf32>
    %dot_general3A_84 = tpu.matmul %concatenate3A_82, %get3A_4, %dot_general3A_83 {dimension_numbers = #tpu.dot_dimension_numbers<[1], [1], [0], [0], [0, 0, 1, 0], [], []>, transpose_lhs_hint = false} : vector<256x256xf32>, vector<128x256xf32>, vector<256x128xf32> -> vector<256x128xf32>
    %max3A_85 = arith.maximumf %max3A_66, %dot_general3A_84 : vector<256x128xf32>
    %reduce_sum3A_86 = arith.constant dense<0.000000e+00> : vector<128xf32>
    %reduce_sum3A_87 = vector.multi_reduction <add>, %dot_general3A_84, %reduce_sum3A_86 [0] : vector<256x128xf32> to vector<128xf32>
    %broadcast_in_dim3A_88 = vector.shape_cast %reduce_sum3A_87 : vector<128xf32> to vector<1x128xf32>
    %add3A_89 = arith.addf %add3A_70, %broadcast_in_dim3A_88 : vector<1x128xf32>
    %mul3A_90 = arith.mulf %dot_general3A_84, %dot_general3A_84 : vector<256x128xf32>
    %reduce_sum3A_91 = arith.constant dense<0.000000e+00> : vector<128xf32>
    %reduce_sum3A_92 = vector.multi_reduction <add>, %mul3A_90, %reduce_sum3A_91 [0] : vector<256x128xf32> to vector<128xf32>
    %broadcast_in_dim3A_93 = vector.shape_cast %reduce_sum3A_92 : vector<128xf32> to vector<1x128xf32>
    %add3A_94 = arith.addf %add3A_75, %broadcast_in_dim3A_93 : vector<1x128xf32>
    %get3A_95 = arith.constant 0 : index
    %get3A_96 = arith.constant 5 : index
    %get3A_97 = arith.constant 0 : index
    %get3A_98 = vector.load %arg2[%get3A_95, %get3A_96, %get3A_97] : memref<256x20x128xf32, #tpu.memory_space<vmem>>, vector<256x1x128xf32>
    %get3A_99 = vector.shape_cast %get3A_98 : vector<256x1x128xf32> to vector<256x128xf32>
    %sub3A_100 = arith.subf %get3A_99, %get3A_1 : vector<256x128xf32>
    %concatenate3A_101 = tpu.concatenate %sub3A_100, %get3A_1 in 1 : vector<256x128xf32>, vector<256x128xf32> -> vector<256x256xf32>
    %dot_general3A_102 = arith.constant dense<0.000000e+00> : vector<256x128xf32>
    %dot_general3A_103 = tpu.matmul %concatenate3A_101, %get3A_4, %dot_general3A_102 {dimension_numbers = #tpu.dot_dimension_numbers<[1], [1], [0], [0], [0, 0, 1, 0], [], []>, transpose_lhs_hint = false} : vector<256x256xf32>, vector<128x256xf32>, vector<256x128xf32> -> vector<256x128xf32>
    %max3A_104 = arith.maximumf %max3A_85, %dot_general3A_103 : vector<256x128xf32>
    %reduce_sum3A_105 = arith.constant dense<0.000000e+00> : vector<128xf32>
    %reduce_sum3A_106 = vector.multi_reduction <add>, %dot_general3A_103, %reduce_sum3A_105 [0] : vector<256x128xf32> to vector<128xf32>
    %broadcast_in_dim3A_107 = vector.shape_cast %reduce_sum3A_106 : vector<128xf32> to vector<1x128xf32>
    %add3A_108 = arith.addf %add3A_89, %broadcast_in_dim3A_107 : vector<1x128xf32>
    %mul3A_109 = arith.mulf %dot_general3A_103, %dot_general3A_103 : vector<256x128xf32>
    %reduce_sum3A_110 = arith.constant dense<0.000000e+00> : vector<128xf32>
    %reduce_sum3A_111 = vector.multi_reduction <add>, %mul3A_109, %reduce_sum3A_110 [0] : vector<256x128xf32> to vector<128xf32>
    %broadcast_in_dim3A_112 = vector.shape_cast %reduce_sum3A_111 : vector<128xf32> to vector<1x128xf32>
    %add3A_113 = arith.addf %add3A_94, %broadcast_in_dim3A_112 : vector<1x128xf32>
    %get3A_114 = arith.constant 0 : index
    %get3A_115 = arith.constant 6 : index
    %get3A_116 = arith.constant 0 : index
    %get3A_117 = vector.load %arg2[%get3A_114, %get3A_115, %get3A_116] : memref<256x20x128xf32, #tpu.memory_space<vmem>>, vector<256x1x128xf32>
    %get3A_118 = vector.shape_cast %get3A_117 : vector<256x1x128xf32> to vector<256x128xf32>
    %sub3A_119 = arith.subf %get3A_118, %get3A_1 : vector<256x128xf32>
    %concatenate3A_120 = tpu.concatenate %sub3A_119, %get3A_1 in 1 : vector<256x128xf32>, vector<256x128xf32> -> vector<256x256xf32>
    %dot_general3A_121 = arith.constant dense<0.000000e+00> : vector<256x128xf32>
    %dot_general3A_122 = tpu.matmul %concatenate3A_120, %get3A_4, %dot_general3A_121 {dimension_numbers = #tpu.dot_dimension_numbers<[1], [1], [0], [0], [0, 0, 1, 0], [], []>, transpose_lhs_hint = false} : vector<256x256xf32>, vector<128x256xf32>, vector<256x128xf32> -> vector<256x128xf32>
    %max3A_123 = arith.maximumf %max3A_104, %dot_general3A_122 : vector<256x128xf32>
    %reduce_sum3A_124 = arith.constant dense<0.000000e+00> : vector<128xf32>
    %reduce_sum3A_125 = vector.multi_reduction <add>, %dot_general3A_122, %reduce_sum3A_124 [0] : vector<256x128xf32> to vector<128xf32>
    %broadcast_in_dim3A_126 = vector.shape_cast %reduce_sum3A_125 : vector<128xf32> to vector<1x128xf32>
    %add3A_127 = arith.addf %add3A_108, %broadcast_in_dim3A_126 : vector<1x128xf32>
    %mul3A_128 = arith.mulf %dot_general3A_122, %dot_general3A_122 : vector<256x128xf32>
    %reduce_sum3A_129 = arith.constant dense<0.000000e+00> : vector<128xf32>
    %reduce_sum3A_130 = vector.multi_reduction <add>, %mul3A_128, %reduce_sum3A_129 [0] : vector<256x128xf32> to vector<128xf32>
    %broadcast_in_dim3A_131 = vector.shape_cast %reduce_sum3A_130 : vector<128xf32> to vector<1x128xf32>
    %add3A_132 = arith.addf %add3A_113, %broadcast_in_dim3A_131 : vector<1x128xf32>
    %get3A_133 = arith.constant 0 : index
    %get3A_134 = arith.constant 7 : index
    %get3A_135 = arith.constant 0 : index
    %get3A_136 = vector.load %arg2[%get3A_133, %get3A_134, %get3A_135] : memref<256x20x128xf32, #tpu.memory_space<vmem>>, vector<256x1x128xf32>
    %get3A_137 = vector.shape_cast %get3A_136 : vector<256x1x128xf32> to vector<256x128xf32>
    %sub3A_138 = arith.subf %get3A_137, %get3A_1 : vector<256x128xf32>
    %concatenate3A_139 = tpu.concatenate %sub3A_138, %get3A_1 in 1 : vector<256x128xf32>, vector<256x128xf32> -> vector<256x256xf32>
    %dot_general3A_140 = arith.constant dense<0.000000e+00> : vector<256x128xf32>
    %dot_general3A_141 = tpu.matmul %concatenate3A_139, %get3A_4, %dot_general3A_140 {dimension_numbers = #tpu.dot_dimension_numbers<[1], [1], [0], [0], [0, 0, 1, 0], [], []>, transpose_lhs_hint = false} : vector<256x256xf32>, vector<128x256xf32>, vector<256x128xf32> -> vector<256x128xf32>
    %max3A_142 = arith.maximumf %max3A_123, %dot_general3A_141 : vector<256x128xf32>
    %reduce_sum3A_143 = arith.constant dense<0.000000e+00> : vector<128xf32>
    %reduce_sum3A_144 = vector.multi_reduction <add>, %dot_general3A_141, %reduce_sum3A_143 [0] : vector<256x128xf32> to vector<128xf32>
    %broadcast_in_dim3A_145 = vector.shape_cast %reduce_sum3A_144 : vector<128xf32> to vector<1x128xf32>
    %add3A_146 = arith.addf %add3A_127, %broadcast_in_dim3A_145 : vector<1x128xf32>
    %mul3A_147 = arith.mulf %dot_general3A_141, %dot_general3A_141 : vector<256x128xf32>
    %reduce_sum3A_148 = arith.constant dense<0.000000e+00> : vector<128xf32>
    %reduce_sum3A_149 = vector.multi_reduction <add>, %mul3A_147, %reduce_sum3A_148 [0] : vector<256x128xf32> to vector<128xf32>
    %broadcast_in_dim3A_150 = vector.shape_cast %reduce_sum3A_149 : vector<128xf32> to vector<1x128xf32>
    %add3A_151 = arith.addf %add3A_132, %broadcast_in_dim3A_150 : vector<1x128xf32>
    %get3A_152 = arith.constant 0 : index
    %get3A_153 = arith.constant 8 : index
    %get3A_154 = arith.constant 0 : index
    %get3A_155 = vector.load %arg2[%get3A_152, %get3A_153, %get3A_154] : memref<256x20x128xf32, #tpu.memory_space<vmem>>, vector<256x1x128xf32>
    %get3A_156 = vector.shape_cast %get3A_155 : vector<256x1x128xf32> to vector<256x128xf32>
    %sub3A_157 = arith.subf %get3A_156, %get3A_1 : vector<256x128xf32>
    %concatenate3A_158 = tpu.concatenate %sub3A_157, %get3A_1 in 1 : vector<256x128xf32>, vector<256x128xf32> -> vector<256x256xf32>
    %dot_general3A_159 = arith.constant dense<0.000000e+00> : vector<256x128xf32>
    %dot_general3A_160 = tpu.matmul %concatenate3A_158, %get3A_4, %dot_general3A_159 {dimension_numbers = #tpu.dot_dimension_numbers<[1], [1], [0], [0], [0, 0, 1, 0], [], []>, transpose_lhs_hint = false} : vector<256x256xf32>, vector<128x256xf32>, vector<256x128xf32> -> vector<256x128xf32>
    %max3A_161 = arith.maximumf %max3A_142, %dot_general3A_160 : vector<256x128xf32>
    %reduce_sum3A_162 = arith.constant dense<0.000000e+00> : vector<128xf32>
    %reduce_sum3A_163 = vector.multi_reduction <add>, %dot_general3A_160, %reduce_sum3A_162 [0] : vector<256x128xf32> to vector<128xf32>
    %broadcast_in_dim3A_164 = vector.shape_cast %reduce_sum3A_163 : vector<128xf32> to vector<1x128xf32>
    %add3A_165 = arith.addf %add3A_146, %broadcast_in_dim3A_164 : vector<1x128xf32>
    %mul3A_166 = arith.mulf %dot_general3A_160, %dot_general3A_160 : vector<256x128xf32>
    %reduce_sum3A_167 = arith.constant dense<0.000000e+00> : vector<128xf32>
    %reduce_sum3A_168 = vector.multi_reduction <add>, %mul3A_166, %reduce_sum3A_167 [0] : vector<256x128xf32> to vector<128xf32>
    %broadcast_in_dim3A_169 = vector.shape_cast %reduce_sum3A_168 : vector<128xf32> to vector<1x128xf32>
    %add3A_170 = arith.addf %add3A_151, %broadcast_in_dim3A_169 : vector<1x128xf32>
    %get3A_171 = arith.constant 0 : index
    %get3A_172 = arith.constant 9 : index
    %get3A_173 = arith.constant 0 : index
    %get3A_174 = vector.load %arg2[%get3A_171, %get3A_172, %get3A_173] : memref<256x20x128xf32, #tpu.memory_space<vmem>>, vector<256x1x128xf32>
    %get3A_175 = vector.shape_cast %get3A_174 : vector<256x1x128xf32> to vector<256x128xf32>
    %sub3A_176 = arith.subf %get3A_175, %get3A_1 : vector<256x128xf32>
    %concatenate3A_177 = tpu.concatenate %sub3A_176, %get3A_1 in 1 : vector<256x128xf32>, vector<256x128xf32> -> vector<256x256xf32>
    %dot_general3A_178 = arith.constant dense<0.000000e+00> : vector<256x128xf32>
    %dot_general3A_179 = tpu.matmul %concatenate3A_177, %get3A_4, %dot_general3A_178 {dimension_numbers = #tpu.dot_dimension_numbers<[1], [1], [0], [0], [0, 0, 1, 0], [], []>, transpose_lhs_hint = false} : vector<256x256xf32>, vector<128x256xf32>, vector<256x128xf32> -> vector<256x128xf32>
    %max3A_180 = arith.maximumf %max3A_161, %dot_general3A_179 : vector<256x128xf32>
    %reduce_sum3A_181 = arith.constant dense<0.000000e+00> : vector<128xf32>
    %reduce_sum3A_182 = vector.multi_reduction <add>, %dot_general3A_179, %reduce_sum3A_181 [0] : vector<256x128xf32> to vector<128xf32>
    %broadcast_in_dim3A_183 = vector.shape_cast %reduce_sum3A_182 : vector<128xf32> to vector<1x128xf32>
    %add3A_184 = arith.addf %add3A_165, %broadcast_in_dim3A_183 : vector<1x128xf32>
    %mul3A_185 = arith.mulf %dot_general3A_179, %dot_general3A_179 : vector<256x128xf32>
    %reduce_sum3A_186 = arith.constant dense<0.000000e+00> : vector<128xf32>
    %reduce_sum3A_187 = vector.multi_reduction <add>, %mul3A_185, %reduce_sum3A_186 [0] : vector<256x128xf32> to vector<128xf32>
    %broadcast_in_dim3A_188 = vector.shape_cast %reduce_sum3A_187 : vector<128xf32> to vector<1x128xf32>
    %add3A_189 = arith.addf %add3A_170, %broadcast_in_dim3A_188 : vector<1x128xf32>
    %get3A_190 = arith.constant 0 : index
    %get3A_191 = arith.constant 10 : index
    %get3A_192 = arith.constant 0 : index
    %get3A_193 = vector.load %arg2[%get3A_190, %get3A_191, %get3A_192] : memref<256x20x128xf32, #tpu.memory_space<vmem>>, vector<256x1x128xf32>
    %get3A_194 = vector.shape_cast %get3A_193 : vector<256x1x128xf32> to vector<256x128xf32>
    %sub3A_195 = arith.subf %get3A_194, %get3A_1 : vector<256x128xf32>
    %concatenate3A_196 = tpu.concatenate %sub3A_195, %get3A_1 in 1 : vector<256x128xf32>, vector<256x128xf32> -> vector<256x256xf32>
    %dot_general3A_197 = arith.constant dense<0.000000e+00> : vector<256x128xf32>
    %dot_general3A_198 = tpu.matmul %concatenate3A_196, %get3A_4, %dot_general3A_197 {dimension_numbers = #tpu.dot_dimension_numbers<[1], [1], [0], [0], [0, 0, 1, 0], [], []>, transpose_lhs_hint = false} : vector<256x256xf32>, vector<128x256xf32>, vector<256x128xf32> -> vector<256x128xf32>
    %max3A_199 = arith.maximumf %max3A_180, %dot_general3A_198 : vector<256x128xf32>
    %reduce_sum3A_200 = arith.constant dense<0.000000e+00> : vector<128xf32>
    %reduce_sum3A_201 = vector.multi_reduction <add>, %dot_general3A_198, %reduce_sum3A_200 [0] : vector<256x128xf32> to vector<128xf32>
    %broadcast_in_dim3A_202 = vector.shape_cast %reduce_sum3A_201 : vector<128xf32> to vector<1x128xf32>
    %add3A_203 = arith.addf %add3A_184, %broadcast_in_dim3A_202 : vector<1x128xf32>
    %mul3A_204 = arith.mulf %dot_general3A_198, %dot_general3A_198 : vector<256x128xf32>
    %reduce_sum3A_205 = arith.constant dense<0.000000e+00> : vector<128xf32>
    %reduce_sum3A_206 = vector.multi_reduction <add>, %mul3A_204, %reduce_sum3A_205 [0] : vector<256x128xf32> to vector<128xf32>
    %broadcast_in_dim3A_207 = vector.shape_cast %reduce_sum3A_206 : vector<128xf32> to vector<1x128xf32>
    %add3A_208 = arith.addf %add3A_189, %broadcast_in_dim3A_207 : vector<1x128xf32>
    %get3A_209 = arith.constant 0 : index
    %get3A_210 = arith.constant 11 : index
    %get3A_211 = arith.constant 0 : index
    %get3A_212 = vector.load %arg2[%get3A_209, %get3A_210, %get3A_211] : memref<256x20x128xf32, #tpu.memory_space<vmem>>, vector<256x1x128xf32>
    %get3A_213 = vector.shape_cast %get3A_212 : vector<256x1x128xf32> to vector<256x128xf32>
    %sub3A_214 = arith.subf %get3A_213, %get3A_1 : vector<256x128xf32>
    %concatenate3A_215 = tpu.concatenate %sub3A_214, %get3A_1 in 1 : vector<256x128xf32>, vector<256x128xf32> -> vector<256x256xf32>
    %dot_general3A_216 = arith.constant dense<0.000000e+00> : vector<256x128xf32>
    %dot_general3A_217 = tpu.matmul %concatenate3A_215, %get3A_4, %dot_general3A_216 {dimension_numbers = #tpu.dot_dimension_numbers<[1], [1], [0], [0], [0, 0, 1, 0], [], []>, transpose_lhs_hint = false} : vector<256x256xf32>, vector<128x256xf32>, vector<256x128xf32> -> vector<256x128xf32>
    %max3A_218 = arith.maximumf %max3A_199, %dot_general3A_217 : vector<256x128xf32>
    %reduce_sum3A_219 = arith.constant dense<0.000000e+00> : vector<128xf32>
    %reduce_sum3A_220 = vector.multi_reduction <add>, %dot_general3A_217, %reduce_sum3A_219 [0] : vector<256x128xf32> to vector<128xf32>
    %broadcast_in_dim3A_221 = vector.shape_cast %reduce_sum3A_220 : vector<128xf32> to vector<1x128xf32>
    %add3A_222 = arith.addf %add3A_203, %broadcast_in_dim3A_221 : vector<1x128xf32>
    %mul3A_223 = arith.mulf %dot_general3A_217, %dot_general3A_217 : vector<256x128xf32>
    %reduce_sum3A_224 = arith.constant dense<0.000000e+00> : vector<128xf32>
    %reduce_sum3A_225 = vector.multi_reduction <add>, %mul3A_223, %reduce_sum3A_224 [0] : vector<256x128xf32> to vector<128xf32>
    %broadcast_in_dim3A_226 = vector.shape_cast %reduce_sum3A_225 : vector<128xf32> to vector<1x128xf32>
    %add3A_227 = arith.addf %add3A_208, %broadcast_in_dim3A_226 : vector<1x128xf32>
    %get3A_228 = arith.constant 0 : index
    %get3A_229 = arith.constant 12 : index
    %get3A_230 = arith.constant 0 : index
    %get3A_231 = vector.load %arg2[%get3A_228, %get3A_229, %get3A_230] : memref<256x20x128xf32, #tpu.memory_space<vmem>>, vector<256x1x128xf32>
    %get3A_232 = vector.shape_cast %get3A_231 : vector<256x1x128xf32> to vector<256x128xf32>
    %sub3A_233 = arith.subf %get3A_232, %get3A_1 : vector<256x128xf32>
    %concatenate3A_234 = tpu.concatenate %sub3A_233, %get3A_1 in 1 : vector<256x128xf32>, vector<256x128xf32> -> vector<256x256xf32>
    %dot_general3A_235 = arith.constant dense<0.000000e+00> : vector<256x128xf32>
    %dot_general3A_236 = tpu.matmul %concatenate3A_234, %get3A_4, %dot_general3A_235 {dimension_numbers = #tpu.dot_dimension_numbers<[1], [1], [0], [0], [0, 0, 1, 0], [], []>, transpose_lhs_hint = false} : vector<256x256xf32>, vector<128x256xf32>, vector<256x128xf32> -> vector<256x128xf32>
    %max3A_237 = arith.maximumf %max3A_218, %dot_general3A_236 : vector<256x128xf32>
    %reduce_sum3A_238 = arith.constant dense<0.000000e+00> : vector<128xf32>
    %reduce_sum3A_239 = vector.multi_reduction <add>, %dot_general3A_236, %reduce_sum3A_238 [0] : vector<256x128xf32> to vector<128xf32>
    %broadcast_in_dim3A_240 = vector.shape_cast %reduce_sum3A_239 : vector<128xf32> to vector<1x128xf32>
    %add3A_241 = arith.addf %add3A_222, %broadcast_in_dim3A_240 : vector<1x128xf32>
    %mul3A_242 = arith.mulf %dot_general3A_236, %dot_general3A_236 : vector<256x128xf32>
    %reduce_sum3A_243 = arith.constant dense<0.000000e+00> : vector<128xf32>
    %reduce_sum3A_244 = vector.multi_reduction <add>, %mul3A_242, %reduce_sum3A_243 [0] : vector<256x128xf32> to vector<128xf32>
    %broadcast_in_dim3A_245 = vector.shape_cast %reduce_sum3A_244 : vector<128xf32> to vector<1x128xf32>
    %add3A_246 = arith.addf %add3A_227, %broadcast_in_dim3A_245 : vector<1x128xf32>
    %get3A_247 = arith.constant 0 : index
    %get3A_248 = arith.constant 13 : index
    %get3A_249 = arith.constant 0 : index
    %get3A_250 = vector.load %arg2[%get3A_247, %get3A_248, %get3A_249] : memref<256x20x128xf32, #tpu.memory_space<vmem>>, vector<256x1x128xf32>
    %get3A_251 = vector.shape_cast %get3A_250 : vector<256x1x128xf32> to vector<256x128xf32>
    %sub3A_252 = arith.subf %get3A_251, %get3A_1 : vector<256x128xf32>
    %concatenate3A_253 = tpu.concatenate %sub3A_252, %get3A_1 in 1 : vector<256x128xf32>, vector<256x128xf32> -> vector<256x256xf32>
    %dot_general3A_254 = arith.constant dense<0.000000e+00> : vector<256x128xf32>
    %dot_general3A_255 = tpu.matmul %concatenate3A_253, %get3A_4, %dot_general3A_254 {dimension_numbers = #tpu.dot_dimension_numbers<[1], [1], [0], [0], [0, 0, 1, 0], [], []>, transpose_lhs_hint = false} : vector<256x256xf32>, vector<128x256xf32>, vector<256x128xf32> -> vector<256x128xf32>
    %max3A_256 = arith.maximumf %max3A_237, %dot_general3A_255 : vector<256x128xf32>
    %reduce_sum3A_257 = arith.constant dense<0.000000e+00> : vector<128xf32>
    %reduce_sum3A_258 = vector.multi_reduction <add>, %dot_general3A_255, %reduce_sum3A_257 [0] : vector<256x128xf32> to vector<128xf32>
    %broadcast_in_dim3A_259 = vector.shape_cast %reduce_sum3A_258 : vector<128xf32> to vector<1x128xf32>
    %add3A_260 = arith.addf %add3A_241, %broadcast_in_dim3A_259 : vector<1x128xf32>
    %mul3A_261 = arith.mulf %dot_general3A_255, %dot_general3A_255 : vector<256x128xf32>
    %reduce_sum3A_262 = arith.constant dense<0.000000e+00> : vector<128xf32>
    %reduce_sum3A_263 = vector.multi_reduction <add>, %mul3A_261, %reduce_sum3A_262 [0] : vector<256x128xf32> to vector<128xf32>
    %broadcast_in_dim3A_264 = vector.shape_cast %reduce_sum3A_263 : vector<128xf32> to vector<1x128xf32>
    %add3A_265 = arith.addf %add3A_246, %broadcast_in_dim3A_264 : vector<1x128xf32>
    %get3A_266 = arith.constant 0 : index
    %get3A_267 = arith.constant 14 : index
    %get3A_268 = arith.constant 0 : index
    %get3A_269 = vector.load %arg2[%get3A_266, %get3A_267, %get3A_268] : memref<256x20x128xf32, #tpu.memory_space<vmem>>, vector<256x1x128xf32>
    %get3A_270 = vector.shape_cast %get3A_269 : vector<256x1x128xf32> to vector<256x128xf32>
    %sub3A_271 = arith.subf %get3A_270, %get3A_1 : vector<256x128xf32>
    %concatenate3A_272 = tpu.concatenate %sub3A_271, %get3A_1 in 1 : vector<256x128xf32>, vector<256x128xf32> -> vector<256x256xf32>
    %dot_general3A_273 = arith.constant dense<0.000000e+00> : vector<256x128xf32>
    %dot_general3A_274 = tpu.matmul %concatenate3A_272, %get3A_4, %dot_general3A_273 {dimension_numbers = #tpu.dot_dimension_numbers<[1], [1], [0], [0], [0, 0, 1, 0], [], []>, transpose_lhs_hint = false} : vector<256x256xf32>, vector<128x256xf32>, vector<256x128xf32> -> vector<256x128xf32>
    %max3A_275 = arith.maximumf %max3A_256, %dot_general3A_274 : vector<256x128xf32>
    %reduce_sum3A_276 = arith.constant dense<0.000000e+00> : vector<128xf32>
    %reduce_sum3A_277 = vector.multi_reduction <add>, %dot_general3A_274, %reduce_sum3A_276 [0] : vector<256x128xf32> to vector<128xf32>
    %broadcast_in_dim3A_278 = vector.shape_cast %reduce_sum3A_277 : vector<128xf32> to vector<1x128xf32>
    %add3A_279 = arith.addf %add3A_260, %broadcast_in_dim3A_278 : vector<1x128xf32>
    %mul3A_280 = arith.mulf %dot_general3A_274, %dot_general3A_274 : vector<256x128xf32>
    %reduce_sum3A_281 = arith.constant dense<0.000000e+00> : vector<128xf32>
    %reduce_sum3A_282 = vector.multi_reduction <add>, %mul3A_280, %reduce_sum3A_281 [0] : vector<256x128xf32> to vector<128xf32>
    %broadcast_in_dim3A_283 = vector.shape_cast %reduce_sum3A_282 : vector<128xf32> to vector<1x128xf32>
    %add3A_284 = arith.addf %add3A_265, %broadcast_in_dim3A_283 : vector<1x128xf32>
    %get3A_285 = arith.constant 0 : index
    %get3A_286 = arith.constant 15 : index
    %get3A_287 = arith.constant 0 : index
    %get3A_288 = vector.load %arg2[%get3A_285, %get3A_286, %get3A_287] : memref<256x20x128xf32, #tpu.memory_space<vmem>>, vector<256x1x128xf32>
    %get3A_289 = vector.shape_cast %get3A_288 : vector<256x1x128xf32> to vector<256x128xf32>
    %sub3A_290 = arith.subf %get3A_289, %get3A_1 : vector<256x128xf32>
    %concatenate3A_291 = tpu.concatenate %sub3A_290, %get3A_1 in 1 : vector<256x128xf32>, vector<256x128xf32> -> vector<256x256xf32>
    %dot_general3A_292 = arith.constant dense<0.000000e+00> : vector<256x128xf32>
    %dot_general3A_293 = tpu.matmul %concatenate3A_291, %get3A_4, %dot_general3A_292 {dimension_numbers = #tpu.dot_dimension_numbers<[1], [1], [0], [0], [0, 0, 1, 0], [], []>, transpose_lhs_hint = false} : vector<256x256xf32>, vector<128x256xf32>, vector<256x128xf32> -> vector<256x128xf32>
    %max3A_294 = arith.maximumf %max3A_275, %dot_general3A_293 : vector<256x128xf32>
    %reduce_sum3A_295 = arith.constant dense<0.000000e+00> : vector<128xf32>
    %reduce_sum3A_296 = vector.multi_reduction <add>, %dot_general3A_293, %reduce_sum3A_295 [0] : vector<256x128xf32> to vector<128xf32>
    %broadcast_in_dim3A_297 = vector.shape_cast %reduce_sum3A_296 : vector<128xf32> to vector<1x128xf32>
    %add3A_298 = arith.addf %add3A_279, %broadcast_in_dim3A_297 : vector<1x128xf32>
    %mul3A_299 = arith.mulf %dot_general3A_293, %dot_general3A_293 : vector<256x128xf32>
    %reduce_sum3A_300 = arith.constant dense<0.000000e+00> : vector<128xf32>
    %reduce_sum3A_301 = vector.multi_reduction <add>, %mul3A_299, %reduce_sum3A_300 [0] : vector<256x128xf32> to vector<128xf32>
    %broadcast_in_dim3A_302 = vector.shape_cast %reduce_sum3A_301 : vector<128xf32> to vector<1x128xf32>
    %add3A_303 = arith.addf %add3A_284, %broadcast_in_dim3A_302 : vector<1x128xf32>
    %get3A_304 = arith.constant 0 : index
    %get3A_305 = arith.constant 16 : index
    %get3A_306 = arith.constant 0 : index
    %get3A_307 = vector.load %arg2[%get3A_304, %get3A_305, %get3A_306] : memref<256x20x128xf32, #tpu.memory_space<vmem>>, vector<256x1x128xf32>
    %get3A_308 = vector.shape_cast %get3A_307 : vector<256x1x128xf32> to vector<256x128xf32>
    %sub3A_309 = arith.subf %get3A_308, %get3A_1 : vector<256x128xf32>
    %concatenate3A_310 = tpu.concatenate %sub3A_309, %get3A_1 in 1 : vector<256x128xf32>, vector<256x128xf32> -> vector<256x256xf32>
    %dot_general3A_311 = arith.constant dense<0.000000e+00> : vector<256x128xf32>
    %dot_general3A_312 = tpu.matmul %concatenate3A_310, %get3A_4, %dot_general3A_311 {dimension_numbers = #tpu.dot_dimension_numbers<[1], [1], [0], [0], [0, 0, 1, 0], [], []>, transpose_lhs_hint = false} : vector<256x256xf32>, vector<128x256xf32>, vector<256x128xf32> -> vector<256x128xf32>
    %max3A_313 = arith.maximumf %max3A_294, %dot_general3A_312 : vector<256x128xf32>
    %reduce_sum3A_314 = arith.constant dense<0.000000e+00> : vector<128xf32>
    %reduce_sum3A_315 = vector.multi_reduction <add>, %dot_general3A_312, %reduce_sum3A_314 [0] : vector<256x128xf32> to vector<128xf32>
    %broadcast_in_dim3A_316 = vector.shape_cast %reduce_sum3A_315 : vector<128xf32> to vector<1x128xf32>
    %add3A_317 = arith.addf %add3A_298, %broadcast_in_dim3A_316 : vector<1x128xf32>
    %mul3A_318 = arith.mulf %dot_general3A_312, %dot_general3A_312 : vector<256x128xf32>
    %reduce_sum3A_319 = arith.constant dense<0.000000e+00> : vector<128xf32>
    %reduce_sum3A_320 = vector.multi_reduction <add>, %mul3A_318, %reduce_sum3A_319 [0] : vector<256x128xf32> to vector<128xf32>
    %broadcast_in_dim3A_321 = vector.shape_cast %reduce_sum3A_320 : vector<128xf32> to vector<1x128xf32>
    %add3A_322 = arith.addf %add3A_303, %broadcast_in_dim3A_321 : vector<1x128xf32>
    %get3A_323 = arith.constant 0 : index
    %get3A_324 = arith.constant 17 : index
    %get3A_325 = arith.constant 0 : index
    %get3A_326 = vector.load %arg2[%get3A_323, %get3A_324, %get3A_325] : memref<256x20x128xf32, #tpu.memory_space<vmem>>, vector<256x1x128xf32>
    %get3A_327 = vector.shape_cast %get3A_326 : vector<256x1x128xf32> to vector<256x128xf32>
    %sub3A_328 = arith.subf %get3A_327, %get3A_1 : vector<256x128xf32>
    %concatenate3A_329 = tpu.concatenate %sub3A_328, %get3A_1 in 1 : vector<256x128xf32>, vector<256x128xf32> -> vector<256x256xf32>
    %dot_general3A_330 = arith.constant dense<0.000000e+00> : vector<256x128xf32>
    %dot_general3A_331 = tpu.matmul %concatenate3A_329, %get3A_4, %dot_general3A_330 {dimension_numbers = #tpu.dot_dimension_numbers<[1], [1], [0], [0], [0, 0, 1, 0], [], []>, transpose_lhs_hint = false} : vector<256x256xf32>, vector<128x256xf32>, vector<256x128xf32> -> vector<256x128xf32>
    %max3A_332 = arith.maximumf %max3A_313, %dot_general3A_331 : vector<256x128xf32>
    %reduce_sum3A_333 = arith.constant dense<0.000000e+00> : vector<128xf32>
    %reduce_sum3A_334 = vector.multi_reduction <add>, %dot_general3A_331, %reduce_sum3A_333 [0] : vector<256x128xf32> to vector<128xf32>
    %broadcast_in_dim3A_335 = vector.shape_cast %reduce_sum3A_334 : vector<128xf32> to vector<1x128xf32>
    %add3A_336 = arith.addf %add3A_317, %broadcast_in_dim3A_335 : vector<1x128xf32>
    %mul3A_337 = arith.mulf %dot_general3A_331, %dot_general3A_331 : vector<256x128xf32>
    %reduce_sum3A_338 = arith.constant dense<0.000000e+00> : vector<128xf32>
    %reduce_sum3A_339 = vector.multi_reduction <add>, %mul3A_337, %reduce_sum3A_338 [0] : vector<256x128xf32> to vector<128xf32>
    %broadcast_in_dim3A_340 = vector.shape_cast %reduce_sum3A_339 : vector<128xf32> to vector<1x128xf32>
    %add3A_341 = arith.addf %add3A_322, %broadcast_in_dim3A_340 : vector<1x128xf32>
    %get3A_342 = arith.constant 0 : index
    %get3A_343 = arith.constant 18 : index
    %get3A_344 = arith.constant 0 : index
    %get3A_345 = vector.load %arg2[%get3A_342, %get3A_343, %get3A_344] : memref<256x20x128xf32, #tpu.memory_space<vmem>>, vector<256x1x128xf32>
    %get3A_346 = vector.shape_cast %get3A_345 : vector<256x1x128xf32> to vector<256x128xf32>
    %sub3A_347 = arith.subf %get3A_346, %get3A_1 : vector<256x128xf32>
    %concatenate3A_348 = tpu.concatenate %sub3A_347, %get3A_1 in 1 : vector<256x128xf32>, vector<256x128xf32> -> vector<256x256xf32>
    %dot_general3A_349 = arith.constant dense<0.000000e+00> : vector<256x128xf32>
    %dot_general3A_350 = tpu.matmul %concatenate3A_348, %get3A_4, %dot_general3A_349 {dimension_numbers = #tpu.dot_dimension_numbers<[1], [1], [0], [0], [0, 0, 1, 0], [], []>, transpose_lhs_hint = false} : vector<256x256xf32>, vector<128x256xf32>, vector<256x128xf32> -> vector<256x128xf32>
    %max3A_351 = arith.maximumf %max3A_332, %dot_general3A_350 : vector<256x128xf32>
    %reduce_sum3A_352 = arith.constant dense<0.000000e+00> : vector<128xf32>
    %reduce_sum3A_353 = vector.multi_reduction <add>, %dot_general3A_350, %reduce_sum3A_352 [0] : vector<256x128xf32> to vector<128xf32>
    %broadcast_in_dim3A_354 = vector.shape_cast %reduce_sum3A_353 : vector<128xf32> to vector<1x128xf32>
    %add3A_355 = arith.addf %add3A_336, %broadcast_in_dim3A_354 : vector<1x128xf32>
    %mul3A_356 = arith.mulf %dot_general3A_350, %dot_general3A_350 : vector<256x128xf32>
    %reduce_sum3A_357 = arith.constant dense<0.000000e+00> : vector<128xf32>
    %reduce_sum3A_358 = vector.multi_reduction <add>, %mul3A_356, %reduce_sum3A_357 [0] : vector<256x128xf32> to vector<128xf32>
    %broadcast_in_dim3A_359 = vector.shape_cast %reduce_sum3A_358 : vector<128xf32> to vector<1x128xf32>
    %add3A_360 = arith.addf %add3A_341, %broadcast_in_dim3A_359 : vector<1x128xf32>
    %get3A_361 = arith.constant 0 : index
    %get3A_362 = arith.constant 19 : index
    %get3A_363 = arith.constant 0 : index
    %get3A_364 = vector.load %arg2[%get3A_361, %get3A_362, %get3A_363] : memref<256x20x128xf32, #tpu.memory_space<vmem>>, vector<256x1x128xf32>
    %get3A_365 = vector.shape_cast %get3A_364 : vector<256x1x128xf32> to vector<256x128xf32>
    %sub3A_366 = arith.subf %get3A_365, %get3A_1 : vector<256x128xf32>
    %concatenate3A_367 = tpu.concatenate %sub3A_366, %get3A_1 in 1 : vector<256x128xf32>, vector<256x128xf32> -> vector<256x256xf32>
    %dot_general3A_368 = arith.constant dense<0.000000e+00> : vector<256x128xf32>
    %dot_general3A_369 = tpu.matmul %concatenate3A_367, %get3A_4, %dot_general3A_368 {dimension_numbers = #tpu.dot_dimension_numbers<[1], [1], [0], [0], [0, 0, 1, 0], [], []>, transpose_lhs_hint = false} : vector<256x256xf32>, vector<128x256xf32>, vector<256x128xf32> -> vector<256x128xf32>
    %max3A_370 = arith.maximumf %max3A_351, %dot_general3A_369 : vector<256x128xf32>
    %reduce_sum3A_371 = arith.constant dense<0.000000e+00> : vector<128xf32>
    %reduce_sum3A_372 = vector.multi_reduction <add>, %dot_general3A_369, %reduce_sum3A_371 [0] : vector<256x128xf32> to vector<128xf32>
    %broadcast_in_dim3A_373 = vector.shape_cast %reduce_sum3A_372 : vector<128xf32> to vector<1x128xf32>
    %add3A_374 = arith.addf %add3A_355, %broadcast_in_dim3A_373 : vector<1x128xf32>
    %mul3A_375 = arith.mulf %dot_general3A_369, %dot_general3A_369 : vector<256x128xf32>
    %reduce_sum3A_376 = arith.constant dense<0.000000e+00> : vector<128xf32>
    %reduce_sum3A_377 = vector.multi_reduction <add>, %mul3A_375, %reduce_sum3A_376 [0] : vector<256x128xf32> to vector<128xf32>
    %broadcast_in_dim3A_378 = vector.shape_cast %reduce_sum3A_377 : vector<128xf32> to vector<1x128xf32>
    %add3A_379 = arith.addf %add3A_360, %broadcast_in_dim3A_378 : vector<1x128xf32>
    %swap3A = arith.constant 0 : index
    %swap3A_380 = arith.constant 0 : index
    %swap3A_381 = vector.load %arg5[%swap3A, %swap3A_380] : memref<256x128xf32, #tpu.memory_space<vmem>>, vector<256x128xf32>
    tpu.vector_store %arg5[%swap3A, %swap3A_380], %max3A_370 {strides = array<i32>} : memref<256x128xf32, #tpu.memory_space<vmem>>, vector<256x128xf32>,
    %broadcast_in_dim3A_382 = arith.constant 0.000000e+00 : f32
    %broadcast_in_dim3A_383 = vector.broadcast %broadcast_in_dim3A_382 : f32 to vector<1x128xf32>
    %concatenate3A_384 = tpu.concatenate %add3A_374, %add3A_379, %broadcast_in_dim3A_383, %broadcast_in_dim3A_383, %broadcast_in_dim3A_383, %broadcast_in_dim3A_383, %broadcast_in_dim3A_383, %broadcast_in_dim3A_383 in 0 : vector<1x128xf32>, vector<1x128xf32>, vector<1x128xf32>, vector<1x128xf32>, vector<1x128xf32>, vector<1x128xf32>, vector<1x128xf32>, vector<1x128xf32> -> vector<8x128xf32>
    %broadcast_in_dim3A_385 = vector.shape_cast %concatenate3A_384 : vector<8x128xf32> to vector<1x8x128xf32>
    %swap3A_386 = arith.constant 0 : index
    %swap3A_387 = arith.constant 0 : index
    %swap3A_388 = arith.constant 0 : index
    %swap3A_389 = vector.load %arg6[%swap3A_386, %swap3A_387, %swap3A_388] : memref<1x8x128xf32, #tpu.memory_space<vmem>>, vector<1x8x128xf32>
    tpu.vector_store %arg6[%swap3A_386, %swap3A_387, %swap3A_388], %broadcast_in_dim3A_385 {strides = array<i32>} : memref<1x8x128xf32, #tpu.memory_space<vmem>>, vector<1x8x128xf32>,
    return
  }
  func.func @transform_0(%arg0: i32, %arg1: i32) -> (i32, i32, i32) {
    %mul3A = arith.constant 4 : i32
    %mul3A_0 = arith.muli %arg0, %mul3A : i32
    %add3A = arith.addi %mul3A_0, %arg1 : i32
    %c0_i32 = arith.constant 0 : i32
    %c0_i32_1 = arith.constant 0 : i32
    %c0_i32_2 = arith.constant 0 : i32
    return %add3A, %c0_i32, %c0_i32_1 : i32, i32, i32
  }
  func.func @transform_1(%arg0: i32, %arg1: i32) -> (i32, i32) {
    %mul3A = arith.constant 4 : i32
    %mul3A_0 = arith.muli %arg0, %mul3A : i32
    %add3A = arith.addi %mul3A_0, %arg1 : i32
    %c0_i32 = arith.constant 0 : i32
    %c0_i32_1 = arith.constant 0 : i32
    return %add3A, %c0_i32 : i32, i32
  }
  func.func @transform_2(%arg0: i32, %arg1: i32) -> (i32, i32) {
    %c0_i32 = arith.constant 0 : i32
    %c0_i32_0 = arith.constant 0 : i32
    %c0_i32_1 = arith.constant 0 : i32
    return %c0_i32, %c0_i32_0 : i32, i32
  }
  func.func @transform_3(%arg0: i32, %arg1: i32) -> (i32, i32) {
    %mul3A = arith.constant 4 : i32
    %mul3A_0 = arith.muli %arg0, %mul3A : i32
    %add3A = arith.addi %mul3A_0, %arg1 : i32
    %c0_i32 = arith.constant 0 : i32
    %c0_i32_1 = arith.constant 0 : i32
    return %add3A, %c0_i32 : i32, i32
  }
  func.func @transform_4(%arg0: i32, %arg1: i32) -> (i32, i32, i32) {
    %mul3A = arith.constant 4 : i32
    %mul3A_0 = arith.muli %arg0, %mul3A : i32
    %add3A = arith.addi %mul3A_0, %arg1 : i32
    %c0_i32 = arith.constant 0 : i32
    %c0_i32_1 = arith.constant 0 : i32
    %c0_i32_2 = arith.constant 0 : i32
    return %add3A, %c0_i32, %c0_i32_1 : i32, i32, i32
  }
}

module attributes {stable_mosaic.version = 14 : i64} {
  func.func @_norm_body(%arg0: i32, %arg1: memref<1024x128xf32, #tpu.memory_space<vmem>>, %arg2: memref<1x128xf32, #tpu.memory_space<vmem>>, %arg3: memref<1x128xf32, #tpu.memory_space<vmem>>, %arg4: memref<1024x128xf32, #tpu.memory_space<vmem>>) attributes {dimension_semantics = [#tpu.dimension_semantics<arbitrary>], iteration_bounds = array<i64: 16>, scalar_prefetch = 0 : i64, scratch_operands = 0 : i64, tpu.core_type = #tpu.core_type<tc>, window_params = [{transform_indices = @transform_0, window_bounds = array<i64: 1024, 128>}, {pipeline_mode = #tpu.pipeline_mode<synchronous>, transform_indices = @transform_1, window_bounds = array<i64: 1, 128>}, {pipeline_mode = #tpu.pipeline_mode<synchronous>, transform_indices = @transform_2, window_bounds = array<i64: 1, 128>}, {transform_indices = @transform_3, window_bounds = array<i64: 1024, 128>}]} {
    %get3A = arith.constant 0 : index
    %get3A_0 = arith.constant 0 : index
    %get3A_1 = vector.load %arg1[%get3A, %get3A_0] : memref<1024x128xf32, #tpu.memory_space<vmem>>, vector<1024x128xf32>
    %get3A_2 = arith.constant 0 : index
    %get3A_3 = arith.constant 0 : index
    %get3A_4 = vector.load %arg2[%get3A_2, %get3A_3] : memref<1x128xf32, #tpu.memory_space<vmem>>, vector<1x128xf32>
    %sub3A = vector.broadcast %get3A_4 : vector<1x128xf32> to vector<1024x128xf32>
    %sub3A_5 = arith.subf %get3A_1, %sub3A : vector<1024x128xf32>
    %get3A_6 = arith.constant 0 : index
    %get3A_7 = arith.constant 0 : index
    %get3A_8 = vector.load %arg3[%get3A_6, %get3A_7] : memref<1x128xf32, #tpu.memory_space<vmem>>, vector<1x128xf32>
    %div3A = vector.broadcast %get3A_8 : vector<1x128xf32> to vector<1024x128xf32>
    %div3A_9 = arith.divf %sub3A_5, %div3A : vector<1024x128xf32>
    %max3A = arith.constant 0.000000e+00 : f32
    %max3A_10 = vector.broadcast %max3A : f32 to vector<1024x128xf32>
    %max3A_11 = arith.maximumf %div3A_9, %max3A_10 : vector<1024x128xf32>
    %swap3A = arith.constant 0 : index
    %swap3A_12 = arith.constant 0 : index
    %swap3A_13 = vector.load %arg4[%swap3A, %swap3A_12] : memref<1024x128xf32, #tpu.memory_space<vmem>>, vector<1024x128xf32>
    tpu.vector_store %arg4[%swap3A, %swap3A_12], %max3A_11 {strides = array<i32>} : memref<1024x128xf32, #tpu.memory_space<vmem>>, vector<1024x128xf32>,
    return
  }
  func.func @transform_0(%arg0: i32) -> (i32, i32) {
    %c0_i32 = arith.constant 0 : i32
    %c0_i32_0 = arith.constant 0 : i32
    return %arg0, %c0_i32 : i32, i32
  }
  func.func @transform_1(%arg0: i32) -> (i32, i32) {
    %c0_i32 = arith.constant 0 : i32
    %c0_i32_0 = arith.constant 0 : i32
    %c0_i32_1 = arith.constant 0 : i32
    return %c0_i32, %c0_i32_0 : i32, i32
  }
  func.func @transform_2(%arg0: i32) -> (i32, i32) {
    %c0_i32 = arith.constant 0 : i32
    %c0_i32_0 = arith.constant 0 : i32
    %c0_i32_1 = arith.constant 0 : i32
    return %c0_i32, %c0_i32_0 : i32, i32
  }
  func.func @transform_3(%arg0: i32) -> (i32, i32) {
    %c0_i32 = arith.constant 0 : i32
    %c0_i32_0 = arith.constant 0 : i32
    return %arg0, %c0_i32 : i32, i32
  }
}

module attributes {stable_mosaic.version = 14 : i64} {
  func.func @_conv_body(%arg0: i32, %arg1: i32, %arg2: memref<256x20x128xf32, #tpu.memory_space<vmem>>, %arg3: memref<256x128xf32, #tpu.memory_space<vmem>>, %arg4: memref<256x256xf32, #tpu.memory_space<vmem>>, %arg5: memref<256x256xf32, #tpu.memory_space<vmem>>, %arg6: memref<1x8x256xf32, #tpu.memory_space<vmem>>) attributes {dimension_semantics = [#tpu.dimension_semantics<arbitrary>, #tpu.dimension_semantics<arbitrary>], iteration_bounds = array<i64: 16, 4>, scalar_prefetch = 0 : i64, scratch_operands = 0 : i64, tpu.core_type = #tpu.core_type<tc>, window_params = [{transform_indices = @transform_0, window_bounds = array<i64: 256, 20, 128>}, {transform_indices = @transform_1, window_bounds = array<i64: 256, 128>}, {pipeline_mode = #tpu.pipeline_mode<synchronous>, transform_indices = @transform_2, window_bounds = array<i64: 256, 256>}, {transform_indices = @transform_3, window_bounds = array<i64: 256, 256>}, {transform_indices = @transform_4, window_bounds = array<i64: 1, 8, 256>}]} {
    %get3A = arith.constant 0 : index
    %get3A_0 = arith.constant 0 : index
    %get3A_1 = vector.load %arg3[%get3A, %get3A_0] : memref<256x128xf32, #tpu.memory_space<vmem>>, vector<256x128xf32>
    %get3A_2 = arith.constant 0 : index
    %get3A_3 = arith.constant 0 : index
    %get3A_4 = vector.load %arg4[%get3A_2, %get3A_3] : memref<256x256xf32, #tpu.memory_space<vmem>>, vector<256x256xf32>
    %broadcast_in_dim3A = arith.constant 0.000000e+00 : f32
    %broadcast_in_dim3A_5 = vector.broadcast %broadcast_in_dim3A : f32 to vector<1x256xf32>
    %broadcast_in_dim3A_6 = arith.constant 0.000000e+00 : f32
    %broadcast_in_dim3A_7 = vector.broadcast %broadcast_in_dim3A_6 : f32 to vector<1x256xf32>
    %get3A_8 = arith.constant 0 : index
    %get3A_9 = arith.constant 0 : index
    %get3A_10 = arith.constant 0 : index
    %get3A_11 = vector.load %arg2[%get3A_8, %get3A_9, %get3A_10] : memref<256x20x128xf32, #tpu.memory_space<vmem>>, vector<256x1x128xf32>
    %get3A_12 = vector.shape_cast %get3A_11 : vector<256x1x128xf32> to vector<256x128xf32>
    %sub3A = arith.subf %get3A_12, %get3A_1 : vector<256x128xf32>
    %concatenate3A = tpu.concatenate %sub3A, %get3A_1 in 1 : vector<256x128xf32>, vector<256x128xf32> -> vector<256x256xf32>
    %dot_general3A = arith.constant dense<0.000000e+00> : vector<256x256xf32>
    %dot_general3A_13 = tpu.matmul %concatenate3A, %get3A_4, %dot_general3A {dimension_numbers = #tpu.dot_dimension_numbers<[1], [1], [0], [0], [0, 0, 1, 0], [], []>, transpose_lhs_hint = false} : vector<256x256xf32>, vector<256x256xf32>, vector<256x256xf32> -> vector<256x256xf32>
    %reduce_sum3A = arith.constant dense<0.000000e+00> : vector<256xf32>
    %reduce_sum3A_14 = vector.multi_reduction <add>, %dot_general3A_13, %reduce_sum3A [0] : vector<256x256xf32> to vector<256xf32>
    %broadcast_in_dim3A_15 = vector.shape_cast %reduce_sum3A_14 : vector<256xf32> to vector<1x256xf32>
    %add3A = arith.addf %broadcast_in_dim3A_5, %broadcast_in_dim3A_15 : vector<1x256xf32>
    %mul3A = arith.mulf %dot_general3A_13, %dot_general3A_13 : vector<256x256xf32>
    %reduce_sum3A_16 = arith.constant dense<0.000000e+00> : vector<256xf32>
    %reduce_sum3A_17 = vector.multi_reduction <add>, %mul3A, %reduce_sum3A_16 [0] : vector<256x256xf32> to vector<256xf32>
    %broadcast_in_dim3A_18 = vector.shape_cast %reduce_sum3A_17 : vector<256xf32> to vector<1x256xf32>
    %add3A_19 = arith.addf %broadcast_in_dim3A_7, %broadcast_in_dim3A_18 : vector<1x256xf32>
    %get3A_20 = arith.constant 0 : index
    %get3A_21 = arith.constant 1 : index
    %get3A_22 = arith.constant 0 : index
    %get3A_23 = vector.load %arg2[%get3A_20, %get3A_21, %get3A_22] : memref<256x20x128xf32, #tpu.memory_space<vmem>>, vector<256x1x128xf32>
    %get3A_24 = vector.shape_cast %get3A_23 : vector<256x1x128xf32> to vector<256x128xf32>
    %sub3A_25 = arith.subf %get3A_24, %get3A_1 : vector<256x128xf32>
    %concatenate3A_26 = tpu.concatenate %sub3A_25, %get3A_1 in 1 : vector<256x128xf32>, vector<256x128xf32> -> vector<256x256xf32>
    %dot_general3A_27 = arith.constant dense<0.000000e+00> : vector<256x256xf32>
    %dot_general3A_28 = tpu.matmul %concatenate3A_26, %get3A_4, %dot_general3A_27 {dimension_numbers = #tpu.dot_dimension_numbers<[1], [1], [0], [0], [0, 0, 1, 0], [], []>, transpose_lhs_hint = false} : vector<256x256xf32>, vector<256x256xf32>, vector<256x256xf32> -> vector<256x256xf32>
    %max3A = arith.maximumf %dot_general3A_13, %dot_general3A_28 : vector<256x256xf32>
    %reduce_sum3A_29 = arith.constant dense<0.000000e+00> : vector<256xf32>
    %reduce_sum3A_30 = vector.multi_reduction <add>, %dot_general3A_28, %reduce_sum3A_29 [0] : vector<256x256xf32> to vector<256xf32>
    %broadcast_in_dim3A_31 = vector.shape_cast %reduce_sum3A_30 : vector<256xf32> to vector<1x256xf32>
    %add3A_32 = arith.addf %add3A, %broadcast_in_dim3A_31 : vector<1x256xf32>
    %mul3A_33 = arith.mulf %dot_general3A_28, %dot_general3A_28 : vector<256x256xf32>
    %reduce_sum3A_34 = arith.constant dense<0.000000e+00> : vector<256xf32>
    %reduce_sum3A_35 = vector.multi_reduction <add>, %mul3A_33, %reduce_sum3A_34 [0] : vector<256x256xf32> to vector<256xf32>
    %broadcast_in_dim3A_36 = vector.shape_cast %reduce_sum3A_35 : vector<256xf32> to vector<1x256xf32>
    %add3A_37 = arith.addf %add3A_19, %broadcast_in_dim3A_36 : vector<1x256xf32>
    %get3A_38 = arith.constant 0 : index
    %get3A_39 = arith.constant 2 : index
    %get3A_40 = arith.constant 0 : index
    %get3A_41 = vector.load %arg2[%get3A_38, %get3A_39, %get3A_40] : memref<256x20x128xf32, #tpu.memory_space<vmem>>, vector<256x1x128xf32>
    %get3A_42 = vector.shape_cast %get3A_41 : vector<256x1x128xf32> to vector<256x128xf32>
    %sub3A_43 = arith.subf %get3A_42, %get3A_1 : vector<256x128xf32>
    %concatenate3A_44 = tpu.concatenate %sub3A_43, %get3A_1 in 1 : vector<256x128xf32>, vector<256x128xf32> -> vector<256x256xf32>
    %dot_general3A_45 = arith.constant dense<0.000000e+00> : vector<256x256xf32>
    %dot_general3A_46 = tpu.matmul %concatenate3A_44, %get3A_4, %dot_general3A_45 {dimension_numbers = #tpu.dot_dimension_numbers<[1], [1], [0], [0], [0, 0, 1, 0], [], []>, transpose_lhs_hint = false} : vector<256x256xf32>, vector<256x256xf32>, vector<256x256xf32> -> vector<256x256xf32>
    %max3A_47 = arith.maximumf %max3A, %dot_general3A_46 : vector<256x256xf32>
    %reduce_sum3A_48 = arith.constant dense<0.000000e+00> : vector<256xf32>
    %reduce_sum3A_49 = vector.multi_reduction <add>, %dot_general3A_46, %reduce_sum3A_48 [0] : vector<256x256xf32> to vector<256xf32>
    %broadcast_in_dim3A_50 = vector.shape_cast %reduce_sum3A_49 : vector<256xf32> to vector<1x256xf32>
    %add3A_51 = arith.addf %add3A_32, %broadcast_in_dim3A_50 : vector<1x256xf32>
    %mul3A_52 = arith.mulf %dot_general3A_46, %dot_general3A_46 : vector<256x256xf32>
    %reduce_sum3A_53 = arith.constant dense<0.000000e+00> : vector<256xf32>
    %reduce_sum3A_54 = vector.multi_reduction <add>, %mul3A_52, %reduce_sum3A_53 [0] : vector<256x256xf32> to vector<256xf32>
    %broadcast_in_dim3A_55 = vector.shape_cast %reduce_sum3A_54 : vector<256xf32> to vector<1x256xf32>
    %add3A_56 = arith.addf %add3A_37, %broadcast_in_dim3A_55 : vector<1x256xf32>
    %get3A_57 = arith.constant 0 : index
    %get3A_58 = arith.constant 3 : index
    %get3A_59 = arith.constant 0 : index
    %get3A_60 = vector.load %arg2[%get3A_57, %get3A_58, %get3A_59] : memref<256x20x128xf32, #tpu.memory_space<vmem>>, vector<256x1x128xf32>
    %get3A_61 = vector.shape_cast %get3A_60 : vector<256x1x128xf32> to vector<256x128xf32>
    %sub3A_62 = arith.subf %get3A_61, %get3A_1 : vector<256x128xf32>
    %concatenate3A_63 = tpu.concatenate %sub3A_62, %get3A_1 in 1 : vector<256x128xf32>, vector<256x128xf32> -> vector<256x256xf32>
    %dot_general3A_64 = arith.constant dense<0.000000e+00> : vector<256x256xf32>
    %dot_general3A_65 = tpu.matmul %concatenate3A_63, %get3A_4, %dot_general3A_64 {dimension_numbers = #tpu.dot_dimension_numbers<[1], [1], [0], [0], [0, 0, 1, 0], [], []>, transpose_lhs_hint = false} : vector<256x256xf32>, vector<256x256xf32>, vector<256x256xf32> -> vector<256x256xf32>
    %max3A_66 = arith.maximumf %max3A_47, %dot_general3A_65 : vector<256x256xf32>
    %reduce_sum3A_67 = arith.constant dense<0.000000e+00> : vector<256xf32>
    %reduce_sum3A_68 = vector.multi_reduction <add>, %dot_general3A_65, %reduce_sum3A_67 [0] : vector<256x256xf32> to vector<256xf32>
    %broadcast_in_dim3A_69 = vector.shape_cast %reduce_sum3A_68 : vector<256xf32> to vector<1x256xf32>
    %add3A_70 = arith.addf %add3A_51, %broadcast_in_dim3A_69 : vector<1x256xf32>
    %mul3A_71 = arith.mulf %dot_general3A_65, %dot_general3A_65 : vector<256x256xf32>
    %reduce_sum3A_72 = arith.constant dense<0.000000e+00> : vector<256xf32>
    %reduce_sum3A_73 = vector.multi_reduction <add>, %mul3A_71, %reduce_sum3A_72 [0] : vector<256x256xf32> to vector<256xf32>
    %broadcast_in_dim3A_74 = vector.shape_cast %reduce_sum3A_73 : vector<256xf32> to vector<1x256xf32>
    %add3A_75 = arith.addf %add3A_56, %broadcast_in_dim3A_74 : vector<1x256xf32>
    %get3A_76 = arith.constant 0 : index
    %get3A_77 = arith.constant 4 : index
    %get3A_78 = arith.constant 0 : index
    %get3A_79 = vector.load %arg2[%get3A_76, %get3A_77, %get3A_78] : memref<256x20x128xf32, #tpu.memory_space<vmem>>, vector<256x1x128xf32>
    %get3A_80 = vector.shape_cast %get3A_79 : vector<256x1x128xf32> to vector<256x128xf32>
    %sub3A_81 = arith.subf %get3A_80, %get3A_1 : vector<256x128xf32>
    %concatenate3A_82 = tpu.concatenate %sub3A_81, %get3A_1 in 1 : vector<256x128xf32>, vector<256x128xf32> -> vector<256x256xf32>
    %dot_general3A_83 = arith.constant dense<0.000000e+00> : vector<256x256xf32>
    %dot_general3A_84 = tpu.matmul %concatenate3A_82, %get3A_4, %dot_general3A_83 {dimension_numbers = #tpu.dot_dimension_numbers<[1], [1], [0], [0], [0, 0, 1, 0], [], []>, transpose_lhs_hint = false} : vector<256x256xf32>, vector<256x256xf32>, vector<256x256xf32> -> vector<256x256xf32>
    %max3A_85 = arith.maximumf %max3A_66, %dot_general3A_84 : vector<256x256xf32>
    %reduce_sum3A_86 = arith.constant dense<0.000000e+00> : vector<256xf32>
    %reduce_sum3A_87 = vector.multi_reduction <add>, %dot_general3A_84, %reduce_sum3A_86 [0] : vector<256x256xf32> to vector<256xf32>
    %broadcast_in_dim3A_88 = vector.shape_cast %reduce_sum3A_87 : vector<256xf32> to vector<1x256xf32>
    %add3A_89 = arith.addf %add3A_70, %broadcast_in_dim3A_88 : vector<1x256xf32>
    %mul3A_90 = arith.mulf %dot_general3A_84, %dot_general3A_84 : vector<256x256xf32>
    %reduce_sum3A_91 = arith.constant dense<0.000000e+00> : vector<256xf32>
    %reduce_sum3A_92 = vector.multi_reduction <add>, %mul3A_90, %reduce_sum3A_91 [0] : vector<256x256xf32> to vector<256xf32>
    %broadcast_in_dim3A_93 = vector.shape_cast %reduce_sum3A_92 : vector<256xf32> to vector<1x256xf32>
    %add3A_94 = arith.addf %add3A_75, %broadcast_in_dim3A_93 : vector<1x256xf32>
    %get3A_95 = arith.constant 0 : index
    %get3A_96 = arith.constant 5 : index
    %get3A_97 = arith.constant 0 : index
    %get3A_98 = vector.load %arg2[%get3A_95, %get3A_96, %get3A_97] : memref<256x20x128xf32, #tpu.memory_space<vmem>>, vector<256x1x128xf32>
    %get3A_99 = vector.shape_cast %get3A_98 : vector<256x1x128xf32> to vector<256x128xf32>
    %sub3A_100 = arith.subf %get3A_99, %get3A_1 : vector<256x128xf32>
    %concatenate3A_101 = tpu.concatenate %sub3A_100, %get3A_1 in 1 : vector<256x128xf32>, vector<256x128xf32> -> vector<256x256xf32>
    %dot_general3A_102 = arith.constant dense<0.000000e+00> : vector<256x256xf32>
    %dot_general3A_103 = tpu.matmul %concatenate3A_101, %get3A_4, %dot_general3A_102 {dimension_numbers = #tpu.dot_dimension_numbers<[1], [1], [0], [0], [0, 0, 1, 0], [], []>, transpose_lhs_hint = false} : vector<256x256xf32>, vector<256x256xf32>, vector<256x256xf32> -> vector<256x256xf32>
    %max3A_104 = arith.maximumf %max3A_85, %dot_general3A_103 : vector<256x256xf32>
    %reduce_sum3A_105 = arith.constant dense<0.000000e+00> : vector<256xf32>
    %reduce_sum3A_106 = vector.multi_reduction <add>, %dot_general3A_103, %reduce_sum3A_105 [0] : vector<256x256xf32> to vector<256xf32>
    %broadcast_in_dim3A_107 = vector.shape_cast %reduce_sum3A_106 : vector<256xf32> to vector<1x256xf32>
    %add3A_108 = arith.addf %add3A_89, %broadcast_in_dim3A_107 : vector<1x256xf32>
    %mul3A_109 = arith.mulf %dot_general3A_103, %dot_general3A_103 : vector<256x256xf32>
    %reduce_sum3A_110 = arith.constant dense<0.000000e+00> : vector<256xf32>
    %reduce_sum3A_111 = vector.multi_reduction <add>, %mul3A_109, %reduce_sum3A_110 [0] : vector<256x256xf32> to vector<256xf32>
    %broadcast_in_dim3A_112 = vector.shape_cast %reduce_sum3A_111 : vector<256xf32> to vector<1x256xf32>
    %add3A_113 = arith.addf %add3A_94, %broadcast_in_dim3A_112 : vector<1x256xf32>
    %get3A_114 = arith.constant 0 : index
    %get3A_115 = arith.constant 6 : index
    %get3A_116 = arith.constant 0 : index
    %get3A_117 = vector.load %arg2[%get3A_114, %get3A_115, %get3A_116] : memref<256x20x128xf32, #tpu.memory_space<vmem>>, vector<256x1x128xf32>
    %get3A_118 = vector.shape_cast %get3A_117 : vector<256x1x128xf32> to vector<256x128xf32>
    %sub3A_119 = arith.subf %get3A_118, %get3A_1 : vector<256x128xf32>
    %concatenate3A_120 = tpu.concatenate %sub3A_119, %get3A_1 in 1 : vector<256x128xf32>, vector<256x128xf32> -> vector<256x256xf32>
    %dot_general3A_121 = arith.constant dense<0.000000e+00> : vector<256x256xf32>
    %dot_general3A_122 = tpu.matmul %concatenate3A_120, %get3A_4, %dot_general3A_121 {dimension_numbers = #tpu.dot_dimension_numbers<[1], [1], [0], [0], [0, 0, 1, 0], [], []>, transpose_lhs_hint = false} : vector<256x256xf32>, vector<256x256xf32>, vector<256x256xf32> -> vector<256x256xf32>
    %max3A_123 = arith.maximumf %max3A_104, %dot_general3A_122 : vector<256x256xf32>
    %reduce_sum3A_124 = arith.constant dense<0.000000e+00> : vector<256xf32>
    %reduce_sum3A_125 = vector.multi_reduction <add>, %dot_general3A_122, %reduce_sum3A_124 [0] : vector<256x256xf32> to vector<256xf32>
    %broadcast_in_dim3A_126 = vector.shape_cast %reduce_sum3A_125 : vector<256xf32> to vector<1x256xf32>
    %add3A_127 = arith.addf %add3A_108, %broadcast_in_dim3A_126 : vector<1x256xf32>
    %mul3A_128 = arith.mulf %dot_general3A_122, %dot_general3A_122 : vector<256x256xf32>
    %reduce_sum3A_129 = arith.constant dense<0.000000e+00> : vector<256xf32>
    %reduce_sum3A_130 = vector.multi_reduction <add>, %mul3A_128, %reduce_sum3A_129 [0] : vector<256x256xf32> to vector<256xf32>
    %broadcast_in_dim3A_131 = vector.shape_cast %reduce_sum3A_130 : vector<256xf32> to vector<1x256xf32>
    %add3A_132 = arith.addf %add3A_113, %broadcast_in_dim3A_131 : vector<1x256xf32>
    %get3A_133 = arith.constant 0 : index
    %get3A_134 = arith.constant 7 : index
    %get3A_135 = arith.constant 0 : index
    %get3A_136 = vector.load %arg2[%get3A_133, %get3A_134, %get3A_135] : memref<256x20x128xf32, #tpu.memory_space<vmem>>, vector<256x1x128xf32>
    %get3A_137 = vector.shape_cast %get3A_136 : vector<256x1x128xf32> to vector<256x128xf32>
    %sub3A_138 = arith.subf %get3A_137, %get3A_1 : vector<256x128xf32>
    %concatenate3A_139 = tpu.concatenate %sub3A_138, %get3A_1 in 1 : vector<256x128xf32>, vector<256x128xf32> -> vector<256x256xf32>
    %dot_general3A_140 = arith.constant dense<0.000000e+00> : vector<256x256xf32>
    %dot_general3A_141 = tpu.matmul %concatenate3A_139, %get3A_4, %dot_general3A_140 {dimension_numbers = #tpu.dot_dimension_numbers<[1], [1], [0], [0], [0, 0, 1, 0], [], []>, transpose_lhs_hint = false} : vector<256x256xf32>, vector<256x256xf32>, vector<256x256xf32> -> vector<256x256xf32>
    %max3A_142 = arith.maximumf %max3A_123, %dot_general3A_141 : vector<256x256xf32>
    %reduce_sum3A_143 = arith.constant dense<0.000000e+00> : vector<256xf32>
    %reduce_sum3A_144 = vector.multi_reduction <add>, %dot_general3A_141, %reduce_sum3A_143 [0] : vector<256x256xf32> to vector<256xf32>
    %broadcast_in_dim3A_145 = vector.shape_cast %reduce_sum3A_144 : vector<256xf32> to vector<1x256xf32>
    %add3A_146 = arith.addf %add3A_127, %broadcast_in_dim3A_145 : vector<1x256xf32>
    %mul3A_147 = arith.mulf %dot_general3A_141, %dot_general3A_141 : vector<256x256xf32>
    %reduce_sum3A_148 = arith.constant dense<0.000000e+00> : vector<256xf32>
    %reduce_sum3A_149 = vector.multi_reduction <add>, %mul3A_147, %reduce_sum3A_148 [0] : vector<256x256xf32> to vector<256xf32>
    %broadcast_in_dim3A_150 = vector.shape_cast %reduce_sum3A_149 : vector<256xf32> to vector<1x256xf32>
    %add3A_151 = arith.addf %add3A_132, %broadcast_in_dim3A_150 : vector<1x256xf32>
    %get3A_152 = arith.constant 0 : index
    %get3A_153 = arith.constant 8 : index
    %get3A_154 = arith.constant 0 : index
    %get3A_155 = vector.load %arg2[%get3A_152, %get3A_153, %get3A_154] : memref<256x20x128xf32, #tpu.memory_space<vmem>>, vector<256x1x128xf32>
    %get3A_156 = vector.shape_cast %get3A_155 : vector<256x1x128xf32> to vector<256x128xf32>
    %sub3A_157 = arith.subf %get3A_156, %get3A_1 : vector<256x128xf32>
    %concatenate3A_158 = tpu.concatenate %sub3A_157, %get3A_1 in 1 : vector<256x128xf32>, vector<256x128xf32> -> vector<256x256xf32>
    %dot_general3A_159 = arith.constant dense<0.000000e+00> : vector<256x256xf32>
    %dot_general3A_160 = tpu.matmul %concatenate3A_158, %get3A_4, %dot_general3A_159 {dimension_numbers = #tpu.dot_dimension_numbers<[1], [1], [0], [0], [0, 0, 1, 0], [], []>, transpose_lhs_hint = false} : vector<256x256xf32>, vector<256x256xf32>, vector<256x256xf32> -> vector<256x256xf32>
    %max3A_161 = arith.maximumf %max3A_142, %dot_general3A_160 : vector<256x256xf32>
    %reduce_sum3A_162 = arith.constant dense<0.000000e+00> : vector<256xf32>
    %reduce_sum3A_163 = vector.multi_reduction <add>, %dot_general3A_160, %reduce_sum3A_162 [0] : vector<256x256xf32> to vector<256xf32>
    %broadcast_in_dim3A_164 = vector.shape_cast %reduce_sum3A_163 : vector<256xf32> to vector<1x256xf32>
    %add3A_165 = arith.addf %add3A_146, %broadcast_in_dim3A_164 : vector<1x256xf32>
    %mul3A_166 = arith.mulf %dot_general3A_160, %dot_general3A_160 : vector<256x256xf32>
    %reduce_sum3A_167 = arith.constant dense<0.000000e+00> : vector<256xf32>
    %reduce_sum3A_168 = vector.multi_reduction <add>, %mul3A_166, %reduce_sum3A_167 [0] : vector<256x256xf32> to vector<256xf32>
    %broadcast_in_dim3A_169 = vector.shape_cast %reduce_sum3A_168 : vector<256xf32> to vector<1x256xf32>
    %add3A_170 = arith.addf %add3A_151, %broadcast_in_dim3A_169 : vector<1x256xf32>
    %get3A_171 = arith.constant 0 : index
    %get3A_172 = arith.constant 9 : index
    %get3A_173 = arith.constant 0 : index
    %get3A_174 = vector.load %arg2[%get3A_171, %get3A_172, %get3A_173] : memref<256x20x128xf32, #tpu.memory_space<vmem>>, vector<256x1x128xf32>
    %get3A_175 = vector.shape_cast %get3A_174 : vector<256x1x128xf32> to vector<256x128xf32>
    %sub3A_176 = arith.subf %get3A_175, %get3A_1 : vector<256x128xf32>
    %concatenate3A_177 = tpu.concatenate %sub3A_176, %get3A_1 in 1 : vector<256x128xf32>, vector<256x128xf32> -> vector<256x256xf32>
    %dot_general3A_178 = arith.constant dense<0.000000e+00> : vector<256x256xf32>
    %dot_general3A_179 = tpu.matmul %concatenate3A_177, %get3A_4, %dot_general3A_178 {dimension_numbers = #tpu.dot_dimension_numbers<[1], [1], [0], [0], [0, 0, 1, 0], [], []>, transpose_lhs_hint = false} : vector<256x256xf32>, vector<256x256xf32>, vector<256x256xf32> -> vector<256x256xf32>
    %max3A_180 = arith.maximumf %max3A_161, %dot_general3A_179 : vector<256x256xf32>
    %reduce_sum3A_181 = arith.constant dense<0.000000e+00> : vector<256xf32>
    %reduce_sum3A_182 = vector.multi_reduction <add>, %dot_general3A_179, %reduce_sum3A_181 [0] : vector<256x256xf32> to vector<256xf32>
    %broadcast_in_dim3A_183 = vector.shape_cast %reduce_sum3A_182 : vector<256xf32> to vector<1x256xf32>
    %add3A_184 = arith.addf %add3A_165, %broadcast_in_dim3A_183 : vector<1x256xf32>
    %mul3A_185 = arith.mulf %dot_general3A_179, %dot_general3A_179 : vector<256x256xf32>
    %reduce_sum3A_186 = arith.constant dense<0.000000e+00> : vector<256xf32>
    %reduce_sum3A_187 = vector.multi_reduction <add>, %mul3A_185, %reduce_sum3A_186 [0] : vector<256x256xf32> to vector<256xf32>
    %broadcast_in_dim3A_188 = vector.shape_cast %reduce_sum3A_187 : vector<256xf32> to vector<1x256xf32>
    %add3A_189 = arith.addf %add3A_170, %broadcast_in_dim3A_188 : vector<1x256xf32>
    %get3A_190 = arith.constant 0 : index
    %get3A_191 = arith.constant 10 : index
    %get3A_192 = arith.constant 0 : index
    %get3A_193 = vector.load %arg2[%get3A_190, %get3A_191, %get3A_192] : memref<256x20x128xf32, #tpu.memory_space<vmem>>, vector<256x1x128xf32>
    %get3A_194 = vector.shape_cast %get3A_193 : vector<256x1x128xf32> to vector<256x128xf32>
    %sub3A_195 = arith.subf %get3A_194, %get3A_1 : vector<256x128xf32>
    %concatenate3A_196 = tpu.concatenate %sub3A_195, %get3A_1 in 1 : vector<256x128xf32>, vector<256x128xf32> -> vector<256x256xf32>
    %dot_general3A_197 = arith.constant dense<0.000000e+00> : vector<256x256xf32>
    %dot_general3A_198 = tpu.matmul %concatenate3A_196, %get3A_4, %dot_general3A_197 {dimension_numbers = #tpu.dot_dimension_numbers<[1], [1], [0], [0], [0, 0, 1, 0], [], []>, transpose_lhs_hint = false} : vector<256x256xf32>, vector<256x256xf32>, vector<256x256xf32> -> vector<256x256xf32>
    %max3A_199 = arith.maximumf %max3A_180, %dot_general3A_198 : vector<256x256xf32>
    %reduce_sum3A_200 = arith.constant dense<0.000000e+00> : vector<256xf32>
    %reduce_sum3A_201 = vector.multi_reduction <add>, %dot_general3A_198, %reduce_sum3A_200 [0] : vector<256x256xf32> to vector<256xf32>
    %broadcast_in_dim3A_202 = vector.shape_cast %reduce_sum3A_201 : vector<256xf32> to vector<1x256xf32>
    %add3A_203 = arith.addf %add3A_184, %broadcast_in_dim3A_202 : vector<1x256xf32>
    %mul3A_204 = arith.mulf %dot_general3A_198, %dot_general3A_198 : vector<256x256xf32>
    %reduce_sum3A_205 = arith.constant dense<0.000000e+00> : vector<256xf32>
    %reduce_sum3A_206 = vector.multi_reduction <add>, %mul3A_204, %reduce_sum3A_205 [0] : vector<256x256xf32> to vector<256xf32>
    %broadcast_in_dim3A_207 = vector.shape_cast %reduce_sum3A_206 : vector<256xf32> to vector<1x256xf32>
    %add3A_208 = arith.addf %add3A_189, %broadcast_in_dim3A_207 : vector<1x256xf32>
    %get3A_209 = arith.constant 0 : index
    %get3A_210 = arith.constant 11 : index
    %get3A_211 = arith.constant 0 : index
    %get3A_212 = vector.load %arg2[%get3A_209, %get3A_210, %get3A_211] : memref<256x20x128xf32, #tpu.memory_space<vmem>>, vector<256x1x128xf32>
    %get3A_213 = vector.shape_cast %get3A_212 : vector<256x1x128xf32> to vector<256x128xf32>
    %sub3A_214 = arith.subf %get3A_213, %get3A_1 : vector<256x128xf32>
    %concatenate3A_215 = tpu.concatenate %sub3A_214, %get3A_1 in 1 : vector<256x128xf32>, vector<256x128xf32> -> vector<256x256xf32>
    %dot_general3A_216 = arith.constant dense<0.000000e+00> : vector<256x256xf32>
    %dot_general3A_217 = tpu.matmul %concatenate3A_215, %get3A_4, %dot_general3A_216 {dimension_numbers = #tpu.dot_dimension_numbers<[1], [1], [0], [0], [0, 0, 1, 0], [], []>, transpose_lhs_hint = false} : vector<256x256xf32>, vector<256x256xf32>, vector<256x256xf32> -> vector<256x256xf32>
    %max3A_218 = arith.maximumf %max3A_199, %dot_general3A_217 : vector<256x256xf32>
    %reduce_sum3A_219 = arith.constant dense<0.000000e+00> : vector<256xf32>
    %reduce_sum3A_220 = vector.multi_reduction <add>, %dot_general3A_217, %reduce_sum3A_219 [0] : vector<256x256xf32> to vector<256xf32>
    %broadcast_in_dim3A_221 = vector.shape_cast %reduce_sum3A_220 : vector<256xf32> to vector<1x256xf32>
    %add3A_222 = arith.addf %add3A_203, %broadcast_in_dim3A_221 : vector<1x256xf32>
    %mul3A_223 = arith.mulf %dot_general3A_217, %dot_general3A_217 : vector<256x256xf32>
    %reduce_sum3A_224 = arith.constant dense<0.000000e+00> : vector<256xf32>
    %reduce_sum3A_225 = vector.multi_reduction <add>, %mul3A_223, %reduce_sum3A_224 [0] : vector<256x256xf32> to vector<256xf32>
    %broadcast_in_dim3A_226 = vector.shape_cast %reduce_sum3A_225 : vector<256xf32> to vector<1x256xf32>
    %add3A_227 = arith.addf %add3A_208, %broadcast_in_dim3A_226 : vector<1x256xf32>
    %get3A_228 = arith.constant 0 : index
    %get3A_229 = arith.constant 12 : index
    %get3A_230 = arith.constant 0 : index
    %get3A_231 = vector.load %arg2[%get3A_228, %get3A_229, %get3A_230] : memref<256x20x128xf32, #tpu.memory_space<vmem>>, vector<256x1x128xf32>
    %get3A_232 = vector.shape_cast %get3A_231 : vector<256x1x128xf32> to vector<256x128xf32>
    %sub3A_233 = arith.subf %get3A_232, %get3A_1 : vector<256x128xf32>
    %concatenate3A_234 = tpu.concatenate %sub3A_233, %get3A_1 in 1 : vector<256x128xf32>, vector<256x128xf32> -> vector<256x256xf32>
    %dot_general3A_235 = arith.constant dense<0.000000e+00> : vector<256x256xf32>
    %dot_general3A_236 = tpu.matmul %concatenate3A_234, %get3A_4, %dot_general3A_235 {dimension_numbers = #tpu.dot_dimension_numbers<[1], [1], [0], [0], [0, 0, 1, 0], [], []>, transpose_lhs_hint = false} : vector<256x256xf32>, vector<256x256xf32>, vector<256x256xf32> -> vector<256x256xf32>
    %max3A_237 = arith.maximumf %max3A_218, %dot_general3A_236 : vector<256x256xf32>
    %reduce_sum3A_238 = arith.constant dense<0.000000e+00> : vector<256xf32>
    %reduce_sum3A_239 = vector.multi_reduction <add>, %dot_general3A_236, %reduce_sum3A_238 [0] : vector<256x256xf32> to vector<256xf32>
    %broadcast_in_dim3A_240 = vector.shape_cast %reduce_sum3A_239 : vector<256xf32> to vector<1x256xf32>
    %add3A_241 = arith.addf %add3A_222, %broadcast_in_dim3A_240 : vector<1x256xf32>
    %mul3A_242 = arith.mulf %dot_general3A_236, %dot_general3A_236 : vector<256x256xf32>
    %reduce_sum3A_243 = arith.constant dense<0.000000e+00> : vector<256xf32>
    %reduce_sum3A_244 = vector.multi_reduction <add>, %mul3A_242, %reduce_sum3A_243 [0] : vector<256x256xf32> to vector<256xf32>
    %broadcast_in_dim3A_245 = vector.shape_cast %reduce_sum3A_244 : vector<256xf32> to vector<1x256xf32>
    %add3A_246 = arith.addf %add3A_227, %broadcast_in_dim3A_245 : vector<1x256xf32>
    %get3A_247 = arith.constant 0 : index
    %get3A_248 = arith.constant 13 : index
    %get3A_249 = arith.constant 0 : index
    %get3A_250 = vector.load %arg2[%get3A_247, %get3A_248, %get3A_249] : memref<256x20x128xf32, #tpu.memory_space<vmem>>, vector<256x1x128xf32>
    %get3A_251 = vector.shape_cast %get3A_250 : vector<256x1x128xf32> to vector<256x128xf32>
    %sub3A_252 = arith.subf %get3A_251, %get3A_1 : vector<256x128xf32>
    %concatenate3A_253 = tpu.concatenate %sub3A_252, %get3A_1 in 1 : vector<256x128xf32>, vector<256x128xf32> -> vector<256x256xf32>
    %dot_general3A_254 = arith.constant dense<0.000000e+00> : vector<256x256xf32>
    %dot_general3A_255 = tpu.matmul %concatenate3A_253, %get3A_4, %dot_general3A_254 {dimension_numbers = #tpu.dot_dimension_numbers<[1], [1], [0], [0], [0, 0, 1, 0], [], []>, transpose_lhs_hint = false} : vector<256x256xf32>, vector<256x256xf32>, vector<256x256xf32> -> vector<256x256xf32>
    %max3A_256 = arith.maximumf %max3A_237, %dot_general3A_255 : vector<256x256xf32>
    %reduce_sum3A_257 = arith.constant dense<0.000000e+00> : vector<256xf32>
    %reduce_sum3A_258 = vector.multi_reduction <add>, %dot_general3A_255, %reduce_sum3A_257 [0] : vector<256x256xf32> to vector<256xf32>
    %broadcast_in_dim3A_259 = vector.shape_cast %reduce_sum3A_258 : vector<256xf32> to vector<1x256xf32>
    %add3A_260 = arith.addf %add3A_241, %broadcast_in_dim3A_259 : vector<1x256xf32>
    %mul3A_261 = arith.mulf %dot_general3A_255, %dot_general3A_255 : vector<256x256xf32>
    %reduce_sum3A_262 = arith.constant dense<0.000000e+00> : vector<256xf32>
    %reduce_sum3A_263 = vector.multi_reduction <add>, %mul3A_261, %reduce_sum3A_262 [0] : vector<256x256xf32> to vector<256xf32>
    %broadcast_in_dim3A_264 = vector.shape_cast %reduce_sum3A_263 : vector<256xf32> to vector<1x256xf32>
    %add3A_265 = arith.addf %add3A_246, %broadcast_in_dim3A_264 : vector<1x256xf32>
    %get3A_266 = arith.constant 0 : index
    %get3A_267 = arith.constant 14 : index
    %get3A_268 = arith.constant 0 : index
    %get3A_269 = vector.load %arg2[%get3A_266, %get3A_267, %get3A_268] : memref<256x20x128xf32, #tpu.memory_space<vmem>>, vector<256x1x128xf32>
    %get3A_270 = vector.shape_cast %get3A_269 : vector<256x1x128xf32> to vector<256x128xf32>
    %sub3A_271 = arith.subf %get3A_270, %get3A_1 : vector<256x128xf32>
    %concatenate3A_272 = tpu.concatenate %sub3A_271, %get3A_1 in 1 : vector<256x128xf32>, vector<256x128xf32> -> vector<256x256xf32>
    %dot_general3A_273 = arith.constant dense<0.000000e+00> : vector<256x256xf32>
    %dot_general3A_274 = tpu.matmul %concatenate3A_272, %get3A_4, %dot_general3A_273 {dimension_numbers = #tpu.dot_dimension_numbers<[1], [1], [0], [0], [0, 0, 1, 0], [], []>, transpose_lhs_hint = false} : vector<256x256xf32>, vector<256x256xf32>, vector<256x256xf32> -> vector<256x256xf32>
    %max3A_275 = arith.maximumf %max3A_256, %dot_general3A_274 : vector<256x256xf32>
    %reduce_sum3A_276 = arith.constant dense<0.000000e+00> : vector<256xf32>
    %reduce_sum3A_277 = vector.multi_reduction <add>, %dot_general3A_274, %reduce_sum3A_276 [0] : vector<256x256xf32> to vector<256xf32>
    %broadcast_in_dim3A_278 = vector.shape_cast %reduce_sum3A_277 : vector<256xf32> to vector<1x256xf32>
    %add3A_279 = arith.addf %add3A_260, %broadcast_in_dim3A_278 : vector<1x256xf32>
    %mul3A_280 = arith.mulf %dot_general3A_274, %dot_general3A_274 : vector<256x256xf32>
    %reduce_sum3A_281 = arith.constant dense<0.000000e+00> : vector<256xf32>
    %reduce_sum3A_282 = vector.multi_reduction <add>, %mul3A_280, %reduce_sum3A_281 [0] : vector<256x256xf32> to vector<256xf32>
    %broadcast_in_dim3A_283 = vector.shape_cast %reduce_sum3A_282 : vector<256xf32> to vector<1x256xf32>
    %add3A_284 = arith.addf %add3A_265, %broadcast_in_dim3A_283 : vector<1x256xf32>
    %get3A_285 = arith.constant 0 : index
    %get3A_286 = arith.constant 15 : index
    %get3A_287 = arith.constant 0 : index
    %get3A_288 = vector.load %arg2[%get3A_285, %get3A_286, %get3A_287] : memref<256x20x128xf32, #tpu.memory_space<vmem>>, vector<256x1x128xf32>
    %get3A_289 = vector.shape_cast %get3A_288 : vector<256x1x128xf32> to vector<256x128xf32>
    %sub3A_290 = arith.subf %get3A_289, %get3A_1 : vector<256x128xf32>
    %concatenate3A_291 = tpu.concatenate %sub3A_290, %get3A_1 in 1 : vector<256x128xf32>, vector<256x128xf32> -> vector<256x256xf32>
    %dot_general3A_292 = arith.constant dense<0.000000e+00> : vector<256x256xf32>
    %dot_general3A_293 = tpu.matmul %concatenate3A_291, %get3A_4, %dot_general3A_292 {dimension_numbers = #tpu.dot_dimension_numbers<[1], [1], [0], [0], [0, 0, 1, 0], [], []>, transpose_lhs_hint = false} : vector<256x256xf32>, vector<256x256xf32>, vector<256x256xf32> -> vector<256x256xf32>
    %max3A_294 = arith.maximumf %max3A_275, %dot_general3A_293 : vector<256x256xf32>
    %reduce_sum3A_295 = arith.constant dense<0.000000e+00> : vector<256xf32>
    %reduce_sum3A_296 = vector.multi_reduction <add>, %dot_general3A_293, %reduce_sum3A_295 [0] : vector<256x256xf32> to vector<256xf32>
    %broadcast_in_dim3A_297 = vector.shape_cast %reduce_sum3A_296 : vector<256xf32> to vector<1x256xf32>
    %add3A_298 = arith.addf %add3A_279, %broadcast_in_dim3A_297 : vector<1x256xf32>
    %mul3A_299 = arith.mulf %dot_general3A_293, %dot_general3A_293 : vector<256x256xf32>
    %reduce_sum3A_300 = arith.constant dense<0.000000e+00> : vector<256xf32>
    %reduce_sum3A_301 = vector.multi_reduction <add>, %mul3A_299, %reduce_sum3A_300 [0] : vector<256x256xf32> to vector<256xf32>
    %broadcast_in_dim3A_302 = vector.shape_cast %reduce_sum3A_301 : vector<256xf32> to vector<1x256xf32>
    %add3A_303 = arith.addf %add3A_284, %broadcast_in_dim3A_302 : vector<1x256xf32>
    %get3A_304 = arith.constant 0 : index
    %get3A_305 = arith.constant 16 : index
    %get3A_306 = arith.constant 0 : index
    %get3A_307 = vector.load %arg2[%get3A_304, %get3A_305, %get3A_306] : memref<256x20x128xf32, #tpu.memory_space<vmem>>, vector<256x1x128xf32>
    %get3A_308 = vector.shape_cast %get3A_307 : vector<256x1x128xf32> to vector<256x128xf32>
    %sub3A_309 = arith.subf %get3A_308, %get3A_1 : vector<256x128xf32>
    %concatenate3A_310 = tpu.concatenate %sub3A_309, %get3A_1 in 1 : vector<256x128xf32>, vector<256x128xf32> -> vector<256x256xf32>
    %dot_general3A_311 = arith.constant dense<0.000000e+00> : vector<256x256xf32>
    %dot_general3A_312 = tpu.matmul %concatenate3A_310, %get3A_4, %dot_general3A_311 {dimension_numbers = #tpu.dot_dimension_numbers<[1], [1], [0], [0], [0, 0, 1, 0], [], []>, transpose_lhs_hint = false} : vector<256x256xf32>, vector<256x256xf32>, vector<256x256xf32> -> vector<256x256xf32>
    %max3A_313 = arith.maximumf %max3A_294, %dot_general3A_312 : vector<256x256xf32>
    %reduce_sum3A_314 = arith.constant dense<0.000000e+00> : vector<256xf32>
    %reduce_sum3A_315 = vector.multi_reduction <add>, %dot_general3A_312, %reduce_sum3A_314 [0] : vector<256x256xf32> to vector<256xf32>
    %broadcast_in_dim3A_316 = vector.shape_cast %reduce_sum3A_315 : vector<256xf32> to vector<1x256xf32>
    %add3A_317 = arith.addf %add3A_298, %broadcast_in_dim3A_316 : vector<1x256xf32>
    %mul3A_318 = arith.mulf %dot_general3A_312, %dot_general3A_312 : vector<256x256xf32>
    %reduce_sum3A_319 = arith.constant dense<0.000000e+00> : vector<256xf32>
    %reduce_sum3A_320 = vector.multi_reduction <add>, %mul3A_318, %reduce_sum3A_319 [0] : vector<256x256xf32> to vector<256xf32>
    %broadcast_in_dim3A_321 = vector.shape_cast %reduce_sum3A_320 : vector<256xf32> to vector<1x256xf32>
    %add3A_322 = arith.addf %add3A_303, %broadcast_in_dim3A_321 : vector<1x256xf32>
    %get3A_323 = arith.constant 0 : index
    %get3A_324 = arith.constant 17 : index
    %get3A_325 = arith.constant 0 : index
    %get3A_326 = vector.load %arg2[%get3A_323, %get3A_324, %get3A_325] : memref<256x20x128xf32, #tpu.memory_space<vmem>>, vector<256x1x128xf32>
    %get3A_327 = vector.shape_cast %get3A_326 : vector<256x1x128xf32> to vector<256x128xf32>
    %sub3A_328 = arith.subf %get3A_327, %get3A_1 : vector<256x128xf32>
    %concatenate3A_329 = tpu.concatenate %sub3A_328, %get3A_1 in 1 : vector<256x128xf32>, vector<256x128xf32> -> vector<256x256xf32>
    %dot_general3A_330 = arith.constant dense<0.000000e+00> : vector<256x256xf32>
    %dot_general3A_331 = tpu.matmul %concatenate3A_329, %get3A_4, %dot_general3A_330 {dimension_numbers = #tpu.dot_dimension_numbers<[1], [1], [0], [0], [0, 0, 1, 0], [], []>, transpose_lhs_hint = false} : vector<256x256xf32>, vector<256x256xf32>, vector<256x256xf32> -> vector<256x256xf32>
    %max3A_332 = arith.maximumf %max3A_313, %dot_general3A_331 : vector<256x256xf32>
    %reduce_sum3A_333 = arith.constant dense<0.000000e+00> : vector<256xf32>
    %reduce_sum3A_334 = vector.multi_reduction <add>, %dot_general3A_331, %reduce_sum3A_333 [0] : vector<256x256xf32> to vector<256xf32>
    %broadcast_in_dim3A_335 = vector.shape_cast %reduce_sum3A_334 : vector<256xf32> to vector<1x256xf32>
    %add3A_336 = arith.addf %add3A_317, %broadcast_in_dim3A_335 : vector<1x256xf32>
    %mul3A_337 = arith.mulf %dot_general3A_331, %dot_general3A_331 : vector<256x256xf32>
    %reduce_sum3A_338 = arith.constant dense<0.000000e+00> : vector<256xf32>
    %reduce_sum3A_339 = vector.multi_reduction <add>, %mul3A_337, %reduce_sum3A_338 [0] : vector<256x256xf32> to vector<256xf32>
    %broadcast_in_dim3A_340 = vector.shape_cast %reduce_sum3A_339 : vector<256xf32> to vector<1x256xf32>
    %add3A_341 = arith.addf %add3A_322, %broadcast_in_dim3A_340 : vector<1x256xf32>
    %get3A_342 = arith.constant 0 : index
    %get3A_343 = arith.constant 18 : index
    %get3A_344 = arith.constant 0 : index
    %get3A_345 = vector.load %arg2[%get3A_342, %get3A_343, %get3A_344] : memref<256x20x128xf32, #tpu.memory_space<vmem>>, vector<256x1x128xf32>
    %get3A_346 = vector.shape_cast %get3A_345 : vector<256x1x128xf32> to vector<256x128xf32>
    %sub3A_347 = arith.subf %get3A_346, %get3A_1 : vector<256x128xf32>
    %concatenate3A_348 = tpu.concatenate %sub3A_347, %get3A_1 in 1 : vector<256x128xf32>, vector<256x128xf32> -> vector<256x256xf32>
    %dot_general3A_349 = arith.constant dense<0.000000e+00> : vector<256x256xf32>
    %dot_general3A_350 = tpu.matmul %concatenate3A_348, %get3A_4, %dot_general3A_349 {dimension_numbers = #tpu.dot_dimension_numbers<[1], [1], [0], [0], [0, 0, 1, 0], [], []>, transpose_lhs_hint = false} : vector<256x256xf32>, vector<256x256xf32>, vector<256x256xf32> -> vector<256x256xf32>
    %max3A_351 = arith.maximumf %max3A_332, %dot_general3A_350 : vector<256x256xf32>
    %reduce_sum3A_352 = arith.constant dense<0.000000e+00> : vector<256xf32>
    %reduce_sum3A_353 = vector.multi_reduction <add>, %dot_general3A_350, %reduce_sum3A_352 [0] : vector<256x256xf32> to vector<256xf32>
    %broadcast_in_dim3A_354 = vector.shape_cast %reduce_sum3A_353 : vector<256xf32> to vector<1x256xf32>
    %add3A_355 = arith.addf %add3A_336, %broadcast_in_dim3A_354 : vector<1x256xf32>
    %mul3A_356 = arith.mulf %dot_general3A_350, %dot_general3A_350 : vector<256x256xf32>
    %reduce_sum3A_357 = arith.constant dense<0.000000e+00> : vector<256xf32>
    %reduce_sum3A_358 = vector.multi_reduction <add>, %mul3A_356, %reduce_sum3A_357 [0] : vector<256x256xf32> to vector<256xf32>
    %broadcast_in_dim3A_359 = vector.shape_cast %reduce_sum3A_358 : vector<256xf32> to vector<1x256xf32>
    %add3A_360 = arith.addf %add3A_341, %broadcast_in_dim3A_359 : vector<1x256xf32>
    %get3A_361 = arith.constant 0 : index
    %get3A_362 = arith.constant 19 : index
    %get3A_363 = arith.constant 0 : index
    %get3A_364 = vector.load %arg2[%get3A_361, %get3A_362, %get3A_363] : memref<256x20x128xf32, #tpu.memory_space<vmem>>, vector<256x1x128xf32>
    %get3A_365 = vector.shape_cast %get3A_364 : vector<256x1x128xf32> to vector<256x128xf32>
    %sub3A_366 = arith.subf %get3A_365, %get3A_1 : vector<256x128xf32>
    %concatenate3A_367 = tpu.concatenate %sub3A_366, %get3A_1 in 1 : vector<256x128xf32>, vector<256x128xf32> -> vector<256x256xf32>
    %dot_general3A_368 = arith.constant dense<0.000000e+00> : vector<256x256xf32>
    %dot_general3A_369 = tpu.matmul %concatenate3A_367, %get3A_4, %dot_general3A_368 {dimension_numbers = #tpu.dot_dimension_numbers<[1], [1], [0], [0], [0, 0, 1, 0], [], []>, transpose_lhs_hint = false} : vector<256x256xf32>, vector<256x256xf32>, vector<256x256xf32> -> vector<256x256xf32>
    %max3A_370 = arith.maximumf %max3A_351, %dot_general3A_369 : vector<256x256xf32>
    %reduce_sum3A_371 = arith.constant dense<0.000000e+00> : vector<256xf32>
    %reduce_sum3A_372 = vector.multi_reduction <add>, %dot_general3A_369, %reduce_sum3A_371 [0] : vector<256x256xf32> to vector<256xf32>
    %broadcast_in_dim3A_373 = vector.shape_cast %reduce_sum3A_372 : vector<256xf32> to vector<1x256xf32>
    %add3A_374 = arith.addf %add3A_355, %broadcast_in_dim3A_373 : vector<1x256xf32>
    %mul3A_375 = arith.mulf %dot_general3A_369, %dot_general3A_369 : vector<256x256xf32>
    %reduce_sum3A_376 = arith.constant dense<0.000000e+00> : vector<256xf32>
    %reduce_sum3A_377 = vector.multi_reduction <add>, %mul3A_375, %reduce_sum3A_376 [0] : vector<256x256xf32> to vector<256xf32>
    %broadcast_in_dim3A_378 = vector.shape_cast %reduce_sum3A_377 : vector<256xf32> to vector<1x256xf32>
    %add3A_379 = arith.addf %add3A_360, %broadcast_in_dim3A_378 : vector<1x256xf32>
    %swap3A = arith.constant 0 : index
    %swap3A_380 = arith.constant 0 : index
    %swap3A_381 = vector.load %arg5[%swap3A, %swap3A_380] : memref<256x256xf32, #tpu.memory_space<vmem>>, vector<256x256xf32>
    tpu.vector_store %arg5[%swap3A, %swap3A_380], %max3A_370 {strides = array<i32>} : memref<256x256xf32, #tpu.memory_space<vmem>>, vector<256x256xf32>,
    %broadcast_in_dim3A_382 = arith.constant 0.000000e+00 : f32
    %broadcast_in_dim3A_383 = vector.broadcast %broadcast_in_dim3A_382 : f32 to vector<1x256xf32>
    %concatenate3A_384 = tpu.concatenate %add3A_374, %add3A_379, %broadcast_in_dim3A_383, %broadcast_in_dim3A_383, %broadcast_in_dim3A_383, %broadcast_in_dim3A_383, %broadcast_in_dim3A_383, %broadcast_in_dim3A_383 in 0 : vector<1x256xf32>, vector<1x256xf32>, vector<1x256xf32>, vector<1x256xf32>, vector<1x256xf32>, vector<1x256xf32>, vector<1x256xf32>, vector<1x256xf32> -> vector<8x256xf32>
    %broadcast_in_dim3A_385 = vector.shape_cast %concatenate3A_384 : vector<8x256xf32> to vector<1x8x256xf32>
    %swap3A_386 = arith.constant 0 : index
    %swap3A_387 = arith.constant 0 : index
    %swap3A_388 = arith.constant 0 : index
    %swap3A_389 = vector.load %arg6[%swap3A_386, %swap3A_387, %swap3A_388] : memref<1x8x256xf32, #tpu.memory_space<vmem>>, vector<1x8x256xf32>
    tpu.vector_store %arg6[%swap3A_386, %swap3A_387, %swap3A_388], %broadcast_in_dim3A_385 {strides = array<i32>} : memref<1x8x256xf32, #tpu.memory_space<vmem>>, vector<1x8x256xf32>,
    return
  }
  func.func @transform_0(%arg0: i32, %arg1: i32) -> (i32, i32, i32) {
    %mul3A = arith.constant 4 : i32
    %mul3A_0 = arith.muli %arg0, %mul3A : i32
    %add3A = arith.addi %mul3A_0, %arg1 : i32
    %c0_i32 = arith.constant 0 : i32
    %c0_i32_1 = arith.constant 0 : i32
    %c0_i32_2 = arith.constant 0 : i32
    return %add3A, %c0_i32, %c0_i32_1 : i32, i32, i32
  }
  func.func @transform_1(%arg0: i32, %arg1: i32) -> (i32, i32) {
    %mul3A = arith.constant 4 : i32
    %mul3A_0 = arith.muli %arg0, %mul3A : i32
    %add3A = arith.addi %mul3A_0, %arg1 : i32
    %c0_i32 = arith.constant 0 : i32
    %c0_i32_1 = arith.constant 0 : i32
    return %add3A, %c0_i32 : i32, i32
  }
  func.func @transform_2(%arg0: i32, %arg1: i32) -> (i32, i32) {
    %c0_i32 = arith.constant 0 : i32
    %c0_i32_0 = arith.constant 0 : i32
    %c0_i32_1 = arith.constant 0 : i32
    return %c0_i32, %c0_i32_0 : i32, i32
  }
  func.func @transform_3(%arg0: i32, %arg1: i32) -> (i32, i32) {
    %mul3A = arith.constant 4 : i32
    %mul3A_0 = arith.muli %arg0, %mul3A : i32
    %add3A = arith.addi %mul3A_0, %arg1 : i32
    %c0_i32 = arith.constant 0 : i32
    %c0_i32_1 = arith.constant 0 : i32
    return %add3A, %c0_i32 : i32, i32
  }
  func.func @transform_4(%arg0: i32, %arg1: i32) -> (i32, i32, i32) {
    %mul3A = arith.constant 4 : i32
    %mul3A_0 = arith.muli %arg0, %mul3A : i32
    %add3A = arith.addi %mul3A_0, %arg1 : i32
    %c0_i32 = arith.constant 0 : i32
    %c0_i32_1 = arith.constant 0 : i32
    %c0_i32_2 = arith.constant 0 : i32
    return %add3A, %c0_i32, %c0_i32_1 : i32, i32, i32
  }
}

module attributes {stable_mosaic.version = 14 : i64} {
  func.func @_norm_body(%arg0: i32, %arg1: memref<1024x256xf32, #tpu.memory_space<vmem>>, %arg2: memref<1x256xf32, #tpu.memory_space<vmem>>, %arg3: memref<1x256xf32, #tpu.memory_space<vmem>>, %arg4: memref<1024x256xf32, #tpu.memory_space<vmem>>) attributes {dimension_semantics = [#tpu.dimension_semantics<arbitrary>], iteration_bounds = array<i64: 16>, scalar_prefetch = 0 : i64, scratch_operands = 0 : i64, tpu.core_type = #tpu.core_type<tc>, window_params = [{transform_indices = @transform_0, window_bounds = array<i64: 1024, 256>}, {pipeline_mode = #tpu.pipeline_mode<synchronous>, transform_indices = @transform_1, window_bounds = array<i64: 1, 256>}, {pipeline_mode = #tpu.pipeline_mode<synchronous>, transform_indices = @transform_2, window_bounds = array<i64: 1, 256>}, {transform_indices = @transform_3, window_bounds = array<i64: 1024, 256>}]} {
    %get3A = arith.constant 0 : index
    %get3A_0 = arith.constant 0 : index
    %get3A_1 = vector.load %arg1[%get3A, %get3A_0] : memref<1024x256xf32, #tpu.memory_space<vmem>>, vector<1024x256xf32>
    %get3A_2 = arith.constant 0 : index
    %get3A_3 = arith.constant 0 : index
    %get3A_4 = vector.load %arg2[%get3A_2, %get3A_3] : memref<1x256xf32, #tpu.memory_space<vmem>>, vector<1x256xf32>
    %sub3A = vector.broadcast %get3A_4 : vector<1x256xf32> to vector<1024x256xf32>
    %sub3A_5 = arith.subf %get3A_1, %sub3A : vector<1024x256xf32>
    %get3A_6 = arith.constant 0 : index
    %get3A_7 = arith.constant 0 : index
    %get3A_8 = vector.load %arg3[%get3A_6, %get3A_7] : memref<1x256xf32, #tpu.memory_space<vmem>>, vector<1x256xf32>
    %div3A = vector.broadcast %get3A_8 : vector<1x256xf32> to vector<1024x256xf32>
    %div3A_9 = arith.divf %sub3A_5, %div3A : vector<1024x256xf32>
    %max3A = arith.constant 0.000000e+00 : f32
    %max3A_10 = vector.broadcast %max3A : f32 to vector<1024x256xf32>
    %max3A_11 = arith.maximumf %div3A_9, %max3A_10 : vector<1024x256xf32>
    %swap3A = arith.constant 0 : index
    %swap3A_12 = arith.constant 0 : index
    %swap3A_13 = vector.load %arg4[%swap3A, %swap3A_12] : memref<1024x256xf32, #tpu.memory_space<vmem>>, vector<1024x256xf32>
    tpu.vector_store %arg4[%swap3A, %swap3A_12], %max3A_11 {strides = array<i32>} : memref<1024x256xf32, #tpu.memory_space<vmem>>, vector<1024x256xf32>,
    return
  }
  func.func @transform_0(%arg0: i32) -> (i32, i32) {
    %c0_i32 = arith.constant 0 : i32
    %c0_i32_0 = arith.constant 0 : i32
    return %arg0, %c0_i32 : i32, i32
  }
  func.func @transform_1(%arg0: i32) -> (i32, i32) {
    %c0_i32 = arith.constant 0 : i32
    %c0_i32_0 = arith.constant 0 : i32
    %c0_i32_1 = arith.constant 0 : i32
    return %c0_i32, %c0_i32_0 : i32, i32
  }
  func.func @transform_2(%arg0: i32) -> (i32, i32) {
    %c0_i32 = arith.constant 0 : i32
    %c0_i32_0 = arith.constant 0 : i32
    %c0_i32_1 = arith.constant 0 : i32
    return %c0_i32, %c0_i32_0 : i32, i32
  }
  func.func @transform_3(%arg0: i32) -> (i32, i32) {
    %c0_i32 = arith.constant 0 : i32
    %c0_i32_0 = arith.constant 0 : i32
    return %arg0, %c0_i32 : i32, i32
  }
}

module attributes {stable_mosaic.version = 14 : i64} {
  func.func @_mm_stats_body(%arg0: i32, %arg1: memref<1024x512xf32, #tpu.memory_space<vmem>>, %arg2: memref<1024x512xf32, #tpu.memory_space<vmem>>, %arg3: memref<1024x1024xf32, #tpu.memory_space<vmem>>, %arg4: memref<1x2x1024xf32, #tpu.memory_space<vmem>>) attributes {dimension_semantics = [#tpu.dimension_semantics<arbitrary>], iteration_bounds = array<i64: 16>, scalar_prefetch = 0 : i64, scratch_operands = 0 : i64, tpu.core_type = #tpu.core_type<tc>, window_params = [{transform_indices = @transform_0, window_bounds = array<i64: 1024, 512>}, {pipeline_mode = #tpu.pipeline_mode<synchronous>, transform_indices = @transform_1, window_bounds = array<i64: 1024, 512>}, {transform_indices = @transform_2, window_bounds = array<i64: 1024, 1024>}, {transform_indices = @transform_3, window_bounds = array<i64: 1, 2, 1024>}]} {
    %get3A = arith.constant 0 : index
    %get3A_0 = arith.constant 0 : index
    %get3A_1 = vector.load %arg1[%get3A, %get3A_0] : memref<1024x512xf32, #tpu.memory_space<vmem>>, vector<1024x512xf32>
    %get3A_2 = arith.constant 0 : index
    %get3A_3 = arith.constant 0 : index
    %get3A_4 = vector.load %arg2[%get3A_2, %get3A_3] : memref<1024x512xf32, #tpu.memory_space<vmem>>, vector<1024x512xf32>
    %dot_general3A = arith.constant dense<0.000000e+00> : vector<1024x1024xf32>
    %dot_general3A_5 = tpu.matmul %get3A_1, %get3A_4, %dot_general3A {dimension_numbers = #tpu.dot_dimension_numbers<[1], [1], [0], [0], [0, 0, 1, 0], [], []>, transpose_lhs_hint = false} : vector<1024x512xf32>, vector<1024x512xf32>, vector<1024x1024xf32> -> vector<1024x1024xf32>
    %swap3A = arith.constant 0 : index
    %swap3A_6 = arith.constant 0 : index
    %swap3A_7 = vector.load %arg3[%swap3A, %swap3A_6] : memref<1024x1024xf32, #tpu.memory_space<vmem>>, vector<1024x1024xf32>
    tpu.vector_store %arg3[%swap3A, %swap3A_6], %dot_general3A_5 {strides = array<i32>} : memref<1024x1024xf32, #tpu.memory_space<vmem>>, vector<1024x1024xf32>,
    %reduce_sum3A = arith.constant dense<0.000000e+00> : vector<1024xf32>
    %reduce_sum3A_8 = vector.multi_reduction <add>, %dot_general3A_5, %reduce_sum3A [0] : vector<1024x1024xf32> to vector<1024xf32>
    %broadcast_in_dim3A = vector.shape_cast %reduce_sum3A_8 : vector<1024xf32> to vector<1x1024xf32>
    %mul3A = arith.mulf %dot_general3A_5, %dot_general3A_5 : vector<1024x1024xf32>
    %reduce_sum3A_9 = arith.constant dense<0.000000e+00> : vector<1024xf32>
    %reduce_sum3A_10 = vector.multi_reduction <add>, %mul3A, %reduce_sum3A_9 [0] : vector<1024x1024xf32> to vector<1024xf32>
    %broadcast_in_dim3A_11 = vector.shape_cast %reduce_sum3A_10 : vector<1024xf32> to vector<1x1024xf32>
    %concatenate3A = tpu.concatenate %broadcast_in_dim3A, %broadcast_in_dim3A_11 in 0 : vector<1x1024xf32>, vector<1x1024xf32> -> vector<2x1024xf32>
    %broadcast_in_dim3A_12 = vector.shape_cast %concatenate3A : vector<2x1024xf32> to vector<1x2x1024xf32>
    %swap3A_13 = arith.constant 0 : index
    %swap3A_14 = arith.constant 0 : index
    %swap3A_15 = arith.constant 0 : index
    %swap3A_16 = vector.load %arg4[%swap3A_13, %swap3A_14, %swap3A_15] : memref<1x2x1024xf32, #tpu.memory_space<vmem>>, vector<1x2x1024xf32>
    tpu.vector_store %arg4[%swap3A_13, %swap3A_14, %swap3A_15], %broadcast_in_dim3A_12 {strides = array<i32>} : memref<1x2x1024xf32, #tpu.memory_space<vmem>>, vector<1x2x1024xf32>,
    return
  }
  func.func @transform_0(%arg0: i32) -> (i32, i32) {
    %c0_i32 = arith.constant 0 : i32
    %c0_i32_0 = arith.constant 0 : i32
    return %arg0, %c0_i32 : i32, i32
  }
  func.func @transform_1(%arg0: i32) -> (i32, i32) {
    %c0_i32 = arith.constant 0 : i32
    %c0_i32_0 = arith.constant 0 : i32
    %c0_i32_1 = arith.constant 0 : i32
    return %c0_i32, %c0_i32_0 : i32, i32
  }
  func.func @transform_2(%arg0: i32) -> (i32, i32) {
    %c0_i32 = arith.constant 0 : i32
    %c0_i32_0 = arith.constant 0 : i32
    return %arg0, %c0_i32 : i32, i32
  }
  func.func @transform_3(%arg0: i32) -> (i32, i32, i32) {
    %c0_i32 = arith.constant 0 : i32
    %c0_i32_0 = arith.constant 0 : i32
    %c0_i32_1 = arith.constant 0 : i32
    return %arg0, %c0_i32, %c0_i32_0 : i32, i32, i32
  }
}

module attributes {stable_mosaic.version = 14 : i64} {
  func.func @_norm_mm_stats_body(%arg0: i32, %arg1: memref<1024x1024xf32, #tpu.memory_space<vmem>>, %arg2: memref<1x1024xf32, #tpu.memory_space<vmem>>, %arg3: memref<1x1024xf32, #tpu.memory_space<vmem>>, %arg4: memref<256x1024xf32, #tpu.memory_space<vmem>>, %arg5: memref<1024x256xf32, #tpu.memory_space<vmem>>, %arg6: memref<1x2x256xf32, #tpu.memory_space<vmem>>) attributes {dimension_semantics = [#tpu.dimension_semantics<arbitrary>], iteration_bounds = array<i64: 16>, scalar_prefetch = 0 : i64, scratch_operands = 0 : i64, tpu.core_type = #tpu.core_type<tc>, window_params = [{transform_indices = @transform_0, window_bounds = array<i64: 1024, 1024>}, {pipeline_mode = #tpu.pipeline_mode<synchronous>, transform_indices = @transform_1, window_bounds = array<i64: 1, 1024>}, {pipeline_mode = #tpu.pipeline_mode<synchronous>, transform_indices = @transform_2, window_bounds = array<i64: 1, 1024>}, {pipeline_mode = #tpu.pipeline_mode<synchronous>, transform_indices = @transform_3, window_bounds = array<i64: 256, 1024>}, {transform_indices = @transform_4, window_bounds = array<i64: 1024, 256>}, {transform_indices = @transform_5, window_bounds = array<i64: 1, 2, 256>}]} {
    %get3A = arith.constant 0 : index
    %get3A_0 = arith.constant 0 : index
    %get3A_1 = vector.load %arg1[%get3A, %get3A_0] : memref<1024x1024xf32, #tpu.memory_space<vmem>>, vector<1024x1024xf32>
    %get3A_2 = arith.constant 0 : index
    %get3A_3 = arith.constant 0 : index
    %get3A_4 = vector.load %arg2[%get3A_2, %get3A_3] : memref<1x1024xf32, #tpu.memory_space<vmem>>, vector<1x1024xf32>
    %sub3A = vector.broadcast %get3A_4 : vector<1x1024xf32> to vector<1024x1024xf32>
    %sub3A_5 = arith.subf %get3A_1, %sub3A : vector<1024x1024xf32>
    %get3A_6 = arith.constant 0 : index
    %get3A_7 = arith.constant 0 : index
    %get3A_8 = vector.load %arg3[%get3A_6, %get3A_7] : memref<1x1024xf32, #tpu.memory_space<vmem>>, vector<1x1024xf32>
    %div3A = vector.broadcast %get3A_8 : vector<1x1024xf32> to vector<1024x1024xf32>
    %div3A_9 = arith.divf %sub3A_5, %div3A : vector<1024x1024xf32>
    %max3A = arith.constant 0.000000e+00 : f32
    %max3A_10 = vector.broadcast %max3A : f32 to vector<1024x1024xf32>
    %max3A_11 = arith.maximumf %div3A_9, %max3A_10 : vector<1024x1024xf32>
    %get3A_12 = arith.constant 0 : index
    %get3A_13 = arith.constant 0 : index
    %get3A_14 = vector.load %arg4[%get3A_12, %get3A_13] : memref<256x1024xf32, #tpu.memory_space<vmem>>, vector<256x1024xf32>
    %dot_general3A = arith.constant dense<0.000000e+00> : vector<1024x256xf32>
    %dot_general3A_15 = tpu.matmul %max3A_11, %get3A_14, %dot_general3A {dimension_numbers = #tpu.dot_dimension_numbers<[1], [1], [0], [0], [0, 0, 1, 0], [], []>, transpose_lhs_hint = false} : vector<1024x1024xf32>, vector<256x1024xf32>, vector<1024x256xf32> -> vector<1024x256xf32>
    %swap3A = arith.constant 0 : index
    %swap3A_16 = arith.constant 0 : index
    %swap3A_17 = vector.load %arg5[%swap3A, %swap3A_16] : memref<1024x256xf32, #tpu.memory_space<vmem>>, vector<1024x256xf32>
    tpu.vector_store %arg5[%swap3A, %swap3A_16], %dot_general3A_15 {strides = array<i32>} : memref<1024x256xf32, #tpu.memory_space<vmem>>, vector<1024x256xf32>,
    %reduce_sum3A = arith.constant dense<0.000000e+00> : vector<256xf32>
    %reduce_sum3A_18 = vector.multi_reduction <add>, %dot_general3A_15, %reduce_sum3A [0] : vector<1024x256xf32> to vector<256xf32>
    %broadcast_in_dim3A = vector.shape_cast %reduce_sum3A_18 : vector<256xf32> to vector<1x256xf32>
    %mul3A = arith.mulf %dot_general3A_15, %dot_general3A_15 : vector<1024x256xf32>
    %reduce_sum3A_19 = arith.constant dense<0.000000e+00> : vector<256xf32>
    %reduce_sum3A_20 = vector.multi_reduction <add>, %mul3A, %reduce_sum3A_19 [0] : vector<1024x256xf32> to vector<256xf32>
    %broadcast_in_dim3A_21 = vector.shape_cast %reduce_sum3A_20 : vector<256xf32> to vector<1x256xf32>
    %concatenate3A = tpu.concatenate %broadcast_in_dim3A, %broadcast_in_dim3A_21 in 0 : vector<1x256xf32>, vector<1x256xf32> -> vector<2x256xf32>
    %broadcast_in_dim3A_22 = vector.shape_cast %concatenate3A : vector<2x256xf32> to vector<1x2x256xf32>
    %swap3A_23 = arith.constant 0 : index
    %swap3A_24 = arith.constant 0 : index
    %swap3A_25 = arith.constant 0 : index
    %swap3A_26 = vector.load %arg6[%swap3A_23, %swap3A_24, %swap3A_25] : memref<1x2x256xf32, #tpu.memory_space<vmem>>, vector<1x2x256xf32>
    tpu.vector_store %arg6[%swap3A_23, %swap3A_24, %swap3A_25], %broadcast_in_dim3A_22 {strides = array<i32>} : memref<1x2x256xf32, #tpu.memory_space<vmem>>, vector<1x2x256xf32>,
    return
  }
  func.func @transform_0(%arg0: i32) -> (i32, i32) {
    %c0_i32 = arith.constant 0 : i32
    %c0_i32_0 = arith.constant 0 : i32
    return %arg0, %c0_i32 : i32, i32
  }
  func.func @transform_1(%arg0: i32) -> (i32, i32) {
    %c0_i32 = arith.constant 0 : i32
    %c0_i32_0 = arith.constant 0 : i32
    %c0_i32_1 = arith.constant 0 : i32
    return %c0_i32, %c0_i32_0 : i32, i32
  }
  func.func @transform_2(%arg0: i32) -> (i32, i32) {
    %c0_i32 = arith.constant 0 : i32
    %c0_i32_0 = arith.constant 0 : i32
    %c0_i32_1 = arith.constant 0 : i32
    return %c0_i32, %c0_i32_0 : i32, i32
  }
  func.func @transform_3(%arg0: i32) -> (i32, i32) {
    %c0_i32 = arith.constant 0 : i32
    %c0_i32_0 = arith.constant 0 : i32
    %c0_i32_1 = arith.constant 0 : i32
    return %c0_i32, %c0_i32_0 : i32, i32
  }
  func.func @transform_4(%arg0: i32) -> (i32, i32) {
    %c0_i32 = arith.constant 0 : i32
    %c0_i32_0 = arith.constant 0 : i32
    return %arg0, %c0_i32 : i32, i32
  }
  func.func @transform_5(%arg0: i32) -> (i32, i32, i32) {
    %c0_i32 = arith.constant 0 : i32
    %c0_i32_0 = arith.constant 0 : i32
    %c0_i32_1 = arith.constant 0 : i32
    return %arg0, %c0_i32, %c0_i32_0 : i32, i32, i32
  }
}

module attributes {stable_mosaic.version = 14 : i64} {
  func.func @_norm_mm_bias_body(%arg0: i32, %arg1: memref<1024x256xf32, #tpu.memory_space<vmem>>, %arg2: memref<1x256xf32, #tpu.memory_space<vmem>>, %arg3: memref<1x256xf32, #tpu.memory_space<vmem>>, %arg4: memref<16x256xf32, #tpu.memory_space<vmem>>, %arg5: memref<1x16xf32, #tpu.memory_space<vmem>>, %arg6: memref<1024x16xf32, #tpu.memory_space<vmem>>) attributes {dimension_semantics = [#tpu.dimension_semantics<arbitrary>], iteration_bounds = array<i64: 16>, scalar_prefetch = 0 : i64, scratch_operands = 0 : i64, tpu.core_type = #tpu.core_type<tc>, window_params = [{transform_indices = @transform_0, window_bounds = array<i64: 1024, 256>}, {pipeline_mode = #tpu.pipeline_mode<synchronous>, transform_indices = @transform_1, window_bounds = array<i64: 1, 256>}, {pipeline_mode = #tpu.pipeline_mode<synchronous>, transform_indices = @transform_2, window_bounds = array<i64: 1, 256>}, {pipeline_mode = #tpu.pipeline_mode<synchronous>, transform_indices = @transform_3, window_bounds = array<i64: 16, 256>}, {pipeline_mode = #tpu.pipeline_mode<synchronous>, transform_indices = @transform_4, window_bounds = array<i64: 1, 16>}, {transform_indices = @transform_5, window_bounds = array<i64: 1024, 16>}]} {
    %get3A = arith.constant 0 : index
    %get3A_0 = arith.constant 0 : index
    %get3A_1 = vector.load %arg1[%get3A, %get3A_0] : memref<1024x256xf32, #tpu.memory_space<vmem>>, vector<1024x256xf32>
    %get3A_2 = arith.constant 0 : index
    %get3A_3 = arith.constant 0 : index
    %get3A_4 = vector.load %arg2[%get3A_2, %get3A_3] : memref<1x256xf32, #tpu.memory_space<vmem>>, vector<1x256xf32>
    %sub3A = vector.broadcast %get3A_4 : vector<1x256xf32> to vector<1024x256xf32>
    %sub3A_5 = arith.subf %get3A_1, %sub3A : vector<1024x256xf32>
    %get3A_6 = arith.constant 0 : index
    %get3A_7 = arith.constant 0 : index
    %get3A_8 = vector.load %arg3[%get3A_6, %get3A_7] : memref<1x256xf32, #tpu.memory_space<vmem>>, vector<1x256xf32>
    %div3A = vector.broadcast %get3A_8 : vector<1x256xf32> to vector<1024x256xf32>
    %div3A_9 = arith.divf %sub3A_5, %div3A : vector<1024x256xf32>
    %max3A = arith.constant 0.000000e+00 : f32
    %max3A_10 = vector.broadcast %max3A : f32 to vector<1024x256xf32>
    %max3A_11 = arith.maximumf %div3A_9, %max3A_10 : vector<1024x256xf32>
    %get3A_12 = arith.constant 0 : index
    %get3A_13 = arith.constant 0 : index
    %get3A_14 = vector.load %arg4[%get3A_12, %get3A_13] : memref<16x256xf32, #tpu.memory_space<vmem>>, vector<16x256xf32>
    %dot_general3A = arith.constant dense<0.000000e+00> : vector<1024x16xf32>
    %dot_general3A_15 = tpu.matmul %max3A_11, %get3A_14, %dot_general3A {dimension_numbers = #tpu.dot_dimension_numbers<[1], [1], [0], [0], [0, 0, 1, 0], [], []>, transpose_lhs_hint = false} : vector<1024x256xf32>, vector<16x256xf32>, vector<1024x16xf32> -> vector<1024x16xf32>
    %get3A_16 = arith.constant 0 : index
    %get3A_17 = arith.constant 0 : index
    %get3A_18 = vector.load %arg5[%get3A_16, %get3A_17] : memref<1x16xf32, #tpu.memory_space<vmem>>, vector<1x16xf32>
    %add3A = vector.broadcast %get3A_18 : vector<1x16xf32> to vector<1024x16xf32>
    %add3A_19 = arith.addf %dot_general3A_15, %add3A : vector<1024x16xf32>
    %swap3A = arith.constant 0 : index
    %swap3A_20 = arith.constant 0 : index
    %swap3A_21 = vector.load %arg6[%swap3A, %swap3A_20] : memref<1024x16xf32, #tpu.memory_space<vmem>>, vector<1024x16xf32>
    tpu.vector_store %arg6[%swap3A, %swap3A_20], %add3A_19 {strides = array<i32>} : memref<1024x16xf32, #tpu.memory_space<vmem>>, vector<1024x16xf32>,
    return
  }
  func.func @transform_0(%arg0: i32) -> (i32, i32) {
    %c0_i32 = arith.constant 0 : i32
    %c0_i32_0 = arith.constant 0 : i32
    return %arg0, %c0_i32 : i32, i32
  }
  func.func @transform_1(%arg0: i32) -> (i32, i32) {
    %c0_i32 = arith.constant 0 : i32
    %c0_i32_0 = arith.constant 0 : i32
    %c0_i32_1 = arith.constant 0 : i32
    return %c0_i32, %c0_i32_0 : i32, i32
  }
  func.func @transform_2(%arg0: i32) -> (i32, i32) {
    %c0_i32 = arith.constant 0 : i32
    %c0_i32_0 = arith.constant 0 : i32
    %c0_i32_1 = arith.constant 0 : i32
    return %c0_i32, %c0_i32_0 : i32, i32
  }
  func.func @transform_3(%arg0: i32) -> (i32, i32) {
    %c0_i32 = arith.constant 0 : i32
    %c0_i32_0 = arith.constant 0 : i32
    %c0_i32_1 = arith.constant 0 : i32
    return %c0_i32, %c0_i32_0 : i32, i32
  }
  func.func @transform_4(%arg0: i32) -> (i32, i32) {
    %c0_i32 = arith.constant 0 : i32
    %c0_i32_0 = arith.constant 0 : i32
    %c0_i32_1 = arith.constant 0 : i32
    return %c0_i32, %c0_i32_0 : i32, i32
  }
  func.func @transform_5(%arg0: i32) -> (i32, i32) {
    %c0_i32 = arith.constant 0 : i32
    %c0_i32_0 = arith.constant 0 : i32
    return %arg0, %c0_i32 : i32, i32
  }
}

</mosaic_0001>

<sc_bundles>
// kernel: kernel.21.cloned.1.call-start
scs
__scs_entry_jumppad:
0x0: {  	(pc) =	sbr.rel $0x88, $3  }
0x1: {  	(tag) =	ssettag $0x0;
	lr =	simm.s32 $0x1  }
0x2: {  	[smem:$0x3F98] =	sst lr;
	_ =	strace $0xD0000000  }
0x3: {  	_ = 	snop  }
0x4: {  	_ = 	snop  }
0x5: {  	_ = 	snop  }
0x6: {  	_ = 	snop  }
0x7: {  	_ = 	snop  }
__scs_overlays_trampoline_lowered:
0x8: {  	[smem:$0x3FA7] =	sst s0  }
0x9: {  	[smem:$0x3FA8] =	sst s1  }
0xa: {  	[smem:$0x3FA9] =	sst s2  }
0xb: {  	[smem:$0x3FAA] =	sst s3  }
0xc: {  	[smem:$0x3FAB] =	sst s4  }
0xd: {  	[smem:$0x3FAC] =	sst s5  }
0xe: {  	[smem:$0x3FAD] =	sst s6  }
0xf: {  	[smem:$0x3FAE] =	sst s7  }
0x10: {  	[smem:$0x3FAF] =	sst s8  }
0x11: {  	[smem:$0x3FB0] =	sst s9;
	s0 =	simm.s32 @!p0 $0x0  }
0x12: {  	s1 =	sld [smem:$0x3F96];
	s0 =	simm.s32 @p0 $0x1  }
0x13: {  	[smem:$0x3FB1] =	sst s0;
	s0 =	simm.s32 @!p1 $0x0  }
0x14: {  	s2 =	sld [smem:$0x3F95];
	s0 =	simm.s32 @p1 $0x1  }
0x15: {  	[smem:$0x3FB2] =	sst s0;
	s0 =	simm.s32 @!p2 $0x0  }
0x16: {  	s3 =	sld [smem:$0x3FDB];
	s0 =	simm.s32 @p2 $0x1  }
0x17: {  	s4 =	simm.s32 $0x1BF5;
	[smem:$0x3FB4] =	sst s0  }
0x18: {  	s0 =	sld [smem:$0x3F97];
	_ =	swait.ge [sflag:s4], $0x0  }
0x19: {  	s7 =	sld [smem:$0x3F98]  }
0x1a: {  	s8 =	sadd.s32 $0xFFFFE003, lr  }
0x1b: {  	s9 =	sadd.s32 $0xFFFFFEF7, lr;
	s5 =	simm.s32 $0xFFFFFFFF;
	p2 =	slt.u32 s8, $0xFFFFF086  }
0x1c: {  	p1 =	slt.u32 s9, $0xF7A;
	s5 =	simm.s32 @!p2 $0x0  }
0x1d: {  	s5 =	simm.s32 @p1 $0x1;
	p0 =	seq.s32 s7, s2  }
0x1e: {  	s7 =	smul.u32 @!p0 $0xF7A, s2;
	p2 =	seq.s32 @!p0 s5, $0x0  }
0x1f: {  	s9 =	smul.u32 $0xF7A, s1;
	s8 =	simm.s32 @!p0 $0x1BF5;
	p2 =	por !p2, p0  }
0x20: {  	[sflag:s8] =	ssyncset.s32 @!p0 $0xFFFFF086;
	s6 =	sadd.s32 @!p0 s3, s7;
	s7 =	simm.s32 @!p0 $0x108  }
0x21: {  	s3 =	sadd.s32 s3, s9;
	s6 =	sadd.s32 @!p0 $0x88, s6;
	s7 =	simm.s32 @p2 $0x1082  }
0x22: {  	[simem:s7], [sflag:s8] =	dma.local @!p0 [hbm:s6], $0xF7A  }
0x23: {  	s9 =	sor.u32 $0xD0000000, s2;
	s6 =	simm.s32 $0x108;
	_ =	swait.ge @!p0 [sflag:s8], $0x0  }
0x24: {  	s3 =	sadd.s32 $0x88, s3;
	s6 =	simm.s32 @!p1 $0x1082;
	[sflag:s4] =	ssyncset.s32 $0xFFFFF086  }
0x25: {  	[simem:s6], [sflag:s4] =	dma.local [hbm:s3], $0xF7A  }
0x26: {  	[smem:$0x3F98] =	sst s1;
	(tag) =	ssettag s2;
	_ =	strace s9  }
0x27: {  	s1 =	sld [smem:$0x3FA8]  }
0x28: {  	s2 =	sld [smem:$0x3FA9]  }
0x29: {  	s4 =	sld [smem:$0x3FAB]  }
0x2a: {  	p0 =	seq.s32 s5, $0x0;
	s5 =	sld [smem:$0x3FAC]  }
0x2b: {  	s6 =	sld [smem:$0x3FAD]  }
0x2c: {  	s7 =	sld [smem:$0x3FAE]  }
0x2d: {  	s3 =	simm.s32 $0x108;
	s8 =	sld [smem:$0x3FAF]  }
0x2e: {  	s3 =	simm.s32 @!p0 $0x1082;
	s9 =	sld [smem:$0x3FB0]  }
0x2f: {  	lr =	sadd.s32 s0, s3;
	s0 =	sld [smem:$0x3FA7]  }
0x30: {  	s3 =	sld [smem:$0x3FAA]  }
0x31: {  	[smem:$0x3FB3] =	sst s10  }
0x32: {  	s10 =	sld [smem:$0x3FB1];
	_ =	sdelay $0x3  }
0x33: {  	p0 =	seq.s32 s10, $0x1;
	s10 =	sld [smem:$0x3FB3];
	_ =	sdelay $0x3  }
0x34: {  	[smem:$0x3FB3] =	sst s10  }
0x35: {  	s10 =	sld [smem:$0x3FB2];
	_ =	sdelay $0x3  }
0x36: {  	p1 =	seq.s32 s10, $0x1;
	s10 =	sld [smem:$0x3FB3];
	_ =	sdelay $0x3  }
0x37: {  	[smem:$0x3FB3] =	sst s10  }
0x38: {  	s10 =	sld [smem:$0x3FB4]  }
0x39: {  	_ = 	snop;
	(pc) =	sbr.ind lr, $3  }
0x3a: {  	_ = 	snop  }
0x3b: {  	_ = 	snop  }
0x3c: {  	p2 =	seq.s32 s10, $0x1;
	s10 =	sld [smem:$0x3FB3]  }
0x3d: {  	_ =	shalt  }
0x3e: {  	_ =	shalt  }
0x3f: {  	_ =	shalt  }
0x40: {  	_ =	shalt  }
0x41: {  	_ =	shalt  }
0x42: {  	_ =	shalt  }
0x43: {  	_ =	shalt  }
0x44: {  	_ =	shalt  }
0x45: {  	_ =	shalt  }
0x46: {  	_ =	shalt  }
0x47: {  	_ =	shalt  }
0x48: {  	_ =	shalt  }
0x49: {  	_ =	shalt  }
0x4a: {  	_ =	shalt  }
0x4b: {  	_ =	shalt  }
0x4c: {  	_ =	shalt  }
0x4d: {  	_ =	shalt  }
0x4e: {  	_ =	shalt  }
0x4f: {  	_ =	shalt  }
0x50: {  	_ =	shalt  }
0x51: {  	_ =	shalt  }
0x52: {  	_ =	shalt  }
0x53: {  	_ =	shalt  }
0x54: {  	_ =	shalt  }
0x55: {  	_ =	shalt  }
0x56: {  	_ =	shalt  }
0x57: {  	_ =	shalt  }
0x58: {  	_ =	shalt  }
0x59: {  	_ =	shalt  }
0x5a: {  	_ =	shalt  }
0x5b: {  	_ =	shalt  }
0x5c: {  	_ =	shalt  }
0x5d: {  	_ =	shalt  }
0x5e: {  	_ =	shalt  }
0x5f: {  	_ =	shalt  }
0x60: {  	_ =	shalt  }
0x61: {  	_ =	shalt  }
0x62: {  	_ =	shalt  }
0x63: {  	_ =	shalt  }
0x64: {  	_ =	shalt  }
0x65: {  	_ =	shalt  }
0x66: {  	_ =	shalt  }
0x67: {  	_ =	shalt  }
0x68: {  	_ =	shalt  }
0x69: {  	_ =	shalt  }
0x6a: {  	_ =	shalt  }
0x6b: {  	_ =	shalt  }
0x6c: {  	_ =	shalt  }
0x6d: {  	_ =	shalt  }
0x6e: {  	_ =	shalt  }
0x6f: {  	_ =	shalt  }
0x70: {  	_ =	shalt  }
0x71: {  	_ =	shalt  }
0x72: {  	_ =	shalt  }
0x73: {  	_ =	shalt  }
0x74: {  	_ =	shalt  }
0x75: {  	_ =	shalt  }
0x76: {  	_ =	shalt  }
0x77: {  	_ =	shalt  }
0x78: {  	_ =	shalt  }
0x79: {  	_ =	shalt  }
0x7a: {  	_ =	shalt  }
0x7b: {  	_ =	shalt  }
0x7c: {  	_ =	shalt  }
0x7d: {  	_ =	shalt  }
0x7e: {  	_ =	shalt  }
0x7f: {  	_ =	shalt  }
0x80: {  	_ =	shalt  }
0x81: {  	_ =	shalt  }
0x82: {  	_ =	shalt  }
0x83: {  	_ =	shalt  }
0x84: {  	_ =	shalt  }
0x85: {  	_ =	shalt  }
0x86: {  	_ =	shalt  }
0x87: {  	_ =	shalt  }
.Lfunc_end0:
.L_simem_size_0:
called_computation_lowered:
.L_overlay_start_0:
0x88: {  	s2 =	sld [smem:$0x3FD9]  }
0x89: {  	s3 =	sld [smem:$0x3FFE];
	_ =	sdelay $0x1  }
0x8a: {  	s1 =	srdreg.scid  }
0x8b: {  	s0 =	sand.u32 $0x1, s1  }
0x8c: {  	s16 =	sshll.u32 s0, $0xA;
	s2 =	sadd.s32 s3, s2  }
0x8d: {  	s2 =	sadd.s32 s2, s16  }
0x8e: {  	[smem:$0x3FBF] =	sst s2  }
0x8f: {  	_ = 	snop  }
0x90: {  	(tm) =	ssettm $0x1  }
0x91: {  	s17 =	sld [smem:$0x3FFB];
	_ =	sdelay $0x3  }
0x92: {  	_ =	strace s17  }
0x93: {  	s2 =	sld [smem:$0x3FFC];
	_ =	sdelay $0x3  }
0x94: {  	_ =	strace s2  }
0x95: {  	s2 =	sld [smem:$0x3FFD];
	_ =	sdelay $0x3  }
0x96: {  	_ =	strace s2  }
0x97: {  	_ =	strace $0x8FFFFFFF  }
0x98: {  	s18 =	sld [smem:$0x3FDB];
	_ =	sdelay $0x1  }
0x99: {  	s19 =	simm.s32 $_scs_section_size  }
0x9a: {  	s4 =	simm.s32 $_size__tile_overlayer_lowered;
	s5 =	simm.s32 $_tile_overlayer_lowered  }
0x9b: {  	s22 =	simm.s32 $0x1BFF;
	s21 =	sshll.u32 s5, $0x1;
	s2 =	sadd.s32 s19, s18  }
0x9c: {  	s6 =	simm.s32 $0x0;
	s20 =	sshll.u32 s4, $0x1;
	s4 =	sadd.s32 s21, s2  }
0x9d: {  	[timem:s6], [sflag:s22] =	dma.local [hbm:s4], s20  }
0x9e: {  	_ =	swait.ge [sflag:s22], s20  }
0x9f: {  	s3 =	ssub.s32 $0x0, s20;
	[sflag:s22] =	ssyncset.done $0x0  }
0xa0: {  	[sflag:s22] =	ssyncadd.s32 s3;
	_ =	sdelay $0x1  }
0xa1: {  	s23 =	simm.s32 $0x1B8B  }
0xa2: {  	_ =	swait.ge [sflag:s23], $0x1  }
0xa3: {  	[sflag:s23] =	ssyncset.done $0x0  }
0xa4: {  	s25 =	simm.s32 $0x1B8E;
	s24 =	sld [smem:$0x3FFE];
	[sflag:s23] =	ssyncadd.s32 $0xFFFFFFFF  }
0xa5: {  	s26 =	simm.s32 $execute0_lowered;
	[smem:$0x3FD2] =	sst s25  }
0xa6: {  	s4 =	sshll.u32 s26, $0x1;
	_ =	strace $0x80000046;
	[dreg:$0x1] =	wrdreg $0xFFFFFFFF  }
0xa7: {  	s28 =	simm.s32 $_size_execute0_lowered;
	s2 =	sadd.s32 s2, s4;
	[dreg:$0x0] =	wrdreg $0x0  }
0xa8: {  	s4 =	sshll.u32 s28, $0x1;
	[dreg:$0x2] =	wrdreg s2  }
0xa9: {  	[dreg:$0x3] =	wrdreg s4  }
0xaa: {  	[dreg:$0x4] =	wrdreg $0xC0  }
0xab: {  	_ =	task [dreg:s6], $0x5FFFF  }
0xac: {  	[dreg:$0x1] =	wrdreg $0xFFFFFFFF  }
0xad: {  	[dreg:$0x0] =	wrdreg $0x60  }
0xae: {  	[dreg:$0x2] =	wrdreg s24  }
0xaf: {  	[dreg:$0x3] =	wrdreg $0x9  }
0xb0: {  	_ =	task.clear_ibuf [dreg:s6], $0x4FFFF;
	_ =	strace $0x90000046  }
0xb1: {  	s29 =	simm.s32 $0x9;
	_ =	strace $0x80000048  }
0xb2: {  	_ =	swait.ge [sflag:s29], $0x1  }
0xb3: {  	[sflag:s29] =	ssyncadd.s32 $0xFFFFFFFF  }
0xb4: {  	_ =	strace $0x90000048  }
0xb5: {  	_ =	sfence  }
0xb6: {  	s30 =	sld [smem:$0x0];
	_ =	sdelay $0x2  }
0xb7: {  	s31 =	sshll.u32 s1, $0xD;
	s1 =	sshrl.u32 s1, $0x2  }
0xb8: {  	s3 =	sand.u32 $0x4000, s31;
	s1 =	sadd.s32 s1, s30  }
0xb9: {  	s0 =	sor.u32 s3, s0;
	s1 =	sshll.u32 s1, $0x11  }
0xba: {  	s0 =	sor.u32 s1, s0  }
0xbb: {  	s0 =	sadd.s32 $0x8F2B, s0  }
0xbc: {  	[sflag:s0] =	ssyncadd.remote.s32 $0x1  }
0xbd: {  	_ =	sfence.sel $0xFFFF  }
0xbe: {  	[dreg:$0x0] =	wrdreg $0xFFFFFFFF;
	(pc) =	sbr.abs _section_cstart, $3  }
0xbf: {  	[dreg:$0x1] =	wrdreg $0xFFFFFFFF  }
0xc0: {  	_ =	task.clear_ibuf [dreg:s6], $0x2FFFF;
	_ =	strace $0x9FFFFFFF  }
0xc1: {  	(tm) =	ssettm $0x7FFFFFFF  }
tec
execute0_lowered:
.L_overlay_start_1:
0x0: {  	(tag) =	ssettag $0x1  }
0x1: {  	s4 =	rddreg [dreg:$0x0]  }
0x2: {  	s0 =	rddreg [dreg:$0x1]  }
0x3: {  	s3 =	srdreg.scid;
	s1 =	stileid.u32;
	s2 =	simm.s32 $0x0  }
0x4: {  	s11 =	simm.s32 $0x4000;
	s12 =	simm.s32 $0x20;
	s13 =	simm.s32 $0x4C00  }
0x5: {  	s14 =	simm.s32 $0x1;
	s15 =	simm.s32 $0x2;
	s16 =	simm.s32 $0x0  }
0x6: {  	s6 =	sand.u32 $0x1, s3;
	s25 =	sshll.u32 s1, $0x1;
	[smem:$0x7FF] =	sst s2  }
0x7: {  	s9 =	sadd.s32 $0x51200, s4;
	s29 =	smul.u32 $0x60000, s1;
	s5 =	sor.u32 s6, s25  }
0x8: {  	_ =	strace $0x80000047;
	s8 =	ssub.s32 $0x2, s6;
	s31 =	smul.u32 $0x30000, s6  }
0x9: {  	s3 =	sshll.u32 s5, $0xB;
	s26 =	sshrl.u32 s8, $0x1;
	s10 =	smul.u32 $0x30000, s5  }
0xa: {  	s7 =	sadd.s32 s3, s4;
	s3 =	sadd.s32 $0x1200, s4;
	s28 =	ssub.s32 s8, s26  }
0xb: {  	s8 =	sadd.s32 s29, s9;
	s4 =	sadd.s32 $0x41200, s7;
	s5 =	smax.u32 s28, $0x1  }
0xc: {  	s30 =	sadd.s32 s9, s10;
	s8 =	sadd.s32 s31, s8;
	s9 =	simm.s32 $0x3  }
0xd: {  	s10 =	simm.s32 $0x14;
	s6 =	sadd.s32 $0x2FD00, s30;
	s7 =	sadd.s32 $0x2FE80, s30  }
.LBB2_1:
0xe: {  	[tilespmem:s2], [sflag:$0x3] =	stream.linear.gather [hbm4b:s4+s2], $0x4000, $0x38;
	[tilespmem:$0x5800] =	vst v63  }
0xf: {  	_ =	swait.ge [sflag:s9], $0x4000  }
0x10: {  	[sflag:s9] =	ssyncset.done $0x0  }
0x11: {  	[sflag:s9] =	ssyncadd.s32 $0xFFFFC000  }
0x12: {  	[tilespmem:s11], [sflag:$0x1] =	stream.indirect.gather [hbm4b:s3+s10], $0x80, s2, s10, $0xb8;
	[tilespmem:$0x5800] =	vst v63  }
0x13: {  	_ = 	snop  }
0x14: {  	[tilespmem:s13], [sflag:$0x2] =	stream.indirect.gather [hbm4b:s3+s10], $0x80, s12, s10, $0xb8;
	[tilespmem:$0x5800] =	vst v63  }
0x15: {  	_ =	swait.ge [sflag:s14], $0xA00  }
0x16: {  	[sflag:s14] =	ssyncset.done $0x0  }
0x17: {  	s17 =	sadd.s32 $0x0, s8;
	[sflag:s14] =	ssyncadd.s32 $0xFFFFF600  }
0x18: {  	[hbm4b:s17+s2] =	stream.linear.scatter [tilespmem:s11], [sflag:$0x3], $0xA00, $0x38;
	[tilespmem:$0x5800] =	vst v63  }
0x19: {  	_ =	swait.ge [sflag:s9], $0xA00  }
0x1a: {  	[sflag:s9] =	ssyncset.done $0x0  }
0x1b: {  	s18 =	simm.s32 $0x40;
	[sflag:s9] =	ssyncadd.s32 $0xFFFFF600  }
0x1c: {  	[tilespmem:s11], [sflag:$0x1] =	stream.indirect.gather [hbm4b:s3+s10], $0x80, s18, s10, $0xb8;
	[tilespmem:$0x5800] =	vst v63  }
0x1d: {  	_ =	swait.ge [sflag:s15], $0xA00  }
0x1e: {  	[sflag:s15] =	ssyncset.done $0x0  }
0x1f: {  	s17 =	sadd.s32 $0x180, s17;
	[sflag:s15] =	ssyncadd.s32 $0xFFFFF600  }
0x20: {  	[hbm4b:s17+s2] =	stream.linear.scatter [tilespmem:s13], [sflag:$0x3], $0xA00, $0x38;
	[tilespmem:$0x5800] =	vst v63  }
0x21: {  	_ =	swait.ge [sflag:s9], $0xA00  }
0x22: {  	s19 =	simm.s32 $0xA0;
	[sflag:s9] =	ssyncset.done $0x0  }
0x23: {  	s18 =	simm.s32 $0x300;
	s17 =	simm.s32 $0x60;
	[sflag:s9] =	ssyncadd.s32 $0xFFFFF600  }
.LBB2_2:
0x24: {  	[tilespmem:s13], [sflag:$0x2] =	stream.indirect.gather [hbm4b:s3+s10], $0x80, s17, s10, $0xb8;
	[tilespmem:$0x5800] =	vst v63  }
0x25: {  	s20 =	smov.u32 s18;
	s17 =	smov.u32 s19  }
0x26: {  	p0 =	sne.s32 s18, $0x2FA00;
	s18 =	sadd.s32 $0x300, s18;
	_ =	swait.ge [sflag:s14], $0xA00  }
0x27: {  	[sflag:s14] =	ssyncset.done $0x0  }
0x28: {  	s20 =	sadd.s32 s20, s8;
	[sflag:s14] =	ssyncadd.s32 $0xFFFFF600  }
0x29: {  	[hbm4b:s20+s2] =	stream.linear.scatter [tilespmem:s11], [sflag:$0x3], $0xA00, $0x38;
	[tilespmem:$0x5800] =	vst v63  }
0x2a: {  	_ =	swait.ge [sflag:s9], $0xA00  }
0x2b: {  	[sflag:s9] =	ssyncset.done $0x0  }
0x2c: {  	s21 =	sadd.s32 $0xFFFFFFE0, s19;
	[sflag:s9] =	ssyncadd.s32 $0xFFFFF600  }
0x2d: {  	[tilespmem:s11], [sflag:$0x1] =	stream.indirect.gather [hbm4b:s3+s10], $0x80, s21, s10, $0xb8;
	[tilespmem:$0x5800] =	vst v63  }
0x2e: {  	_ =	swait.ge [sflag:s15], $0xA00  }
0x2f: {  	[sflag:s15] =	ssyncset.done $0x0  }
.Ltmp0:
0x30: {  	s20 =	sadd.s32 $0x180, s20;
	[sflag:s15] =	ssyncadd.s32 $0xFFFFF600;
	(pc) =	sbr.rel @p0 .LBB2_2-.Ltmp0, $4  }
0x31: {  	[hbm4b:s20+s2] =	stream.linear.scatter [tilespmem:s13], [sflag:$0x3], $0xA00, $0x38;
	[tilespmem:$0x5800] =	vst v63  }
0x32: {  	_ =	swait.ge [sflag:s9], $0xA00  }
0x33: {  	[sflag:s9] =	ssyncset.done $0x0  }
0x34: {  	s19 =	sadd.s32 $0x40, s19;
	[sflag:s9] =	ssyncadd.s32 $0xFFFFF600  }
0x35: {  	[tilespmem:s13], [sflag:$0x2] =	stream.indirect.gather [hbm4b:s3+s10], $0x80, s17, s10, $0xb8;
	[tilespmem:$0x5800] =	vst v63  }
0x36: {  	_ =	swait.ge [sflag:s14], $0xA00  }
0x37: {  	[sflag:s14] =	ssyncset.done $0x0  }
0x38: {  	[sflag:s14] =	ssyncadd.s32 $0xFFFFF600  }
0x39: {  	[hbm4b:s6+s2] =	stream.linear.scatter [tilespmem:s11], [sflag:$0x3], $0xA00, $0x38;
	[tilespmem:$0x5800] =	vst v63  }
0x3a: {  	_ =	swait.ge [sflag:s9], $0xA00  }
0x3b: {  	[sflag:s9] =	ssyncset.done $0x0  }
0x3c: {  	[sflag:s9] =	ssyncadd.s32 $0xFFFFF600  }
0x3d: {  	s16 =	sadd.s32 $0x1, s16;
	_ =	swait.ge [sflag:s15], $0xA00  }
0x3e: {  	p0 =	sne.s32 s16, s5;
	[sflag:s15] =	ssyncset.done $0x0  }
.Ltmp1:
0x3f: {  	[sflag:s15] =	ssyncadd.s32 $0xFFFFF600;
	(pc) =	sbr.rel @p0 .LBB2_1-.Ltmp1, $4  }
0x40: {  	[hbm4b:s7+s2] =	stream.linear.scatter [tilespmem:s13], [sflag:$0x3], $0xA00, $0x38;
	[tilespmem:$0x5800] =	vst v63  }
0x41: {  	_ =	swait.ge [sflag:s9], $0xA00  }
0x42: {  	[sflag:s9] =	ssyncset.done $0x0  }
0x43: {  	[sflag:s9] =	ssyncadd.s32 $0xFFFFF600  }
0x44: {  	_ =	sfence.sel $0x180000  }
0x45: {  	[bflag:$0x0] =	sbarrier.arrive $0xFFFF  }
0x46: {  	p0 =	sne.s32 s1, $0x0;
	_ =	strace $0x90000047  }
0x47: {  	s0 =	sadd.s32 @!p0 $0x100000, s0;
	[bflag:$0x2] =	sbarrier.arrive $0xFFFF  }
0x48: {  	[sflag:s0] =	ssyncadd.tile.s32 @!p0 $0x1;
	_ =	shalt  }
.Lfunc_end2:
_tile_overlayer_lowered:
.L_overlay_start_2:
0x49: {  	(tag) =	ssettag $0x2  }
0x4a: {  	s0 =	rddreg [dreg:$0x0];
	s2 =	stileid.u32  }
0x4b: {  	s1 =	rddreg [dreg:$0x1];
	p0 =	sne.s32 s2, $0x0  }
0x4c: {  	s3 =	rddreg [dreg:$0x2];
	[bflag:$0x3] =	sbarrier.arrive $0xFFFF;
	s2 =	simm.s32 @!p0 $0x1C03  }
0x4d: {  	[timem:s3], [sflag:s2] =	dma.local @!p0 [hbm:s0], s1  }
0x4e: {  	s0 =	simm.s32 @!p0 $0x3  }
0x4f: {  	_ =	swait.ge @!p0 [sflag:s0], s1  }
0x50: {  	s1 =	ssub.s32 @!p0 $0x0, s1;
	[sflag:s0] =	ssyncset.done @!p0 $0x0  }
0x51: {  	[sflag:s0] =	ssyncadd.s32 @!p0 s1  }
0x52: {  	[bflag:$0x3] =	sbarrier.arrive $0xFFFF  }
0x53: {  	_ =	shalt  }

// kernel: kernel.24.cloned.1.call-start
scs
__scs_entry_jumppad:
0x0: {  	(pc) =	sbr.rel $0x88, $3  }
0x1: {  	(tag) =	ssettag $0x0;
	lr =	simm.s32 $0x1  }
0x2: {  	[smem:$0x3F98] =	sst lr;
	_ =	strace $0xD0000000  }
0x3: {  	_ = 	snop  }
0x4: {  	_ = 	snop  }
0x5: {  	_ = 	snop  }
0x6: {  	_ = 	snop  }
0x7: {  	_ = 	snop  }
__scs_overlays_trampoline_lowered:
0x8: {  	[smem:$0x3FA7] =	sst s0  }
0x9: {  	[smem:$0x3FA8] =	sst s1  }
0xa: {  	[smem:$0x3FA9] =	sst s2  }
0xb: {  	[smem:$0x3FAA] =	sst s3  }
0xc: {  	[smem:$0x3FAB] =	sst s4  }
0xd: {  	[smem:$0x3FAC] =	sst s5  }
0xe: {  	[smem:$0x3FAD] =	sst s6  }
0xf: {  	[smem:$0x3FAE] =	sst s7  }
0x10: {  	[smem:$0x3FAF] =	sst s8  }
0x11: {  	[smem:$0x3FB0] =	sst s9;
	s0 =	simm.s32 @!p0 $0x0  }
0x12: {  	s1 =	sld [smem:$0x3F96];
	s0 =	simm.s32 @p0 $0x1  }
0x13: {  	[smem:$0x3FB1] =	sst s0;
	s0 =	simm.s32 @!p1 $0x0  }
0x14: {  	s2 =	sld [smem:$0x3F95];
	s0 =	simm.s32 @p1 $0x1  }
0x15: {  	[smem:$0x3FB2] =	sst s0;
	s0 =	simm.s32 @!p2 $0x0  }
0x16: {  	s3 =	sld [smem:$0x3FDB];
	s0 =	simm.s32 @p2 $0x1  }
0x17: {  	s4 =	simm.s32 $0x1BF5;
	[smem:$0x3FB4] =	sst s0  }
0x18: {  	s0 =	sld [smem:$0x3F97];
	_ =	swait.ge [sflag:s4], $0x0  }
0x19: {  	s7 =	sld [smem:$0x3F98]  }
0x1a: {  	s8 =	sadd.s32 $0xFFFFE003, lr  }
0x1b: {  	s9 =	sadd.s32 $0xFFFFFEF7, lr;
	s5 =	simm.s32 $0xFFFFFFFF;
	p2 =	slt.u32 s8, $0xFFFFF086  }
0x1c: {  	p1 =	slt.u32 s9, $0xF7A;
	s5 =	simm.s32 @!p2 $0x0  }
0x1d: {  	s5 =	simm.s32 @p1 $0x1;
	p0 =	seq.s32 s7, s2  }
0x1e: {  	s7 =	smul.u32 @!p0 $0xF7A, s2;
	p2 =	seq.s32 @!p0 s5, $0x0  }
0x1f: {  	s9 =	smul.u32 $0xF7A, s1;
	s8 =	simm.s32 @!p0 $0x1BF5;
	p2 =	por !p2, p0  }
0x20: {  	[sflag:s8] =	ssyncset.s32 @!p0 $0xFFFFF086;
	s6 =	sadd.s32 @!p0 s3, s7;
	s7 =	simm.s32 @!p0 $0x108  }
0x21: {  	s3 =	sadd.s32 s3, s9;
	s6 =	sadd.s32 @!p0 $0x88, s6;
	s7 =	simm.s32 @p2 $0x1082  }
0x22: {  	[simem:s7], [sflag:s8] =	dma.local @!p0 [hbm:s6], $0xF7A  }
0x23: {  	s9 =	sor.u32 $0xD0000000, s2;
	s6 =	simm.s32 $0x108;
	_ =	swait.ge @!p0 [sflag:s8], $0x0  }
0x24: {  	s3 =	sadd.s32 $0x88, s3;
	s6 =	simm.s32 @!p1 $0x1082;
	[sflag:s4] =	ssyncset.s32 $0xFFFFF086  }
0x25: {  	[simem:s6], [sflag:s4] =	dma.local [hbm:s3], $0xF7A  }
0x26: {  	[smem:$0x3F98] =	sst s1;
	(tag) =	ssettag s2;
	_ =	strace s9  }
0x27: {  	s1 =	sld [smem:$0x3FA8]  }
0x28: {  	s2 =	sld [smem:$0x3FA9]  }
0x29: {  	s4 =	sld [smem:$0x3FAB]  }
0x2a: {  	p0 =	seq.s32 s5, $0x0;
	s5 =	sld [smem:$0x3FAC]  }
0x2b: {  	s6 =	sld [smem:$0x3FAD]  }
0x2c: {  	s7 =	sld [smem:$0x3FAE]  }
0x2d: {  	s3 =	simm.s32 $0x108;
	s8 =	sld [smem:$0x3FAF]  }
0x2e: {  	s3 =	simm.s32 @!p0 $0x1082;
	s9 =	sld [smem:$0x3FB0]  }
0x2f: {  	lr =	sadd.s32 s0, s3;
	s0 =	sld [smem:$0x3FA7]  }
0x30: {  	s3 =	sld [smem:$0x3FAA]  }
0x31: {  	[smem:$0x3FB3] =	sst s10  }
0x32: {  	s10 =	sld [smem:$0x3FB1];
	_ =	sdelay $0x3  }
0x33: {  	p0 =	seq.s32 s10, $0x1;
	s10 =	sld [smem:$0x3FB3];
	_ =	sdelay $0x3  }
0x34: {  	[smem:$0x3FB3] =	sst s10  }
0x35: {  	s10 =	sld [smem:$0x3FB2];
	_ =	sdelay $0x3  }
0x36: {  	p1 =	seq.s32 s10, $0x1;
	s10 =	sld [smem:$0x3FB3];
	_ =	sdelay $0x3  }
0x37: {  	[smem:$0x3FB3] =	sst s10  }
0x38: {  	s10 =	sld [smem:$0x3FB4]  }
0x39: {  	_ = 	snop;
	(pc) =	sbr.ind lr, $3  }
0x3a: {  	_ = 	snop  }
0x3b: {  	_ = 	snop  }
0x3c: {  	p2 =	seq.s32 s10, $0x1;
	s10 =	sld [smem:$0x3FB3]  }
0x3d: {  	_ =	shalt  }
0x3e: {  	_ =	shalt  }
0x3f: {  	_ =	shalt  }
0x40: {  	_ =	shalt  }
0x41: {  	_ =	shalt  }
0x42: {  	_ =	shalt  }
0x43: {  	_ =	shalt  }
0x44: {  	_ =	shalt  }
0x45: {  	_ =	shalt  }
0x46: {  	_ =	shalt  }
0x47: {  	_ =	shalt  }
0x48: {  	_ =	shalt  }
0x49: {  	_ =	shalt  }
0x4a: {  	_ =	shalt  }
0x4b: {  	_ =	shalt  }
0x4c: {  	_ =	shalt  }
0x4d: {  	_ =	shalt  }
0x4e: {  	_ =	shalt  }
0x4f: {  	_ =	shalt  }
0x50: {  	_ =	shalt  }
0x51: {  	_ =	shalt  }
0x52: {  	_ =	shalt  }
0x53: {  	_ =	shalt  }
0x54: {  	_ =	shalt  }
0x55: {  	_ =	shalt  }
0x56: {  	_ =	shalt  }
0x57: {  	_ =	shalt  }
0x58: {  	_ =	shalt  }
0x59: {  	_ =	shalt  }
0x5a: {  	_ =	shalt  }
0x5b: {  	_ =	shalt  }
0x5c: {  	_ =	shalt  }
0x5d: {  	_ =	shalt  }
0x5e: {  	_ =	shalt  }
0x5f: {  	_ =	shalt  }
0x60: {  	_ =	shalt  }
0x61: {  	_ =	shalt  }
0x62: {  	_ =	shalt  }
0x63: {  	_ =	shalt  }
0x64: {  	_ =	shalt  }
0x65: {  	_ =	shalt  }
0x66: {  	_ =	shalt  }
0x67: {  	_ =	shalt  }
0x68: {  	_ =	shalt  }
0x69: {  	_ =	shalt  }
0x6a: {  	_ =	shalt  }
0x6b: {  	_ =	shalt  }
0x6c: {  	_ =	shalt  }
0x6d: {  	_ =	shalt  }
0x6e: {  	_ =	shalt  }
0x6f: {  	_ =	shalt  }
0x70: {  	_ =	shalt  }
0x71: {  	_ =	shalt  }
0x72: {  	_ =	shalt  }
0x73: {  	_ =	shalt  }
0x74: {  	_ =	shalt  }
0x75: {  	_ =	shalt  }
0x76: {  	_ =	shalt  }
0x77: {  	_ =	shalt  }
0x78: {  	_ =	shalt  }
0x79: {  	_ =	shalt  }
0x7a: {  	_ =	shalt  }
0x7b: {  	_ =	shalt  }
0x7c: {  	_ =	shalt  }
0x7d: {  	_ =	shalt  }
0x7e: {  	_ =	shalt  }
0x7f: {  	_ =	shalt  }
0x80: {  	_ =	shalt  }
0x81: {  	_ =	shalt  }
0x82: {  	_ =	shalt  }
0x83: {  	_ =	shalt  }
0x84: {  	_ =	shalt  }
0x85: {  	_ =	shalt  }
0x86: {  	_ =	shalt  }
0x87: {  	_ =	shalt  }
.Lfunc_end0:
.L_simem_size_0:
called_computation.1_lowered:
.L_overlay_start_0:
0x88: {  	s2 =	sld [smem:$0x3FD9]  }
0x89: {  	s3 =	sld [smem:$0x3FFE];
	_ =	sdelay $0x1  }
0x8a: {  	s1 =	srdreg.scid  }
0x8b: {  	s0 =	sand.u32 $0x1, s1  }
0x8c: {  	s16 =	sshll.u32 s0, $0xA;
	s2 =	sadd.s32 s3, s2  }
0x8d: {  	s2 =	sadd.s32 s2, s16  }
0x8e: {  	[smem:$0x3FBF] =	sst s2  }
0x8f: {  	_ = 	snop  }
0x90: {  	(tm) =	ssettm $0x1  }
0x91: {  	s17 =	sld [smem:$0x3FFB];
	_ =	sdelay $0x3  }
0x92: {  	_ =	strace s17  }
0x93: {  	s2 =	sld [smem:$0x3FFC];
	_ =	sdelay $0x3  }
0x94: {  	_ =	strace s2  }
0x95: {  	s2 =	sld [smem:$0x3FFD];
	_ =	sdelay $0x3  }
0x96: {  	_ =	strace s2  }
0x97: {  	_ =	strace $0x8FFFFFFF  }
0x98: {  	s18 =	sld [smem:$0x3FDB];
	_ =	sdelay $0x1  }
0x99: {  	s19 =	simm.s32 $_scs_section_size  }
0x9a: {  	s4 =	simm.s32 $_size__tile_overlayer_lowered;
	s5 =	simm.s32 $_tile_overlayer_lowered  }
0x9b: {  	s22 =	simm.s32 $0x1BFF;
	s21 =	sshll.u32 s5, $0x1;
	s2 =	sadd.s32 s19, s18  }
0x9c: {  	s6 =	simm.s32 $0x0;
	s20 =	sshll.u32 s4, $0x1;
	s4 =	sadd.s32 s21, s2  }
0x9d: {  	[timem:s6], [sflag:s22] =	dma.local [hbm:s4], s20  }
0x9e: {  	_ =	swait.ge [sflag:s22], s20  }
0x9f: {  	s3 =	ssub.s32 $0x0, s20;
	[sflag:s22] =	ssyncset.done $0x0  }
0xa0: {  	[sflag:s22] =	ssyncadd.s32 s3;
	_ =	sdelay $0x1  }
0xa1: {  	s23 =	simm.s32 $0x1B8B  }
0xa2: {  	_ =	swait.ge [sflag:s23], $0x1  }
0xa3: {  	[sflag:s23] =	ssyncset.done $0x0  }
0xa4: {  	s25 =	simm.s32 $0x1B8E;
	s24 =	sld [smem:$0x3FFE];
	[sflag:s23] =	ssyncadd.s32 $0xFFFFFFFF  }
0xa5: {  	s26 =	simm.s32 $execute0_lowered;
	[smem:$0x3FD2] =	sst s25  }
0xa6: {  	s4 =	sshll.u32 s26, $0x1;
	_ =	strace $0x80000049;
	[dreg:$0x1] =	wrdreg $0xFFFFFFFF  }
0xa7: {  	s28 =	simm.s32 $_size_execute0_lowered;
	s2 =	sadd.s32 s2, s4;
	[dreg:$0x0] =	wrdreg $0x0  }
0xa8: {  	s4 =	sshll.u32 s28, $0x1;
	[dreg:$0x2] =	wrdreg s2  }
0xa9: {  	[dreg:$0x3] =	wrdreg s4  }
0xaa: {  	[dreg:$0x4] =	wrdreg $0xC0  }
0xab: {  	_ =	task [dreg:s6], $0x5FFFF  }
0xac: {  	[dreg:$0x1] =	wrdreg $0xFFFFFFFF  }
0xad: {  	[dreg:$0x0] =	wrdreg $0x60  }
0xae: {  	[dreg:$0x2] =	wrdreg s24  }
0xaf: {  	[dreg:$0x3] =	wrdreg $0x9  }
0xb0: {  	_ =	task.clear_ibuf [dreg:s6], $0x4FFFF;
	_ =	strace $0x90000049  }
0xb1: {  	s29 =	simm.s32 $0x9;
	_ =	strace $0x8000004B  }
0xb2: {  	_ =	swait.ge [sflag:s29], $0x1  }
0xb3: {  	[sflag:s29] =	ssyncadd.s32 $0xFFFFFFFF  }
0xb4: {  	_ =	strace $0x9000004B  }
0xb5: {  	_ =	sfence  }
0xb6: {  	s30 =	sld [smem:$0x0];
	_ =	sdelay $0x2  }
0xb7: {  	s31 =	sshll.u32 s1, $0xD;
	s1 =	sshrl.u32 s1, $0x2  }
0xb8: {  	s3 =	sand.u32 $0x4000, s31;
	s1 =	sadd.s32 s1, s30  }
0xb9: {  	s0 =	sor.u32 s3, s0;
	s1 =	sshll.u32 s1, $0x11  }
0xba: {  	s0 =	sor.u32 s1, s0  }
0xbb: {  	s0 =	sadd.s32 $0x8F2B, s0  }
0xbc: {  	[sflag:s0] =	ssyncadd.remote.s32 $0x1  }
0xbd: {  	_ =	sfence.sel $0xFFFF  }
0xbe: {  	[dreg:$0x0] =	wrdreg $0xFFFFFFFF;
	(pc) =	sbr.abs _section_cstart, $3  }
0xbf: {  	[dreg:$0x1] =	wrdreg $0xFFFFFFFF  }
0xc0: {  	_ =	task.clear_ibuf [dreg:s6], $0x2FFFF;
	_ =	strace $0x9FFFFFFF  }
0xc1: {  	(tm) =	ssettm $0x7FFFFFFF  }
tec
execute0_lowered:
.L_overlay_start_1:
0x0: {  	(tag) =	ssettag $0x1  }
0x1: {  	s4 =	rddreg [dreg:$0x0]  }
0x2: {  	s0 =	rddreg [dreg:$0x1]  }
0x3: {  	s3 =	srdreg.scid;
	s1 =	stileid.u32;
	s2 =	simm.s32 $0x0  }
0x4: {  	s11 =	simm.s32 $0x4000;
	s12 =	simm.s32 $0x20;
	s13 =	simm.s32 $0x4C00  }
0x5: {  	s14 =	simm.s32 $0x1;
	s15 =	simm.s32 $0x2;
	s16 =	simm.s32 $0x0  }
0x6: {  	s6 =	sand.u32 $0x1, s3;
	s25 =	sshll.u32 s1, $0x1;
	[smem:$0x7FF] =	sst s2  }
0x7: {  	s9 =	sadd.s32 $0x51200, s4;
	s29 =	smul.u32 $0x60000, s1;
	s5 =	sor.u32 s6, s25  }
0x8: {  	_ =	strace $0x8000004A;
	s8 =	ssub.s32 $0x2, s6;
	s31 =	smul.u32 $0x30000, s6  }
0x9: {  	s3 =	sshll.u32 s5, $0xB;
	s26 =	sshrl.u32 s8, $0x1;
	s10 =	smul.u32 $0x30000, s5  }
0xa: {  	s7 =	sadd.s32 s3, s4;
	s3 =	sadd.s32 $0x1200, s4;
	s28 =	ssub.s32 s8, s26  }
0xb: {  	s8 =	sadd.s32 s29, s9;
	s4 =	sadd.s32 $0x41200, s7;
	s5 =	smax.u32 s28, $0x1  }
0xc: {  	s30 =	sadd.s32 s9, s10;
	s8 =	sadd.s32 s31, s8;
	s9 =	simm.s32 $0x3  }
0xd: {  	s10 =	simm.s32 $0x14;
	s6 =	sadd.s32 $0x2FD00, s30;
	s7 =	sadd.s32 $0x2FE80, s30  }
.LBB2_1:
0xe: {  	[tilespmem:s2], [sflag:$0x3] =	stream.linear.gather [hbm4b:s4+s2], $0x4000, $0x38;
	[tilespmem:$0x5800] =	vst v63  }
0xf: {  	_ =	swait.ge [sflag:s9], $0x4000  }
0x10: {  	[sflag:s9] =	ssyncset.done $0x0  }
0x11: {  	[sflag:s9] =	ssyncadd.s32 $0xFFFFC000  }
0x12: {  	[tilespmem:s11], [sflag:$0x1] =	stream.indirect.gather [hbm4b:s3+s10], $0x80, s2, s10, $0xb8;
	[tilespmem:$0x5800] =	vst v63  }
0x13: {  	_ = 	snop  }
0x14: {  	[tilespmem:s13], [sflag:$0x2] =	stream.indirect.gather [hbm4b:s3+s10], $0x80, s12, s10, $0xb8;
	[tilespmem:$0x5800] =	vst v63  }
0x15: {  	_ =	swait.ge [sflag:s14], $0xA00  }
0x16: {  	[sflag:s14] =	ssyncset.done $0x0  }
0x17: {  	s17 =	sadd.s32 $0x0, s8;
	[sflag:s14] =	ssyncadd.s32 $0xFFFFF600  }
0x18: {  	[hbm4b:s17+s2] =	stream.linear.scatter [tilespmem:s11], [sflag:$0x3], $0xA00, $0x38;
	[tilespmem:$0x5800] =	vst v63  }
0x19: {  	_ =	swait.ge [sflag:s9], $0xA00  }
0x1a: {  	[sflag:s9] =	ssyncset.done $0x0  }
0x1b: {  	s18 =	simm.s32 $0x40;
	[sflag:s9] =	ssyncadd.s32 $0xFFFFF600  }
0x1c: {  	[tilespmem:s11], [sflag:$0x1] =	stream.indirect.gather [hbm4b:s3+s10], $0x80, s18, s10, $0xb8;
	[tilespmem:$0x5800] =	vst v63  }
0x1d: {  	_ =	swait.ge [sflag:s15], $0xA00  }
0x1e: {  	[sflag:s15] =	ssyncset.done $0x0  }
0x1f: {  	s17 =	sadd.s32 $0x180, s17;
	[sflag:s15] =	ssyncadd.s32 $0xFFFFF600  }
0x20: {  	[hbm4b:s17+s2] =	stream.linear.scatter [tilespmem:s13], [sflag:$0x3], $0xA00, $0x38;
	[tilespmem:$0x5800] =	vst v63  }
0x21: {  	_ =	swait.ge [sflag:s9], $0xA00  }
0x22: {  	s19 =	simm.s32 $0xA0;
	[sflag:s9] =	ssyncset.done $0x0  }
0x23: {  	s18 =	simm.s32 $0x300;
	s17 =	simm.s32 $0x60;
	[sflag:s9] =	ssyncadd.s32 $0xFFFFF600  }
.LBB2_2:
0x24: {  	[tilespmem:s13], [sflag:$0x2] =	stream.indirect.gather [hbm4b:s3+s10], $0x80, s17, s10, $0xb8;
	[tilespmem:$0x5800] =	vst v63  }
0x25: {  	s20 =	smov.u32 s18;
	s17 =	smov.u32 s19  }
0x26: {  	p0 =	sne.s32 s18, $0x2FA00;
	s18 =	sadd.s32 $0x300, s18;
	_ =	swait.ge [sflag:s14], $0xA00  }
0x27: {  	[sflag:s14] =	ssyncset.done $0x0  }
0x28: {  	s20 =	sadd.s32 s20, s8;
	[sflag:s14] =	ssyncadd.s32 $0xFFFFF600  }
0x29: {  	[hbm4b:s20+s2] =	stream.linear.scatter [tilespmem:s11], [sflag:$0x3], $0xA00, $0x38;
	[tilespmem:$0x5800] =	vst v63  }
0x2a: {  	_ =	swait.ge [sflag:s9], $0xA00  }
0x2b: {  	[sflag:s9] =	ssyncset.done $0x0  }
0x2c: {  	s21 =	sadd.s32 $0xFFFFFFE0, s19;
	[sflag:s9] =	ssyncadd.s32 $0xFFFFF600  }
0x2d: {  	[tilespmem:s11], [sflag:$0x1] =	stream.indirect.gather [hbm4b:s3+s10], $0x80, s21, s10, $0xb8;
	[tilespmem:$0x5800] =	vst v63  }
0x2e: {  	_ =	swait.ge [sflag:s15], $0xA00  }
0x2f: {  	[sflag:s15] =	ssyncset.done $0x0  }
.Ltmp0:
0x30: {  	s20 =	sadd.s32 $0x180, s20;
	[sflag:s15] =	ssyncadd.s32 $0xFFFFF600;
	(pc) =	sbr.rel @p0 .LBB2_2-.Ltmp0, $4  }
0x31: {  	[hbm4b:s20+s2] =	stream.linear.scatter [tilespmem:s13], [sflag:$0x3], $0xA00, $0x38;
	[tilespmem:$0x5800] =	vst v63  }
0x32: {  	_ =	swait.ge [sflag:s9], $0xA00  }
0x33: {  	[sflag:s9] =	ssyncset.done $0x0  }
0x34: {  	s19 =	sadd.s32 $0x40, s19;
	[sflag:s9] =	ssyncadd.s32 $0xFFFFF600  }
0x35: {  	[tilespmem:s13], [sflag:$0x2] =	stream.indirect.gather [hbm4b:s3+s10], $0x80, s17, s10, $0xb8;
	[tilespmem:$0x5800] =	vst v63  }
0x36: {  	_ =	swait.ge [sflag:s14], $0xA00  }
0x37: {  	[sflag:s14] =	ssyncset.done $0x0  }
0x38: {  	[sflag:s14] =	ssyncadd.s32 $0xFFFFF600  }
0x39: {  	[hbm4b:s6+s2] =	stream.linear.scatter [tilespmem:s11], [sflag:$0x3], $0xA00, $0x38;
	[tilespmem:$0x5800] =	vst v63  }
0x3a: {  	_ =	swait.ge [sflag:s9], $0xA00  }
0x3b: {  	[sflag:s9] =	ssyncset.done $0x0  }
0x3c: {  	[sflag:s9] =	ssyncadd.s32 $0xFFFFF600  }
0x3d: {  	s16 =	sadd.s32 $0x1, s16;
	_ =	swait.ge [sflag:s15], $0xA00  }
0x3e: {  	p0 =	sne.s32 s16, s5;
	[sflag:s15] =	ssyncset.done $0x0  }
.Ltmp1:
0x3f: {  	[sflag:s15] =	ssyncadd.s32 $0xFFFFF600;
	(pc) =	sbr.rel @p0 .LBB2_1-.Ltmp1, $4  }
0x40: {  	[hbm4b:s7+s2] =	stream.linear.scatter [tilespmem:s13], [sflag:$0x3], $0xA00, $0x38;
	[tilespmem:$0x5800] =	vst v63  }
0x41: {  	_ =	swait.ge [sflag:s9], $0xA00  }
0x42: {  	[sflag:s9] =	ssyncset.done $0x0  }
0x43: {  	[sflag:s9] =	ssyncadd.s32 $0xFFFFF600  }
0x44: {  	_ =	sfence.sel $0x180000  }
0x45: {  	[bflag:$0x0] =	sbarrier.arrive $0xFFFF  }
0x46: {  	p0 =	sne.s32 s1, $0x0;
	_ =	strace $0x9000004A  }
0x47: {  	s0 =	sadd.s32 @!p0 $0x100000, s0;
	[bflag:$0x2] =	sbarrier.arrive $0xFFFF  }
0x48: {  	[sflag:s0] =	ssyncadd.tile.s32 @!p0 $0x1;
	_ =	shalt  }
.Lfunc_end2:
_tile_overlayer_lowered:
.L_overlay_start_2:
0x49: {  	(tag) =	ssettag $0x2  }
0x4a: {  	s0 =	rddreg [dreg:$0x0];
	s2 =	stileid.u32  }
0x4b: {  	s1 =	rddreg [dreg:$0x1];
	p0 =	sne.s32 s2, $0x0  }
0x4c: {  	s3 =	rddreg [dreg:$0x2];
	[bflag:$0x3] =	sbarrier.arrive $0xFFFF;
	s2 =	simm.s32 @!p0 $0x1C03  }
0x4d: {  	[timem:s3], [sflag:s2] =	dma.local @!p0 [hbm:s0], s1  }
0x4e: {  	s0 =	simm.s32 @!p0 $0x3  }
0x4f: {  	_ =	swait.ge @!p0 [sflag:s0], s1  }
0x50: {  	s1 =	ssub.s32 @!p0 $0x0, s1;
	[sflag:s0] =	ssyncset.done @!p0 $0x0  }
0x51: {  	[sflag:s0] =	ssyncadd.s32 @!p0 s1  }
0x52: {  	[bflag:$0x3] =	sbarrier.arrive $0xFFFF  }
0x53: {  	_ =	shalt  }

// kernel: kernel.27.cloned.1.call-start
scs
__scs_entry_jumppad:
0x0: {  	(pc) =	sbr.rel $0x88, $3  }
0x1: {  	(tag) =	ssettag $0x0;
	lr =	simm.s32 $0x1  }
0x2: {  	[smem:$0x3F98] =	sst lr;
	_ =	strace $0xD0000000  }
0x3: {  	_ = 	snop  }
0x4: {  	_ = 	snop  }
0x5: {  	_ = 	snop  }
0x6: {  	_ = 	snop  }
0x7: {  	_ = 	snop  }
__scs_overlays_trampoline_lowered:
0x8: {  	[smem:$0x3FA7] =	sst s0  }
0x9: {  	[smem:$0x3FA8] =	sst s1  }
0xa: {  	[smem:$0x3FA9] =	sst s2  }
0xb: {  	[smem:$0x3FAA] =	sst s3  }
0xc: {  	[smem:$0x3FAB] =	sst s4  }
0xd: {  	[smem:$0x3FAC] =	sst s5  }
0xe: {  	[smem:$0x3FAD] =	sst s6  }
0xf: {  	[smem:$0x3FAE] =	sst s7  }
0x10: {  	[smem:$0x3FAF] =	sst s8  }
0x11: {  	[smem:$0x3FB0] =	sst s9;
	s0 =	simm.s32 @!p0 $0x0  }
0x12: {  	s1 =	sld [smem:$0x3F96];
	s0 =	simm.s32 @p0 $0x1  }
0x13: {  	[smem:$0x3FB1] =	sst s0;
	s0 =	simm.s32 @!p1 $0x0  }
0x14: {  	s2 =	sld [smem:$0x3F95];
	s0 =	simm.s32 @p1 $0x1  }
0x15: {  	[smem:$0x3FB2] =	sst s0;
	s0 =	simm.s32 @!p2 $0x0  }
0x16: {  	s3 =	sld [smem:$0x3FDB];
	s0 =	simm.s32 @p2 $0x1  }
0x17: {  	s4 =	simm.s32 $0x1BF5;
	[smem:$0x3FB4] =	sst s0  }
0x18: {  	s0 =	sld [smem:$0x3F97];
	_ =	swait.ge [sflag:s4], $0x0  }
0x19: {  	s7 =	sld [smem:$0x3F98]  }
0x1a: {  	s8 =	sadd.s32 $0xFFFFE003, lr  }
0x1b: {  	s9 =	sadd.s32 $0xFFFFFEF7, lr;
	s5 =	simm.s32 $0xFFFFFFFF;
	p2 =	slt.u32 s8, $0xFFFFF086  }
0x1c: {  	p1 =	slt.u32 s9, $0xF7A;
	s5 =	simm.s32 @!p2 $0x0  }
0x1d: {  	s5 =	simm.s32 @p1 $0x1;
	p0 =	seq.s32 s7, s2  }
0x1e: {  	s7 =	smul.u32 @!p0 $0xF7A, s2;
	p2 =	seq.s32 @!p0 s5, $0x0  }
0x1f: {  	s9 =	smul.u32 $0xF7A, s1;
	s8 =	simm.s32 @!p0 $0x1BF5;
	p2 =	por !p2, p0  }
0x20: {  	[sflag:s8] =	ssyncset.s32 @!p0 $0xFFFFF086;
	s6 =	sadd.s32 @!p0 s3, s7;
	s7 =	simm.s32 @!p0 $0x108  }
0x21: {  	s3 =	sadd.s32 s3, s9;
	s6 =	sadd.s32 @!p0 $0x88, s6;
	s7 =	simm.s32 @p2 $0x1082  }
0x22: {  	[simem:s7], [sflag:s8] =	dma.local @!p0 [hbm:s6], $0xF7A  }
0x23: {  	s9 =	sor.u32 $0xD0000000, s2;
	s6 =	simm.s32 $0x108;
	_ =	swait.ge @!p0 [sflag:s8], $0x0  }
0x24: {  	s3 =	sadd.s32 $0x88, s3;
	s6 =	simm.s32 @!p1 $0x1082;
	[sflag:s4] =	ssyncset.s32 $0xFFFFF086  }
0x25: {  	[simem:s6], [sflag:s4] =	dma.local [hbm:s3], $0xF7A  }
0x26: {  	[smem:$0x3F98] =	sst s1;
	(tag) =	ssettag s2;
	_ =	strace s9  }
0x27: {  	s1 =	sld [smem:$0x3FA8]  }
0x28: {  	s2 =	sld [smem:$0x3FA9]  }
0x29: {  	s4 =	sld [smem:$0x3FAB]  }
0x2a: {  	p0 =	seq.s32 s5, $0x0;
	s5 =	sld [smem:$0x3FAC]  }
0x2b: {  	s6 =	sld [smem:$0x3FAD]  }
0x2c: {  	s7 =	sld [smem:$0x3FAE]  }
0x2d: {  	s3 =	simm.s32 $0x108;
	s8 =	sld [smem:$0x3FAF]  }
0x2e: {  	s3 =	simm.s32 @!p0 $0x1082;
	s9 =	sld [smem:$0x3FB0]  }
0x2f: {  	lr =	sadd.s32 s0, s3;
	s0 =	sld [smem:$0x3FA7]  }
0x30: {  	s3 =	sld [smem:$0x3FAA]  }
0x31: {  	[smem:$0x3FB3] =	sst s10  }
0x32: {  	s10 =	sld [smem:$0x3FB1];
	_ =	sdelay $0x3  }
0x33: {  	p0 =	seq.s32 s10, $0x1;
	s10 =	sld [smem:$0x3FB3];
	_ =	sdelay $0x3  }
0x34: {  	[smem:$0x3FB3] =	sst s10  }
0x35: {  	s10 =	sld [smem:$0x3FB2];
	_ =	sdelay $0x3  }
0x36: {  	p1 =	seq.s32 s10, $0x1;
	s10 =	sld [smem:$0x3FB3];
	_ =	sdelay $0x3  }
0x37: {  	[smem:$0x3FB3] =	sst s10  }
0x38: {  	s10 =	sld [smem:$0x3FB4]  }
0x39: {  	_ = 	snop;
	(pc) =	sbr.ind lr, $3  }
0x3a: {  	_ = 	snop  }
0x3b: {  	_ = 	snop  }
0x3c: {  	p2 =	seq.s32 s10, $0x1;
	s10 =	sld [smem:$0x3FB3]  }
0x3d: {  	_ =	shalt  }
0x3e: {  	_ =	shalt  }
0x3f: {  	_ =	shalt  }
0x40: {  	_ =	shalt  }
0x41: {  	_ =	shalt  }
0x42: {  	_ =	shalt  }
0x43: {  	_ =	shalt  }
0x44: {  	_ =	shalt  }
0x45: {  	_ =	shalt  }
0x46: {  	_ =	shalt  }
0x47: {  	_ =	shalt  }
0x48: {  	_ =	shalt  }
0x49: {  	_ =	shalt  }
0x4a: {  	_ =	shalt  }
0x4b: {  	_ =	shalt  }
0x4c: {  	_ =	shalt  }
0x4d: {  	_ =	shalt  }
0x4e: {  	_ =	shalt  }
0x4f: {  	_ =	shalt  }
0x50: {  	_ =	shalt  }
0x51: {  	_ =	shalt  }
0x52: {  	_ =	shalt  }
0x53: {  	_ =	shalt  }
0x54: {  	_ =	shalt  }
0x55: {  	_ =	shalt  }
0x56: {  	_ =	shalt  }
0x57: {  	_ =	shalt  }
0x58: {  	_ =	shalt  }
0x59: {  	_ =	shalt  }
0x5a: {  	_ =	shalt  }
0x5b: {  	_ =	shalt  }
0x5c: {  	_ =	shalt  }
0x5d: {  	_ =	shalt  }
0x5e: {  	_ =	shalt  }
0x5f: {  	_ =	shalt  }
0x60: {  	_ =	shalt  }
0x61: {  	_ =	shalt  }
0x62: {  	_ =	shalt  }
0x63: {  	_ =	shalt  }
0x64: {  	_ =	shalt  }
0x65: {  	_ =	shalt  }
0x66: {  	_ =	shalt  }
0x67: {  	_ =	shalt  }
0x68: {  	_ =	shalt  }
0x69: {  	_ =	shalt  }
0x6a: {  	_ =	shalt  }
0x6b: {  	_ =	shalt  }
0x6c: {  	_ =	shalt  }
0x6d: {  	_ =	shalt  }
0x6e: {  	_ =	shalt  }
0x6f: {  	_ =	shalt  }
0x70: {  	_ =	shalt  }
0x71: {  	_ =	shalt  }
0x72: {  	_ =	shalt  }
0x73: {  	_ =	shalt  }
0x74: {  	_ =	shalt  }
0x75: {  	_ =	shalt  }
0x76: {  	_ =	shalt  }
0x77: {  	_ =	shalt  }
0x78: {  	_ =	shalt  }
0x79: {  	_ =	shalt  }
0x7a: {  	_ =	shalt  }
0x7b: {  	_ =	shalt  }
0x7c: {  	_ =	shalt  }
0x7d: {  	_ =	shalt  }
0x7e: {  	_ =	shalt  }
0x7f: {  	_ =	shalt  }
0x80: {  	_ =	shalt  }
0x81: {  	_ =	shalt  }
0x82: {  	_ =	shalt  }
0x83: {  	_ =	shalt  }
0x84: {  	_ =	shalt  }
0x85: {  	_ =	shalt  }
0x86: {  	_ =	shalt  }
0x87: {  	_ =	shalt  }
.Lfunc_end0:
.L_simem_size_0:
called_computation.2_lowered:
.L_overlay_start_0:
0x88: {  	s2 =	sld [smem:$0x3FD9]  }
0x89: {  	s3 =	sld [smem:$0x3FFE];
	_ =	sdelay $0x1  }
0x8a: {  	s1 =	srdreg.scid  }
0x8b: {  	s0 =	sand.u32 $0x1, s1  }
0x8c: {  	s16 =	sshll.u32 s0, $0xA;
	s2 =	sadd.s32 s3, s2  }
0x8d: {  	s2 =	sadd.s32 s2, s16  }
0x8e: {  	[smem:$0x3FBF] =	sst s2  }
0x8f: {  	_ = 	snop  }
0x90: {  	(tm) =	ssettm $0x1  }
0x91: {  	s17 =	sld [smem:$0x3FFB];
	_ =	sdelay $0x3  }
0x92: {  	_ =	strace s17  }
0x93: {  	s2 =	sld [smem:$0x3FFC];
	_ =	sdelay $0x3  }
0x94: {  	_ =	strace s2  }
0x95: {  	s2 =	sld [smem:$0x3FFD];
	_ =	sdelay $0x3  }
0x96: {  	_ =	strace s2  }
0x97: {  	_ =	strace $0x8FFFFFFF  }
0x98: {  	s18 =	sld [smem:$0x3FDB];
	_ =	sdelay $0x1  }
0x99: {  	s19 =	simm.s32 $_scs_section_size  }
0x9a: {  	s4 =	simm.s32 $_size__tile_overlayer_lowered;
	s5 =	simm.s32 $_tile_overlayer_lowered  }
0x9b: {  	s22 =	simm.s32 $0x1BFF;
	s21 =	sshll.u32 s5, $0x1;
	s2 =	sadd.s32 s19, s18  }
0x9c: {  	s6 =	simm.s32 $0x0;
	s20 =	sshll.u32 s4, $0x1;
	s4 =	sadd.s32 s21, s2  }
0x9d: {  	[timem:s6], [sflag:s22] =	dma.local [hbm:s4], s20  }
0x9e: {  	_ =	swait.ge [sflag:s22], s20  }
0x9f: {  	s3 =	ssub.s32 $0x0, s20;
	[sflag:s22] =	ssyncset.done $0x0  }
0xa0: {  	[sflag:s22] =	ssyncadd.s32 s3;
	_ =	sdelay $0x1  }
0xa1: {  	s23 =	simm.s32 $0x1B8B  }
0xa2: {  	_ =	swait.ge [sflag:s23], $0x1  }
0xa3: {  	[sflag:s23] =	ssyncset.done $0x0  }
0xa4: {  	s25 =	simm.s32 $0x1B8E;
	s24 =	sld [smem:$0x3FFE];
	[sflag:s23] =	ssyncadd.s32 $0xFFFFFFFF  }
0xa5: {  	s26 =	simm.s32 $execute0_lowered;
	[smem:$0x3FD2] =	sst s25  }
0xa6: {  	s4 =	sshll.u32 s26, $0x1;
	_ =	strace $0x8000004C;
	[dreg:$0x1] =	wrdreg $0xFFFFFFFF  }
0xa7: {  	s28 =	simm.s32 $_size_execute0_lowered;
	s2 =	sadd.s32 s2, s4;
	[dreg:$0x0] =	wrdreg $0x0  }
0xa8: {  	s4 =	sshll.u32 s28, $0x1;
	[dreg:$0x2] =	wrdreg s2  }
0xa9: {  	[dreg:$0x3] =	wrdreg s4  }
0xaa: {  	[dreg:$0x4] =	wrdreg $0xC0  }
0xab: {  	_ =	task [dreg:s6], $0x5FFFF  }
0xac: {  	[dreg:$0x1] =	wrdreg $0xFFFFFFFF  }
0xad: {  	[dreg:$0x0] =	wrdreg $0x60  }
0xae: {  	[dreg:$0x2] =	wrdreg s24  }
0xaf: {  	[dreg:$0x3] =	wrdreg $0x9  }
0xb0: {  	_ =	task.clear_ibuf [dreg:s6], $0x4FFFF;
	_ =	strace $0x9000004C  }
0xb1: {  	s29 =	simm.s32 $0x9;
	_ =	strace $0x8000004E  }
0xb2: {  	_ =	swait.ge [sflag:s29], $0x1  }
0xb3: {  	[sflag:s29] =	ssyncadd.s32 $0xFFFFFFFF  }
0xb4: {  	_ =	strace $0x9000004E  }
0xb5: {  	_ =	sfence  }
0xb6: {  	s30 =	sld [smem:$0x0];
	_ =	sdelay $0x2  }
0xb7: {  	s31 =	sshll.u32 s1, $0xD;
	s1 =	sshrl.u32 s1, $0x2  }
0xb8: {  	s3 =	sand.u32 $0x4000, s31;
	s1 =	sadd.s32 s1, s30  }
0xb9: {  	s0 =	sor.u32 s3, s0;
	s1 =	sshll.u32 s1, $0x11  }
0xba: {  	s0 =	sor.u32 s1, s0  }
0xbb: {  	s0 =	sadd.s32 $0x8F2B, s0  }
0xbc: {  	[sflag:s0] =	ssyncadd.remote.s32 $0x1  }
0xbd: {  	_ =	sfence.sel $0xFFFF  }
0xbe: {  	[dreg:$0x0] =	wrdreg $0xFFFFFFFF;
	(pc) =	sbr.abs _section_cstart, $3  }
0xbf: {  	[dreg:$0x1] =	wrdreg $0xFFFFFFFF  }
0xc0: {  	_ =	task.clear_ibuf [dreg:s6], $0x2FFFF;
	_ =	strace $0x9FFFFFFF  }
0xc1: {  	(tm) =	ssettm $0x7FFFFFFF  }
tec
execute0_lowered:
.L_overlay_start_1:
0x0: {  	(tag) =	ssettag $0x1  }
0x1: {  	s4 =	rddreg [dreg:$0x0]  }
0x2: {  	s0 =	rddreg [dreg:$0x1]  }
0x3: {  	s3 =	srdreg.scid;
	s1 =	stileid.u32;
	s2 =	simm.s32 $0x0  }
0x4: {  	s11 =	simm.s32 $0x4000;
	s12 =	simm.s32 $0x20;
	s13 =	simm.s32 $0x4C00  }
0x5: {  	s14 =	simm.s32 $0x1;
	s15 =	simm.s32 $0x2;
	s16 =	simm.s32 $0x0  }
0x6: {  	s6 =	sand.u32 $0x1, s3;
	s25 =	sshll.u32 s1, $0x1;
	[smem:$0x7FF] =	sst s2  }
0x7: {  	s9 =	sadd.s32 $0x651400, s4;
	s29 =	smul.u32 $0x60000, s1;
	s5 =	sor.u32 s6, s25  }
0x8: {  	_ =	strace $0x8000004D;
	s8 =	ssub.s32 $0x2, s6;
	s31 =	smul.u32 $0x30000, s6  }
0x9: {  	s3 =	sshll.u32 s5, $0xB;
	s26 =	sshrl.u32 s8, $0x1;
	s10 =	smul.u32 $0x30000, s5  }
0xa: {  	s7 =	sadd.s32 s3, s4;
	s3 =	sadd.s32 $0x41200, s4;
	s28 =	ssub.s32 s8, s26  }
0xb: {  	s8 =	sadd.s32 s29, s9;
	s4 =	sadd.s32 $0x81200, s7;
	s5 =	smax.u32 s28, $0x1  }
0xc: {  	s30 =	sadd.s32 s9, s10;
	s8 =	sadd.s32 s31, s8;
	s9 =	simm.s32 $0x3  }
0xd: {  	s10 =	simm.s32 $0x14;
	s6 =	sadd.s32 $0x2FD00, s30;
	s7 =	sadd.s32 $0x2FE80, s30  }
.LBB2_1:
0xe: {  	[tilespmem:s2], [sflag:$0x3] =	stream.linear.gather [hbm4b:s4+s2], $0x4000, $0x38;
	[tilespmem:$0x5800] =	vst v63  }
0xf: {  	_ =	swait.ge [sflag:s9], $0x4000  }
0x10: {  	[sflag:s9] =	ssyncset.done $0x0  }
0x11: {  	[sflag:s9] =	ssyncadd.s32 $0xFFFFC000  }
0x12: {  	[tilespmem:s11], [sflag:$0x1] =	stream.indirect.gather [hbm4b:s3+s10], $0x80, s2, s10, $0xb8;
	[tilespmem:$0x5800] =	vst v63  }
0x13: {  	_ = 	snop  }
0x14: {  	[tilespmem:s13], [sflag:$0x2] =	stream.indirect.gather [hbm4b:s3+s10], $0x80, s12, s10, $0xb8;
	[tilespmem:$0x5800] =	vst v63  }
0x15: {  	_ =	swait.ge [sflag:s14], $0xA00  }
0x16: {  	[sflag:s14] =	ssyncset.done $0x0  }
0x17: {  	s17 =	sadd.s32 $0x0, s8;
	[sflag:s14] =	ssyncadd.s32 $0xFFFFF600  }
0x18: {  	[hbm4b:s17+s2] =	stream.linear.scatter [tilespmem:s11], [sflag:$0x3], $0xA00, $0x38;
	[tilespmem:$0x5800] =	vst v63  }
0x19: {  	_ =	swait.ge [sflag:s9], $0xA00  }
0x1a: {  	[sflag:s9] =	ssyncset.done $0x0  }
0x1b: {  	s18 =	simm.s32 $0x40;
	[sflag:s9] =	ssyncadd.s32 $0xFFFFF600  }
0x1c: {  	[tilespmem:s11], [sflag:$0x1] =	stream.indirect.gather [hbm4b:s3+s10], $0x80, s18, s10, $0xb8;
	[tilespmem:$0x5800] =	vst v63  }
0x1d: {  	_ =	swait.ge [sflag:s15], $0xA00  }
0x1e: {  	[sflag:s15] =	ssyncset.done $0x0  }
0x1f: {  	s17 =	sadd.s32 $0x180, s17;
	[sflag:s15] =	ssyncadd.s32 $0xFFFFF600  }
0x20: {  	[hbm4b:s17+s2] =	stream.linear.scatter [tilespmem:s13], [sflag:$0x3], $0xA00, $0x38;
	[tilespmem:$0x5800] =	vst v63  }
0x21: {  	_ =	swait.ge [sflag:s9], $0xA00  }
0x22: {  	s19 =	simm.s32 $0xA0;
	[sflag:s9] =	ssyncset.done $0x0  }
0x23: {  	s18 =	simm.s32 $0x300;
	s17 =	simm.s32 $0x60;
	[sflag:s9] =	ssyncadd.s32 $0xFFFFF600  }
.LBB2_2:
0x24: {  	[tilespmem:s13], [sflag:$0x2] =	stream.indirect.gather [hbm4b:s3+s10], $0x80, s17, s10, $0xb8;
	[tilespmem:$0x5800] =	vst v63  }
0x25: {  	s20 =	smov.u32 s18;
	s17 =	smov.u32 s19  }
0x26: {  	p0 =	sne.s32 s18, $0x2FA00;
	s18 =	sadd.s32 $0x300, s18;
	_ =	swait.ge [sflag:s14], $0xA00  }
0x27: {  	[sflag:s14] =	ssyncset.done $0x0  }
0x28: {  	s20 =	sadd.s32 s20, s8;
	[sflag:s14] =	ssyncadd.s32 $0xFFFFF600  }
0x29: {  	[hbm4b:s20+s2] =	stream.linear.scatter [tilespmem:s11], [sflag:$0x3], $0xA00, $0x38;
	[tilespmem:$0x5800] =	vst v63  }
0x2a: {  	_ =	swait.ge [sflag:s9], $0xA00  }
0x2b: {  	[sflag:s9] =	ssyncset.done $0x0  }
0x2c: {  	s21 =	sadd.s32 $0xFFFFFFE0, s19;
	[sflag:s9] =	ssyncadd.s32 $0xFFFFF600  }
0x2d: {  	[tilespmem:s11], [sflag:$0x1] =	stream.indirect.gather [hbm4b:s3+s10], $0x80, s21, s10, $0xb8;
	[tilespmem:$0x5800] =	vst v63  }
0x2e: {  	_ =	swait.ge [sflag:s15], $0xA00  }
0x2f: {  	[sflag:s15] =	ssyncset.done $0x0  }
.Ltmp0:
0x30: {  	s20 =	sadd.s32 $0x180, s20;
	[sflag:s15] =	ssyncadd.s32 $0xFFFFF600;
	(pc) =	sbr.rel @p0 .LBB2_2-.Ltmp0, $4  }
0x31: {  	[hbm4b:s20+s2] =	stream.linear.scatter [tilespmem:s13], [sflag:$0x3], $0xA00, $0x38;
	[tilespmem:$0x5800] =	vst v63  }
0x32: {  	_ =	swait.ge [sflag:s9], $0xA00  }
0x33: {  	[sflag:s9] =	ssyncset.done $0x0  }
0x34: {  	s19 =	sadd.s32 $0x40, s19;
	[sflag:s9] =	ssyncadd.s32 $0xFFFFF600  }
0x35: {  	[tilespmem:s13], [sflag:$0x2] =	stream.indirect.gather [hbm4b:s3+s10], $0x80, s17, s10, $0xb8;
	[tilespmem:$0x5800] =	vst v63  }
0x36: {  	_ =	swait.ge [sflag:s14], $0xA00  }
0x37: {  	[sflag:s14] =	ssyncset.done $0x0  }
0x38: {  	[sflag:s14] =	ssyncadd.s32 $0xFFFFF600  }
0x39: {  	[hbm4b:s6+s2] =	stream.linear.scatter [tilespmem:s11], [sflag:$0x3], $0xA00, $0x38;
	[tilespmem:$0x5800] =	vst v63  }
0x3a: {  	_ =	swait.ge [sflag:s9], $0xA00  }
0x3b: {  	[sflag:s9] =	ssyncset.done $0x0  }
0x3c: {  	[sflag:s9] =	ssyncadd.s32 $0xFFFFF600  }
0x3d: {  	s16 =	sadd.s32 $0x1, s16;
	_ =	swait.ge [sflag:s15], $0xA00  }
0x3e: {  	p0 =	sne.s32 s16, s5;
	[sflag:s15] =	ssyncset.done $0x0  }
.Ltmp1:
0x3f: {  	[sflag:s15] =	ssyncadd.s32 $0xFFFFF600;
	(pc) =	sbr.rel @p0 .LBB2_1-.Ltmp1, $4  }
0x40: {  	[hbm4b:s7+s2] =	stream.linear.scatter [tilespmem:s13], [sflag:$0x3], $0xA00, $0x38;
	[tilespmem:$0x5800] =	vst v63  }
0x41: {  	_ =	swait.ge [sflag:s9], $0xA00  }
0x42: {  	[sflag:s9] =	ssyncset.done $0x0  }
0x43: {  	[sflag:s9] =	ssyncadd.s32 $0xFFFFF600  }
0x44: {  	_ =	sfence.sel $0x180000  }
0x45: {  	[bflag:$0x0] =	sbarrier.arrive $0xFFFF  }
0x46: {  	p0 =	sne.s32 s1, $0x0;
	_ =	strace $0x9000004D  }
0x47: {  	s0 =	sadd.s32 @!p0 $0x100000, s0;
	[bflag:$0x2] =	sbarrier.arrive $0xFFFF  }
0x48: {  	[sflag:s0] =	ssyncadd.tile.s32 @!p0 $0x1;
	_ =	shalt  }
.Lfunc_end2:
_tile_overlayer_lowered:
.L_overlay_start_2:
0x49: {  	(tag) =	ssettag $0x2  }
0x4a: {  	s0 =	rddreg [dreg:$0x0];
	s2 =	stileid.u32  }
0x4b: {  	s1 =	rddreg [dreg:$0x1];
	p0 =	sne.s32 s2, $0x0  }
0x4c: {  	s3 =	rddreg [dreg:$0x2];
	[bflag:$0x3] =	sbarrier.arrive $0xFFFF;
	s2 =	simm.s32 @!p0 $0x1C03  }
0x4d: {  	[timem:s3], [sflag:s2] =	dma.local @!p0 [hbm:s0], s1  }
0x4e: {  	s0 =	simm.s32 @!p0 $0x3  }
0x4f: {  	_ =	swait.ge @!p0 [sflag:s0], s1  }
0x50: {  	s1 =	ssub.s32 @!p0 $0x0, s1;
	[sflag:s0] =	ssyncset.done @!p0 $0x0  }
0x51: {  	[sflag:s0] =	ssyncadd.s32 @!p0 s1  }
0x52: {  	[bflag:$0x3] =	sbarrier.arrive $0xFFFF  }
0x53: {  	_ =	shalt  }

// kernel: kernel.30.cloned.1.call-start
scs
__scs_entry_jumppad:
0x0: {  	(pc) =	sbr.rel $0x88, $3  }
0x1: {  	(tag) =	ssettag $0x0;
	lr =	simm.s32 $0x1  }
0x2: {  	[smem:$0x3F98] =	sst lr;
	_ =	strace $0xD0000000  }
0x3: {  	_ = 	snop  }
0x4: {  	_ = 	snop  }
0x5: {  	_ = 	snop  }
0x6: {  	_ = 	snop  }
0x7: {  	_ = 	snop  }
__scs_overlays_trampoline_lowered:
0x8: {  	[smem:$0x3FA7] =	sst s0  }
0x9: {  	[smem:$0x3FA8] =	sst s1  }
0xa: {  	[smem:$0x3FA9] =	sst s2  }
0xb: {  	[smem:$0x3FAA] =	sst s3  }
0xc: {  	[smem:$0x3FAB] =	sst s4  }
0xd: {  	[smem:$0x3FAC] =	sst s5  }
0xe: {  	[smem:$0x3FAD] =	sst s6  }
0xf: {  	[smem:$0x3FAE] =	sst s7  }
0x10: {  	[smem:$0x3FAF] =	sst s8  }
0x11: {  	[smem:$0x3FB0] =	sst s9;
	s0 =	simm.s32 @!p0 $0x0  }
0x12: {  	s1 =	sld [smem:$0x3F96];
	s0 =	simm.s32 @p0 $0x1  }
0x13: {  	[smem:$0x3FB1] =	sst s0;
	s0 =	simm.s32 @!p1 $0x0  }
0x14: {  	s2 =	sld [smem:$0x3F95];
	s0 =	simm.s32 @p1 $0x1  }
0x15: {  	[smem:$0x3FB2] =	sst s0;
	s0 =	simm.s32 @!p2 $0x0  }
0x16: {  	s3 =	sld [smem:$0x3FDB];
	s0 =	simm.s32 @p2 $0x1  }
0x17: {  	s4 =	simm.s32 $0x1BF5;
	[smem:$0x3FB4] =	sst s0  }
0x18: {  	s0 =	sld [smem:$0x3F97];
	_ =	swait.ge [sflag:s4], $0x0  }
0x19: {  	s7 =	sld [smem:$0x3F98]  }
0x1a: {  	s8 =	sadd.s32 $0xFFFFE003, lr  }
0x1b: {  	s9 =	sadd.s32 $0xFFFFFEF7, lr;
	s5 =	simm.s32 $0xFFFFFFFF;
	p2 =	slt.u32 s8, $0xFFFFF086  }
0x1c: {  	p1 =	slt.u32 s9, $0xF7A;
	s5 =	simm.s32 @!p2 $0x0  }
0x1d: {  	s5 =	simm.s32 @p1 $0x1;
	p0 =	seq.s32 s7, s2  }
0x1e: {  	s7 =	smul.u32 @!p0 $0xF7A, s2;
	p2 =	seq.s32 @!p0 s5, $0x0  }
0x1f: {  	s9 =	smul.u32 $0xF7A, s1;
	s8 =	simm.s32 @!p0 $0x1BF5;
	p2 =	por !p2, p0  }
0x20: {  	[sflag:s8] =	ssyncset.s32 @!p0 $0xFFFFF086;
	s6 =	sadd.s32 @!p0 s3, s7;
	s7 =	simm.s32 @!p0 $0x108  }
0x21: {  	s3 =	sadd.s32 s3, s9;
	s6 =	sadd.s32 @!p0 $0x88, s6;
	s7 =	simm.s32 @p2 $0x1082  }
0x22: {  	[simem:s7], [sflag:s8] =	dma.local @!p0 [hbm:s6], $0xF7A  }
0x23: {  	s9 =	sor.u32 $0xD0000000, s2;
	s6 =	simm.s32 $0x108;
	_ =	swait.ge @!p0 [sflag:s8], $0x0  }
0x24: {  	s3 =	sadd.s32 $0x88, s3;
	s6 =	simm.s32 @!p1 $0x1082;
	[sflag:s4] =	ssyncset.s32 $0xFFFFF086  }
0x25: {  	[simem:s6], [sflag:s4] =	dma.local [hbm:s3], $0xF7A  }
0x26: {  	[smem:$0x3F98] =	sst s1;
	(tag) =	ssettag s2;
	_ =	strace s9  }
0x27: {  	s1 =	sld [smem:$0x3FA8]  }
0x28: {  	s2 =	sld [smem:$0x3FA9]  }
0x29: {  	s4 =	sld [smem:$0x3FAB]  }
0x2a: {  	p0 =	seq.s32 s5, $0x0;
	s5 =	sld [smem:$0x3FAC]  }
0x2b: {  	s6 =	sld [smem:$0x3FAD]  }
0x2c: {  	s7 =	sld [smem:$0x3FAE]  }
0x2d: {  	s3 =	simm.s32 $0x108;
	s8 =	sld [smem:$0x3FAF]  }
0x2e: {  	s3 =	simm.s32 @!p0 $0x1082;
	s9 =	sld [smem:$0x3FB0]  }
0x2f: {  	lr =	sadd.s32 s0, s3;
	s0 =	sld [smem:$0x3FA7]  }
0x30: {  	s3 =	sld [smem:$0x3FAA]  }
0x31: {  	[smem:$0x3FB3] =	sst s10  }
0x32: {  	s10 =	sld [smem:$0x3FB1];
	_ =	sdelay $0x3  }
0x33: {  	p0 =	seq.s32 s10, $0x1;
	s10 =	sld [smem:$0x3FB3];
	_ =	sdelay $0x3  }
0x34: {  	[smem:$0x3FB3] =	sst s10  }
0x35: {  	s10 =	sld [smem:$0x3FB2];
	_ =	sdelay $0x3  }
0x36: {  	p1 =	seq.s32 s10, $0x1;
	s10 =	sld [smem:$0x3FB3];
	_ =	sdelay $0x3  }
0x37: {  	[smem:$0x3FB3] =	sst s10  }
0x38: {  	s10 =	sld [smem:$0x3FB4]  }
0x39: {  	_ = 	snop;
	(pc) =	sbr.ind lr, $3  }
0x3a: {  	_ = 	snop  }
0x3b: {  	_ = 	snop  }
0x3c: {  	p2 =	seq.s32 s10, $0x1;
	s10 =	sld [smem:$0x3FB3]  }
0x3d: {  	_ =	shalt  }
0x3e: {  	_ =	shalt  }
0x3f: {  	_ =	shalt  }
0x40: {  	_ =	shalt  }
0x41: {  	_ =	shalt  }
0x42: {  	_ =	shalt  }
0x43: {  	_ =	shalt  }
0x44: {  	_ =	shalt  }
0x45: {  	_ =	shalt  }
0x46: {  	_ =	shalt  }
0x47: {  	_ =	shalt  }
0x48: {  	_ =	shalt  }
0x49: {  	_ =	shalt  }
0x4a: {  	_ =	shalt  }
0x4b: {  	_ =	shalt  }
0x4c: {  	_ =	shalt  }
0x4d: {  	_ =	shalt  }
0x4e: {  	_ =	shalt  }
0x4f: {  	_ =	shalt  }
0x50: {  	_ =	shalt  }
0x51: {  	_ =	shalt  }
0x52: {  	_ =	shalt  }
0x53: {  	_ =	shalt  }
0x54: {  	_ =	shalt  }
0x55: {  	_ =	shalt  }
0x56: {  	_ =	shalt  }
0x57: {  	_ =	shalt  }
0x58: {  	_ =	shalt  }
0x59: {  	_ =	shalt  }
0x5a: {  	_ =	shalt  }
0x5b: {  	_ =	shalt  }
0x5c: {  	_ =	shalt  }
0x5d: {  	_ =	shalt  }
0x5e: {  	_ =	shalt  }
0x5f: {  	_ =	shalt  }
0x60: {  	_ =	shalt  }
0x61: {  	_ =	shalt  }
0x62: {  	_ =	shalt  }
0x63: {  	_ =	shalt  }
0x64: {  	_ =	shalt  }
0x65: {  	_ =	shalt  }
0x66: {  	_ =	shalt  }
0x67: {  	_ =	shalt  }
0x68: {  	_ =	shalt  }
0x69: {  	_ =	shalt  }
0x6a: {  	_ =	shalt  }
0x6b: {  	_ =	shalt  }
0x6c: {  	_ =	shalt  }
0x6d: {  	_ =	shalt  }
0x6e: {  	_ =	shalt  }
0x6f: {  	_ =	shalt  }
0x70: {  	_ =	shalt  }
0x71: {  	_ =	shalt  }
0x72: {  	_ =	shalt  }
0x73: {  	_ =	shalt  }
0x74: {  	_ =	shalt  }
0x75: {  	_ =	shalt  }
0x76: {  	_ =	shalt  }
0x77: {  	_ =	shalt  }
0x78: {  	_ =	shalt  }
0x79: {  	_ =	shalt  }
0x7a: {  	_ =	shalt  }
0x7b: {  	_ =	shalt  }
0x7c: {  	_ =	shalt  }
0x7d: {  	_ =	shalt  }
0x7e: {  	_ =	shalt  }
0x7f: {  	_ =	shalt  }
0x80: {  	_ =	shalt  }
0x81: {  	_ =	shalt  }
0x82: {  	_ =	shalt  }
0x83: {  	_ =	shalt  }
0x84: {  	_ =	shalt  }
0x85: {  	_ =	shalt  }
0x86: {  	_ =	shalt  }
0x87: {  	_ =	shalt  }
.Lfunc_end0:
.L_simem_size_0:
called_computation.3_lowered:
.L_overlay_start_0:
0x88: {  	s2 =	sld [smem:$0x3FD9]  }
0x89: {  	s3 =	sld [smem:$0x3FFE];
	_ =	sdelay $0x1  }
0x8a: {  	s1 =	srdreg.scid  }
0x8b: {  	s0 =	sand.u32 $0x1, s1  }
0x8c: {  	s16 =	sshll.u32 s0, $0xA;
	s2 =	sadd.s32 s3, s2  }
0x8d: {  	s2 =	sadd.s32 s2, s16  }
0x8e: {  	[smem:$0x3FBF] =	sst s2  }
0x8f: {  	_ = 	snop  }
0x90: {  	(tm) =	ssettm $0x1  }
0x91: {  	s17 =	sld [smem:$0x3FFB];
	_ =	sdelay $0x3  }
0x92: {  	_ =	strace s17  }
0x93: {  	s2 =	sld [smem:$0x3FFC];
	_ =	sdelay $0x3  }
0x94: {  	_ =	strace s2  }
0x95: {  	s2 =	sld [smem:$0x3FFD];
	_ =	sdelay $0x3  }
0x96: {  	_ =	strace s2  }
0x97: {  	_ =	strace $0x8FFFFFFF  }
0x98: {  	s18 =	sld [smem:$0x3FDB];
	_ =	sdelay $0x1  }
0x99: {  	s19 =	simm.s32 $_scs_section_size  }
0x9a: {  	s4 =	simm.s32 $_size__tile_overlayer_lowered;
	s5 =	simm.s32 $_tile_overlayer_lowered  }
0x9b: {  	s22 =	simm.s32 $0x1BFF;
	s21 =	sshll.u32 s5, $0x1;
	s2 =	sadd.s32 s19, s18  }
0x9c: {  	s6 =	simm.s32 $0x0;
	s20 =	sshll.u32 s4, $0x1;
	s4 =	sadd.s32 s21, s2  }
0x9d: {  	[timem:s6], [sflag:s22] =	dma.local [hbm:s4], s20  }
0x9e: {  	_ =	swait.ge [sflag:s22], s20  }
0x9f: {  	s3 =	ssub.s32 $0x0, s20;
	[sflag:s22] =	ssyncset.done $0x0  }
0xa0: {  	[sflag:s22] =	ssyncadd.s32 s3;
	_ =	sdelay $0x1  }
0xa1: {  	s23 =	simm.s32 $0x1B8B  }
0xa2: {  	_ =	swait.ge [sflag:s23], $0x1  }
0xa3: {  	[sflag:s23] =	ssyncset.done $0x0  }
0xa4: {  	s25 =	simm.s32 $0x1B8E;
	s24 =	sld [smem:$0x3FFE];
	[sflag:s23] =	ssyncadd.s32 $0xFFFFFFFF  }
0xa5: {  	s26 =	simm.s32 $execute0_lowered;
	[smem:$0x3FD2] =	sst s25  }
0xa6: {  	s4 =	sshll.u32 s26, $0x1;
	_ =	strace $0x8000004F;
	[dreg:$0x1] =	wrdreg $0xFFFFFFFF  }
0xa7: {  	s28 =	simm.s32 $_size_execute0_lowered;
	s2 =	sadd.s32 s2, s4;
	[dreg:$0x0] =	wrdreg $0x0  }
0xa8: {  	s4 =	sshll.u32 s28, $0x1;
	[dreg:$0x2] =	wrdreg s2  }
0xa9: {  	[dreg:$0x3] =	wrdreg s4  }
0xaa: {  	[dreg:$0x4] =	wrdreg $0xC0  }
0xab: {  	_ =	task [dreg:s6], $0x5FFFF  }
0xac: {  	[dreg:$0x1] =	wrdreg $0xFFFFFFFF  }
0xad: {  	[dreg:$0x0] =	wrdreg $0x60  }
0xae: {  	[dreg:$0x2] =	wrdreg s24  }
0xaf: {  	[dreg:$0x3] =	wrdreg $0x9  }
0xb0: {  	_ =	task.clear_ibuf [dreg:s6], $0x4FFFF;
	_ =	strace $0x9000004F  }
0xb1: {  	s29 =	simm.s32 $0x9;
	_ =	strace $0x80000051  }
0xb2: {  	_ =	swait.ge [sflag:s29], $0x1  }
0xb3: {  	[sflag:s29] =	ssyncadd.s32 $0xFFFFFFFF  }
0xb4: {  	_ =	strace $0x90000051  }
0xb5: {  	_ =	sfence  }
0xb6: {  	s30 =	sld [smem:$0x0];
	_ =	sdelay $0x2  }
0xb7: {  	s31 =	sshll.u32 s1, $0xD;
	s1 =	sshrl.u32 s1, $0x2  }
0xb8: {  	s3 =	sand.u32 $0x4000, s31;
	s1 =	sadd.s32 s1, s30  }
0xb9: {  	s0 =	sor.u32 s3, s0;
	s1 =	sshll.u32 s1, $0x11  }
0xba: {  	s0 =	sor.u32 s1, s0  }
0xbb: {  	s0 =	sadd.s32 $0x8F2B, s0  }
0xbc: {  	[sflag:s0] =	ssyncadd.remote.s32 $0x1  }
0xbd: {  	_ =	sfence.sel $0xFFFF  }
0xbe: {  	[dreg:$0x0] =	wrdreg $0xFFFFFFFF;
	(pc) =	sbr.abs _section_cstart, $3  }
0xbf: {  	[dreg:$0x1] =	wrdreg $0xFFFFFFFF  }
0xc0: {  	_ =	task.clear_ibuf [dreg:s6], $0x2FFFF;
	_ =	strace $0x9FFFFFFF  }
0xc1: {  	(tm) =	ssettm $0x7FFFFFFF  }
tec
execute0_lowered:
.L_overlay_start_1:
0x0: {  	(tag) =	ssettag $0x1  }
0x1: {  	s4 =	rddreg [dreg:$0x0]  }
0x2: {  	s0 =	rddreg [dreg:$0x1]  }
0x3: {  	s3 =	srdreg.scid;
	s1 =	stileid.u32;
	s2 =	simm.s32 $0x0  }
0x4: {  	s11 =	simm.s32 $0x4000;
	s12 =	simm.s32 $0x20;
	s13 =	simm.s32 $0x4C00  }
0x5: {  	s14 =	simm.s32 $0x1;
	s15 =	simm.s32 $0x2;
	s16 =	simm.s32 $0x0  }
0x6: {  	s6 =	sand.u32 $0x1, s3;
	s25 =	sshll.u32 s1, $0x1;
	[smem:$0x7FF] =	sst s2  }
0x7: {  	s9 =	sadd.s32 $0xD1200, s4;
	s29 =	smul.u32 $0x60000, s1;
	s5 =	sor.u32 s6, s25  }
0x8: {  	_ =	strace $0x80000050;
	s8 =	ssub.s32 $0x2, s6;
	s31 =	smul.u32 $0x30000, s6  }
0x9: {  	s3 =	sshll.u32 s5, $0xB;
	s26 =	sshrl.u32 s8, $0x1;
	s10 =	smul.u32 $0x30000, s5  }
0xa: {  	s7 =	sadd.s32 s3, s4;
	s3 =	sadd.s32 $0x81200, s4;
	s28 =	ssub.s32 s8, s26  }
0xb: {  	s8 =	sadd.s32 s29, s9;
	s4 =	sadd.s32 $0xC1200, s7;
	s5 =	smax.u32 s28, $0x1  }
0xc: {  	s30 =	sadd.s32 s9, s10;
	s8 =	sadd.s32 s31, s8;
	s9 =	simm.s32 $0x3  }
0xd: {  	s10 =	simm.s32 $0x14;
	s6 =	sadd.s32 $0x2FD00, s30;
	s7 =	sadd.s32 $0x2FE80, s30  }
.LBB2_1:
0xe: {  	[tilespmem:s2], [sflag:$0x3] =	stream.linear.gather [hbm4b:s4+s2], $0x4000, $0x38;
	[tilespmem:$0x5800] =	vst v63  }
0xf: {  	_ =	swait.ge [sflag:s9], $0x4000  }
0x10: {  	[sflag:s9] =	ssyncset.done $0x0  }
0x11: {  	[sflag:s9] =	ssyncadd.s32 $0xFFFFC000  }
0x12: {  	[tilespmem:s11], [sflag:$0x1] =	stream.indirect.gather [hbm4b:s3+s10], $0x80, s2, s10, $0xb8;
	[tilespmem:$0x5800] =	vst v63  }
0x13: {  	_ = 	snop  }
0x14: {  	[tilespmem:s13], [sflag:$0x2] =	stream.indirect.gather [hbm4b:s3+s10], $0x80, s12, s10, $0xb8;
	[tilespmem:$0x5800] =	vst v63  }
0x15: {  	_ =	swait.ge [sflag:s14], $0xA00  }
0x16: {  	[sflag:s14] =	ssyncset.done $0x0  }
0x17: {  	s17 =	sadd.s32 $0x0, s8;
	[sflag:s14] =	ssyncadd.s32 $0xFFFFF600  }
0x18: {  	[hbm4b:s17+s2] =	stream.linear.scatter [tilespmem:s11], [sflag:$0x3], $0xA00, $0x38;
	[tilespmem:$0x5800] =	vst v63  }
0x19: {  	_ =	swait.ge [sflag:s9], $0xA00  }
0x1a: {  	[sflag:s9] =	ssyncset.done $0x0  }
0x1b: {  	s18 =	simm.s32 $0x40;
	[sflag:s9] =	ssyncadd.s32 $0xFFFFF600  }
0x1c: {  	[tilespmem:s11], [sflag:$0x1] =	stream.indirect.gather [hbm4b:s3+s10], $0x80, s18, s10, $0xb8;
	[tilespmem:$0x5800] =	vst v63  }
0x1d: {  	_ =	swait.ge [sflag:s15], $0xA00  }
0x1e: {  	[sflag:s15] =	ssyncset.done $0x0  }
0x1f: {  	s17 =	sadd.s32 $0x180, s17;
	[sflag:s15] =	ssyncadd.s32 $0xFFFFF600  }
0x20: {  	[hbm4b:s17+s2] =	stream.linear.scatter [tilespmem:s13], [sflag:$0x3], $0xA00, $0x38;
	[tilespmem:$0x5800] =	vst v63  }
0x21: {  	_ =	swait.ge [sflag:s9], $0xA00  }
0x22: {  	s19 =	simm.s32 $0xA0;
	[sflag:s9] =	ssyncset.done $0x0  }
0x23: {  	s18 =	simm.s32 $0x300;
	s17 =	simm.s32 $0x60;
	[sflag:s9] =	ssyncadd.s32 $0xFFFFF600  }
.LBB2_2:
0x24: {  	[tilespmem:s13], [sflag:$0x2] =	stream.indirect.gather [hbm4b:s3+s10], $0x80, s17, s10, $0xb8;
	[tilespmem:$0x5800] =	vst v63  }
0x25: {  	s20 =	smov.u32 s18;
	s17 =	smov.u32 s19  }
0x26: {  	p0 =	sne.s32 s18, $0x2FA00;
	s18 =	sadd.s32 $0x300, s18;
	_ =	swait.ge [sflag:s14], $0xA00  }
0x27: {  	[sflag:s14] =	ssyncset.done $0x0  }
0x28: {  	s20 =	sadd.s32 s20, s8;
	[sflag:s14] =	ssyncadd.s32 $0xFFFFF600  }
0x29: {  	[hbm4b:s20+s2] =	stream.linear.scatter [tilespmem:s11], [sflag:$0x3], $0xA00, $0x38;
	[tilespmem:$0x5800] =	vst v63  }
0x2a: {  	_ =	swait.ge [sflag:s9], $0xA00  }
0x2b: {  	[sflag:s9] =	ssyncset.done $0x0  }
0x2c: {  	s21 =	sadd.s32 $0xFFFFFFE0, s19;
	[sflag:s9] =	ssyncadd.s32 $0xFFFFF600  }
0x2d: {  	[tilespmem:s11], [sflag:$0x1] =	stream.indirect.gather [hbm4b:s3+s10], $0x80, s21, s10, $0xb8;
	[tilespmem:$0x5800] =	vst v63  }
0x2e: {  	_ =	swait.ge [sflag:s15], $0xA00  }
0x2f: {  	[sflag:s15] =	ssyncset.done $0x0  }
.Ltmp0:
0x30: {  	s20 =	sadd.s32 $0x180, s20;
	[sflag:s15] =	ssyncadd.s32 $0xFFFFF600;
	(pc) =	sbr.rel @p0 .LBB2_2-.Ltmp0, $4  }
0x31: {  	[hbm4b:s20+s2] =	stream.linear.scatter [tilespmem:s13], [sflag:$0x3], $0xA00, $0x38;
	[tilespmem:$0x5800] =	vst v63  }
0x32: {  	_ =	swait.ge [sflag:s9], $0xA00  }
0x33: {  	[sflag:s9] =	ssyncset.done $0x0  }
0x34: {  	s19 =	sadd.s32 $0x40, s19;
	[sflag:s9] =	ssyncadd.s32 $0xFFFFF600  }
0x35: {  	[tilespmem:s13], [sflag:$0x2] =	stream.indirect.gather [hbm4b:s3+s10], $0x80, s17, s10, $0xb8;
	[tilespmem:$0x5800] =	vst v63  }
0x36: {  	_ =	swait.ge [sflag:s14], $0xA00  }
0x37: {  	[sflag:s14] =	ssyncset.done $0x0  }
0x38: {  	[sflag:s14] =	ssyncadd.s32 $0xFFFFF600  }
0x39: {  	[hbm4b:s6+s2] =	stream.linear.scatter [tilespmem:s11], [sflag:$0x3], $0xA00, $0x38;
	[tilespmem:$0x5800] =	vst v63  }
0x3a: {  	_ =	swait.ge [sflag:s9], $0xA00  }
0x3b: {  	[sflag:s9] =	ssyncset.done $0x0  }
0x3c: {  	[sflag:s9] =	ssyncadd.s32 $0xFFFFF600  }
0x3d: {  	s16 =	sadd.s32 $0x1, s16;
	_ =	swait.ge [sflag:s15], $0xA00  }
0x3e: {  	p0 =	sne.s32 s16, s5;
	[sflag:s15] =	ssyncset.done $0x0  }
.Ltmp1:
0x3f: {  	[sflag:s15] =	ssyncadd.s32 $0xFFFFF600;
	(pc) =	sbr.rel @p0 .LBB2_1-.Ltmp1, $4  }
0x40: {  	[hbm4b:s7+s2] =	stream.linear.scatter [tilespmem:s13], [sflag:$0x3], $0xA00, $0x38;
	[tilespmem:$0x5800] =	vst v63  }
0x41: {  	_ =	swait.ge [sflag:s9], $0xA00  }
0x42: {  	[sflag:s9] =	ssyncset.done $0x0  }
0x43: {  	[sflag:s9] =	ssyncadd.s32 $0xFFFFF600  }
0x44: {  	_ =	sfence.sel $0x180000  }
0x45: {  	[bflag:$0x0] =	sbarrier.arrive $0xFFFF  }
0x46: {  	p0 =	sne.s32 s1, $0x0;
	_ =	strace $0x90000050  }
0x47: {  	s0 =	sadd.s32 @!p0 $0x100000, s0;
	[bflag:$0x2] =	sbarrier.arrive $0xFFFF  }
0x48: {  	[sflag:s0] =	ssyncadd.tile.s32 @!p0 $0x1;
	_ =	shalt  }
.Lfunc_end2:
_tile_overlayer_lowered:
.L_overlay_start_2:
0x49: {  	(tag) =	ssettag $0x2  }
0x4a: {  	s0 =	rddreg [dreg:$0x0];
	s2 =	stileid.u32  }
0x4b: {  	s1 =	rddreg [dreg:$0x1];
	p0 =	sne.s32 s2, $0x0  }
0x4c: {  	s3 =	rddreg [dreg:$0x2];
	[bflag:$0x3] =	sbarrier.arrive $0xFFFF;
	s2 =	simm.s32 @!p0 $0x1C03  }
0x4d: {  	[timem:s3], [sflag:s2] =	dma.local @!p0 [hbm:s0], s1  }
0x4e: {  	s0 =	simm.s32 @!p0 $0x3  }
0x4f: {  	_ =	swait.ge @!p0 [sflag:s0], s1  }
0x50: {  	s1 =	ssub.s32 @!p0 $0x0, s1;
	[sflag:s0] =	ssyncset.done @!p0 $0x0  }
0x51: {  	[sflag:s0] =	ssyncadd.s32 @!p0 s1  }
0x52: {  	[bflag:$0x3] =	sbarrier.arrive $0xFFFF  }
0x53: {  	_ =	shalt  }

</sc_bundles>
